<compile_context>
chip_gen: v7x
topology: tpu7x:2x2x1
jax: 0.10.2.dev20260603
libtpu: 0.0.44.dev20260713+nightly
codegen_flags: <defaults>
</compile_context>

<pallas_src>
import functools

import jax
import jax.numpy as jnp
from jax import lax
from jax.experimental import pallas as pl
from jax.experimental.pallas import tpu as pltpu
from jax.experimental.pallas import tpu_sc as plsc

NC = 2
NS = 16
NW = NC * NS
KE = 80


def _zero_buf(buf, rows, width):
    def zrow(r, _):
        def zcol(j, _):
            buf[r, pl.ds(j * 16, 16)] = jnp.zeros((16,), jnp.float32)
            return 0
        return lax.fori_loop(0, width // 16, zcol, 0)
    lax.fori_loop(0, rows, zrow, 0)


def _zero_acc(acc, buf, s, rps, tail):
    full = rps // KE

    def z(k, _):
        pltpu.sync_copy(buf, acc.at[pl.ds(s * rps + k * KE, KE)])
        return 0
    lax.fori_loop(0, full, z, 0)
    rem = rps - full * KE
    if rem:
        pltpu.sync_copy(buf.at[pl.ds(0, rem)],
                        acc.at[pl.ds(s * rps + full * KE, rem)])
    if tail:
        @pl.when(s == NS - 1)
        def _():
            pltpu.sync_copy(buf.at[pl.ds(0, tail)], acc.at[pl.ds(NS * rps, tail)])


def _copy_out(acc, out_hbm, c, s, rps, tail):
    pltpu.sync_copy(acc.at[pl.ds(s * rps, rps)],
                    out_hbm.at[c, pl.ds(s * rps, rps)])
    if tail:
        @pl.when(s == NS - 1)
        def _():
            pltpu.sync_copy(acc.at[pl.ds(NS * rps, tail)],
                            out_hbm.at[c, pl.ds(NS * rps, tail)])


def _sc_main_body(n, d, e, h_hbm, ei_hbm, out_hbm,
                  sidx_r, didx_r, rows_v, isem, gsem, ssem, acc):
    c = lax.axis_index("c")
    s = lax.axis_index("s")
    wid = c * NS + s
    epw = e // NW
    iters = epw // KE
    rps = (n // NS) & ~7
    tail = n - NS * rps

    _zero_buf(rows_v.at[0], KE, d)
    _zero_acc(acc, rows_v.at[0], s, rps, tail)
    plsc.subcore_barrier()

    def idx_pair(j, slot):
        base = wid * epw + j * KE
        return (
            (ei_hbm.at[pl.ds(base, KE)], sidx_r.at[slot]),
            (ei_hbm.at[pl.ds(e + base, KE)], didx_r.at[slot]),
        )

    def idxload(j, slot):
        for srcd, dstd in idx_pair(j, slot):
            pltpu.async_copy(srcd, dstd, isem.at[slot])

    def idxwait(j, slot):
        for srcd, dstd in idx_pair(j, slot):
            pltpu.make_async_copy(srcd, dstd, isem.at[slot]).wait()

    def gather(j, rb, issue):
        if issue:
            pltpu.async_copy(h_hbm.at[sidx_r.at[lax.rem(j, 4)]],
                             rows_v.at[rb], gsem.at[rb])
        else:
            pltpu.make_async_copy(h_hbm.at[sidx_r.at[lax.rem(j, 4)]],
                                  rows_v.at[rb], gsem.at[rb]).wait()

    def scatter(j, rb, issue):
        if issue:
            pltpu.async_copy(rows_v.at[rb], acc.at[didx_r.at[lax.rem(j, 4)]],
                             ssem.at[rb], add=True)
        else:
            pltpu.make_async_copy(rows_v.at[rb],
                                  acc.at[didx_r.at[lax.rem(j, 4)]],
                                  ssem.at[rb]).wait()

    idxload(0, 0)
    idxload(1, 1)
    idxload(2, 2)
    idxwait(0, 0)
    gather(0, 0, issue=True)
    idxwait(1, 1)
    gather(1, 1, issue=True)

    def it(i, _):
        b = lax.rem(i, 3)
        gather(i, b, issue=False)

        @pl.when(i >= 1)
        def _():
            scatter(i - 1, lax.rem(i - 1, 3), issue=False)

        @pl.when(i + 3 < iters)
        def _():
            idxload(i + 3, lax.rem(i + 3, 4))

        @pl.when(i + 2 < iters)
        def _():
            idxwait(i + 2, lax.rem(i + 2, 4))
            gather(i + 2, lax.rem(i + 2, 3), issue=True)

        scatter(i, b, issue=True)
        return 0
    lax.fori_loop(0, iters, it, 0)

    scatter(iters - 1, (iters - 1) % 3, issue=False)

    plsc.subcore_barrier()
    _copy_out(acc, out_hbm, c, s, rps, tail)


def _sc_deg_body(n, d, e, ei_hbm, ew_hbm, dout_hbm,
                 didx_r, ewc_r, ew_v, isem, ssem, dacc):
    c = lax.axis_index("c")
    s = lax.axis_index("s")
    wid = c * NS + s
    epw = e // NW
    iters = epw // KE
    rps = (n // NS) & ~7
    tail = n - NS * rps

    _zero_buf(ew_v.at[0], KE, d)
    _zero_acc(dacc, ew_v.at[0], s, rps, tail)
    _zero_buf(ew_v.at[1], KE, d)
    _zero_buf(ew_v.at[2], KE, d)
    plsc.subcore_barrier()

    def chunk_pair(j, slot):
        base = wid * epw + j * KE
        return (
            (ei_hbm.at[pl.ds(e + base, KE)], didx_r.at[slot]),
            (ew_hbm.at[pl.ds(base, KE)], ewc_r.at[slot]),
        )

    def chunkload(j, slot):
        for srcd, dstd in chunk_pair(j, slot):
            pltpu.async_copy(srcd, dstd, isem.at[slot])

    def chunkwait(j, slot):
        for srcd, dstd in chunk_pair(j, slot):
            pltpu.make_async_copy(srcd, dstd, isem.at[slot]).wait()

    iota16 = lax.iota(jnp.int32, 16)
    one16 = jnp.where(iota16 == 1, 1.0, 0.0)

    def fill(slot, rb):
        def f16(k, _):
            w16 = ewc_r[slot, pl.ds(k * 16, 16)]
            for j in range(16):
                ew_v[rb, k * 16 + j, pl.ds(0, 16)] = jnp.where(
                    iota16 == 0, w16[j], one16)
            return 0
        lax.fori_loop(0, KE // 16, f16, 0)

    def scatter(j, rb, issue):
        if issue:
            pltpu.async_copy(ew_v.at[rb], dacc.at[didx_r.at[lax.rem(j, 5)]],
                             ssem.at[rb], add=True)
        else:
            pltpu.make_async_copy(ew_v.at[rb],
                                  dacc.at[didx_r.at[lax.rem(j, 5)]],
                                  ssem.at[rb]).wait()

    chunkload(0, 0)
    chunkload(1, 1)
    chunkload(2, 2)

    def it(i, _):
        @pl.when(i >= 2)
        def _():
            scatter(i - 2, lax.rem(i - 2, 3), issue=False)

        @pl.when(i + 3 < iters)
        def _():
            chunkload(i + 3, lax.rem(i + 3, 5))

        chunkwait(i, lax.rem(i, 5))
        fill(lax.rem(i, 5), lax.rem(i, 3))
        scatter(i, lax.rem(i, 3), issue=True)
        return 0
    lax.fori_loop(0, iters, it, 0)

    scatter(iters - 2, (iters - 2) % 3, issue=False)
    scatter(iters - 1, (iters - 1) % 3, issue=False)

    plsc.subcore_barrier()
    _copy_out(dacc, dout_hbm, c, s, rps, tail)


def _make_sc_main(n, d, e):
    mesh = plsc.VectorSubcoreMesh(core_axis_name="c", subcore_axis_name="s")
    return pl.kernel(
        functools.partial(_sc_main_body, n, d, e),
        out_type=(jax.ShapeDtypeStruct((NC, n, d), jnp.float32),),
        mesh=mesh,
        scratch_types=(
            pltpu.VMEM((4, KE), jnp.int32),
            pltpu.VMEM((4, KE), jnp.int32),
            pltpu.VMEM((3, KE, d), jnp.float32),
            pltpu.SemaphoreType.DMA((4,)),
            pltpu.SemaphoreType.DMA((3,)),
            pltpu.SemaphoreType.DMA((3,)),
            pltpu.VMEM_SHARED((n, d), jnp.float32),
        ),
    )


def _make_sc_deg(n, d, e):
    mesh = plsc.VectorSubcoreMesh(core_axis_name="c", subcore_axis_name="s")
    return pl.kernel(
        functools.partial(_sc_deg_body, n, d, e),
        out_type=(jax.ShapeDtypeStruct((NC, n, d), jnp.float32),),
        mesh=mesh,
        scratch_types=(
            pltpu.VMEM((5, KE), jnp.int32),
            pltpu.VMEM((5, KE), jnp.float32),
            pltpu.VMEM((3, KE, d), jnp.float32),
            pltpu.SemaphoreType.DMA((5,)),
            pltpu.SemaphoreType.DMA((3,)),
            pltpu.VMEM_SHARED((n, d), jnp.float32),
        ),
    )


def _mlp_body(relu, n, blk, p_ref, sw_ref, we_ref, be_ref, w1_ref, b1_ref,
              w2_ref, b2_ref, g_ref, bb_ref, o_ref, h2_scr, stats_scr):
    ph = pl.program_id(0)
    i = pl.program_id(1)

    @pl.when(ph == 0)
    def _():
        pp = p_ref[0] + p_ref[1]
        sw = sw_ref[0] + sw_ref[1]
        sumw = sw[:, 0:1]
        deg = sw[:, 1:2]
        aggr = pp + sumw * we_ref[...] + deg * be_ref[...]
        hid = lax.dot_general(aggr, w1_ref[...], (((1,), (0,)), ((), ())),
                              preferred_element_type=jnp.float32) + b1_ref[...]
        hid = jnp.maximum(hid, 0.0)
        h2 = lax.dot_general(hid, w2_ref[...], (((1,), (0,)), ((), ())),
                             preferred_element_type=jnp.float32) + b2_ref[...]
        h2_scr[pl.ds(i * blk, blk), :] = h2

        @pl.when(i == 0)
        def _():
            stats_scr[...] = jnp.zeros_like(stats_scr)

        stats_scr[0:1, :] += jnp.sum(h2, axis=0, keepdims=True)
        stats_scr[1:2, :] += jnp.sum(h2 * h2, axis=0, keepdims=True)

    @pl.when(ph == 1)
    def _():
        inv_n = 1.0 / n
        mean = stats_scr[0:1, :] * inv_n
        ex2 = stats_scr[1:2, :] * inv_n
        var = ex2 - mean * mean
        scale = g_ref[...] * lax.rsqrt(var + 1e-5)
        shift = bb_ref[...] - mean * scale
        o = h2_scr[pl.ds(i * blk, blk), :] * scale + shift
        if relu:
            o = jnp.maximum(o, 0.0)
        o_ref[...] = o


def _tc_layer(p, swdeg, params, relu, n, d, blk=2000):
    we = params['We'].reshape(1, d)
    be = params['be'].reshape(1, d)
    b1 = params['b1'].reshape(1, -1)
    b2 = params['b2'].reshape(1, -1)
    dh = params['W1'].shape[1]
    return pl.pallas_call(
        functools.partial(_mlp_body, relu, n, blk),
        grid=(2, n // blk),
        in_specs=[
            pl.BlockSpec((NC, blk, d), lambda p, i: (0, i, 0)),
            pl.BlockSpec((NC, blk, d), lambda p, i: (0, i, 0)),
            pl.BlockSpec((1, d), lambda p, i: (0, 0)),
            pl.BlockSpec((1, d), lambda p, i: (0, 0)),
            pl.BlockSpec((d, dh), lambda p, i: (0, 0)),
            pl.BlockSpec((1, dh), lambda p, i: (0, 0)),
            pl.BlockSpec((dh, d), lambda p, i: (0, 0)),
            pl.BlockSpec((1, d), lambda p, i: (0, 0)),
            pl.BlockSpec((1, d), lambda p, i: (0, 0)),
            pl.BlockSpec((1, d), lambda p, i: (0, 0)),
        ],
        out_specs=pl.BlockSpec((blk, d), lambda p, i: (i, 0)),
        out_shape=jax.ShapeDtypeStruct((n, d), jnp.float32),
        scratch_shapes=[
            pltpu.VMEM((n, d), jnp.float32),
            pltpu.VMEM((8, d), jnp.float32),
        ],
    )(p, swdeg, we, be, params['W1'], b1, params['W2'], b2,
      params['gamma'].reshape(1, d), params['beta'].reshape(1, d))


def kernel(x, edge_index, edge_weight, params):
    b, g, d = x.shape
    n = b * g
    e = edge_index.shape[1]
    h = x.reshape(n, d)
    ei = edge_index.reshape(2 * e)

    sc_main = _make_sc_main(n, d, e)
    sc_deg = _make_sc_deg(n, d, e)

    (partial,) = sc_main(h, ei)
    tok = (partial[0, 0, 0] * 0.0).astype(jnp.int32)
    (swdeg,) = sc_deg(ei + tok, edge_weight)

    num_layers = len(params)
    for l in range(num_layers):
        if l > 0:
            (partial,) = sc_main(h, ei)
        h = _tc_layer(partial, swdeg, params[l],
                      relu=(l < num_layers - 1), n=n, d=d)
    return h.reshape(b, g, d)

# --- scband reference (transcript-rebuilt; emitter-appended) ---
"""Pipeline reference for scband-gene-ginet-8022998909689 (READ-ONLY COPY).

The authoritative reference and input builder live on the scoring server;
editing this copy changes nothing except your own understanding.
"""

import jax, jax.numpy as jnp
import numpy as np

B = 10
G = 1000
D = 128
E = 320000
L = 2
N = B * G


def _linear_init(k, fan_in, fan_out):
    k1, k2 = jax.random.split(k)
    bound = 1.0 / np.sqrt(fan_in)
    W = jax.random.uniform(k1, (fan_in, fan_out), minval=-bound, maxval=bound, dtype=jnp.float32)
    b = jax.random.uniform(k2, (fan_out,), minval=-bound, maxval=bound, dtype=jnp.float32)
    return W, b


def _init_params(key):
    params = []
    for l in range(L):
        k = jax.random.fold_in(key, 100 + l)
        k1, k2, k3 = jax.random.split(k, 3)
        We, be = _linear_init(k1, 1, D)
        W1, b1 = _linear_init(k2, D, 2 * D)
        W2, b2 = _linear_init(k3, 2 * D, D)
        params.append({
            'We': We, 'be': be,
            'W1': W1, 'b1': b1,
            'W2': W2, 'b2': b2,
            'gamma': jnp.ones((D,), dtype=jnp.float32),
            'beta': jnp.zeros((D,), dtype=jnp.float32),
        })
    return params


def setup_inputs(seed: int = 0):
    key = jax.random.key(seed)
    k0, k1, k2, k3 = jax.random.split(key, 4)
    x = jax.random.normal(k0, (B, G, D), dtype=jnp.float32)
    edge_index = jax.random.randint(k1, (2, E), 0, N, dtype=jnp.int32)
    edge_weight = jax.random.uniform(k2, (E,), dtype=jnp.float32)
    params = _init_params(k3)
    return {'x': x, 'edge_index': edge_index, 'edge_weight': edge_weight, 'params': params}


def reference(x, edge_index, edge_weight, params):
    n = x.shape[0] * x.shape[1]
    h = x.reshape(n, x.shape[2])
    src = edge_index[0]
    dst = edge_index[1]
    ew = edge_weight.reshape(-1, 1)
    num_layers = len(params)
    for l in range(num_layers):
        p = params[l]
        # GINEConv: edge embedding + message x_j + edge_attr, sum aggregation, MLP update
        e_emb = ew @ p['We'] + p['be']
        msg = jnp.take(h, src, axis=0) + e_emb
        aggr = jax.ops.segment_sum(msg, dst, num_segments=n)
        hid = jnp.maximum(aggr @ p['W1'] + p['b1'], 0.0)
        h = hid @ p['W2'] + p['b2']
        # BatchNorm1d (training-mode batch statistics, eps=1e-5)
        mean = jnp.mean(h, axis=0)
        var = jnp.var(h, axis=0)
        h = (h - mean) / jnp.sqrt(var + 1e-5) * p['gamma'] + p['beta']
        # dropout ratio is 0 -> identity; ReLU on all but last layer
        if l < num_layers - 1:
            h = jnp.maximum(h, 0.0)
    return h.reshape(x.shape[0], x.shape[1], -1)

if __name__ == "__main__":
    import jax
    _d = setup_inputs()
    print(jax.jit(kernel)(*tuple(_d.values())))

</pallas_src>

<mosaic_0001>
#map = affine_map<(d0, d1) -> (0, 0)>
#map1 = affine_map<(d0, d1) -> (0)>
#map2 = affine_map<(d0, d1) -> (0, 0, 0)>
module attributes {stable_mosaic.version = 14 : i64} {
  func.func @_sc_main_body(%arg0: i32, %arg1: i32, %arg2: memref<10000x128xf32, #tpu.memory_space<hbm>>, %arg3: memref<640000xi32, #tpu.memory_space<hbm>>, %arg4: memref<2x10000x128xf32, #tpu.memory_space<hbm>>, %arg5: memref<4x80xi32, #tpu.memory_space<vmem>>, %arg6: memref<4x80xi32, #tpu.memory_space<vmem>>, %arg7: memref<3x80x128xf32, #tpu.memory_space<vmem>>, %arg8: memref<4x!tpu.dma_semaphore, #tpu.memory_space<semaphore_mem>>, %arg9: memref<3x!tpu.dma_semaphore, #tpu.memory_space<semaphore_mem>>, %arg10: memref<3x!tpu.dma_semaphore, #tpu.memory_space<semaphore_mem>>, %arg11: memref<10000x128xf32, #tpu.memory_space<vmem_shared>>) attributes {dimension_semantics = [#tpu.dimension_semantics<core_parallel>, #tpu.dimension_semantics<subcore_parallel>], iteration_bounds = array<i64: 2, 16>, scalar_prefetch = 0 : i64, scratch_operands = 7 : i64, tpu.core_type = #tpu.core_type<sc_vector_subcore>, window_params = [{transform_indices = #map}, {transform_indices = #map1}, {transform_indices = #map2}]} {
    %mul3A = arith.constant 16 : i32
    %mul3A_0 = arith.muli %arg0, %mul3A : i32
    %add3A = arith.addi %mul3A_0, %arg1 : i32
    %scan3A = arith.constant 0 : i32
    %scan3A_1 = arith.constant 0 : i32
    %scan3A_2 = arith.constant 0 : i32
    %scan3A_3 = arith.constant 80 : i32
    %scan3A_4 = arith.addi %scan3A_2, %scan3A_3 : i32
    %scan3A_5 = arith.constant 1 : i32
    %scan3A_6 = scf.for %scan3A_238 = %scan3A_2 to %scan3A_4 step %scan3A_5 iter_args(%scan3A_239 = %scan3A_1) -> (i32)  : i32 {
      %scan3A_240 = arith.constant 0 : i32
      %scan3A_241 = arith.constant 0 : i32
      %scan3A_242 = arith.constant 8 : i32
      %scan3A_243 = arith.addi %scan3A_241, %scan3A_242 : i32
      %scan3A_244 = arith.constant 1 : i32
      %scan3A_245 = scf.for %scan3A_247 = %scan3A_241 to %scan3A_243 step %scan3A_244 iter_args(%scan3A_248 = %scan3A_240) -> (i32)  : i32 {
        %broadcast_in_dim3A = arith.constant 0.000000e+00 : f32
        %broadcast_in_dim3A_249 = vector.broadcast %broadcast_in_dim3A : f32 to vector<16xf32>
        %mul3A_250 = arith.constant 16 : i32
        %mul3A_251 = arith.muli %scan3A_247, %mul3A_250 : i32
        %swap3A = arith.constant 0 : i32
        %swap3A_252 = arith.constant 0 : i32
        %swap3A_253 = tpu.memref_slice %arg7[%scan3A, %swap3A, %swap3A_252] : memref<3x80x128xf32, #tpu.memory_space<vmem>> -> memref<1x80x128xf32, #tpu.memory_space<vmem>>
        %swap3A_254 = tpu.memref_squeeze %swap3A_253 : memref<1x80x128xf32, #tpu.memory_space<vmem>> -> memref<80x128xf32, #tpu.memory_space<vmem>>
        %swap3A_255 = arith.index_cast %scan3A_238 : i32 to index
        %swap3A_256 = arith.index_cast %mul3A_251 : i32 to index
        %swap3A_257 = tpu.vector_load %swap3A_254[%swap3A_255, %swap3A_256] {strides = array<i32>} : memref<80x128xf32, #tpu.memory_space<vmem>>, vector<1x16xf32>,
        %swap3A_258 = vector.shape_cast %swap3A_257 : vector<1x16xf32> to vector<16xf32>
        %swap3A_259 = vector.shape_cast %broadcast_in_dim3A_249 : vector<16xf32> to vector<1x16xf32>
        tpu.vector_store %swap3A_254[%swap3A_255, %swap3A_256], %swap3A_259 {strides = array<i32>} : memref<80x128xf32, #tpu.memory_space<vmem>>, vector<1x16xf32>,
        %scan3A_260 = arith.constant 0 : i32
        scf.yield %scan3A_260 : i32
      }
      %scan3A_246 = arith.constant 8 : i32
      scf.yield %scan3A_245 : i32
    }
    %scan3A_7 = arith.constant 80 : i32
    %scan3A_8 = arith.constant 0 : i32
    %scan3A_9 = arith.constant 0 : i32
    %scan3A_10 = arith.constant 0 : i32
    %scan3A_11 = arith.constant 7 : i32
    %scan3A_12 = arith.addi %scan3A_10, %scan3A_11 : i32
    %scan3A_13 = arith.constant 1 : i32
    %scan3A_14 = scf.for %scan3A_238 = %scan3A_10 to %scan3A_12 step %scan3A_13 iter_args(%scan3A_239 = %scan3A_9) -> (i32)  : i32 {
      %mul3A_240 = arith.constant 624 : i32
      %mul3A_241 = arith.muli %arg1, %mul3A_240 : i32
      %mul3A_242 = arith.constant 80 : i32
      %mul3A_243 = arith.muli %scan3A_238, %mul3A_242 : i32
      %add3A_244 = arith.addi %mul3A_241, %mul3A_243 : i32
      "tpu.region"() ({
        %run_scoped3A_246 = tpu.sem_alloc : memref<!tpu.dma_semaphore, #tpu.memory_space<semaphore_mem>>
        %dma_start3A_247 = arith.constant 0 : i32
        %dma_start3A_248 = arith.constant 0 : i32
        %dma_start3A_249 = tpu.memref_slice %arg7[%scan3A_8, %dma_start3A_247, %dma_start3A_248] : memref<3x80x128xf32, #tpu.memory_space<vmem>> -> memref<1x80x128xf32, #tpu.memory_space<vmem>>
        %dma_start3A_250 = tpu.memref_squeeze %dma_start3A_249 : memref<1x80x128xf32, #tpu.memory_space<vmem>> -> memref<80x128xf32, #tpu.memory_space<vmem>>
        %dma_start3A_251 = arith.constant 0 : i32
        %dma_start3A_252 = tpu.memref_slice %arg11[%add3A_244, %dma_start3A_251] : memref<10000x128xf32, #tpu.memory_space<vmem_shared>> -> memref<80x128xf32, #tpu.memory_space<vmem_shared>>
        %dma_start3A_253 = arith.constant 0 : i32
        %dma_start3A_254 = tpu.memref_slice %arg11[%add3A_244, %dma_start3A_253] : memref<10000x128xf32, #tpu.memory_space<vmem_shared>> -> memref<80x128xf32, #tpu.memory_space<vmem_shared>>
        %dma_start3A_255 = arith.constant 0 : i32
        %dma_start3A_256 = arith.constant 0 : i32
        %dma_start3A_257 = tpu.memref_slice %arg7[%scan3A_8, %dma_start3A_255, %dma_start3A_256] : memref<3x80x128xf32, #tpu.memory_space<vmem>> -> memref<1x80x128xf32, #tpu.memory_space<vmem>>
        %dma_start3A_258 = tpu.memref_squeeze %dma_start3A_257 : memref<1x80x128xf32, #tpu.memory_space<vmem>> -> memref<80x128xf32, #tpu.memory_space<vmem>>
        tpu.enqueue_dma source(%dma_start3A_258 : memref<80x128xf32, #tpu.memory_space<vmem>>) target(%dma_start3A_254 : memref<80x128xf32, #tpu.memory_space<vmem_shared>>) target_semaphore(%run_scoped3A_246 : memref<!tpu.dma_semaphore, #tpu.memory_space<semaphore_mem>>)
        %dma_wait3A_259 = arith.constant 0 : i32
        %dma_wait3A_260 = arith.constant 0 : i32
        %dma_wait3A_261 = tpu.memref_slice %arg7[%scan3A_8, %dma_wait3A_259, %dma_wait3A_260] : memref<3x80x128xf32, #tpu.memory_space<vmem>> -> memref<1x80x128xf32, #tpu.memory_space<vmem>>
        %dma_wait3A_262 = tpu.memref_squeeze %dma_wait3A_261 : memref<1x80x128xf32, #tpu.memory_space<vmem>> -> memref<80x128xf32, #tpu.memory_space<vmem>>
        %dma_wait3A_263 = arith.constant 0 : i32
        %dma_wait3A_264 = tpu.memref_slice %arg11[%add3A_244, %dma_wait3A_263] : memref<10000x128xf32, #tpu.memory_space<vmem_shared>> -> memref<80x128xf32, #tpu.memory_space<vmem_shared>>
        %dma_wait3A_265 = arith.constant 0 : i32
        %dma_wait3A_266 = tpu.memref_slice %arg11[%add3A_244, %dma_wait3A_265] : memref<10000x128xf32, #tpu.memory_space<vmem_shared>> -> memref<80x128xf32, #tpu.memory_space<vmem_shared>>
        %dma_wait3A_267 = arith.constant 0 : i32
        %dma_wait3A_268 = arith.constant 0 : i32
        %dma_wait3A_269 = tpu.memref_slice %arg7[%scan3A_8, %dma_wait3A_267, %dma_wait3A_268] : memref<3x80x128xf32, #tpu.memory_space<vmem>> -> memref<1x80x128xf32, #tpu.memory_space<vmem>>
        %dma_wait3A_270 = tpu.memref_squeeze %dma_wait3A_269 : memref<1x80x128xf32, #tpu.memory_space<vmem>> -> memref<80x128xf32, #tpu.memory_space<vmem>>
        tpu.wait_dma2 semaphore(%run_scoped3A_246 : memref<!tpu.dma_semaphore, #tpu.memory_space<semaphore_mem>>) src(%dma_wait3A_270 : memref<80x128xf32, #tpu.memory_space<vmem>>) dst(%dma_wait3A_266 : memref<80x128xf32, #tpu.memory_space<vmem_shared>>)
        tpu.yield
      }) : () -> ()
      %scan3A_245 = arith.constant 0 : i32
      scf.yield %scan3A_245 : i32
    }
    %scan3A_15 = arith.constant 7 : i32
    %mul3A_16 = arith.constant 624 : i32
    %mul3A_17 = arith.muli %arg1, %mul3A_16 : i32
    %add3A_18 = arith.constant 560 : i32
    %add3A_19 = arith.addi %mul3A_17, %add3A_18 : i32
    %run_scoped3A = arith.constant 0 : i32
    "tpu.region"() ({
      %run_scoped3A_238 = tpu.sem_alloc : memref<!tpu.dma_semaphore, #tpu.memory_space<semaphore_mem>>
      %dma_start3A_239 = arith.constant 0 : i32
      %dma_start3A_240 = arith.constant 0 : i32
      %dma_start3A_241 = tpu.memref_slice %arg7[%run_scoped3A, %dma_start3A_239, %dma_start3A_240] : memref<3x80x128xf32, #tpu.memory_space<vmem>> -> memref<1x80x128xf32, #tpu.memory_space<vmem>>
      %dma_start3A_242 = tpu.memref_squeeze %dma_start3A_241 : memref<1x80x128xf32, #tpu.memory_space<vmem>> -> memref<80x128xf32, #tpu.memory_space<vmem>>
      %dma_start3A_243 = arith.constant 0 : i32
      %dma_start3A_244 = arith.constant 0 : i32
      %dma_start3A_245 = tpu.memref_slice %dma_start3A_242[%dma_start3A_243, %dma_start3A_244] : memref<80x128xf32, #tpu.memory_space<vmem>> -> memref<64x128xf32, #tpu.memory_space<vmem>>
      %dma_start3A_246 = arith.constant 0 : i32
      %dma_start3A_247 = tpu.memref_slice %arg11[%add3A_19, %dma_start3A_246] : memref<10000x128xf32, #tpu.memory_space<vmem_shared>> -> memref<64x128xf32, #tpu.memory_space<vmem_shared>>
      %dma_start3A_248 = arith.constant 0 : i32
      %dma_start3A_249 = tpu.memref_slice %arg11[%add3A_19, %dma_start3A_248] : memref<10000x128xf32, #tpu.memory_space<vmem_shared>> -> memref<64x128xf32, #tpu.memory_space<vmem_shared>>
      %dma_start3A_250 = arith.constant 0 : i32
      %dma_start3A_251 = arith.constant 0 : i32
      %dma_start3A_252 = tpu.memref_slice %arg7[%run_scoped3A, %dma_start3A_250, %dma_start3A_251] : memref<3x80x128xf32, #tpu.memory_space<vmem>> -> memref<1x80x128xf32, #tpu.memory_space<vmem>>
      %dma_start3A_253 = tpu.memref_squeeze %dma_start3A_252 : memref<1x80x128xf32, #tpu.memory_space<vmem>> -> memref<80x128xf32, #tpu.memory_space<vmem>>
      %dma_start3A_254 = arith.constant 0 : i32
      %dma_start3A_255 = arith.constant 0 : i32
      %dma_start3A_256 = tpu.memref_slice %dma_start3A_253[%dma_start3A_254, %dma_start3A_255] : memref<80x128xf32, #tpu.memory_space<vmem>> -> memref<64x128xf32, #tpu.memory_space<vmem>>
      tpu.enqueue_dma source(%dma_start3A_256 : memref<64x128xf32, #tpu.memory_space<vmem>>) target(%dma_start3A_249 : memref<64x128xf32, #tpu.memory_space<vmem_shared>>) target_semaphore(%run_scoped3A_238 : memref<!tpu.dma_semaphore, #tpu.memory_space<semaphore_mem>>)
      %dma_wait3A_257 = arith.constant 0 : i32
      %dma_wait3A_258 = arith.constant 0 : i32
      %dma_wait3A_259 = tpu.memref_slice %arg7[%run_scoped3A, %dma_wait3A_257, %dma_wait3A_258] : memref<3x80x128xf32, #tpu.memory_space<vmem>> -> memref<1x80x128xf32, #tpu.memory_space<vmem>>
      %dma_wait3A_260 = tpu.memref_squeeze %dma_wait3A_259 : memref<1x80x128xf32, #tpu.memory_space<vmem>> -> memref<80x128xf32, #tpu.memory_space<vmem>>
      %dma_wait3A_261 = arith.constant 0 : i32
      %dma_wait3A_262 = arith.constant 0 : i32
      %dma_wait3A_263 = tpu.memref_slice %dma_wait3A_260[%dma_wait3A_261, %dma_wait3A_262] : memref<80x128xf32, #tpu.memory_space<vmem>> -> memref<64x128xf32, #tpu.memory_space<vmem>>
      %dma_wait3A_264 = arith.constant 0 : i32
      %dma_wait3A_265 = tpu.memref_slice %arg11[%add3A_19, %dma_wait3A_264] : memref<10000x128xf32, #tpu.memory_space<vmem_shared>> -> memref<64x128xf32, #tpu.memory_space<vmem_shared>>
      %dma_wait3A_266 = arith.constant 0 : i32
      %dma_wait3A_267 = tpu.memref_slice %arg11[%add3A_19, %dma_wait3A_266] : memref<10000x128xf32, #tpu.memory_space<vmem_shared>> -> memref<64x128xf32, #tpu.memory_space<vmem_shared>>
      %dma_wait3A_268 = arith.constant 0 : i32
      %dma_wait3A_269 = arith.constant 0 : i32
      %dma_wait3A_270 = tpu.memref_slice %arg7[%run_scoped3A, %dma_wait3A_268, %dma_wait3A_269] : memref<3x80x128xf32, #tpu.memory_space<vmem>> -> memref<1x80x128xf32, #tpu.memory_space<vmem>>
      %dma_wait3A_271 = tpu.memref_squeeze %dma_wait3A_270 : memref<1x80x128xf32, #tpu.memory_space<vmem>> -> memref<80x128xf32, #tpu.memory_space<vmem>>
      %dma_wait3A_272 = arith.constant 0 : i32
      %dma_wait3A_273 = arith.constant 0 : i32
      %dma_wait3A_274 = tpu.memref_slice %dma_wait3A_271[%dma_wait3A_272, %dma_wait3A_273] : memref<80x128xf32, #tpu.memory_space<vmem>> -> memref<64x128xf32, #tpu.memory_space<vmem>>
      tpu.wait_dma2 semaphore(%run_scoped3A_238 : memref<!tpu.dma_semaphore, #tpu.memory_space<semaphore_mem>>) src(%dma_wait3A_274 : memref<64x128xf32, #tpu.memory_space<vmem>>) dst(%dma_wait3A_267 : memref<64x128xf32, #tpu.memory_space<vmem_shared>>)
      tpu.yield
    }) : () -> ()
    %eq3A = arith.constant 15 : i32
    %eq3A_20 = arith.cmpi eq, %arg1, %eq3A : i32
    %convert_element_type3A = arith.extui %eq3A_20 : i1 to i32
    %cond3A = arith.constant 0 : i32
    %cond3A_21 = arith.constant 0 : i32
    %cond3A_22 = arith.cmpi ne, %convert_element_type3A, %cond3A_21 : i32
    scf.if %cond3A_22 {
      "tpu.region"() ({
        %run_scoped3A_238 = tpu.sem_alloc : memref<!tpu.dma_semaphore, #tpu.memory_space<semaphore_mem>>
        %dma_start3A_239 = arith.constant 0 : i32
        %dma_start3A_240 = arith.constant 0 : i32
        %dma_start3A_241 = tpu.memref_slice %arg7[%cond3A, %dma_start3A_239, %dma_start3A_240] : memref<3x80x128xf32, #tpu.memory_space<vmem>> -> memref<1x80x128xf32, #tpu.memory_space<vmem>>
        %dma_start3A_242 = tpu.memref_squeeze %dma_start3A_241 : memref<1x80x128xf32, #tpu.memory_space<vmem>> -> memref<80x128xf32, #tpu.memory_space<vmem>>
        %dma_start3A_243 = arith.constant 0 : i32
        %dma_start3A_244 = arith.constant 0 : i32
        %dma_start3A_245 = tpu.memref_slice %dma_start3A_242[%dma_start3A_243, %dma_start3A_244] : memref<80x128xf32, #tpu.memory_space<vmem>> -> memref<16x128xf32, #tpu.memory_space<vmem>>
        %dma_start3A_246 = arith.constant 9984 : i32
        %dma_start3A_247 = arith.constant 0 : i32
        %dma_start3A_248 = tpu.memref_slice %arg11[%dma_start3A_246, %dma_start3A_247] : memref<10000x128xf32, #tpu.memory_space<vmem_shared>> -> memref<16x128xf32, #tpu.memory_space<vmem_shared>>
        %dma_start3A_249 = arith.constant 9984 : i32
        %dma_start3A_250 = arith.constant 0 : i32
        %dma_start3A_251 = tpu.memref_slice %arg11[%dma_start3A_249, %dma_start3A_250] : memref<10000x128xf32, #tpu.memory_space<vmem_shared>> -> memref<16x128xf32, #tpu.memory_space<vmem_shared>>
        %dma_start3A_252 = arith.constant 0 : i32
        %dma_start3A_253 = arith.constant 0 : i32
        %dma_start3A_254 = tpu.memref_slice %arg7[%cond3A, %dma_start3A_252, %dma_start3A_253] : memref<3x80x128xf32, #tpu.memory_space<vmem>> -> memref<1x80x128xf32, #tpu.memory_space<vmem>>
        %dma_start3A_255 = tpu.memref_squeeze %dma_start3A_254 : memref<1x80x128xf32, #tpu.memory_space<vmem>> -> memref<80x128xf32, #tpu.memory_space<vmem>>
        %dma_start3A_256 = arith.constant 0 : i32
        %dma_start3A_257 = arith.constant 0 : i32
        %dma_start3A_258 = tpu.memref_slice %dma_start3A_255[%dma_start3A_256, %dma_start3A_257] : memref<80x128xf32, #tpu.memory_space<vmem>> -> memref<16x128xf32, #tpu.memory_space<vmem>>
        tpu.enqueue_dma source(%dma_start3A_258 : memref<16x128xf32, #tpu.memory_space<vmem>>) target(%dma_start3A_251 : memref<16x128xf32, #tpu.memory_space<vmem_shared>>) target_semaphore(%run_scoped3A_238 : memref<!tpu.dma_semaphore, #tpu.memory_space<semaphore_mem>>)
        %dma_wait3A_259 = arith.constant 0 : i32
        %dma_wait3A_260 = arith.constant 0 : i32
        %dma_wait3A_261 = tpu.memref_slice %arg7[%cond3A, %dma_wait3A_259, %dma_wait3A_260] : memref<3x80x128xf32, #tpu.memory_space<vmem>> -> memref<1x80x128xf32, #tpu.memory_space<vmem>>
        %dma_wait3A_262 = tpu.memref_squeeze %dma_wait3A_261 : memref<1x80x128xf32, #tpu.memory_space<vmem>> -> memref<80x128xf32, #tpu.memory_space<vmem>>
        %dma_wait3A_263 = arith.constant 0 : i32
        %dma_wait3A_264 = arith.constant 0 : i32
        %dma_wait3A_265 = tpu.memref_slice %dma_wait3A_262[%dma_wait3A_263, %dma_wait3A_264] : memref<80x128xf32, #tpu.memory_space<vmem>> -> memref<16x128xf32, #tpu.memory_space<vmem>>
        %dma_wait3A_266 = arith.constant 9984 : i32
        %dma_wait3A_267 = arith.constant 0 : i32
        %dma_wait3A_268 = tpu.memref_slice %arg11[%dma_wait3A_266, %dma_wait3A_267] : memref<10000x128xf32, #tpu.memory_space<vmem_shared>> -> memref<16x128xf32, #tpu.memory_space<vmem_shared>>
        %dma_wait3A_269 = arith.constant 9984 : i32
        %dma_wait3A_270 = arith.constant 0 : i32
        %dma_wait3A_271 = tpu.memref_slice %arg11[%dma_wait3A_269, %dma_wait3A_270] : memref<10000x128xf32, #tpu.memory_space<vmem_shared>> -> memref<16x128xf32, #tpu.memory_space<vmem_shared>>
        %dma_wait3A_272 = arith.constant 0 : i32
        %dma_wait3A_273 = arith.constant 0 : i32
        %dma_wait3A_274 = tpu.memref_slice %arg7[%cond3A, %dma_wait3A_272, %dma_wait3A_273] : memref<3x80x128xf32, #tpu.memory_space<vmem>> -> memref<1x80x128xf32, #tpu.memory_space<vmem>>
        %dma_wait3A_275 = tpu.memref_squeeze %dma_wait3A_274 : memref<1x80x128xf32, #tpu.memory_space<vmem>> -> memref<80x128xf32, #tpu.memory_space<vmem>>
        %dma_wait3A_276 = arith.constant 0 : i32
        %dma_wait3A_277 = arith.constant 0 : i32
        %dma_wait3A_278 = tpu.memref_slice %dma_wait3A_275[%dma_wait3A_276, %dma_wait3A_277] : memref<80x128xf32, #tpu.memory_space<vmem>> -> memref<16x128xf32, #tpu.memory_space<vmem>>
        tpu.wait_dma2 semaphore(%run_scoped3A_238 : memref<!tpu.dma_semaphore, #tpu.memory_space<semaphore_mem>>) src(%dma_wait3A_278 : memref<16x128xf32, #tpu.memory_space<vmem>>) dst(%dma_wait3A_271 : memref<16x128xf32, #tpu.memory_space<vmem_shared>>)
        tpu.yield
      }) : () -> ()
    } else {
    }
    %barrier3A = arith.constant 0 : index
    tpu.barrier barrier_id(%barrier3A)
    %mul3A_23 = arith.constant 10000 : i32
    %mul3A_24 = arith.muli %add3A, %mul3A_23 : i32
    %add3A_25 = arith.constant 0 : i32
    %add3A_26 = arith.addi %mul3A_24, %add3A_25 : i32
    %add3A_27 = arith.constant 320000 : i32
    %add3A_28 = arith.addi %add3A_27, %add3A_26 : i32
    %dma_start3A = arith.constant 0 : i32
    %dma_start3A_29 = arith.constant 0 : i32
    %dma_start3A_30 = arith.constant 0 : i32
    %dma_start3A_31 = tpu.memref_slice %arg5[%dma_start3A, %dma_start3A_30] : memref<4x80xi32, #tpu.memory_space<vmem>> -> memref<1x80xi32, #tpu.memory_space<vmem>>
    %dma_start3A_32 = tpu.memref_squeeze %dma_start3A_31 : memref<1x80xi32, #tpu.memory_space<vmem>> -> memref<80xi32, #tpu.memory_space<vmem>>
    %dma_start3A_33 = tpu.memref_slice %arg3[%add3A_26] : memref<640000xi32, #tpu.memory_space<hbm>> -> memref<80xi32, #tpu.memory_space<hbm>>
    %dma_start3A_34 = tpu.memref_slice %arg8[%dma_start3A_29] : memref<4x!tpu.dma_semaphore, #tpu.memory_space<semaphore_mem>> -> memref<1x!tpu.dma_semaphore, #tpu.memory_space<semaphore_mem>>
    %dma_start3A_35 = tpu.memref_squeeze %dma_start3A_34 : memref<1x!tpu.dma_semaphore, #tpu.memory_space<semaphore_mem>> -> memref<!tpu.dma_semaphore, #tpu.memory_space<semaphore_mem>>
    %dma_start3A_36 = arith.constant 0 : i32
    %dma_start3A_37 = tpu.memref_slice %arg5[%dma_start3A, %dma_start3A_36] : memref<4x80xi32, #tpu.memory_space<vmem>> -> memref<1x80xi32, #tpu.memory_space<vmem>>
    %dma_start3A_38 = tpu.memref_squeeze %dma_start3A_37 : memref<1x80xi32, #tpu.memory_space<vmem>> -> memref<80xi32, #tpu.memory_space<vmem>>
    %dma_start3A_39 = tpu.memref_slice %arg3[%add3A_26] : memref<640000xi32, #tpu.memory_space<hbm>> -> memref<80xi32, #tpu.memory_space<hbm>>
    tpu.enqueue_dma source(%dma_start3A_39 : memref<80xi32, #tpu.memory_space<hbm>>) target(%dma_start3A_38 : memref<80xi32, #tpu.memory_space<vmem>>) target_semaphore(%dma_start3A_35 : memref<!tpu.dma_semaphore, #tpu.memory_space<semaphore_mem>>)
    %dma_start3A_40 = arith.constant 0 : i32
    %dma_start3A_41 = arith.constant 0 : i32
    %dma_start3A_42 = arith.constant 0 : i32
    %dma_start3A_43 = tpu.memref_slice %arg6[%dma_start3A_40, %dma_start3A_42] : memref<4x80xi32, #tpu.memory_space<vmem>> -> memref<1x80xi32, #tpu.memory_space<vmem>>
    %dma_start3A_44 = tpu.memref_squeeze %dma_start3A_43 : memref<1x80xi32, #tpu.memory_space<vmem>> -> memref<80xi32, #tpu.memory_space<vmem>>
    %dma_start3A_45 = tpu.memref_slice %arg3[%add3A_28] : memref<640000xi32, #tpu.memory_space<hbm>> -> memref<80xi32, #tpu.memory_space<hbm>>
    %dma_start3A_46 = tpu.memref_slice %arg8[%dma_start3A_41] : memref<4x!tpu.dma_semaphore, #tpu.memory_space<semaphore_mem>> -> memref<1x!tpu.dma_semaphore, #tpu.memory_space<semaphore_mem>>
    %dma_start3A_47 = tpu.memref_squeeze %dma_start3A_46 : memref<1x!tpu.dma_semaphore, #tpu.memory_space<semaphore_mem>> -> memref<!tpu.dma_semaphore, #tpu.memory_space<semaphore_mem>>
    %dma_start3A_48 = arith.constant 0 : i32
    %dma_start3A_49 = tpu.memref_slice %arg6[%dma_start3A_40, %dma_start3A_48] : memref<4x80xi32, #tpu.memory_space<vmem>> -> memref<1x80xi32, #tpu.memory_space<vmem>>
    %dma_start3A_50 = tpu.memref_squeeze %dma_start3A_49 : memref<1x80xi32, #tpu.memory_space<vmem>> -> memref<80xi32, #tpu.memory_space<vmem>>
    %dma_start3A_51 = tpu.memref_slice %arg3[%add3A_28] : memref<640000xi32, #tpu.memory_space<hbm>> -> memref<80xi32, #tpu.memory_space<hbm>>
    tpu.enqueue_dma source(%dma_start3A_51 : memref<80xi32, #tpu.memory_space<hbm>>) target(%dma_start3A_50 : memref<80xi32, #tpu.memory_space<vmem>>) target_semaphore(%dma_start3A_47 : memref<!tpu.dma_semaphore, #tpu.memory_space<semaphore_mem>>)
    %mul3A_52 = arith.constant 10000 : i32
    %mul3A_53 = arith.muli %add3A, %mul3A_52 : i32
    %add3A_54 = arith.constant 80 : i32
    %add3A_55 = arith.addi %mul3A_53, %add3A_54 : i32
    %add3A_56 = arith.constant 320000 : i32
    %add3A_57 = arith.addi %add3A_56, %add3A_55 : i32
    %dma_start3A_58 = arith.constant 1 : i32
    %dma_start3A_59 = arith.constant 1 : i32
    %dma_start3A_60 = arith.constant 0 : i32
    %dma_start3A_61 = tpu.memref_slice %arg5[%dma_start3A_58, %dma_start3A_60] : memref<4x80xi32, #tpu.memory_space<vmem>> -> memref<1x80xi32, #tpu.memory_space<vmem>>
    %dma_start3A_62 = tpu.memref_squeeze %dma_start3A_61 : memref<1x80xi32, #tpu.memory_space<vmem>> -> memref<80xi32, #tpu.memory_space<vmem>>
    %dma_start3A_63 = tpu.memref_slice %arg3[%add3A_55] : memref<640000xi32, #tpu.memory_space<hbm>> -> memref<80xi32, #tpu.memory_space<hbm>>
    %dma_start3A_64 = tpu.memref_slice %arg8[%dma_start3A_59] : memref<4x!tpu.dma_semaphore, #tpu.memory_space<semaphore_mem>> -> memref<1x!tpu.dma_semaphore, #tpu.memory_space<semaphore_mem>>
    %dma_start3A_65 = tpu.memref_squeeze %dma_start3A_64 : memref<1x!tpu.dma_semaphore, #tpu.memory_space<semaphore_mem>> -> memref<!tpu.dma_semaphore, #tpu.memory_space<semaphore_mem>>
    %dma_start3A_66 = arith.constant 0 : i32
    %dma_start3A_67 = tpu.memref_slice %arg5[%dma_start3A_58, %dma_start3A_66] : memref<4x80xi32, #tpu.memory_space<vmem>> -> memref<1x80xi32, #tpu.memory_space<vmem>>
    %dma_start3A_68 = tpu.memref_squeeze %dma_start3A_67 : memref<1x80xi32, #tpu.memory_space<vmem>> -> memref<80xi32, #tpu.memory_space<vmem>>
    %dma_start3A_69 = tpu.memref_slice %arg3[%add3A_55] : memref<640000xi32, #tpu.memory_space<hbm>> -> memref<80xi32, #tpu.memory_space<hbm>>
    tpu.enqueue_dma source(%dma_start3A_69 : memref<80xi32, #tpu.memory_space<hbm>>) target(%dma_start3A_68 : memref<80xi32, #tpu.memory_space<vmem>>) target_semaphore(%dma_start3A_65 : memref<!tpu.dma_semaphore, #tpu.memory_space<semaphore_mem>>)
    %dma_start3A_70 = arith.constant 1 : i32
    %dma_start3A_71 = arith.constant 1 : i32
    %dma_start3A_72 = arith.constant 0 : i32
    %dma_start3A_73 = tpu.memref_slice %arg6[%dma_start3A_70, %dma_start3A_72] : memref<4x80xi32, #tpu.memory_space<vmem>> -> memref<1x80xi32, #tpu.memory_space<vmem>>
    %dma_start3A_74 = tpu.memref_squeeze %dma_start3A_73 : memref<1x80xi32, #tpu.memory_space<vmem>> -> memref<80xi32, #tpu.memory_space<vmem>>
    %dma_start3A_75 = tpu.memref_slice %arg3[%add3A_57] : memref<640000xi32, #tpu.memory_space<hbm>> -> memref<80xi32, #tpu.memory_space<hbm>>
    %dma_start3A_76 = tpu.memref_slice %arg8[%dma_start3A_71] : memref<4x!tpu.dma_semaphore, #tpu.memory_space<semaphore_mem>> -> memref<1x!tpu.dma_semaphore, #tpu.memory_space<semaphore_mem>>
    %dma_start3A_77 = tpu.memref_squeeze %dma_start3A_76 : memref<1x!tpu.dma_semaphore, #tpu.memory_space<semaphore_mem>> -> memref<!tpu.dma_semaphore, #tpu.memory_space<semaphore_mem>>
    %dma_start3A_78 = arith.constant 0 : i32
    %dma_start3A_79 = tpu.memref_slice %arg6[%dma_start3A_70, %dma_start3A_78] : memref<4x80xi32, #tpu.memory_space<vmem>> -> memref<1x80xi32, #tpu.memory_space<vmem>>
    %dma_start3A_80 = tpu.memref_squeeze %dma_start3A_79 : memref<1x80xi32, #tpu.memory_space<vmem>> -> memref<80xi32, #tpu.memory_space<vmem>>
    %dma_start3A_81 = tpu.memref_slice %arg3[%add3A_57] : memref<640000xi32, #tpu.memory_space<hbm>> -> memref<80xi32, #tpu.memory_space<hbm>>
    tpu.enqueue_dma source(%dma_start3A_81 : memref<80xi32, #tpu.memory_space<hbm>>) target(%dma_start3A_80 : memref<80xi32, #tpu.memory_space<vmem>>) target_semaphore(%dma_start3A_77 : memref<!tpu.dma_semaphore, #tpu.memory_space<semaphore_mem>>)
    %mul3A_82 = arith.constant 10000 : i32
    %mul3A_83 = arith.muli %add3A, %mul3A_82 : i32
    %add3A_84 = arith.constant 160 : i32
    %add3A_85 = arith.addi %mul3A_83, %add3A_84 : i32
    %add3A_86 = arith.constant 320000 : i32
    %add3A_87 = arith.addi %add3A_86, %add3A_85 : i32
    %dma_start3A_88 = arith.constant 2 : i32
    %dma_start3A_89 = arith.constant 2 : i32
    %dma_start3A_90 = arith.constant 0 : i32
    %dma_start3A_91 = tpu.memref_slice %arg5[%dma_start3A_88, %dma_start3A_90] : memref<4x80xi32, #tpu.memory_space<vmem>> -> memref<1x80xi32, #tpu.memory_space<vmem>>
    %dma_start3A_92 = tpu.memref_squeeze %dma_start3A_91 : memref<1x80xi32, #tpu.memory_space<vmem>> -> memref<80xi32, #tpu.memory_space<vmem>>
    %dma_start3A_93 = tpu.memref_slice %arg3[%add3A_85] : memref<640000xi32, #tpu.memory_space<hbm>> -> memref<80xi32, #tpu.memory_space<hbm>>
    %dma_start3A_94 = tpu.memref_slice %arg8[%dma_start3A_89] : memref<4x!tpu.dma_semaphore, #tpu.memory_space<semaphore_mem>> -> memref<1x!tpu.dma_semaphore, #tpu.memory_space<semaphore_mem>>
    %dma_start3A_95 = tpu.memref_squeeze %dma_start3A_94 : memref<1x!tpu.dma_semaphore, #tpu.memory_space<semaphore_mem>> -> memref<!tpu.dma_semaphore, #tpu.memory_space<semaphore_mem>>
    %dma_start3A_96 = arith.constant 0 : i32
    %dma_start3A_97 = tpu.memref_slice %arg5[%dma_start3A_88, %dma_start3A_96] : memref<4x80xi32, #tpu.memory_space<vmem>> -> memref<1x80xi32, #tpu.memory_space<vmem>>
    %dma_start3A_98 = tpu.memref_squeeze %dma_start3A_97 : memref<1x80xi32, #tpu.memory_space<vmem>> -> memref<80xi32, #tpu.memory_space<vmem>>
    %dma_start3A_99 = tpu.memref_slice %arg3[%add3A_85] : memref<640000xi32, #tpu.memory_space<hbm>> -> memref<80xi32, #tpu.memory_space<hbm>>
    tpu.enqueue_dma source(%dma_start3A_99 : memref<80xi32, #tpu.memory_space<hbm>>) target(%dma_start3A_98 : memref<80xi32, #tpu.memory_space<vmem>>) target_semaphore(%dma_start3A_95 : memref<!tpu.dma_semaphore, #tpu.memory_space<semaphore_mem>>)
    %dma_start3A_100 = arith.constant 2 : i32
    %dma_start3A_101 = arith.constant 2 : i32
    %dma_start3A_102 = arith.constant 0 : i32
    %dma_start3A_103 = tpu.memref_slice %arg6[%dma_start3A_100, %dma_start3A_102] : memref<4x80xi32, #tpu.memory_space<vmem>> -> memref<1x80xi32, #tpu.memory_space<vmem>>
    %dma_start3A_104 = tpu.memref_squeeze %dma_start3A_103 : memref<1x80xi32, #tpu.memory_space<vmem>> -> memref<80xi32, #tpu.memory_space<vmem>>
    %dma_start3A_105 = tpu.memref_slice %arg3[%add3A_87] : memref<640000xi32, #tpu.memory_space<hbm>> -> memref<80xi32, #tpu.memory_space<hbm>>
    %dma_start3A_106 = tpu.memref_slice %arg8[%dma_start3A_101] : memref<4x!tpu.dma_semaphore, #tpu.memory_space<semaphore_mem>> -> memref<1x!tpu.dma_semaphore, #tpu.memory_space<semaphore_mem>>
    %dma_start3A_107 = tpu.memref_squeeze %dma_start3A_106 : memref<1x!tpu.dma_semaphore, #tpu.memory_space<semaphore_mem>> -> memref<!tpu.dma_semaphore, #tpu.memory_space<semaphore_mem>>
    %dma_start3A_108 = arith.constant 0 : i32
    %dma_start3A_109 = tpu.memref_slice %arg6[%dma_start3A_100, %dma_start3A_108] : memref<4x80xi32, #tpu.memory_space<vmem>> -> memref<1x80xi32, #tpu.memory_space<vmem>>
    %dma_start3A_110 = tpu.memref_squeeze %dma_start3A_109 : memref<1x80xi32, #tpu.memory_space<vmem>> -> memref<80xi32, #tpu.memory_space<vmem>>
    %dma_start3A_111 = tpu.memref_slice %arg3[%add3A_87] : memref<640000xi32, #tpu.memory_space<hbm>> -> memref<80xi32, #tpu.memory_space<hbm>>
    tpu.enqueue_dma source(%dma_start3A_111 : memref<80xi32, #tpu.memory_space<hbm>>) target(%dma_start3A_110 : memref<80xi32, #tpu.memory_space<vmem>>) target_semaphore(%dma_start3A_107 : memref<!tpu.dma_semaphore, #tpu.memory_space<semaphore_mem>>)
    %mul3A_112 = arith.constant 10000 : i32
    %mul3A_113 = arith.muli %add3A, %mul3A_112 : i32
    %add3A_114 = arith.constant 0 : i32
    %add3A_115 = arith.addi %mul3A_113, %add3A_114 : i32
    %add3A_116 = arith.constant 320000 : i32
    %add3A_117 = arith.addi %add3A_116, %add3A_115 : i32
    %dma_wait3A = arith.constant 0 : i32
    %dma_wait3A_118 = arith.constant 0 : i32
    %dma_wait3A_119 = arith.constant 0 : i32
    %dma_wait3A_120 = tpu.memref_slice %arg5[%dma_wait3A, %dma_wait3A_119] : memref<4x80xi32, #tpu.memory_space<vmem>> -> memref<1x80xi32, #tpu.memory_space<vmem>>
    %dma_wait3A_121 = tpu.memref_squeeze %dma_wait3A_120 : memref<1x80xi32, #tpu.memory_space<vmem>> -> memref<80xi32, #tpu.memory_space<vmem>>
    %dma_wait3A_122 = tpu.memref_slice %arg3[%add3A_115] : memref<640000xi32, #tpu.memory_space<hbm>> -> memref<80xi32, #tpu.memory_space<hbm>>
    %dma_wait3A_123 = tpu.memref_slice %arg8[%dma_wait3A_118] : memref<4x!tpu.dma_semaphore, #tpu.memory_space<semaphore_mem>> -> memref<1x!tpu.dma_semaphore, #tpu.memory_space<semaphore_mem>>
    %dma_wait3A_124 = tpu.memref_squeeze %dma_wait3A_123 : memref<1x!tpu.dma_semaphore, #tpu.memory_space<semaphore_mem>> -> memref<!tpu.dma_semaphore, #tpu.memory_space<semaphore_mem>>
    %dma_wait3A_125 = arith.constant 0 : i32
    %dma_wait3A_126 = tpu.memref_slice %arg5[%dma_wait3A, %dma_wait3A_125] : memref<4x80xi32, #tpu.memory_space<vmem>> -> memref<1x80xi32, #tpu.memory_space<vmem>>
    %dma_wait3A_127 = tpu.memref_squeeze %dma_wait3A_126 : memref<1x80xi32, #tpu.memory_space<vmem>> -> memref<80xi32, #tpu.memory_space<vmem>>
    %dma_wait3A_128 = tpu.memref_slice %arg3[%add3A_115] : memref<640000xi32, #tpu.memory_space<hbm>> -> memref<80xi32, #tpu.memory_space<hbm>>
    tpu.wait_dma2 semaphore(%dma_wait3A_124 : memref<!tpu.dma_semaphore, #tpu.memory_space<semaphore_mem>>) src(%dma_wait3A_128 : memref<80xi32, #tpu.memory_space<hbm>>) dst(%dma_wait3A_127 : memref<80xi32, #tpu.memory_space<vmem>>)
    %dma_wait3A_129 = arith.constant 0 : i32
    %dma_wait3A_130 = arith.constant 0 : i32
    %dma_wait3A_131 = arith.constant 0 : i32
    %dma_wait3A_132 = tpu.memref_slice %arg6[%dma_wait3A_129, %dma_wait3A_131] : memref<4x80xi32, #tpu.memory_space<vmem>> -> memref<1x80xi32, #tpu.memory_space<vmem>>
    %dma_wait3A_133 = tpu.memref_squeeze %dma_wait3A_132 : memref<1x80xi32, #tpu.memory_space<vmem>> -> memref<80xi32, #tpu.memory_space<vmem>>
    %dma_wait3A_134 = tpu.memref_slice %arg3[%add3A_117] : memref<640000xi32, #tpu.memory_space<hbm>> -> memref<80xi32, #tpu.memory_space<hbm>>
    %dma_wait3A_135 = tpu.memref_slice %arg8[%dma_wait3A_130] : memref<4x!tpu.dma_semaphore, #tpu.memory_space<semaphore_mem>> -> memref<1x!tpu.dma_semaphore, #tpu.memory_space<semaphore_mem>>
    %dma_wait3A_136 = tpu.memref_squeeze %dma_wait3A_135 : memref<1x!tpu.dma_semaphore, #tpu.memory_space<semaphore_mem>> -> memref<!tpu.dma_semaphore, #tpu.memory_space<semaphore_mem>>
    %dma_wait3A_137 = arith.constant 0 : i32
    %dma_wait3A_138 = tpu.memref_slice %arg6[%dma_wait3A_129, %dma_wait3A_137] : memref<4x80xi32, #tpu.memory_space<vmem>> -> memref<1x80xi32, #tpu.memory_space<vmem>>
    %dma_wait3A_139 = tpu.memref_squeeze %dma_wait3A_138 : memref<1x80xi32, #tpu.memory_space<vmem>> -> memref<80xi32, #tpu.memory_space<vmem>>
    %dma_wait3A_140 = tpu.memref_slice %arg3[%add3A_117] : memref<640000xi32, #tpu.memory_space<hbm>> -> memref<80xi32, #tpu.memory_space<hbm>>
    tpu.wait_dma2 semaphore(%dma_wait3A_136 : memref<!tpu.dma_semaphore, #tpu.memory_space<semaphore_mem>>) src(%dma_wait3A_140 : memref<80xi32, #tpu.memory_space<hbm>>) dst(%dma_wait3A_139 : memref<80xi32, #tpu.memory_space<vmem>>)
    %rem3A = arith.constant 0 : i32
    %rem3A_141 = arith.constant 4 : i32
    %rem3A_142 = arith.remsi %rem3A, %rem3A_141 : i32
    %dma_start3A_143 = arith.constant 0 : i32
    %dma_start3A_144 = arith.constant 0 : i32
    %dma_start3A_145 = arith.constant 0 : i32
    %dma_start3A_146 = arith.constant 0 : i32
    %dma_start3A_147 = tpu.memref_slice %arg7[%dma_start3A_143, %dma_start3A_145, %dma_start3A_146] : memref<3x80x128xf32, #tpu.memory_space<vmem>> -> memref<1x80x128xf32, #tpu.memory_space<vmem>>
    %dma_start3A_148 = tpu.memref_squeeze %dma_start3A_147 : memref<1x80x128xf32, #tpu.memory_space<vmem>> -> memref<80x128xf32, #tpu.memory_space<vmem>>
    %dma_start3A_149 = arith.constant 0 : i32
    %dma_start3A_150 = tpu.memref_slice %arg5[%rem3A_142, %dma_start3A_149] : memref<4x80xi32, #tpu.memory_space<vmem>> -> memref<1x80xi32, #tpu.memory_space<vmem>>
    %dma_start3A_151 = tpu.memref_squeeze %dma_start3A_150 : memref<1x80xi32, #tpu.memory_space<vmem>> -> memref<80xi32, #tpu.memory_space<vmem>>
    %dma_start3A_152 = arith.constant 0 : i32
    %dma_start3A_153 = arith.constant 0 : i32
    %dma_start3A_154 = tpu.memref_slice %arg2[%dma_start3A_152, %dma_start3A_153] : memref<10000x128xf32, #tpu.memory_space<hbm>> -> memref<10000x128xf32, #tpu.memory_space<hbm>>
    %dma_start3A_155 = tpu.memref_slice %arg9[%dma_start3A_144] : memref<3x!tpu.dma_semaphore, #tpu.memory_space<semaphore_mem>> -> memref<1x!tpu.dma_semaphore, #tpu.memory_space<semaphore_mem>>
    %dma_start3A_156 = tpu.memref_squeeze %dma_start3A_155 : memref<1x!tpu.dma_semaphore, #tpu.memory_space<semaphore_mem>> -> memref<!tpu.dma_semaphore, #tpu.memory_space<semaphore_mem>>
    tpu.enqueue_indirect_dma source(%dma_start3A_154 : memref<10000x128xf32, #tpu.memory_space<hbm>>) target(%dma_start3A_148 : memref<80x128xf32, #tpu.memory_space<vmem>>) offsets(%dma_start3A_151 : memref<80xi32, #tpu.memory_space<vmem>>) semaphore(%dma_start3A_156 : memref<!tpu.dma_semaphore, #tpu.memory_space<semaphore_mem>>)
    %mul3A_157 = arith.constant 10000 : i32
    %mul3A_158 = arith.muli %add3A, %mul3A_157 : i32
    %add3A_159 = arith.constant 80 : i32
    %add3A_160 = arith.addi %mul3A_158, %add3A_159 : i32
    %add3A_161 = arith.constant 320000 : i32
    %add3A_162 = arith.addi %add3A_161, %add3A_160 : i32
    %dma_wait3A_163 = arith.constant 1 : i32
    %dma_wait3A_164 = arith.constant 1 : i32
    %dma_wait3A_165 = arith.constant 0 : i32
    %dma_wait3A_166 = tpu.memref_slice %arg5[%dma_wait3A_163, %dma_wait3A_165] : memref<4x80xi32, #tpu.memory_space<vmem>> -> memref<1x80xi32, #tpu.memory_space<vmem>>
    %dma_wait3A_167 = tpu.memref_squeeze %dma_wait3A_166 : memref<1x80xi32, #tpu.memory_space<vmem>> -> memref<80xi32, #tpu.memory_space<vmem>>
    %dma_wait3A_168 = tpu.memref_slice %arg3[%add3A_160] : memref<640000xi32, #tpu.memory_space<hbm>> -> memref<80xi32, #tpu.memory_space<hbm>>
    %dma_wait3A_169 = tpu.memref_slice %arg8[%dma_wait3A_164] : memref<4x!tpu.dma_semaphore, #tpu.memory_space<semaphore_mem>> -> memref<1x!tpu.dma_semaphore, #tpu.memory_space<semaphore_mem>>
    %dma_wait3A_170 = tpu.memref_squeeze %dma_wait3A_169 : memref<1x!tpu.dma_semaphore, #tpu.memory_space<semaphore_mem>> -> memref<!tpu.dma_semaphore, #tpu.memory_space<semaphore_mem>>
    %dma_wait3A_171 = arith.constant 0 : i32
    %dma_wait3A_172 = tpu.memref_slice %arg5[%dma_wait3A_163, %dma_wait3A_171] : memref<4x80xi32, #tpu.memory_space<vmem>> -> memref<1x80xi32, #tpu.memory_space<vmem>>
    %dma_wait3A_173 = tpu.memref_squeeze %dma_wait3A_172 : memref<1x80xi32, #tpu.memory_space<vmem>> -> memref<80xi32, #tpu.memory_space<vmem>>
    %dma_wait3A_174 = tpu.memref_slice %arg3[%add3A_160] : memref<640000xi32, #tpu.memory_space<hbm>> -> memref<80xi32, #tpu.memory_space<hbm>>
    tpu.wait_dma2 semaphore(%dma_wait3A_170 : memref<!tpu.dma_semaphore, #tpu.memory_space<semaphore_mem>>) src(%dma_wait3A_174 : memref<80xi32, #tpu.memory_space<hbm>>) dst(%dma_wait3A_173 : memref<80xi32, #tpu.memory_space<vmem>>)
    %dma_wait3A_175 = arith.constant 1 : i32
    %dma_wait3A_176 = arith.constant 1 : i32
    %dma_wait3A_177 = arith.constant 0 : i32
    %dma_wait3A_178 = tpu.memref_slice %arg6[%dma_wait3A_175, %dma_wait3A_177] : memref<4x80xi32, #tpu.memory_space<vmem>> -> memref<1x80xi32, #tpu.memory_space<vmem>>
    %dma_wait3A_179 = tpu.memref_squeeze %dma_wait3A_178 : memref<1x80xi32, #tpu.memory_space<vmem>> -> memref<80xi32, #tpu.memory_space<vmem>>
    %dma_wait3A_180 = tpu.memref_slice %arg3[%add3A_162] : memref<640000xi32, #tpu.memory_space<hbm>> -> memref<80xi32, #tpu.memory_space<hbm>>
    %dma_wait3A_181 = tpu.memref_slice %arg8[%dma_wait3A_176] : memref<4x!tpu.dma_semaphore, #tpu.memory_space<semaphore_mem>> -> memref<1x!tpu.dma_semaphore, #tpu.memory_space<semaphore_mem>>
    %dma_wait3A_182 = tpu.memref_squeeze %dma_wait3A_181 : memref<1x!tpu.dma_semaphore, #tpu.memory_space<semaphore_mem>> -> memref<!tpu.dma_semaphore, #tpu.memory_space<semaphore_mem>>
    %dma_wait3A_183 = arith.constant 0 : i32
    %dma_wait3A_184 = tpu.memref_slice %arg6[%dma_wait3A_175, %dma_wait3A_183] : memref<4x80xi32, #tpu.memory_space<vmem>> -> memref<1x80xi32, #tpu.memory_space<vmem>>
    %dma_wait3A_185 = tpu.memref_squeeze %dma_wait3A_184 : memref<1x80xi32, #tpu.memory_space<vmem>> -> memref<80xi32, #tpu.memory_space<vmem>>
    %dma_wait3A_186 = tpu.memref_slice %arg3[%add3A_162] : memref<640000xi32, #tpu.memory_space<hbm>> -> memref<80xi32, #tpu.memory_space<hbm>>
    tpu.wait_dma2 semaphore(%dma_wait3A_182 : memref<!tpu.dma_semaphore, #tpu.memory_space<semaphore_mem>>) src(%dma_wait3A_186 : memref<80xi32, #tpu.memory_space<hbm>>) dst(%dma_wait3A_185 : memref<80xi32, #tpu.memory_space<vmem>>)
    %rem3A_187 = arith.constant 1 : i32
    %rem3A_188 = arith.constant 4 : i32
    %rem3A_189 = arith.remsi %rem3A_187, %rem3A_188 : i32
    %dma_start3A_190 = arith.constant 1 : i32
    %dma_start3A_191 = arith.constant 1 : i32
    %dma_start3A_192 = arith.constant 0 : i32
    %dma_start3A_193 = arith.constant 0 : i32
    %dma_start3A_194 = tpu.memref_slice %arg7[%dma_start3A_190, %dma_start3A_192, %dma_start3A_193] : memref<3x80x128xf32, #tpu.memory_space<vmem>> -> memref<1x80x128xf32, #tpu.memory_space<vmem>>
    %dma_start3A_195 = tpu.memref_squeeze %dma_start3A_194 : memref<1x80x128xf32, #tpu.memory_space<vmem>> -> memref<80x128xf32, #tpu.memory_space<vmem>>
    %dma_start3A_196 = arith.constant 0 : i32
    %dma_start3A_197 = tpu.memref_slice %arg5[%rem3A_189, %dma_start3A_196] : memref<4x80xi32, #tpu.memory_space<vmem>> -> memref<1x80xi32, #tpu.memory_space<vmem>>
    %dma_start3A_198 = tpu.memref_squeeze %dma_start3A_197 : memref<1x80xi32, #tpu.memory_space<vmem>> -> memref<80xi32, #tpu.memory_space<vmem>>
    %dma_start3A_199 = arith.constant 0 : i32
    %dma_start3A_200 = arith.constant 0 : i32
    %dma_start3A_201 = tpu.memref_slice %arg2[%dma_start3A_199, %dma_start3A_200] : memref<10000x128xf32, #tpu.memory_space<hbm>> -> memref<10000x128xf32, #tpu.memory_space<hbm>>
    %dma_start3A_202 = tpu.memref_slice %arg9[%dma_start3A_191] : memref<3x!tpu.dma_semaphore, #tpu.memory_space<semaphore_mem>> -> memref<1x!tpu.dma_semaphore, #tpu.memory_space<semaphore_mem>>
    %dma_start3A_203 = tpu.memref_squeeze %dma_start3A_202 : memref<1x!tpu.dma_semaphore, #tpu.memory_space<semaphore_mem>> -> memref<!tpu.dma_semaphore, #tpu.memory_space<semaphore_mem>>
    tpu.enqueue_indirect_dma source(%dma_start3A_201 : memref<10000x128xf32, #tpu.memory_space<hbm>>) target(%dma_start3A_195 : memref<80x128xf32, #tpu.memory_space<vmem>>) offsets(%dma_start3A_198 : memref<80xi32, #tpu.memory_space<vmem>>) semaphore(%dma_start3A_203 : memref<!tpu.dma_semaphore, #tpu.memory_space<semaphore_mem>>)
    %scan3A_204 = arith.constant 0 : i32
    %scan3A_205 = arith.constant 0 : i32
    %scan3A_206 = arith.constant 125 : i32
    %scan3A_207 = arith.addi %scan3A_205, %scan3A_206 : i32
    %scan3A_208 = arith.constant 1 : i32
    %scan3A_209 = scf.for %scan3A_238 = %scan3A_205 to %scan3A_207 step %scan3A_208 iter_args(%scan3A_239 = %scan3A_204) -> (i32)  : i32 {
      %rem3A_240 = arith.constant 3 : i32
      %rem3A_241 = arith.remsi %scan3A_238, %rem3A_240 : i32
      %rem3A_242 = arith.constant 4 : i32
      %rem3A_243 = arith.remsi %scan3A_238, %rem3A_242 : i32
      %dma_wait3A_244 = arith.constant 0 : i32
      %dma_wait3A_245 = arith.constant 0 : i32
      %dma_wait3A_246 = tpu.memref_slice %arg7[%rem3A_241, %dma_wait3A_244, %dma_wait3A_245] : memref<3x80x128xf32, #tpu.memory_space<vmem>> -> memref<1x80x128xf32, #tpu.memory_space<vmem>>
      %dma_wait3A_247 = tpu.memref_squeeze %dma_wait3A_246 : memref<1x80x128xf32, #tpu.memory_space<vmem>> -> memref<80x128xf32, #tpu.memory_space<vmem>>
      %dma_wait3A_248 = arith.constant 0 : i32
      %dma_wait3A_249 = tpu.memref_slice %arg5[%rem3A_243, %dma_wait3A_248] : memref<4x80xi32, #tpu.memory_space<vmem>> -> memref<1x80xi32, #tpu.memory_space<vmem>>
      %dma_wait3A_250 = tpu.memref_squeeze %dma_wait3A_249 : memref<1x80xi32, #tpu.memory_space<vmem>> -> memref<80xi32, #tpu.memory_space<vmem>>
      %dma_wait3A_251 = arith.constant 0 : i32
      %dma_wait3A_252 = arith.constant 0 : i32
      %dma_wait3A_253 = tpu.memref_slice %arg2[%dma_wait3A_251, %dma_wait3A_252] : memref<10000x128xf32, #tpu.memory_space<hbm>> -> memref<10000x128xf32, #tpu.memory_space<hbm>>
      %dma_wait3A_254 = tpu.memref_slice %arg9[%rem3A_241] : memref<3x!tpu.dma_semaphore, #tpu.memory_space<semaphore_mem>> -> memref<1x!tpu.dma_semaphore, #tpu.memory_space<semaphore_mem>>
      %dma_wait3A_255 = tpu.memref_squeeze %dma_wait3A_254 : memref<1x!tpu.dma_semaphore, #tpu.memory_space<semaphore_mem>> -> memref<!tpu.dma_semaphore, #tpu.memory_space<semaphore_mem>>
      tpu.wait_indirect_dma semaphore(%dma_wait3A_255 : memref<!tpu.dma_semaphore, #tpu.memory_space<semaphore_mem>>) src(%dma_wait3A_253 : memref<10000x128xf32, #tpu.memory_space<hbm>>) dst(%dma_wait3A_247 : memref<80x128xf32, #tpu.memory_space<vmem>>)
      %ge3A = arith.constant 1 : i32
      %ge3A_256 = arith.cmpi sge, %scan3A_238, %ge3A : i32
      %convert_element_type3A_257 = arith.extui %ge3A_256 : i1 to i32
      %cond3A_258 = arith.constant 0 : i32
      %cond3A_259 = arith.cmpi ne, %convert_element_type3A_257, %cond3A_258 : i32
      scf.if %cond3A_259 {
        %sub3A = arith.constant 1 : i32
        %sub3A_288 = arith.subi %scan3A_238, %sub3A : i32
        %sub3A_289 = arith.constant 1 : i32
        %sub3A_290 = arith.subi %scan3A_238, %sub3A_289 : i32
        %rem3A_291 = arith.constant 3 : i32
        %rem3A_292 = arith.remsi %sub3A_290, %rem3A_291 : i32
        %rem3A_293 = arith.constant 4 : i32
        %rem3A_294 = arith.remsi %sub3A_288, %rem3A_293 : i32
        %dma_wait3A_295 = arith.constant 0 : i32
        %dma_wait3A_296 = arith.constant 0 : i32
        %dma_wait3A_297 = tpu.memref_slice %arg7[%rem3A_292, %dma_wait3A_295, %dma_wait3A_296] : memref<3x80x128xf32, #tpu.memory_space<vmem>> -> memref<1x80x128xf32, #tpu.memory_space<vmem>>
        %dma_wait3A_298 = tpu.memref_squeeze %dma_wait3A_297 : memref<1x80x128xf32, #tpu.memory_space<vmem>> -> memref<80x128xf32, #tpu.memory_space<vmem>>
        %dma_wait3A_299 = arith.constant 0 : i32
        %dma_wait3A_300 = tpu.memref_slice %arg6[%rem3A_294, %dma_wait3A_299] : memref<4x80xi32, #tpu.memory_space<vmem>> -> memref<1x80xi32, #tpu.memory_space<vmem>>
        %dma_wait3A_301 = tpu.memref_squeeze %dma_wait3A_300 : memref<1x80xi32, #tpu.memory_space<vmem>> -> memref<80xi32, #tpu.memory_space<vmem>>
        %dma_wait3A_302 = arith.constant 0 : i32
        %dma_wait3A_303 = arith.constant 0 : i32
        %dma_wait3A_304 = tpu.memref_slice %arg11[%dma_wait3A_302, %dma_wait3A_303] : memref<10000x128xf32, #tpu.memory_space<vmem_shared>> -> memref<10000x128xf32, #tpu.memory_space<vmem_shared>>
        %dma_wait3A_305 = tpu.memref_slice %arg10[%rem3A_292] : memref<3x!tpu.dma_semaphore, #tpu.memory_space<semaphore_mem>> -> memref<1x!tpu.dma_semaphore, #tpu.memory_space<semaphore_mem>>
        %dma_wait3A_306 = tpu.memref_squeeze %dma_wait3A_305 : memref<1x!tpu.dma_semaphore, #tpu.memory_space<semaphore_mem>> -> memref<!tpu.dma_semaphore, #tpu.memory_space<semaphore_mem>>
        tpu.wait_indirect_dma semaphore(%dma_wait3A_306 : memref<!tpu.dma_semaphore, #tpu.memory_space<semaphore_mem>>) src(%dma_wait3A_298 : memref<80x128xf32, #tpu.memory_space<vmem>>) dst(%dma_wait3A_304 : memref<10000x128xf32, #tpu.memory_space<vmem_shared>>)
      } else {
      }
      %add3A_260 = arith.constant 3 : i32
      %add3A_261 = arith.addi %scan3A_238, %add3A_260 : i32
      %lt3A = arith.constant 125 : i32
      %lt3A_262 = arith.cmpi slt, %add3A_261, %lt3A : i32
      %convert_element_type3A_263 = arith.extui %lt3A_262 : i1 to i32
      %cond3A_264 = arith.constant 0 : i32
      %cond3A_265 = arith.cmpi ne, %convert_element_type3A_263, %cond3A_264 : i32
      scf.if %cond3A_265 {
        %add3A_288 = arith.constant 3 : i32
        %add3A_289 = arith.addi %scan3A_238, %add3A_288 : i32
        %add3A_290 = arith.constant 3 : i32
        %add3A_291 = arith.addi %scan3A_238, %add3A_290 : i32
        %rem3A_292 = arith.constant 4 : i32
        %rem3A_293 = arith.remsi %add3A_291, %rem3A_292 : i32
        %mul3A_294 = arith.constant 10000 : i32
        %mul3A_295 = arith.muli %add3A, %mul3A_294 : i32
        %mul3A_296 = arith.constant 80 : i32
        %mul3A_297 = arith.muli %add3A_289, %mul3A_296 : i32
        %add3A_298 = arith.addi %mul3A_295, %mul3A_297 : i32
        %add3A_299 = arith.constant 320000 : i32
        %add3A_300 = arith.addi %add3A_299, %add3A_298 : i32
        %dma_start3A_301 = arith.constant 0 : i32
        %dma_start3A_302 = tpu.memref_slice %arg5[%rem3A_293, %dma_start3A_301] : memref<4x80xi32, #tpu.memory_space<vmem>> -> memref<1x80xi32, #tpu.memory_space<vmem>>
        %dma_start3A_303 = tpu.memref_squeeze %dma_start3A_302 : memref<1x80xi32, #tpu.memory_space<vmem>> -> memref<80xi32, #tpu.memory_space<vmem>>
        %dma_start3A_304 = tpu.memref_slice %arg3[%add3A_298] : memref<640000xi32, #tpu.memory_space<hbm>> -> memref<80xi32, #tpu.memory_space<hbm>>
        %dma_start3A_305 = tpu.memref_slice %arg8[%rem3A_293] : memref<4x!tpu.dma_semaphore, #tpu.memory_space<semaphore_mem>> -> memref<1x!tpu.dma_semaphore, #tpu.memory_space<semaphore_mem>>
        %dma_start3A_306 = tpu.memref_squeeze %dma_start3A_305 : memref<1x!tpu.dma_semaphore, #tpu.memory_space<semaphore_mem>> -> memref<!tpu.dma_semaphore, #tpu.memory_space<semaphore_mem>>
        %dma_start3A_307 = arith.constant 0 : i32
        %dma_start3A_308 = tpu.memref_slice %arg5[%rem3A_293, %dma_start3A_307] : memref<4x80xi32, #tpu.memory_space<vmem>> -> memref<1x80xi32, #tpu.memory_space<vmem>>
        %dma_start3A_309 = tpu.memref_squeeze %dma_start3A_308 : memref<1x80xi32, #tpu.memory_space<vmem>> -> memref<80xi32, #tpu.memory_space<vmem>>
        %dma_start3A_310 = tpu.memref_slice %arg3[%add3A_298] : memref<640000xi32, #tpu.memory_space<hbm>> -> memref<80xi32, #tpu.memory_space<hbm>>
        tpu.enqueue_dma source(%dma_start3A_310 : memref<80xi32, #tpu.memory_space<hbm>>) target(%dma_start3A_309 : memref<80xi32, #tpu.memory_space<vmem>>) target_semaphore(%dma_start3A_306 : memref<!tpu.dma_semaphore, #tpu.memory_space<semaphore_mem>>)
        %dma_start3A_311 = arith.constant 0 : i32
        %dma_start3A_312 = tpu.memref_slice %arg6[%rem3A_293, %dma_start3A_311] : memref<4x80xi32, #tpu.memory_space<vmem>> -> memref<1x80xi32, #tpu.memory_space<vmem>>
        %dma_start3A_313 = tpu.memref_squeeze %dma_start3A_312 : memref<1x80xi32, #tpu.memory_space<vmem>> -> memref<80xi32, #tpu.memory_space<vmem>>
        %dma_start3A_314 = tpu.memref_slice %arg3[%add3A_300] : memref<640000xi32, #tpu.memory_space<hbm>> -> memref<80xi32, #tpu.memory_space<hbm>>
        %dma_start3A_315 = tpu.memref_slice %arg8[%rem3A_293] : memref<4x!tpu.dma_semaphore, #tpu.memory_space<semaphore_mem>> -> memref<1x!tpu.dma_semaphore, #tpu.memory_space<semaphore_mem>>
        %dma_start3A_316 = tpu.memref_squeeze %dma_start3A_315 : memref<1x!tpu.dma_semaphore, #tpu.memory_space<semaphore_mem>> -> memref<!tpu.dma_semaphore, #tpu.memory_space<semaphore_mem>>
        %dma_start3A_317 = arith.constant 0 : i32
        %dma_start3A_318 = tpu.memref_slice %arg6[%rem3A_293, %dma_start3A_317] : memref<4x80xi32, #tpu.memory_space<vmem>> -> memref<1x80xi32, #tpu.memory_space<vmem>>
        %dma_start3A_319 = tpu.memref_squeeze %dma_start3A_318 : memref<1x80xi32, #tpu.memory_space<vmem>> -> memref<80xi32, #tpu.memory_space<vmem>>
        %dma_start3A_320 = tpu.memref_slice %arg3[%add3A_300] : memref<640000xi32, #tpu.memory_space<hbm>> -> memref<80xi32, #tpu.memory_space<hbm>>
        tpu.enqueue_dma source(%dma_start3A_320 : memref<80xi32, #tpu.memory_space<hbm>>) target(%dma_start3A_319 : memref<80xi32, #tpu.memory_space<vmem>>) target_semaphore(%dma_start3A_316 : memref<!tpu.dma_semaphore, #tpu.memory_space<semaphore_mem>>)
      } else {
      }
      %add3A_266 = arith.constant 2 : i32
      %add3A_267 = arith.addi %scan3A_238, %add3A_266 : i32
      %lt3A_268 = arith.constant 125 : i32
      %lt3A_269 = arith.cmpi slt, %add3A_267, %lt3A_268 : i32
      %convert_element_type3A_270 = arith.extui %lt3A_269 : i1 to i32
      %cond3A_271 = arith.constant 0 : i32
      %cond3A_272 = arith.cmpi ne, %convert_element_type3A_270, %cond3A_271 : i32
      scf.if %cond3A_272 {
        %add3A_288 = arith.constant 2 : i32
        %add3A_289 = arith.addi %scan3A_238, %add3A_288 : i32
        %add3A_290 = arith.constant 2 : i32
        %add3A_291 = arith.addi %scan3A_238, %add3A_290 : i32
        %rem3A_292 = arith.constant 4 : i32
        %rem3A_293 = arith.remsi %add3A_291, %rem3A_292 : i32
        %mul3A_294 = arith.constant 10000 : i32
        %mul3A_295 = arith.muli %add3A, %mul3A_294 : i32
        %mul3A_296 = arith.constant 80 : i32
        %mul3A_297 = arith.muli %add3A_289, %mul3A_296 : i32
        %add3A_298 = arith.addi %mul3A_295, %mul3A_297 : i32
        %add3A_299 = arith.constant 320000 : i32
        %add3A_300 = arith.addi %add3A_299, %add3A_298 : i32
        %dma_wait3A_301 = arith.constant 0 : i32
        %dma_wait3A_302 = tpu.memref_slice %arg5[%rem3A_293, %dma_wait3A_301] : memref<4x80xi32, #tpu.memory_space<vmem>> -> memref<1x80xi32, #tpu.memory_space<vmem>>
        %dma_wait3A_303 = tpu.memref_squeeze %dma_wait3A_302 : memref<1x80xi32, #tpu.memory_space<vmem>> -> memref<80xi32, #tpu.memory_space<vmem>>
        %dma_wait3A_304 = tpu.memref_slice %arg3[%add3A_298] : memref<640000xi32, #tpu.memory_space<hbm>> -> memref<80xi32, #tpu.memory_space<hbm>>
        %dma_wait3A_305 = tpu.memref_slice %arg8[%rem3A_293] : memref<4x!tpu.dma_semaphore, #tpu.memory_space<semaphore_mem>> -> memref<1x!tpu.dma_semaphore, #tpu.memory_space<semaphore_mem>>
        %dma_wait3A_306 = tpu.memref_squeeze %dma_wait3A_305 : memref<1x!tpu.dma_semaphore, #tpu.memory_space<semaphore_mem>> -> memref<!tpu.dma_semaphore, #tpu.memory_space<semaphore_mem>>
        %dma_wait3A_307 = arith.constant 0 : i32
        %dma_wait3A_308 = tpu.memref_slice %arg5[%rem3A_293, %dma_wait3A_307] : memref<4x80xi32, #tpu.memory_space<vmem>> -> memref<1x80xi32, #tpu.memory_space<vmem>>
        %dma_wait3A_309 = tpu.memref_squeeze %dma_wait3A_308 : memref<1x80xi32, #tpu.memory_space<vmem>> -> memref<80xi32, #tpu.memory_space<vmem>>
        %dma_wait3A_310 = tpu.memref_slice %arg3[%add3A_298] : memref<640000xi32, #tpu.memory_space<hbm>> -> memref<80xi32, #tpu.memory_space<hbm>>
        tpu.wait_dma2 semaphore(%dma_wait3A_306 : memref<!tpu.dma_semaphore, #tpu.memory_space<semaphore_mem>>) src(%dma_wait3A_310 : memref<80xi32, #tpu.memory_space<hbm>>) dst(%dma_wait3A_309 : memref<80xi32, #tpu.memory_space<vmem>>)
        %dma_wait3A_311 = arith.constant 0 : i32
        %dma_wait3A_312 = tpu.memref_slice %arg6[%rem3A_293, %dma_wait3A_311] : memref<4x80xi32, #tpu.memory_space<vmem>> -> memref<1x80xi32, #tpu.memory_space<vmem>>
        %dma_wait3A_313 = tpu.memref_squeeze %dma_wait3A_312 : memref<1x80xi32, #tpu.memory_space<vmem>> -> memref<80xi32, #tpu.memory_space<vmem>>
        %dma_wait3A_314 = tpu.memref_slice %arg3[%add3A_300] : memref<640000xi32, #tpu.memory_space<hbm>> -> memref<80xi32, #tpu.memory_space<hbm>>
        %dma_wait3A_315 = tpu.memref_slice %arg8[%rem3A_293] : memref<4x!tpu.dma_semaphore, #tpu.memory_space<semaphore_mem>> -> memref<1x!tpu.dma_semaphore, #tpu.memory_space<semaphore_mem>>
        %dma_wait3A_316 = tpu.memref_squeeze %dma_wait3A_315 : memref<1x!tpu.dma_semaphore, #tpu.memory_space<semaphore_mem>> -> memref<!tpu.dma_semaphore, #tpu.memory_space<semaphore_mem>>
        %dma_wait3A_317 = arith.constant 0 : i32
        %dma_wait3A_318 = tpu.memref_slice %arg6[%rem3A_293, %dma_wait3A_317] : memref<4x80xi32, #tpu.memory_space<vmem>> -> memref<1x80xi32, #tpu.memory_space<vmem>>
        %dma_wait3A_319 = tpu.memref_squeeze %dma_wait3A_318 : memref<1x80xi32, #tpu.memory_space<vmem>> -> memref<80xi32, #tpu.memory_space<vmem>>
        %dma_wait3A_320 = tpu.memref_slice %arg3[%add3A_300] : memref<640000xi32, #tpu.memory_space<hbm>> -> memref<80xi32, #tpu.memory_space<hbm>>
        tpu.wait_dma2 semaphore(%dma_wait3A_316 : memref<!tpu.dma_semaphore, #tpu.memory_space<semaphore_mem>>) src(%dma_wait3A_320 : memref<80xi32, #tpu.memory_space<hbm>>) dst(%dma_wait3A_319 : memref<80xi32, #tpu.memory_space<vmem>>)
        %add3A_321 = arith.constant 2 : i32
        %add3A_322 = arith.addi %scan3A_238, %add3A_321 : i32
        %add3A_323 = arith.constant 2 : i32
        %add3A_324 = arith.addi %scan3A_238, %add3A_323 : i32
        %rem3A_325 = arith.constant 3 : i32
        %rem3A_326 = arith.remsi %add3A_324, %rem3A_325 : i32
        %rem3A_327 = arith.constant 4 : i32
        %rem3A_328 = arith.remsi %add3A_322, %rem3A_327 : i32
        %dma_start3A_329 = arith.constant 0 : i32
        %dma_start3A_330 = arith.constant 0 : i32
        %dma_start3A_331 = tpu.memref_slice %arg7[%rem3A_326, %dma_start3A_329, %dma_start3A_330] : memref<3x80x128xf32, #tpu.memory_space<vmem>> -> memref<1x80x128xf32, #tpu.memory_space<vmem>>
        %dma_start3A_332 = tpu.memref_squeeze %dma_start3A_331 : memref<1x80x128xf32, #tpu.memory_space<vmem>> -> memref<80x128xf32, #tpu.memory_space<vmem>>
        %dma_start3A_333 = arith.constant 0 : i32
        %dma_start3A_334 = tpu.memref_slice %arg5[%rem3A_328, %dma_start3A_333] : memref<4x80xi32, #tpu.memory_space<vmem>> -> memref<1x80xi32, #tpu.memory_space<vmem>>
        %dma_start3A_335 = tpu.memref_squeeze %dma_start3A_334 : memref<1x80xi32, #tpu.memory_space<vmem>> -> memref<80xi32, #tpu.memory_space<vmem>>
        %dma_start3A_336 = arith.constant 0 : i32
        %dma_start3A_337 = arith.constant 0 : i32
        %dma_start3A_338 = tpu.memref_slice %arg2[%dma_start3A_336, %dma_start3A_337] : memref<10000x128xf32, #tpu.memory_space<hbm>> -> memref<10000x128xf32, #tpu.memory_space<hbm>>
        %dma_start3A_339 = tpu.memref_slice %arg9[%rem3A_326] : memref<3x!tpu.dma_semaphore, #tpu.memory_space<semaphore_mem>> -> memref<1x!tpu.dma_semaphore, #tpu.memory_space<semaphore_mem>>
        %dma_start3A_340 = tpu.memref_squeeze %dma_start3A_339 : memref<1x!tpu.dma_semaphore, #tpu.memory_space<semaphore_mem>> -> memref<!tpu.dma_semaphore, #tpu.memory_space<semaphore_mem>>
        tpu.enqueue_indirect_dma source(%dma_start3A_338 : memref<10000x128xf32, #tpu.memory_space<hbm>>) target(%dma_start3A_332 : memref<80x128xf32, #tpu.memory_space<vmem>>) offsets(%dma_start3A_335 : memref<80xi32, #tpu.memory_space<vmem>>) semaphore(%dma_start3A_340 : memref<!tpu.dma_semaphore, #tpu.memory_space<semaphore_mem>>)
      } else {
      }
      %rem3A_273 = arith.constant 4 : i32
      %rem3A_274 = arith.remsi %scan3A_238, %rem3A_273 : i32
      %dma_start3A_275 = arith.constant 0 : i32
      %dma_start3A_276 = arith.constant 0 : i32
      %dma_start3A_277 = tpu.memref_slice %arg7[%rem3A_241, %dma_start3A_275, %dma_start3A_276] : memref<3x80x128xf32, #tpu.memory_space<vmem>> -> memref<1x80x128xf32, #tpu.memory_space<vmem>>
      %dma_start3A_278 = tpu.memref_squeeze %dma_start3A_277 : memref<1x80x128xf32, #tpu.memory_space<vmem>> -> memref<80x128xf32, #tpu.memory_space<vmem>>
      %dma_start3A_279 = arith.constant 0 : i32
      %dma_start3A_280 = tpu.memref_slice %arg6[%rem3A_274, %dma_start3A_279] : memref<4x80xi32, #tpu.memory_space<vmem>> -> memref<1x80xi32, #tpu.memory_space<vmem>>
      %dma_start3A_281 = tpu.memref_squeeze %dma_start3A_280 : memref<1x80xi32, #tpu.memory_space<vmem>> -> memref<80xi32, #tpu.memory_space<vmem>>
      %dma_start3A_282 = arith.constant 0 : i32
      %dma_start3A_283 = arith.constant 0 : i32
      %dma_start3A_284 = tpu.memref_slice %arg11[%dma_start3A_282, %dma_start3A_283] : memref<10000x128xf32, #tpu.memory_space<vmem_shared>> -> memref<10000x128xf32, #tpu.memory_space<vmem_shared>>
      %dma_start3A_285 = tpu.memref_slice %arg10[%rem3A_241] : memref<3x!tpu.dma_semaphore, #tpu.memory_space<semaphore_mem>> -> memref<1x!tpu.dma_semaphore, #tpu.memory_space<semaphore_mem>>
      %dma_start3A_286 = tpu.memref_squeeze %dma_start3A_285 : memref<1x!tpu.dma_semaphore, #tpu.memory_space<semaphore_mem>> -> memref<!tpu.dma_semaphore, #tpu.memory_space<semaphore_mem>>
      tpu.enqueue_indirect_dma source(%dma_start3A_278 : memref<80x128xf32, #tpu.memory_space<vmem>>) target(%dma_start3A_284 : memref<10000x128xf32, #tpu.memory_space<vmem_shared>>) offsets(%dma_start3A_281 : memref<80xi32, #tpu.memory_space<vmem>>) semaphore(%dma_start3A_286 : memref<!tpu.dma_semaphore, #tpu.memory_space<semaphore_mem>>) {add = true}
      %scan3A_287 = arith.constant 0 : i32
      scf.yield %scan3A_287 : i32
    }
    %scan3A_210 = arith.constant 125 : i32
    %rem3A_211 = arith.constant 124 : i32
    %rem3A_212 = arith.constant 4 : i32
    %rem3A_213 = arith.remsi %rem3A_211, %rem3A_212 : i32
    %dma_wait3A_214 = arith.constant 1 : i32
    %dma_wait3A_215 = arith.constant 1 : i32
    %dma_wait3A_216 = arith.constant 0 : i32
    %dma_wait3A_217 = arith.constant 0 : i32
    %dma_wait3A_218 = tpu.memref_slice %arg7[%dma_wait3A_214, %dma_wait3A_216, %dma_wait3A_217] : memref<3x80x128xf32, #tpu.memory_space<vmem>> -> memref<1x80x128xf32, #tpu.memory_space<vmem>>
    %dma_wait3A_219 = tpu.memref_squeeze %dma_wait3A_218 : memref<1x80x128xf32, #tpu.memory_space<vmem>> -> memref<80x128xf32, #tpu.memory_space<vmem>>
    %dma_wait3A_220 = arith.constant 0 : i32
    %dma_wait3A_221 = tpu.memref_slice %arg6[%rem3A_213, %dma_wait3A_220] : memref<4x80xi32, #tpu.memory_space<vmem>> -> memref<1x80xi32, #tpu.memory_space<vmem>>
    %dma_wait3A_222 = tpu.memref_squeeze %dma_wait3A_221 : memref<1x80xi32, #tpu.memory_space<vmem>> -> memref<80xi32, #tpu.memory_space<vmem>>
    %dma_wait3A_223 = arith.constant 0 : i32
    %dma_wait3A_224 = arith.constant 0 : i32
    %dma_wait3A_225 = tpu.memref_slice %arg11[%dma_wait3A_223, %dma_wait3A_224] : memref<10000x128xf32, #tpu.memory_space<vmem_shared>> -> memref<10000x128xf32, #tpu.memory_space<vmem_shared>>
    %dma_wait3A_226 = tpu.memref_slice %arg10[%dma_wait3A_215] : memref<3x!tpu.dma_semaphore, #tpu.memory_space<semaphore_mem>> -> memref<1x!tpu.dma_semaphore, #tpu.memory_space<semaphore_mem>>
    %dma_wait3A_227 = tpu.memref_squeeze %dma_wait3A_226 : memref<1x!tpu.dma_semaphore, #tpu.memory_space<semaphore_mem>> -> memref<!tpu.dma_semaphore, #tpu.memory_space<semaphore_mem>>
    tpu.wait_indirect_dma semaphore(%dma_wait3A_227 : memref<!tpu.dma_semaphore, #tpu.memory_space<semaphore_mem>>) src(%dma_wait3A_219 : memref<80x128xf32, #tpu.memory_space<vmem>>) dst(%dma_wait3A_225 : memref<10000x128xf32, #tpu.memory_space<vmem_shared>>)
    %barrier3A_228 = arith.constant 0 : index
    tpu.barrier barrier_id(%barrier3A_228)
    %mul3A_229 = arith.constant 624 : i32
    %mul3A_230 = arith.muli %arg1, %mul3A_229 : i32
    %mul3A_231 = arith.constant 624 : i32
    %mul3A_232 = arith.muli %arg1, %mul3A_231 : i32
    "tpu.region"() ({
      %run_scoped3A_238 = tpu.sem_alloc : memref<!tpu.dma_semaphore, #tpu.memory_space<semaphore_mem>>
      %dma_start3A_239 = arith.constant 0 : i32
      %dma_start3A_240 = tpu.memref_slice %arg4[%arg0, %mul3A_232, %dma_start3A_239] : memref<2x10000x128xf32, #tpu.memory_space<hbm>> -> memref<1x624x128xf32, #tpu.memory_space<hbm>>
      %dma_start3A_241 = tpu.memref_squeeze %dma_start3A_240 : memref<1x624x128xf32, #tpu.memory_space<hbm>> -> memref<624x128xf32, #tpu.memory_space<hbm>>
      %dma_start3A_242 = arith.constant 0 : i32
      %dma_start3A_243 = tpu.memref_slice %arg11[%mul3A_230, %dma_start3A_242] : memref<10000x128xf32, #tpu.memory_space<vmem_shared>> -> memref<624x128xf32, #tpu.memory_space<vmem_shared>>
      tpu.enqueue_dma source(%dma_start3A_243 : memref<624x128xf32, #tpu.memory_space<vmem_shared>>) target(%dma_start3A_241 : memref<624x128xf32, #tpu.memory_space<hbm>>) target_semaphore(%run_scoped3A_238 : memref<!tpu.dma_semaphore, #tpu.memory_space<semaphore_mem>>)
      %dma_wait3A_244 = arith.constant 0 : i32
      %dma_wait3A_245 = tpu.memref_slice %arg4[%arg0, %mul3A_232, %dma_wait3A_244] : memref<2x10000x128xf32, #tpu.memory_space<hbm>> -> memref<1x624x128xf32, #tpu.memory_space<hbm>>
      %dma_wait3A_246 = tpu.memref_squeeze %dma_wait3A_245 : memref<1x624x128xf32, #tpu.memory_space<hbm>> -> memref<624x128xf32, #tpu.memory_space<hbm>>
      %dma_wait3A_247 = arith.constant 0 : i32
      %dma_wait3A_248 = tpu.memref_slice %arg11[%mul3A_230, %dma_wait3A_247] : memref<10000x128xf32, #tpu.memory_space<vmem_shared>> -> memref<624x128xf32, #tpu.memory_space<vmem_shared>>
      tpu.wait_dma2 semaphore(%run_scoped3A_238 : memref<!tpu.dma_semaphore, #tpu.memory_space<semaphore_mem>>) src(%dma_wait3A_248 : memref<624x128xf32, #tpu.memory_space<vmem_shared>>) dst(%dma_wait3A_246 : memref<624x128xf32, #tpu.memory_space<hbm>>)
      tpu.yield
    }) : () -> ()
    %eq3A_233 = arith.constant 15 : i32
    %eq3A_234 = arith.cmpi eq, %arg1, %eq3A_233 : i32
    %convert_element_type3A_235 = arith.extui %eq3A_234 : i1 to i32
    %cond3A_236 = arith.constant 0 : i32
    %cond3A_237 = arith.cmpi ne, %convert_element_type3A_235, %cond3A_236 : i32
    scf.if %cond3A_237 {
      "tpu.region"() ({
        %run_scoped3A_238 = tpu.sem_alloc : memref<!tpu.dma_semaphore, #tpu.memory_space<semaphore_mem>>
        %dma_start3A_239 = arith.constant 9984 : i32
        %dma_start3A_240 = arith.constant 0 : i32
        %dma_start3A_241 = tpu.memref_slice %arg4[%arg0, %dma_start3A_239, %dma_start3A_240] : memref<2x10000x128xf32, #tpu.memory_space<hbm>> -> memref<1x16x128xf32, #tpu.memory_space<hbm>>
        %dma_start3A_242 = tpu.memref_squeeze %dma_start3A_241 : memref<1x16x128xf32, #tpu.memory_space<hbm>> -> memref<16x128xf32, #tpu.memory_space<hbm>>
        %dma_start3A_243 = arith.constant 9984 : i32
        %dma_start3A_244 = arith.constant 0 : i32
        %dma_start3A_245 = tpu.memref_slice %arg11[%dma_start3A_243, %dma_start3A_244] : memref<10000x128xf32, #tpu.memory_space<vmem_shared>> -> memref<16x128xf32, #tpu.memory_space<vmem_shared>>
        tpu.enqueue_dma source(%dma_start3A_245 : memref<16x128xf32, #tpu.memory_space<vmem_shared>>) target(%dma_start3A_242 : memref<16x128xf32, #tpu.memory_space<hbm>>) target_semaphore(%run_scoped3A_238 : memref<!tpu.dma_semaphore, #tpu.memory_space<semaphore_mem>>)
        %dma_wait3A_246 = arith.constant 9984 : i32
        %dma_wait3A_247 = arith.constant 0 : i32
        %dma_wait3A_248 = tpu.memref_slice %arg4[%arg0, %dma_wait3A_246, %dma_wait3A_247] : memref<2x10000x128xf32, #tpu.memory_space<hbm>> -> memref<1x16x128xf32, #tpu.memory_space<hbm>>
        %dma_wait3A_249 = tpu.memref_squeeze %dma_wait3A_248 : memref<1x16x128xf32, #tpu.memory_space<hbm>> -> memref<16x128xf32, #tpu.memory_space<hbm>>
        %dma_wait3A_250 = arith.constant 9984 : i32
        %dma_wait3A_251 = arith.constant 0 : i32
        %dma_wait3A_252 = tpu.memref_slice %arg11[%dma_wait3A_250, %dma_wait3A_251] : memref<10000x128xf32, #tpu.memory_space<vmem_shared>> -> memref<16x128xf32, #tpu.memory_space<vmem_shared>>
        tpu.wait_dma2 semaphore(%run_scoped3A_238 : memref<!tpu.dma_semaphore, #tpu.memory_space<semaphore_mem>>) src(%dma_wait3A_252 : memref<16x128xf32, #tpu.memory_space<vmem_shared>>) dst(%dma_wait3A_249 : memref<16x128xf32, #tpu.memory_space<hbm>>)
        tpu.yield
      }) : () -> ()
    } else {
    }
    return
  }
}

#map = affine_map<(d0, d1) -> (0, 0)>
#map1 = affine_map<(d0, d1) -> (0)>
#map2 = affine_map<(d0, d1) -> (0, 0, 0)>
module attributes {stable_mosaic.version = 14 : i64} {
  func.func @_sc_main_body(%arg0: i32, %arg1: i32, %arg2: memref<10000x128xf32, #tpu.memory_space<hbm>>, %arg3: memref<640000xi32, #tpu.memory_space<hbm>>, %arg4: memref<2x10000x128xf32, #tpu.memory_space<hbm>>, %arg5: memref<4x80xi32, #tpu.memory_space<vmem>>, %arg6: memref<4x80xi32, #tpu.memory_space<vmem>>, %arg7: memref<3x80x128xf32, #tpu.memory_space<vmem>>, %arg8: memref<4x!tpu.dma_semaphore, #tpu.memory_space<semaphore_mem>>, %arg9: memref<3x!tpu.dma_semaphore, #tpu.memory_space<semaphore_mem>>, %arg10: memref<3x!tpu.dma_semaphore, #tpu.memory_space<semaphore_mem>>, %arg11: memref<10000x128xf32, #tpu.memory_space<vmem_shared>>) attributes {dimension_semantics = [#tpu.dimension_semantics<core_parallel>, #tpu.dimension_semantics<subcore_parallel>], iteration_bounds = array<i64: 2, 16>, scalar_prefetch = 0 : i64, scratch_operands = 7 : i64, tpu.core_type = #tpu.core_type<sc_vector_subcore>, window_params = [{transform_indices = #map}, {transform_indices = #map1}, {transform_indices = #map2}]} {
    %mul3A = arith.constant 16 : i32
    %mul3A_0 = arith.muli %arg0, %mul3A : i32
    %add3A = arith.addi %mul3A_0, %arg1 : i32
    %scan3A = arith.constant 0 : i32
    %scan3A_1 = arith.constant 0 : i32
    %scan3A_2 = arith.constant 0 : i32
    %scan3A_3 = arith.constant 80 : i32
    %scan3A_4 = arith.addi %scan3A_2, %scan3A_3 : i32
    %scan3A_5 = arith.constant 1 : i32
    %scan3A_6 = scf.for %scan3A_238 = %scan3A_2 to %scan3A_4 step %scan3A_5 iter_args(%scan3A_239 = %scan3A_1) -> (i32)  : i32 {
      %scan3A_240 = arith.constant 0 : i32
      %scan3A_241 = arith.constant 0 : i32
      %scan3A_242 = arith.constant 8 : i32
      %scan3A_243 = arith.addi %scan3A_241, %scan3A_242 : i32
      %scan3A_244 = arith.constant 1 : i32
      %scan3A_245 = scf.for %scan3A_247 = %scan3A_241 to %scan3A_243 step %scan3A_244 iter_args(%scan3A_248 = %scan3A_240) -> (i32)  : i32 {
        %broadcast_in_dim3A = arith.constant 0.000000e+00 : f32
        %broadcast_in_dim3A_249 = vector.broadcast %broadcast_in_dim3A : f32 to vector<16xf32>
        %mul3A_250 = arith.constant 16 : i32
        %mul3A_251 = arith.muli %scan3A_247, %mul3A_250 : i32
        %swap3A = arith.constant 0 : i32
        %swap3A_252 = arith.constant 0 : i32
        %swap3A_253 = tpu.memref_slice %arg7[%scan3A, %swap3A, %swap3A_252] : memref<3x80x128xf32, #tpu.memory_space<vmem>> -> memref<1x80x128xf32, #tpu.memory_space<vmem>>
        %swap3A_254 = tpu.memref_squeeze %swap3A_253 : memref<1x80x128xf32, #tpu.memory_space<vmem>> -> memref<80x128xf32, #tpu.memory_space<vmem>>
        %swap3A_255 = arith.index_cast %scan3A_238 : i32 to index
        %swap3A_256 = arith.index_cast %mul3A_251 : i32 to index
        %swap3A_257 = tpu.vector_load %swap3A_254[%swap3A_255, %swap3A_256] {strides = array<i32>} : memref<80x128xf32, #tpu.memory_space<vmem>>, vector<1x16xf32>,
        %swap3A_258 = vector.shape_cast %swap3A_257 : vector<1x16xf32> to vector<16xf32>
        %swap3A_259 = vector.shape_cast %broadcast_in_dim3A_249 : vector<16xf32> to vector<1x16xf32>
        tpu.vector_store %swap3A_254[%swap3A_255, %swap3A_256], %swap3A_259 {strides = array<i32>} : memref<80x128xf32, #tpu.memory_space<vmem>>, vector<1x16xf32>,
        %scan3A_260 = arith.constant 0 : i32
        scf.yield %scan3A_260 : i32
      }
      %scan3A_246 = arith.constant 8 : i32
      scf.yield %scan3A_245 : i32
    }
    %scan3A_7 = arith.constant 80 : i32
    %scan3A_8 = arith.constant 0 : i32
    %scan3A_9 = arith.constant 0 : i32
    %scan3A_10 = arith.constant 0 : i32
    %scan3A_11 = arith.constant 7 : i32
    %scan3A_12 = arith.addi %scan3A_10, %scan3A_11 : i32
    %scan3A_13 = arith.constant 1 : i32
    %scan3A_14 = scf.for %scan3A_238 = %scan3A_10 to %scan3A_12 step %scan3A_13 iter_args(%scan3A_239 = %scan3A_9) -> (i32)  : i32 {
      %mul3A_240 = arith.constant 624 : i32
      %mul3A_241 = arith.muli %arg1, %mul3A_240 : i32
      %mul3A_242 = arith.constant 80 : i32
      %mul3A_243 = arith.muli %scan3A_238, %mul3A_242 : i32
      %add3A_244 = arith.addi %mul3A_241, %mul3A_243 : i32
      "tpu.region"() ({
        %run_scoped3A_246 = tpu.sem_alloc : memref<!tpu.dma_semaphore, #tpu.memory_space<semaphore_mem>>
        %dma_start3A_247 = arith.constant 0 : i32
        %dma_start3A_248 = arith.constant 0 : i32
        %dma_start3A_249 = tpu.memref_slice %arg7[%scan3A_8, %dma_start3A_247, %dma_start3A_248] : memref<3x80x128xf32, #tpu.memory_space<vmem>> -> memref<1x80x128xf32, #tpu.memory_space<vmem>>
        %dma_start3A_250 = tpu.memref_squeeze %dma_start3A_249 : memref<1x80x128xf32, #tpu.memory_space<vmem>> -> memref<80x128xf32, #tpu.memory_space<vmem>>
        %dma_start3A_251 = arith.constant 0 : i32
        %dma_start3A_252 = tpu.memref_slice %arg11[%add3A_244, %dma_start3A_251] : memref<10000x128xf32, #tpu.memory_space<vmem_shared>> -> memref<80x128xf32, #tpu.memory_space<vmem_shared>>
        %dma_start3A_253 = arith.constant 0 : i32
        %dma_start3A_254 = tpu.memref_slice %arg11[%add3A_244, %dma_start3A_253] : memref<10000x128xf32, #tpu.memory_space<vmem_shared>> -> memref<80x128xf32, #tpu.memory_space<vmem_shared>>
        %dma_start3A_255 = arith.constant 0 : i32
        %dma_start3A_256 = arith.constant 0 : i32
        %dma_start3A_257 = tpu.memref_slice %arg7[%scan3A_8, %dma_start3A_255, %dma_start3A_256] : memref<3x80x128xf32, #tpu.memory_space<vmem>> -> memref<1x80x128xf32, #tpu.memory_space<vmem>>
        %dma_start3A_258 = tpu.memref_squeeze %dma_start3A_257 : memref<1x80x128xf32, #tpu.memory_space<vmem>> -> memref<80x128xf32, #tpu.memory_space<vmem>>
        tpu.enqueue_dma source(%dma_start3A_258 : memref<80x128xf32, #tpu.memory_space<vmem>>) target(%dma_start3A_254 : memref<80x128xf32, #tpu.memory_space<vmem_shared>>) target_semaphore(%run_scoped3A_246 : memref<!tpu.dma_semaphore, #tpu.memory_space<semaphore_mem>>)
        %dma_wait3A_259 = arith.constant 0 : i32
        %dma_wait3A_260 = arith.constant 0 : i32
        %dma_wait3A_261 = tpu.memref_slice %arg7[%scan3A_8, %dma_wait3A_259, %dma_wait3A_260] : memref<3x80x128xf32, #tpu.memory_space<vmem>> -> memref<1x80x128xf32, #tpu.memory_space<vmem>>
        %dma_wait3A_262 = tpu.memref_squeeze %dma_wait3A_261 : memref<1x80x128xf32, #tpu.memory_space<vmem>> -> memref<80x128xf32, #tpu.memory_space<vmem>>
        %dma_wait3A_263 = arith.constant 0 : i32
        %dma_wait3A_264 = tpu.memref_slice %arg11[%add3A_244, %dma_wait3A_263] : memref<10000x128xf32, #tpu.memory_space<vmem_shared>> -> memref<80x128xf32, #tpu.memory_space<vmem_shared>>
        %dma_wait3A_265 = arith.constant 0 : i32
        %dma_wait3A_266 = tpu.memref_slice %arg11[%add3A_244, %dma_wait3A_265] : memref<10000x128xf32, #tpu.memory_space<vmem_shared>> -> memref<80x128xf32, #tpu.memory_space<vmem_shared>>
        %dma_wait3A_267 = arith.constant 0 : i32
        %dma_wait3A_268 = arith.constant 0 : i32
        %dma_wait3A_269 = tpu.memref_slice %arg7[%scan3A_8, %dma_wait3A_267, %dma_wait3A_268] : memref<3x80x128xf32, #tpu.memory_space<vmem>> -> memref<1x80x128xf32, #tpu.memory_space<vmem>>
        %dma_wait3A_270 = tpu.memref_squeeze %dma_wait3A_269 : memref<1x80x128xf32, #tpu.memory_space<vmem>> -> memref<80x128xf32, #tpu.memory_space<vmem>>
        tpu.wait_dma2 semaphore(%run_scoped3A_246 : memref<!tpu.dma_semaphore, #tpu.memory_space<semaphore_mem>>) src(%dma_wait3A_270 : memref<80x128xf32, #tpu.memory_space<vmem>>) dst(%dma_wait3A_266 : memref<80x128xf32, #tpu.memory_space<vmem_shared>>)
        tpu.yield
      }) : () -> ()
      %scan3A_245 = arith.constant 0 : i32
      scf.yield %scan3A_245 : i32
    }
    %scan3A_15 = arith.constant 7 : i32
    %mul3A_16 = arith.constant 624 : i32
    %mul3A_17 = arith.muli %arg1, %mul3A_16 : i32
    %add3A_18 = arith.constant 560 : i32
    %add3A_19 = arith.addi %mul3A_17, %add3A_18 : i32
    %run_scoped3A = arith.constant 0 : i32
    "tpu.region"() ({
      %run_scoped3A_238 = tpu.sem_alloc : memref<!tpu.dma_semaphore, #tpu.memory_space<semaphore_mem>>
      %dma_start3A_239 = arith.constant 0 : i32
      %dma_start3A_240 = arith.constant 0 : i32
      %dma_start3A_241 = tpu.memref_slice %arg7[%run_scoped3A, %dma_start3A_239, %dma_start3A_240] : memref<3x80x128xf32, #tpu.memory_space<vmem>> -> memref<1x80x128xf32, #tpu.memory_space<vmem>>
      %dma_start3A_242 = tpu.memref_squeeze %dma_start3A_241 : memref<1x80x128xf32, #tpu.memory_space<vmem>> -> memref<80x128xf32, #tpu.memory_space<vmem>>
      %dma_start3A_243 = arith.constant 0 : i32
      %dma_start3A_244 = arith.constant 0 : i32
      %dma_start3A_245 = tpu.memref_slice %dma_start3A_242[%dma_start3A_243, %dma_start3A_244] : memref<80x128xf32, #tpu.memory_space<vmem>> -> memref<64x128xf32, #tpu.memory_space<vmem>>
      %dma_start3A_246 = arith.constant 0 : i32
      %dma_start3A_247 = tpu.memref_slice %arg11[%add3A_19, %dma_start3A_246] : memref<10000x128xf32, #tpu.memory_space<vmem_shared>> -> memref<64x128xf32, #tpu.memory_space<vmem_shared>>
      %dma_start3A_248 = arith.constant 0 : i32
      %dma_start3A_249 = tpu.memref_slice %arg11[%add3A_19, %dma_start3A_248] : memref<10000x128xf32, #tpu.memory_space<vmem_shared>> -> memref<64x128xf32, #tpu.memory_space<vmem_shared>>
      %dma_start3A_250 = arith.constant 0 : i32
      %dma_start3A_251 = arith.constant 0 : i32
      %dma_start3A_252 = tpu.memref_slice %arg7[%run_scoped3A, %dma_start3A_250, %dma_start3A_251] : memref<3x80x128xf32, #tpu.memory_space<vmem>> -> memref<1x80x128xf32, #tpu.memory_space<vmem>>
      %dma_start3A_253 = tpu.memref_squeeze %dma_start3A_252 : memref<1x80x128xf32, #tpu.memory_space<vmem>> -> memref<80x128xf32, #tpu.memory_space<vmem>>
      %dma_start3A_254 = arith.constant 0 : i32
      %dma_start3A_255 = arith.constant 0 : i32
      %dma_start3A_256 = tpu.memref_slice %dma_start3A_253[%dma_start3A_254, %dma_start3A_255] : memref<80x128xf32, #tpu.memory_space<vmem>> -> memref<64x128xf32, #tpu.memory_space<vmem>>
      tpu.enqueue_dma source(%dma_start3A_256 : memref<64x128xf32, #tpu.memory_space<vmem>>) target(%dma_start3A_249 : memref<64x128xf32, #tpu.memory_space<vmem_shared>>) target_semaphore(%run_scoped3A_238 : memref<!tpu.dma_semaphore, #tpu.memory_space<semaphore_mem>>)
      %dma_wait3A_257 = arith.constant 0 : i32
      %dma_wait3A_258 = arith.constant 0 : i32
      %dma_wait3A_259 = tpu.memref_slice %arg7[%run_scoped3A, %dma_wait3A_257, %dma_wait3A_258] : memref<3x80x128xf32, #tpu.memory_space<vmem>> -> memref<1x80x128xf32, #tpu.memory_space<vmem>>
      %dma_wait3A_260 = tpu.memref_squeeze %dma_wait3A_259 : memref<1x80x128xf32, #tpu.memory_space<vmem>> -> memref<80x128xf32, #tpu.memory_space<vmem>>
      %dma_wait3A_261 = arith.constant 0 : i32
      %dma_wait3A_262 = arith.constant 0 : i32
      %dma_wait3A_263 = tpu.memref_slice %dma_wait3A_260[%dma_wait3A_261, %dma_wait3A_262] : memref<80x128xf32, #tpu.memory_space<vmem>> -> memref<64x128xf32, #tpu.memory_space<vmem>>
      %dma_wait3A_264 = arith.constant 0 : i32
      %dma_wait3A_265 = tpu.memref_slice %arg11[%add3A_19, %dma_wait3A_264] : memref<10000x128xf32, #tpu.memory_space<vmem_shared>> -> memref<64x128xf32, #tpu.memory_space<vmem_shared>>
      %dma_wait3A_266 = arith.constant 0 : i32
      %dma_wait3A_267 = tpu.memref_slice %arg11[%add3A_19, %dma_wait3A_266] : memref<10000x128xf32, #tpu.memory_space<vmem_shared>> -> memref<64x128xf32, #tpu.memory_space<vmem_shared>>
      %dma_wait3A_268 = arith.constant 0 : i32
      %dma_wait3A_269 = arith.constant 0 : i32
      %dma_wait3A_270 = tpu.memref_slice %arg7[%run_scoped3A, %dma_wait3A_268, %dma_wait3A_269] : memref<3x80x128xf32, #tpu.memory_space<vmem>> -> memref<1x80x128xf32, #tpu.memory_space<vmem>>
      %dma_wait3A_271 = tpu.memref_squeeze %dma_wait3A_270 : memref<1x80x128xf32, #tpu.memory_space<vmem>> -> memref<80x128xf32, #tpu.memory_space<vmem>>
      %dma_wait3A_272 = arith.constant 0 : i32
      %dma_wait3A_273 = arith.constant 0 : i32
      %dma_wait3A_274 = tpu.memref_slice %dma_wait3A_271[%dma_wait3A_272, %dma_wait3A_273] : memref<80x128xf32, #tpu.memory_space<vmem>> -> memref<64x128xf32, #tpu.memory_space<vmem>>
      tpu.wait_dma2 semaphore(%run_scoped3A_238 : memref<!tpu.dma_semaphore, #tpu.memory_space<semaphore_mem>>) src(%dma_wait3A_274 : memref<64x128xf32, #tpu.memory_space<vmem>>) dst(%dma_wait3A_267 : memref<64x128xf32, #tpu.memory_space<vmem_shared>>)
      tpu.yield
    }) : () -> ()
    %eq3A = arith.constant 15 : i32
    %eq3A_20 = arith.cmpi eq, %arg1, %eq3A : i32
    %convert_element_type3A = arith.extui %eq3A_20 : i1 to i32
    %cond3A = arith.constant 0 : i32
    %cond3A_21 = arith.constant 0 : i32
    %cond3A_22 = arith.cmpi ne, %convert_element_type3A, %cond3A_21 : i32
    scf.if %cond3A_22 {
      "tpu.region"() ({
        %run_scoped3A_238 = tpu.sem_alloc : memref<!tpu.dma_semaphore, #tpu.memory_space<semaphore_mem>>
        %dma_start3A_239 = arith.constant 0 : i32
        %dma_start3A_240 = arith.constant 0 : i32
        %dma_start3A_241 = tpu.memref_slice %arg7[%cond3A, %dma_start3A_239, %dma_start3A_240] : memref<3x80x128xf32, #tpu.memory_space<vmem>> -> memref<1x80x128xf32, #tpu.memory_space<vmem>>
        %dma_start3A_242 = tpu.memref_squeeze %dma_start3A_241 : memref<1x80x128xf32, #tpu.memory_space<vmem>> -> memref<80x128xf32, #tpu.memory_space<vmem>>
        %dma_start3A_243 = arith.constant 0 : i32
        %dma_start3A_244 = arith.constant 0 : i32
        %dma_start3A_245 = tpu.memref_slice %dma_start3A_242[%dma_start3A_243, %dma_start3A_244] : memref<80x128xf32, #tpu.memory_space<vmem>> -> memref<16x128xf32, #tpu.memory_space<vmem>>
        %dma_start3A_246 = arith.constant 9984 : i32
        %dma_start3A_247 = arith.constant 0 : i32
        %dma_start3A_248 = tpu.memref_slice %arg11[%dma_start3A_246, %dma_start3A_247] : memref<10000x128xf32, #tpu.memory_space<vmem_shared>> -> memref<16x128xf32, #tpu.memory_space<vmem_shared>>
        %dma_start3A_249 = arith.constant 9984 : i32
        %dma_start3A_250 = arith.constant 0 : i32
        %dma_start3A_251 = tpu.memref_slice %arg11[%dma_start3A_249, %dma_start3A_250] : memref<10000x128xf32, #tpu.memory_space<vmem_shared>> -> memref<16x128xf32, #tpu.memory_space<vmem_shared>>
        %dma_start3A_252 = arith.constant 0 : i32
        %dma_start3A_253 = arith.constant 0 : i32
        %dma_start3A_254 = tpu.memref_slice %arg7[%cond3A, %dma_start3A_252, %dma_start3A_253] : memref<3x80x128xf32, #tpu.memory_space<vmem>> -> memref<1x80x128xf32, #tpu.memory_space<vmem>>
        %dma_start3A_255 = tpu.memref_squeeze %dma_start3A_254 : memref<1x80x128xf32, #tpu.memory_space<vmem>> -> memref<80x128xf32, #tpu.memory_space<vmem>>
        %dma_start3A_256 = arith.constant 0 : i32
        %dma_start3A_257 = arith.constant 0 : i32
        %dma_start3A_258 = tpu.memref_slice %dma_start3A_255[%dma_start3A_256, %dma_start3A_257] : memref<80x128xf32, #tpu.memory_space<vmem>> -> memref<16x128xf32, #tpu.memory_space<vmem>>
        tpu.enqueue_dma source(%dma_start3A_258 : memref<16x128xf32, #tpu.memory_space<vmem>>) target(%dma_start3A_251 : memref<16x128xf32, #tpu.memory_space<vmem_shared>>) target_semaphore(%run_scoped3A_238 : memref<!tpu.dma_semaphore, #tpu.memory_space<semaphore_mem>>)
        %dma_wait3A_259 = arith.constant 0 : i32
        %dma_wait3A_260 = arith.constant 0 : i32
        %dma_wait3A_261 = tpu.memref_slice %arg7[%cond3A, %dma_wait3A_259, %dma_wait3A_260] : memref<3x80x128xf32, #tpu.memory_space<vmem>> -> memref<1x80x128xf32, #tpu.memory_space<vmem>>
        %dma_wait3A_262 = tpu.memref_squeeze %dma_wait3A_261 : memref<1x80x128xf32, #tpu.memory_space<vmem>> -> memref<80x128xf32, #tpu.memory_space<vmem>>
        %dma_wait3A_263 = arith.constant 0 : i32
        %dma_wait3A_264 = arith.constant 0 : i32
        %dma_wait3A_265 = tpu.memref_slice %dma_wait3A_262[%dma_wait3A_263, %dma_wait3A_264] : memref<80x128xf32, #tpu.memory_space<vmem>> -> memref<16x128xf32, #tpu.memory_space<vmem>>
        %dma_wait3A_266 = arith.constant 9984 : i32
        %dma_wait3A_267 = arith.constant 0 : i32
        %dma_wait3A_268 = tpu.memref_slice %arg11[%dma_wait3A_266, %dma_wait3A_267] : memref<10000x128xf32, #tpu.memory_space<vmem_shared>> -> memref<16x128xf32, #tpu.memory_space<vmem_shared>>
        %dma_wait3A_269 = arith.constant 9984 : i32
        %dma_wait3A_270 = arith.constant 0 : i32
        %dma_wait3A_271 = tpu.memref_slice %arg11[%dma_wait3A_269, %dma_wait3A_270] : memref<10000x128xf32, #tpu.memory_space<vmem_shared>> -> memref<16x128xf32, #tpu.memory_space<vmem_shared>>
        %dma_wait3A_272 = arith.constant 0 : i32
        %dma_wait3A_273 = arith.constant 0 : i32
        %dma_wait3A_274 = tpu.memref_slice %arg7[%cond3A, %dma_wait3A_272, %dma_wait3A_273] : memref<3x80x128xf32, #tpu.memory_space<vmem>> -> memref<1x80x128xf32, #tpu.memory_space<vmem>>
        %dma_wait3A_275 = tpu.memref_squeeze %dma_wait3A_274 : memref<1x80x128xf32, #tpu.memory_space<vmem>> -> memref<80x128xf32, #tpu.memory_space<vmem>>
        %dma_wait3A_276 = arith.constant 0 : i32
        %dma_wait3A_277 = arith.constant 0 : i32
        %dma_wait3A_278 = tpu.memref_slice %dma_wait3A_275[%dma_wait3A_276, %dma_wait3A_277] : memref<80x128xf32, #tpu.memory_space<vmem>> -> memref<16x128xf32, #tpu.memory_space<vmem>>
        tpu.wait_dma2 semaphore(%run_scoped3A_238 : memref<!tpu.dma_semaphore, #tpu.memory_space<semaphore_mem>>) src(%dma_wait3A_278 : memref<16x128xf32, #tpu.memory_space<vmem>>) dst(%dma_wait3A_271 : memref<16x128xf32, #tpu.memory_space<vmem_shared>>)
        tpu.yield
      }) : () -> ()
    } else {
    }
    %barrier3A = arith.constant 0 : index
    tpu.barrier barrier_id(%barrier3A)
    %mul3A_23 = arith.constant 10000 : i32
    %mul3A_24 = arith.muli %add3A, %mul3A_23 : i32
    %add3A_25 = arith.constant 0 : i32
    %add3A_26 = arith.addi %mul3A_24, %add3A_25 : i32
    %add3A_27 = arith.constant 320000 : i32
    %add3A_28 = arith.addi %add3A_27, %add3A_26 : i32
    %dma_start3A = arith.constant 0 : i32
    %dma_start3A_29 = arith.constant 0 : i32
    %dma_start3A_30 = arith.constant 0 : i32
    %dma_start3A_31 = tpu.memref_slice %arg5[%dma_start3A, %dma_start3A_30] : memref<4x80xi32, #tpu.memory_space<vmem>> -> memref<1x80xi32, #tpu.memory_space<vmem>>
    %dma_start3A_32 = tpu.memref_squeeze %dma_start3A_31 : memref<1x80xi32, #tpu.memory_space<vmem>> -> memref<80xi32, #tpu.memory_space<vmem>>
    %dma_start3A_33 = tpu.memref_slice %arg3[%add3A_26] : memref<640000xi32, #tpu.memory_space<hbm>> -> memref<80xi32, #tpu.memory_space<hbm>>
    %dma_start3A_34 = tpu.memref_slice %arg8[%dma_start3A_29] : memref<4x!tpu.dma_semaphore, #tpu.memory_space<semaphore_mem>> -> memref<1x!tpu.dma_semaphore, #tpu.memory_space<semaphore_mem>>
    %dma_start3A_35 = tpu.memref_squeeze %dma_start3A_34 : memref<1x!tpu.dma_semaphore, #tpu.memory_space<semaphore_mem>> -> memref<!tpu.dma_semaphore, #tpu.memory_space<semaphore_mem>>
    %dma_start3A_36 = arith.constant 0 : i32
    %dma_start3A_37 = tpu.memref_slice %arg5[%dma_start3A, %dma_start3A_36] : memref<4x80xi32, #tpu.memory_space<vmem>> -> memref<1x80xi32, #tpu.memory_space<vmem>>
    %dma_start3A_38 = tpu.memref_squeeze %dma_start3A_37 : memref<1x80xi32, #tpu.memory_space<vmem>> -> memref<80xi32, #tpu.memory_space<vmem>>
    %dma_start3A_39 = tpu.memref_slice %arg3[%add3A_26] : memref<640000xi32, #tpu.memory_space<hbm>> -> memref<80xi32, #tpu.memory_space<hbm>>
    tpu.enqueue_dma source(%dma_start3A_39 : memref<80xi32, #tpu.memory_space<hbm>>) target(%dma_start3A_38 : memref<80xi32, #tpu.memory_space<vmem>>) target_semaphore(%dma_start3A_35 : memref<!tpu.dma_semaphore, #tpu.memory_space<semaphore_mem>>)
    %dma_start3A_40 = arith.constant 0 : i32
    %dma_start3A_41 = arith.constant 0 : i32
    %dma_start3A_42 = arith.constant 0 : i32
    %dma_start3A_43 = tpu.memref_slice %arg6[%dma_start3A_40, %dma_start3A_42] : memref<4x80xi32, #tpu.memory_space<vmem>> -> memref<1x80xi32, #tpu.memory_space<vmem>>
    %dma_start3A_44 = tpu.memref_squeeze %dma_start3A_43 : memref<1x80xi32, #tpu.memory_space<vmem>> -> memref<80xi32, #tpu.memory_space<vmem>>
    %dma_start3A_45 = tpu.memref_slice %arg3[%add3A_28] : memref<640000xi32, #tpu.memory_space<hbm>> -> memref<80xi32, #tpu.memory_space<hbm>>
    %dma_start3A_46 = tpu.memref_slice %arg8[%dma_start3A_41] : memref<4x!tpu.dma_semaphore, #tpu.memory_space<semaphore_mem>> -> memref<1x!tpu.dma_semaphore, #tpu.memory_space<semaphore_mem>>
    %dma_start3A_47 = tpu.memref_squeeze %dma_start3A_46 : memref<1x!tpu.dma_semaphore, #tpu.memory_space<semaphore_mem>> -> memref<!tpu.dma_semaphore, #tpu.memory_space<semaphore_mem>>
    %dma_start3A_48 = arith.constant 0 : i32
    %dma_start3A_49 = tpu.memref_slice %arg6[%dma_start3A_40, %dma_start3A_48] : memref<4x80xi32, #tpu.memory_space<vmem>> -> memref<1x80xi32, #tpu.memory_space<vmem>>
    %dma_start3A_50 = tpu.memref_squeeze %dma_start3A_49 : memref<1x80xi32, #tpu.memory_space<vmem>> -> memref<80xi32, #tpu.memory_space<vmem>>
    %dma_start3A_51 = tpu.memref_slice %arg3[%add3A_28] : memref<640000xi32, #tpu.memory_space<hbm>> -> memref<80xi32, #tpu.memory_space<hbm>>
    tpu.enqueue_dma source(%dma_start3A_51 : memref<80xi32, #tpu.memory_space<hbm>>) target(%dma_start3A_50 : memref<80xi32, #tpu.memory_space<vmem>>) target_semaphore(%dma_start3A_47 : memref<!tpu.dma_semaphore, #tpu.memory_space<semaphore_mem>>)
    %mul3A_52 = arith.constant 10000 : i32
    %mul3A_53 = arith.muli %add3A, %mul3A_52 : i32
    %add3A_54 = arith.constant 80 : i32
    %add3A_55 = arith.addi %mul3A_53, %add3A_54 : i32
    %add3A_56 = arith.constant 320000 : i32
    %add3A_57 = arith.addi %add3A_56, %add3A_55 : i32
    %dma_start3A_58 = arith.constant 1 : i32
    %dma_start3A_59 = arith.constant 1 : i32
    %dma_start3A_60 = arith.constant 0 : i32
    %dma_start3A_61 = tpu.memref_slice %arg5[%dma_start3A_58, %dma_start3A_60] : memref<4x80xi32, #tpu.memory_space<vmem>> -> memref<1x80xi32, #tpu.memory_space<vmem>>
    %dma_start3A_62 = tpu.memref_squeeze %dma_start3A_61 : memref<1x80xi32, #tpu.memory_space<vmem>> -> memref<80xi32, #tpu.memory_space<vmem>>
    %dma_start3A_63 = tpu.memref_slice %arg3[%add3A_55] : memref<640000xi32, #tpu.memory_space<hbm>> -> memref<80xi32, #tpu.memory_space<hbm>>
    %dma_start3A_64 = tpu.memref_slice %arg8[%dma_start3A_59] : memref<4x!tpu.dma_semaphore, #tpu.memory_space<semaphore_mem>> -> memref<1x!tpu.dma_semaphore, #tpu.memory_space<semaphore_mem>>
    %dma_start3A_65 = tpu.memref_squeeze %dma_start3A_64 : memref<1x!tpu.dma_semaphore, #tpu.memory_space<semaphore_mem>> -> memref<!tpu.dma_semaphore, #tpu.memory_space<semaphore_mem>>
    %dma_start3A_66 = arith.constant 0 : i32
    %dma_start3A_67 = tpu.memref_slice %arg5[%dma_start3A_58, %dma_start3A_66] : memref<4x80xi32, #tpu.memory_space<vmem>> -> memref<1x80xi32, #tpu.memory_space<vmem>>
    %dma_start3A_68 = tpu.memref_squeeze %dma_start3A_67 : memref<1x80xi32, #tpu.memory_space<vmem>> -> memref<80xi32, #tpu.memory_space<vmem>>
    %dma_start3A_69 = tpu.memref_slice %arg3[%add3A_55] : memref<640000xi32, #tpu.memory_space<hbm>> -> memref<80xi32, #tpu.memory_space<hbm>>
    tpu.enqueue_dma source(%dma_start3A_69 : memref<80xi32, #tpu.memory_space<hbm>>) target(%dma_start3A_68 : memref<80xi32, #tpu.memory_space<vmem>>) target_semaphore(%dma_start3A_65 : memref<!tpu.dma_semaphore, #tpu.memory_space<semaphore_mem>>)
    %dma_start3A_70 = arith.constant 1 : i32
    %dma_start3A_71 = arith.constant 1 : i32
    %dma_start3A_72 = arith.constant 0 : i32
    %dma_start3A_73 = tpu.memref_slice %arg6[%dma_start3A_70, %dma_start3A_72] : memref<4x80xi32, #tpu.memory_space<vmem>> -> memref<1x80xi32, #tpu.memory_space<vmem>>
    %dma_start3A_74 = tpu.memref_squeeze %dma_start3A_73 : memref<1x80xi32, #tpu.memory_space<vmem>> -> memref<80xi32, #tpu.memory_space<vmem>>
    %dma_start3A_75 = tpu.memref_slice %arg3[%add3A_57] : memref<640000xi32, #tpu.memory_space<hbm>> -> memref<80xi32, #tpu.memory_space<hbm>>
    %dma_start3A_76 = tpu.memref_slice %arg8[%dma_start3A_71] : memref<4x!tpu.dma_semaphore, #tpu.memory_space<semaphore_mem>> -> memref<1x!tpu.dma_semaphore, #tpu.memory_space<semaphore_mem>>
    %dma_start3A_77 = tpu.memref_squeeze %dma_start3A_76 : memref<1x!tpu.dma_semaphore, #tpu.memory_space<semaphore_mem>> -> memref<!tpu.dma_semaphore, #tpu.memory_space<semaphore_mem>>
    %dma_start3A_78 = arith.constant 0 : i32
    %dma_start3A_79 = tpu.memref_slice %arg6[%dma_start3A_70, %dma_start3A_78] : memref<4x80xi32, #tpu.memory_space<vmem>> -> memref<1x80xi32, #tpu.memory_space<vmem>>
    %dma_start3A_80 = tpu.memref_squeeze %dma_start3A_79 : memref<1x80xi32, #tpu.memory_space<vmem>> -> memref<80xi32, #tpu.memory_space<vmem>>
    %dma_start3A_81 = tpu.memref_slice %arg3[%add3A_57] : memref<640000xi32, #tpu.memory_space<hbm>> -> memref<80xi32, #tpu.memory_space<hbm>>
    tpu.enqueue_dma source(%dma_start3A_81 : memref<80xi32, #tpu.memory_space<hbm>>) target(%dma_start3A_80 : memref<80xi32, #tpu.memory_space<vmem>>) target_semaphore(%dma_start3A_77 : memref<!tpu.dma_semaphore, #tpu.memory_space<semaphore_mem>>)
    %mul3A_82 = arith.constant 10000 : i32
    %mul3A_83 = arith.muli %add3A, %mul3A_82 : i32
    %add3A_84 = arith.constant 160 : i32
    %add3A_85 = arith.addi %mul3A_83, %add3A_84 : i32
    %add3A_86 = arith.constant 320000 : i32
    %add3A_87 = arith.addi %add3A_86, %add3A_85 : i32
    %dma_start3A_88 = arith.constant 2 : i32
    %dma_start3A_89 = arith.constant 2 : i32
    %dma_start3A_90 = arith.constant 0 : i32
    %dma_start3A_91 = tpu.memref_slice %arg5[%dma_start3A_88, %dma_start3A_90] : memref<4x80xi32, #tpu.memory_space<vmem>> -> memref<1x80xi32, #tpu.memory_space<vmem>>
    %dma_start3A_92 = tpu.memref_squeeze %dma_start3A_91 : memref<1x80xi32, #tpu.memory_space<vmem>> -> memref<80xi32, #tpu.memory_space<vmem>>
    %dma_start3A_93 = tpu.memref_slice %arg3[%add3A_85] : memref<640000xi32, #tpu.memory_space<hbm>> -> memref<80xi32, #tpu.memory_space<hbm>>
    %dma_start3A_94 = tpu.memref_slice %arg8[%dma_start3A_89] : memref<4x!tpu.dma_semaphore, #tpu.memory_space<semaphore_mem>> -> memref<1x!tpu.dma_semaphore, #tpu.memory_space<semaphore_mem>>
    %dma_start3A_95 = tpu.memref_squeeze %dma_start3A_94 : memref<1x!tpu.dma_semaphore, #tpu.memory_space<semaphore_mem>> -> memref<!tpu.dma_semaphore, #tpu.memory_space<semaphore_mem>>
    %dma_start3A_96 = arith.constant 0 : i32
    %dma_start3A_97 = tpu.memref_slice %arg5[%dma_start3A_88, %dma_start3A_96] : memref<4x80xi32, #tpu.memory_space<vmem>> -> memref<1x80xi32, #tpu.memory_space<vmem>>
    %dma_start3A_98 = tpu.memref_squeeze %dma_start3A_97 : memref<1x80xi32, #tpu.memory_space<vmem>> -> memref<80xi32, #tpu.memory_space<vmem>>
    %dma_start3A_99 = tpu.memref_slice %arg3[%add3A_85] : memref<640000xi32, #tpu.memory_space<hbm>> -> memref<80xi32, #tpu.memory_space<hbm>>
    tpu.enqueue_dma source(%dma_start3A_99 : memref<80xi32, #tpu.memory_space<hbm>>) target(%dma_start3A_98 : memref<80xi32, #tpu.memory_space<vmem>>) target_semaphore(%dma_start3A_95 : memref<!tpu.dma_semaphore, #tpu.memory_space<semaphore_mem>>)
    %dma_start3A_100 = arith.constant 2 : i32
    %dma_start3A_101 = arith.constant 2 : i32
    %dma_start3A_102 = arith.constant 0 : i32
    %dma_start3A_103 = tpu.memref_slice %arg6[%dma_start3A_100, %dma_start3A_102] : memref<4x80xi32, #tpu.memory_space<vmem>> -> memref<1x80xi32, #tpu.memory_space<vmem>>
    %dma_start3A_104 = tpu.memref_squeeze %dma_start3A_103 : memref<1x80xi32, #tpu.memory_space<vmem>> -> memref<80xi32, #tpu.memory_space<vmem>>
    %dma_start3A_105 = tpu.memref_slice %arg3[%add3A_87] : memref<640000xi32, #tpu.memory_space<hbm>> -> memref<80xi32, #tpu.memory_space<hbm>>
    %dma_start3A_106 = tpu.memref_slice %arg8[%dma_start3A_101] : memref<4x!tpu.dma_semaphore, #tpu.memory_space<semaphore_mem>> -> memref<1x!tpu.dma_semaphore, #tpu.memory_space<semaphore_mem>>
    %dma_start3A_107 = tpu.memref_squeeze %dma_start3A_106 : memref<1x!tpu.dma_semaphore, #tpu.memory_space<semaphore_mem>> -> memref<!tpu.dma_semaphore, #tpu.memory_space<semaphore_mem>>
    %dma_start3A_108 = arith.constant 0 : i32
    %dma_start3A_109 = tpu.memref_slice %arg6[%dma_start3A_100, %dma_start3A_108] : memref<4x80xi32, #tpu.memory_space<vmem>> -> memref<1x80xi32, #tpu.memory_space<vmem>>
    %dma_start3A_110 = tpu.memref_squeeze %dma_start3A_109 : memref<1x80xi32, #tpu.memory_space<vmem>> -> memref<80xi32, #tpu.memory_space<vmem>>
    %dma_start3A_111 = tpu.memref_slice %arg3[%add3A_87] : memref<640000xi32, #tpu.memory_space<hbm>> -> memref<80xi32, #tpu.memory_space<hbm>>
    tpu.enqueue_dma source(%dma_start3A_111 : memref<80xi32, #tpu.memory_space<hbm>>) target(%dma_start3A_110 : memref<80xi32, #tpu.memory_space<vmem>>) target_semaphore(%dma_start3A_107 : memref<!tpu.dma_semaphore, #tpu.memory_space<semaphore_mem>>)
    %mul3A_112 = arith.constant 10000 : i32
    %mul3A_113 = arith.muli %add3A, %mul3A_112 : i32
    %add3A_114 = arith.constant 0 : i32
    %add3A_115 = arith.addi %mul3A_113, %add3A_114 : i32
    %add3A_116 = arith.constant 320000 : i32
    %add3A_117 = arith.addi %add3A_116, %add3A_115 : i32
    %dma_wait3A = arith.constant 0 : i32
    %dma_wait3A_118 = arith.constant 0 : i32
    %dma_wait3A_119 = arith.constant 0 : i32
    %dma_wait3A_120 = tpu.memref_slice %arg5[%dma_wait3A, %dma_wait3A_119] : memref<4x80xi32, #tpu.memory_space<vmem>> -> memref<1x80xi32, #tpu.memory_space<vmem>>
    %dma_wait3A_121 = tpu.memref_squeeze %dma_wait3A_120 : memref<1x80xi32, #tpu.memory_space<vmem>> -> memref<80xi32, #tpu.memory_space<vmem>>
    %dma_wait3A_122 = tpu.memref_slice %arg3[%add3A_115] : memref<640000xi32, #tpu.memory_space<hbm>> -> memref<80xi32, #tpu.memory_space<hbm>>
    %dma_wait3A_123 = tpu.memref_slice %arg8[%dma_wait3A_118] : memref<4x!tpu.dma_semaphore, #tpu.memory_space<semaphore_mem>> -> memref<1x!tpu.dma_semaphore, #tpu.memory_space<semaphore_mem>>
    %dma_wait3A_124 = tpu.memref_squeeze %dma_wait3A_123 : memref<1x!tpu.dma_semaphore, #tpu.memory_space<semaphore_mem>> -> memref<!tpu.dma_semaphore, #tpu.memory_space<semaphore_mem>>
    %dma_wait3A_125 = arith.constant 0 : i32
    %dma_wait3A_126 = tpu.memref_slice %arg5[%dma_wait3A, %dma_wait3A_125] : memref<4x80xi32, #tpu.memory_space<vmem>> -> memref<1x80xi32, #tpu.memory_space<vmem>>
    %dma_wait3A_127 = tpu.memref_squeeze %dma_wait3A_126 : memref<1x80xi32, #tpu.memory_space<vmem>> -> memref<80xi32, #tpu.memory_space<vmem>>
    %dma_wait3A_128 = tpu.memref_slice %arg3[%add3A_115] : memref<640000xi32, #tpu.memory_space<hbm>> -> memref<80xi32, #tpu.memory_space<hbm>>
    tpu.wait_dma2 semaphore(%dma_wait3A_124 : memref<!tpu.dma_semaphore, #tpu.memory_space<semaphore_mem>>) src(%dma_wait3A_128 : memref<80xi32, #tpu.memory_space<hbm>>) dst(%dma_wait3A_127 : memref<80xi32, #tpu.memory_space<vmem>>)
    %dma_wait3A_129 = arith.constant 0 : i32
    %dma_wait3A_130 = arith.constant 0 : i32
    %dma_wait3A_131 = arith.constant 0 : i32
    %dma_wait3A_132 = tpu.memref_slice %arg6[%dma_wait3A_129, %dma_wait3A_131] : memref<4x80xi32, #tpu.memory_space<vmem>> -> memref<1x80xi32, #tpu.memory_space<vmem>>
    %dma_wait3A_133 = tpu.memref_squeeze %dma_wait3A_132 : memref<1x80xi32, #tpu.memory_space<vmem>> -> memref<80xi32, #tpu.memory_space<vmem>>
    %dma_wait3A_134 = tpu.memref_slice %arg3[%add3A_117] : memref<640000xi32, #tpu.memory_space<hbm>> -> memref<80xi32, #tpu.memory_space<hbm>>
    %dma_wait3A_135 = tpu.memref_slice %arg8[%dma_wait3A_130] : memref<4x!tpu.dma_semaphore, #tpu.memory_space<semaphore_mem>> -> memref<1x!tpu.dma_semaphore, #tpu.memory_space<semaphore_mem>>
    %dma_wait3A_136 = tpu.memref_squeeze %dma_wait3A_135 : memref<1x!tpu.dma_semaphore, #tpu.memory_space<semaphore_mem>> -> memref<!tpu.dma_semaphore, #tpu.memory_space<semaphore_mem>>
    %dma_wait3A_137 = arith.constant 0 : i32
    %dma_wait3A_138 = tpu.memref_slice %arg6[%dma_wait3A_129, %dma_wait3A_137] : memref<4x80xi32, #tpu.memory_space<vmem>> -> memref<1x80xi32, #tpu.memory_space<vmem>>
    %dma_wait3A_139 = tpu.memref_squeeze %dma_wait3A_138 : memref<1x80xi32, #tpu.memory_space<vmem>> -> memref<80xi32, #tpu.memory_space<vmem>>
    %dma_wait3A_140 = tpu.memref_slice %arg3[%add3A_117] : memref<640000xi32, #tpu.memory_space<hbm>> -> memref<80xi32, #tpu.memory_space<hbm>>
    tpu.wait_dma2 semaphore(%dma_wait3A_136 : memref<!tpu.dma_semaphore, #tpu.memory_space<semaphore_mem>>) src(%dma_wait3A_140 : memref<80xi32, #tpu.memory_space<hbm>>) dst(%dma_wait3A_139 : memref<80xi32, #tpu.memory_space<vmem>>)
    %rem3A = arith.constant 0 : i32
    %rem3A_141 = arith.constant 4 : i32
    %rem3A_142 = arith.remsi %rem3A, %rem3A_141 : i32
    %dma_start3A_143 = arith.constant 0 : i32
    %dma_start3A_144 = arith.constant 0 : i32
    %dma_start3A_145 = arith.constant 0 : i32
    %dma_start3A_146 = arith.constant 0 : i32
    %dma_start3A_147 = tpu.memref_slice %arg7[%dma_start3A_143, %dma_start3A_145, %dma_start3A_146] : memref<3x80x128xf32, #tpu.memory_space<vmem>> -> memref<1x80x128xf32, #tpu.memory_space<vmem>>
    %dma_start3A_148 = tpu.memref_squeeze %dma_start3A_147 : memref<1x80x128xf32, #tpu.memory_space<vmem>> -> memref<80x128xf32, #tpu.memory_space<vmem>>
    %dma_start3A_149 = arith.constant 0 : i32
    %dma_start3A_150 = tpu.memref_slice %arg5[%rem3A_142, %dma_start3A_149] : memref<4x80xi32, #tpu.memory_space<vmem>> -> memref<1x80xi32, #tpu.memory_space<vmem>>
    %dma_start3A_151 = tpu.memref_squeeze %dma_start3A_150 : memref<1x80xi32, #tpu.memory_space<vmem>> -> memref<80xi32, #tpu.memory_space<vmem>>
    %dma_start3A_152 = arith.constant 0 : i32
    %dma_start3A_153 = arith.constant 0 : i32
    %dma_start3A_154 = tpu.memref_slice %arg2[%dma_start3A_152, %dma_start3A_153] : memref<10000x128xf32, #tpu.memory_space<hbm>> -> memref<10000x128xf32, #tpu.memory_space<hbm>>
    %dma_start3A_155 = tpu.memref_slice %arg9[%dma_start3A_144] : memref<3x!tpu.dma_semaphore, #tpu.memory_space<semaphore_mem>> -> memref<1x!tpu.dma_semaphore, #tpu.memory_space<semaphore_mem>>
    %dma_start3A_156 = tpu.memref_squeeze %dma_start3A_155 : memref<1x!tpu.dma_semaphore, #tpu.memory_space<semaphore_mem>> -> memref<!tpu.dma_semaphore, #tpu.memory_space<semaphore_mem>>
    tpu.enqueue_indirect_dma source(%dma_start3A_154 : memref<10000x128xf32, #tpu.memory_space<hbm>>) target(%dma_start3A_148 : memref<80x128xf32, #tpu.memory_space<vmem>>) offsets(%dma_start3A_151 : memref<80xi32, #tpu.memory_space<vmem>>) semaphore(%dma_start3A_156 : memref<!tpu.dma_semaphore, #tpu.memory_space<semaphore_mem>>)
    %mul3A_157 = arith.constant 10000 : i32
    %mul3A_158 = arith.muli %add3A, %mul3A_157 : i32
    %add3A_159 = arith.constant 80 : i32
    %add3A_160 = arith.addi %mul3A_158, %add3A_159 : i32
    %add3A_161 = arith.constant 320000 : i32
    %add3A_162 = arith.addi %add3A_161, %add3A_160 : i32
    %dma_wait3A_163 = arith.constant 1 : i32
    %dma_wait3A_164 = arith.constant 1 : i32
    %dma_wait3A_165 = arith.constant 0 : i32
    %dma_wait3A_166 = tpu.memref_slice %arg5[%dma_wait3A_163, %dma_wait3A_165] : memref<4x80xi32, #tpu.memory_space<vmem>> -> memref<1x80xi32, #tpu.memory_space<vmem>>
    %dma_wait3A_167 = tpu.memref_squeeze %dma_wait3A_166 : memref<1x80xi32, #tpu.memory_space<vmem>> -> memref<80xi32, #tpu.memory_space<vmem>>
    %dma_wait3A_168 = tpu.memref_slice %arg3[%add3A_160] : memref<640000xi32, #tpu.memory_space<hbm>> -> memref<80xi32, #tpu.memory_space<hbm>>
    %dma_wait3A_169 = tpu.memref_slice %arg8[%dma_wait3A_164] : memref<4x!tpu.dma_semaphore, #tpu.memory_space<semaphore_mem>> -> memref<1x!tpu.dma_semaphore, #tpu.memory_space<semaphore_mem>>
    %dma_wait3A_170 = tpu.memref_squeeze %dma_wait3A_169 : memref<1x!tpu.dma_semaphore, #tpu.memory_space<semaphore_mem>> -> memref<!tpu.dma_semaphore, #tpu.memory_space<semaphore_mem>>
    %dma_wait3A_171 = arith.constant 0 : i32
    %dma_wait3A_172 = tpu.memref_slice %arg5[%dma_wait3A_163, %dma_wait3A_171] : memref<4x80xi32, #tpu.memory_space<vmem>> -> memref<1x80xi32, #tpu.memory_space<vmem>>
    %dma_wait3A_173 = tpu.memref_squeeze %dma_wait3A_172 : memref<1x80xi32, #tpu.memory_space<vmem>> -> memref<80xi32, #tpu.memory_space<vmem>>
    %dma_wait3A_174 = tpu.memref_slice %arg3[%add3A_160] : memref<640000xi32, #tpu.memory_space<hbm>> -> memref<80xi32, #tpu.memory_space<hbm>>
    tpu.wait_dma2 semaphore(%dma_wait3A_170 : memref<!tpu.dma_semaphore, #tpu.memory_space<semaphore_mem>>) src(%dma_wait3A_174 : memref<80xi32, #tpu.memory_space<hbm>>) dst(%dma_wait3A_173 : memref<80xi32, #tpu.memory_space<vmem>>)
    %dma_wait3A_175 = arith.constant 1 : i32
    %dma_wait3A_176 = arith.constant 1 : i32
    %dma_wait3A_177 = arith.constant 0 : i32
    %dma_wait3A_178 = tpu.memref_slice %arg6[%dma_wait3A_175, %dma_wait3A_177] : memref<4x80xi32, #tpu.memory_space<vmem>> -> memref<1x80xi32, #tpu.memory_space<vmem>>
    %dma_wait3A_179 = tpu.memref_squeeze %dma_wait3A_178 : memref<1x80xi32, #tpu.memory_space<vmem>> -> memref<80xi32, #tpu.memory_space<vmem>>
    %dma_wait3A_180 = tpu.memref_slice %arg3[%add3A_162] : memref<640000xi32, #tpu.memory_space<hbm>> -> memref<80xi32, #tpu.memory_space<hbm>>
    %dma_wait3A_181 = tpu.memref_slice %arg8[%dma_wait3A_176] : memref<4x!tpu.dma_semaphore, #tpu.memory_space<semaphore_mem>> -> memref<1x!tpu.dma_semaphore, #tpu.memory_space<semaphore_mem>>
    %dma_wait3A_182 = tpu.memref_squeeze %dma_wait3A_181 : memref<1x!tpu.dma_semaphore, #tpu.memory_space<semaphore_mem>> -> memref<!tpu.dma_semaphore, #tpu.memory_space<semaphore_mem>>
    %dma_wait3A_183 = arith.constant 0 : i32
    %dma_wait3A_184 = tpu.memref_slice %arg6[%dma_wait3A_175, %dma_wait3A_183] : memref<4x80xi32, #tpu.memory_space<vmem>> -> memref<1x80xi32, #tpu.memory_space<vmem>>
    %dma_wait3A_185 = tpu.memref_squeeze %dma_wait3A_184 : memref<1x80xi32, #tpu.memory_space<vmem>> -> memref<80xi32, #tpu.memory_space<vmem>>
    %dma_wait3A_186 = tpu.memref_slice %arg3[%add3A_162] : memref<640000xi32, #tpu.memory_space<hbm>> -> memref<80xi32, #tpu.memory_space<hbm>>
    tpu.wait_dma2 semaphore(%dma_wait3A_182 : memref<!tpu.dma_semaphore, #tpu.memory_space<semaphore_mem>>) src(%dma_wait3A_186 : memref<80xi32, #tpu.memory_space<hbm>>) dst(%dma_wait3A_185 : memref<80xi32, #tpu.memory_space<vmem>>)
    %rem3A_187 = arith.constant 1 : i32
    %rem3A_188 = arith.constant 4 : i32
    %rem3A_189 = arith.remsi %rem3A_187, %rem3A_188 : i32
    %dma_start3A_190 = arith.constant 1 : i32
    %dma_start3A_191 = arith.constant 1 : i32
    %dma_start3A_192 = arith.constant 0 : i32
    %dma_start3A_193 = arith.constant 0 : i32
    %dma_start3A_194 = tpu.memref_slice %arg7[%dma_start3A_190, %dma_start3A_192, %dma_start3A_193] : memref<3x80x128xf32, #tpu.memory_space<vmem>> -> memref<1x80x128xf32, #tpu.memory_space<vmem>>
    %dma_start3A_195 = tpu.memref_squeeze %dma_start3A_194 : memref<1x80x128xf32, #tpu.memory_space<vmem>> -> memref<80x128xf32, #tpu.memory_space<vmem>>
    %dma_start3A_196 = arith.constant 0 : i32
    %dma_start3A_197 = tpu.memref_slice %arg5[%rem3A_189, %dma_start3A_196] : memref<4x80xi32, #tpu.memory_space<vmem>> -> memref<1x80xi32, #tpu.memory_space<vmem>>
    %dma_start3A_198 = tpu.memref_squeeze %dma_start3A_197 : memref<1x80xi32, #tpu.memory_space<vmem>> -> memref<80xi32, #tpu.memory_space<vmem>>
    %dma_start3A_199 = arith.constant 0 : i32
    %dma_start3A_200 = arith.constant 0 : i32
    %dma_start3A_201 = tpu.memref_slice %arg2[%dma_start3A_199, %dma_start3A_200] : memref<10000x128xf32, #tpu.memory_space<hbm>> -> memref<10000x128xf32, #tpu.memory_space<hbm>>
    %dma_start3A_202 = tpu.memref_slice %arg9[%dma_start3A_191] : memref<3x!tpu.dma_semaphore, #tpu.memory_space<semaphore_mem>> -> memref<1x!tpu.dma_semaphore, #tpu.memory_space<semaphore_mem>>
    %dma_start3A_203 = tpu.memref_squeeze %dma_start3A_202 : memref<1x!tpu.dma_semaphore, #tpu.memory_space<semaphore_mem>> -> memref<!tpu.dma_semaphore, #tpu.memory_space<semaphore_mem>>
    tpu.enqueue_indirect_dma source(%dma_start3A_201 : memref<10000x128xf32, #tpu.memory_space<hbm>>) target(%dma_start3A_195 : memref<80x128xf32, #tpu.memory_space<vmem>>) offsets(%dma_start3A_198 : memref<80xi32, #tpu.memory_space<vmem>>) semaphore(%dma_start3A_203 : memref<!tpu.dma_semaphore, #tpu.memory_space<semaphore_mem>>)
    %scan3A_204 = arith.constant 0 : i32
    %scan3A_205 = arith.constant 0 : i32
    %scan3A_206 = arith.constant 125 : i32
    %scan3A_207 = arith.addi %scan3A_205, %scan3A_206 : i32
    %scan3A_208 = arith.constant 1 : i32
    %scan3A_209 = scf.for %scan3A_238 = %scan3A_205 to %scan3A_207 step %scan3A_208 iter_args(%scan3A_239 = %scan3A_204) -> (i32)  : i32 {
      %rem3A_240 = arith.constant 3 : i32
      %rem3A_241 = arith.remsi %scan3A_238, %rem3A_240 : i32
      %rem3A_242 = arith.constant 4 : i32
      %rem3A_243 = arith.remsi %scan3A_238, %rem3A_242 : i32
      %dma_wait3A_244 = arith.constant 0 : i32
      %dma_wait3A_245 = arith.constant 0 : i32
      %dma_wait3A_246 = tpu.memref_slice %arg7[%rem3A_241, %dma_wait3A_244, %dma_wait3A_245] : memref<3x80x128xf32, #tpu.memory_space<vmem>> -> memref<1x80x128xf32, #tpu.memory_space<vmem>>
      %dma_wait3A_247 = tpu.memref_squeeze %dma_wait3A_246 : memref<1x80x128xf32, #tpu.memory_space<vmem>> -> memref<80x128xf32, #tpu.memory_space<vmem>>
      %dma_wait3A_248 = arith.constant 0 : i32
      %dma_wait3A_249 = tpu.memref_slice %arg5[%rem3A_243, %dma_wait3A_248] : memref<4x80xi32, #tpu.memory_space<vmem>> -> memref<1x80xi32, #tpu.memory_space<vmem>>
      %dma_wait3A_250 = tpu.memref_squeeze %dma_wait3A_249 : memref<1x80xi32, #tpu.memory_space<vmem>> -> memref<80xi32, #tpu.memory_space<vmem>>
      %dma_wait3A_251 = arith.constant 0 : i32
      %dma_wait3A_252 = arith.constant 0 : i32
      %dma_wait3A_253 = tpu.memref_slice %arg2[%dma_wait3A_251, %dma_wait3A_252] : memref<10000x128xf32, #tpu.memory_space<hbm>> -> memref<10000x128xf32, #tpu.memory_space<hbm>>
      %dma_wait3A_254 = tpu.memref_slice %arg9[%rem3A_241] : memref<3x!tpu.dma_semaphore, #tpu.memory_space<semaphore_mem>> -> memref<1x!tpu.dma_semaphore, #tpu.memory_space<semaphore_mem>>
      %dma_wait3A_255 = tpu.memref_squeeze %dma_wait3A_254 : memref<1x!tpu.dma_semaphore, #tpu.memory_space<semaphore_mem>> -> memref<!tpu.dma_semaphore, #tpu.memory_space<semaphore_mem>>
      tpu.wait_indirect_dma semaphore(%dma_wait3A_255 : memref<!tpu.dma_semaphore, #tpu.memory_space<semaphore_mem>>) src(%dma_wait3A_253 : memref<10000x128xf32, #tpu.memory_space<hbm>>) dst(%dma_wait3A_247 : memref<80x128xf32, #tpu.memory_space<vmem>>)
      %ge3A = arith.constant 1 : i32
      %ge3A_256 = arith.cmpi sge, %scan3A_238, %ge3A : i32
      %convert_element_type3A_257 = arith.extui %ge3A_256 : i1 to i32
      %cond3A_258 = arith.constant 0 : i32
      %cond3A_259 = arith.cmpi ne, %convert_element_type3A_257, %cond3A_258 : i32
      scf.if %cond3A_259 {
        %sub3A = arith.constant 1 : i32
        %sub3A_288 = arith.subi %scan3A_238, %sub3A : i32
        %sub3A_289 = arith.constant 1 : i32
        %sub3A_290 = arith.subi %scan3A_238, %sub3A_289 : i32
        %rem3A_291 = arith.constant 3 : i32
        %rem3A_292 = arith.remsi %sub3A_290, %rem3A_291 : i32
        %rem3A_293 = arith.constant 4 : i32
        %rem3A_294 = arith.remsi %sub3A_288, %rem3A_293 : i32
        %dma_wait3A_295 = arith.constant 0 : i32
        %dma_wait3A_296 = arith.constant 0 : i32
        %dma_wait3A_297 = tpu.memref_slice %arg7[%rem3A_292, %dma_wait3A_295, %dma_wait3A_296] : memref<3x80x128xf32, #tpu.memory_space<vmem>> -> memref<1x80x128xf32, #tpu.memory_space<vmem>>
        %dma_wait3A_298 = tpu.memref_squeeze %dma_wait3A_297 : memref<1x80x128xf32, #tpu.memory_space<vmem>> -> memref<80x128xf32, #tpu.memory_space<vmem>>
        %dma_wait3A_299 = arith.constant 0 : i32
        %dma_wait3A_300 = tpu.memref_slice %arg6[%rem3A_294, %dma_wait3A_299] : memref<4x80xi32, #tpu.memory_space<vmem>> -> memref<1x80xi32, #tpu.memory_space<vmem>>
        %dma_wait3A_301 = tpu.memref_squeeze %dma_wait3A_300 : memref<1x80xi32, #tpu.memory_space<vmem>> -> memref<80xi32, #tpu.memory_space<vmem>>
        %dma_wait3A_302 = arith.constant 0 : i32
        %dma_wait3A_303 = arith.constant 0 : i32
        %dma_wait3A_304 = tpu.memref_slice %arg11[%dma_wait3A_302, %dma_wait3A_303] : memref<10000x128xf32, #tpu.memory_space<vmem_shared>> -> memref<10000x128xf32, #tpu.memory_space<vmem_shared>>
        %dma_wait3A_305 = tpu.memref_slice %arg10[%rem3A_292] : memref<3x!tpu.dma_semaphore, #tpu.memory_space<semaphore_mem>> -> memref<1x!tpu.dma_semaphore, #tpu.memory_space<semaphore_mem>>
        %dma_wait3A_306 = tpu.memref_squeeze %dma_wait3A_305 : memref<1x!tpu.dma_semaphore, #tpu.memory_space<semaphore_mem>> -> memref<!tpu.dma_semaphore, #tpu.memory_space<semaphore_mem>>
        tpu.wait_indirect_dma semaphore(%dma_wait3A_306 : memref<!tpu.dma_semaphore, #tpu.memory_space<semaphore_mem>>) src(%dma_wait3A_298 : memref<80x128xf32, #tpu.memory_space<vmem>>) dst(%dma_wait3A_304 : memref<10000x128xf32, #tpu.memory_space<vmem_shared>>)
      } else {
      }
      %add3A_260 = arith.constant 3 : i32
      %add3A_261 = arith.addi %scan3A_238, %add3A_260 : i32
      %lt3A = arith.constant 125 : i32
      %lt3A_262 = arith.cmpi slt, %add3A_261, %lt3A : i32
      %convert_element_type3A_263 = arith.extui %lt3A_262 : i1 to i32
      %cond3A_264 = arith.constant 0 : i32
      %cond3A_265 = arith.cmpi ne, %convert_element_type3A_263, %cond3A_264 : i32
      scf.if %cond3A_265 {
        %add3A_288 = arith.constant 3 : i32
        %add3A_289 = arith.addi %scan3A_238, %add3A_288 : i32
        %add3A_290 = arith.constant 3 : i32
        %add3A_291 = arith.addi %scan3A_238, %add3A_290 : i32
        %rem3A_292 = arith.constant 4 : i32
        %rem3A_293 = arith.remsi %add3A_291, %rem3A_292 : i32
        %mul3A_294 = arith.constant 10000 : i32
        %mul3A_295 = arith.muli %add3A, %mul3A_294 : i32
        %mul3A_296 = arith.constant 80 : i32
        %mul3A_297 = arith.muli %add3A_289, %mul3A_296 : i32
        %add3A_298 = arith.addi %mul3A_295, %mul3A_297 : i32
        %add3A_299 = arith.constant 320000 : i32
        %add3A_300 = arith.addi %add3A_299, %add3A_298 : i32
        %dma_start3A_301 = arith.constant 0 : i32
        %dma_start3A_302 = tpu.memref_slice %arg5[%rem3A_293, %dma_start3A_301] : memref<4x80xi32, #tpu.memory_space<vmem>> -> memref<1x80xi32, #tpu.memory_space<vmem>>
        %dma_start3A_303 = tpu.memref_squeeze %dma_start3A_302 : memref<1x80xi32, #tpu.memory_space<vmem>> -> memref<80xi32, #tpu.memory_space<vmem>>
        %dma_start3A_304 = tpu.memref_slice %arg3[%add3A_298] : memref<640000xi32, #tpu.memory_space<hbm>> -> memref<80xi32, #tpu.memory_space<hbm>>
        %dma_start3A_305 = tpu.memref_slice %arg8[%rem3A_293] : memref<4x!tpu.dma_semaphore, #tpu.memory_space<semaphore_mem>> -> memref<1x!tpu.dma_semaphore, #tpu.memory_space<semaphore_mem>>
        %dma_start3A_306 = tpu.memref_squeeze %dma_start3A_305 : memref<1x!tpu.dma_semaphore, #tpu.memory_space<semaphore_mem>> -> memref<!tpu.dma_semaphore, #tpu.memory_space<semaphore_mem>>
        %dma_start3A_307 = arith.constant 0 : i32
        %dma_start3A_308 = tpu.memref_slice %arg5[%rem3A_293, %dma_start3A_307] : memref<4x80xi32, #tpu.memory_space<vmem>> -> memref<1x80xi32, #tpu.memory_space<vmem>>
        %dma_start3A_309 = tpu.memref_squeeze %dma_start3A_308 : memref<1x80xi32, #tpu.memory_space<vmem>> -> memref<80xi32, #tpu.memory_space<vmem>>
        %dma_start3A_310 = tpu.memref_slice %arg3[%add3A_298] : memref<640000xi32, #tpu.memory_space<hbm>> -> memref<80xi32, #tpu.memory_space<hbm>>
        tpu.enqueue_dma source(%dma_start3A_310 : memref<80xi32, #tpu.memory_space<hbm>>) target(%dma_start3A_309 : memref<80xi32, #tpu.memory_space<vmem>>) target_semaphore(%dma_start3A_306 : memref<!tpu.dma_semaphore, #tpu.memory_space<semaphore_mem>>)
        %dma_start3A_311 = arith.constant 0 : i32
        %dma_start3A_312 = tpu.memref_slice %arg6[%rem3A_293, %dma_start3A_311] : memref<4x80xi32, #tpu.memory_space<vmem>> -> memref<1x80xi32, #tpu.memory_space<vmem>>
        %dma_start3A_313 = tpu.memref_squeeze %dma_start3A_312 : memref<1x80xi32, #tpu.memory_space<vmem>> -> memref<80xi32, #tpu.memory_space<vmem>>
        %dma_start3A_314 = tpu.memref_slice %arg3[%add3A_300] : memref<640000xi32, #tpu.memory_space<hbm>> -> memref<80xi32, #tpu.memory_space<hbm>>
        %dma_start3A_315 = tpu.memref_slice %arg8[%rem3A_293] : memref<4x!tpu.dma_semaphore, #tpu.memory_space<semaphore_mem>> -> memref<1x!tpu.dma_semaphore, #tpu.memory_space<semaphore_mem>>
        %dma_start3A_316 = tpu.memref_squeeze %dma_start3A_315 : memref<1x!tpu.dma_semaphore, #tpu.memory_space<semaphore_mem>> -> memref<!tpu.dma_semaphore, #tpu.memory_space<semaphore_mem>>
        %dma_start3A_317 = arith.constant 0 : i32
        %dma_start3A_318 = tpu.memref_slice %arg6[%rem3A_293, %dma_start3A_317] : memref<4x80xi32, #tpu.memory_space<vmem>> -> memref<1x80xi32, #tpu.memory_space<vmem>>
        %dma_start3A_319 = tpu.memref_squeeze %dma_start3A_318 : memref<1x80xi32, #tpu.memory_space<vmem>> -> memref<80xi32, #tpu.memory_space<vmem>>
        %dma_start3A_320 = tpu.memref_slice %arg3[%add3A_300] : memref<640000xi32, #tpu.memory_space<hbm>> -> memref<80xi32, #tpu.memory_space<hbm>>
        tpu.enqueue_dma source(%dma_start3A_320 : memref<80xi32, #tpu.memory_space<hbm>>) target(%dma_start3A_319 : memref<80xi32, #tpu.memory_space<vmem>>) target_semaphore(%dma_start3A_316 : memref<!tpu.dma_semaphore, #tpu.memory_space<semaphore_mem>>)
      } else {
      }
      %add3A_266 = arith.constant 2 : i32
      %add3A_267 = arith.addi %scan3A_238, %add3A_266 : i32
      %lt3A_268 = arith.constant 125 : i32
      %lt3A_269 = arith.cmpi slt, %add3A_267, %lt3A_268 : i32
      %convert_element_type3A_270 = arith.extui %lt3A_269 : i1 to i32
      %cond3A_271 = arith.constant 0 : i32
      %cond3A_272 = arith.cmpi ne, %convert_element_type3A_270, %cond3A_271 : i32
      scf.if %cond3A_272 {
        %add3A_288 = arith.constant 2 : i32
        %add3A_289 = arith.addi %scan3A_238, %add3A_288 : i32
        %add3A_290 = arith.constant 2 : i32
        %add3A_291 = arith.addi %scan3A_238, %add3A_290 : i32
        %rem3A_292 = arith.constant 4 : i32
        %rem3A_293 = arith.remsi %add3A_291, %rem3A_292 : i32
        %mul3A_294 = arith.constant 10000 : i32
        %mul3A_295 = arith.muli %add3A, %mul3A_294 : i32
        %mul3A_296 = arith.constant 80 : i32
        %mul3A_297 = arith.muli %add3A_289, %mul3A_296 : i32
        %add3A_298 = arith.addi %mul3A_295, %mul3A_297 : i32
        %add3A_299 = arith.constant 320000 : i32
        %add3A_300 = arith.addi %add3A_299, %add3A_298 : i32
        %dma_wait3A_301 = arith.constant 0 : i32
        %dma_wait3A_302 = tpu.memref_slice %arg5[%rem3A_293, %dma_wait3A_301] : memref<4x80xi32, #tpu.memory_space<vmem>> -> memref<1x80xi32, #tpu.memory_space<vmem>>
        %dma_wait3A_303 = tpu.memref_squeeze %dma_wait3A_302 : memref<1x80xi32, #tpu.memory_space<vmem>> -> memref<80xi32, #tpu.memory_space<vmem>>
        %dma_wait3A_304 = tpu.memref_slice %arg3[%add3A_298] : memref<640000xi32, #tpu.memory_space<hbm>> -> memref<80xi32, #tpu.memory_space<hbm>>
        %dma_wait3A_305 = tpu.memref_slice %arg8[%rem3A_293] : memref<4x!tpu.dma_semaphore, #tpu.memory_space<semaphore_mem>> -> memref<1x!tpu.dma_semaphore, #tpu.memory_space<semaphore_mem>>
        %dma_wait3A_306 = tpu.memref_squeeze %dma_wait3A_305 : memref<1x!tpu.dma_semaphore, #tpu.memory_space<semaphore_mem>> -> memref<!tpu.dma_semaphore, #tpu.memory_space<semaphore_mem>>
        %dma_wait3A_307 = arith.constant 0 : i32
        %dma_wait3A_308 = tpu.memref_slice %arg5[%rem3A_293, %dma_wait3A_307] : memref<4x80xi32, #tpu.memory_space<vmem>> -> memref<1x80xi32, #tpu.memory_space<vmem>>
        %dma_wait3A_309 = tpu.memref_squeeze %dma_wait3A_308 : memref<1x80xi32, #tpu.memory_space<vmem>> -> memref<80xi32, #tpu.memory_space<vmem>>
        %dma_wait3A_310 = tpu.memref_slice %arg3[%add3A_298] : memref<640000xi32, #tpu.memory_space<hbm>> -> memref<80xi32, #tpu.memory_space<hbm>>
        tpu.wait_dma2 semaphore(%dma_wait3A_306 : memref<!tpu.dma_semaphore, #tpu.memory_space<semaphore_mem>>) src(%dma_wait3A_310 : memref<80xi32, #tpu.memory_space<hbm>>) dst(%dma_wait3A_309 : memref<80xi32, #tpu.memory_space<vmem>>)
        %dma_wait3A_311 = arith.constant 0 : i32
        %dma_wait3A_312 = tpu.memref_slice %arg6[%rem3A_293, %dma_wait3A_311] : memref<4x80xi32, #tpu.memory_space<vmem>> -> memref<1x80xi32, #tpu.memory_space<vmem>>
        %dma_wait3A_313 = tpu.memref_squeeze %dma_wait3A_312 : memref<1x80xi32, #tpu.memory_space<vmem>> -> memref<80xi32, #tpu.memory_space<vmem>>
        %dma_wait3A_314 = tpu.memref_slice %arg3[%add3A_300] : memref<640000xi32, #tpu.memory_space<hbm>> -> memref<80xi32, #tpu.memory_space<hbm>>
        %dma_wait3A_315 = tpu.memref_slice %arg8[%rem3A_293] : memref<4x!tpu.dma_semaphore, #tpu.memory_space<semaphore_mem>> -> memref<1x!tpu.dma_semaphore, #tpu.memory_space<semaphore_mem>>
        %dma_wait3A_316 = tpu.memref_squeeze %dma_wait3A_315 : memref<1x!tpu.dma_semaphore, #tpu.memory_space<semaphore_mem>> -> memref<!tpu.dma_semaphore, #tpu.memory_space<semaphore_mem>>
        %dma_wait3A_317 = arith.constant 0 : i32
        %dma_wait3A_318 = tpu.memref_slice %arg6[%rem3A_293, %dma_wait3A_317] : memref<4x80xi32, #tpu.memory_space<vmem>> -> memref<1x80xi32, #tpu.memory_space<vmem>>
        %dma_wait3A_319 = tpu.memref_squeeze %dma_wait3A_318 : memref<1x80xi32, #tpu.memory_space<vmem>> -> memref<80xi32, #tpu.memory_space<vmem>>
        %dma_wait3A_320 = tpu.memref_slice %arg3[%add3A_300] : memref<640000xi32, #tpu.memory_space<hbm>> -> memref<80xi32, #tpu.memory_space<hbm>>
        tpu.wait_dma2 semaphore(%dma_wait3A_316 : memref<!tpu.dma_semaphore, #tpu.memory_space<semaphore_mem>>) src(%dma_wait3A_320 : memref<80xi32, #tpu.memory_space<hbm>>) dst(%dma_wait3A_319 : memref<80xi32, #tpu.memory_space<vmem>>)
        %add3A_321 = arith.constant 2 : i32
        %add3A_322 = arith.addi %scan3A_238, %add3A_321 : i32
        %add3A_323 = arith.constant 2 : i32
        %add3A_324 = arith.addi %scan3A_238, %add3A_323 : i32
        %rem3A_325 = arith.constant 3 : i32
        %rem3A_326 = arith.remsi %add3A_324, %rem3A_325 : i32
        %rem3A_327 = arith.constant 4 : i32
        %rem3A_328 = arith.remsi %add3A_322, %rem3A_327 : i32
        %dma_start3A_329 = arith.constant 0 : i32
        %dma_start3A_330 = arith.constant 0 : i32
        %dma_start3A_331 = tpu.memref_slice %arg7[%rem3A_326, %dma_start3A_329, %dma_start3A_330] : memref<3x80x128xf32, #tpu.memory_space<vmem>> -> memref<1x80x128xf32, #tpu.memory_space<vmem>>
        %dma_start3A_332 = tpu.memref_squeeze %dma_start3A_331 : memref<1x80x128xf32, #tpu.memory_space<vmem>> -> memref<80x128xf32, #tpu.memory_space<vmem>>
        %dma_start3A_333 = arith.constant 0 : i32
        %dma_start3A_334 = tpu.memref_slice %arg5[%rem3A_328, %dma_start3A_333] : memref<4x80xi32, #tpu.memory_space<vmem>> -> memref<1x80xi32, #tpu.memory_space<vmem>>
        %dma_start3A_335 = tpu.memref_squeeze %dma_start3A_334 : memref<1x80xi32, #tpu.memory_space<vmem>> -> memref<80xi32, #tpu.memory_space<vmem>>
        %dma_start3A_336 = arith.constant 0 : i32
        %dma_start3A_337 = arith.constant 0 : i32
        %dma_start3A_338 = tpu.memref_slice %arg2[%dma_start3A_336, %dma_start3A_337] : memref<10000x128xf32, #tpu.memory_space<hbm>> -> memref<10000x128xf32, #tpu.memory_space<hbm>>
        %dma_start3A_339 = tpu.memref_slice %arg9[%rem3A_326] : memref<3x!tpu.dma_semaphore, #tpu.memory_space<semaphore_mem>> -> memref<1x!tpu.dma_semaphore, #tpu.memory_space<semaphore_mem>>
        %dma_start3A_340 = tpu.memref_squeeze %dma_start3A_339 : memref<1x!tpu.dma_semaphore, #tpu.memory_space<semaphore_mem>> -> memref<!tpu.dma_semaphore, #tpu.memory_space<semaphore_mem>>
        tpu.enqueue_indirect_dma source(%dma_start3A_338 : memref<10000x128xf32, #tpu.memory_space<hbm>>) target(%dma_start3A_332 : memref<80x128xf32, #tpu.memory_space<vmem>>) offsets(%dma_start3A_335 : memref<80xi32, #tpu.memory_space<vmem>>) semaphore(%dma_start3A_340 : memref<!tpu.dma_semaphore, #tpu.memory_space<semaphore_mem>>)
      } else {
      }
      %rem3A_273 = arith.constant 4 : i32
      %rem3A_274 = arith.remsi %scan3A_238, %rem3A_273 : i32
      %dma_start3A_275 = arith.constant 0 : i32
      %dma_start3A_276 = arith.constant 0 : i32
      %dma_start3A_277 = tpu.memref_slice %arg7[%rem3A_241, %dma_start3A_275, %dma_start3A_276] : memref<3x80x128xf32, #tpu.memory_space<vmem>> -> memref<1x80x128xf32, #tpu.memory_space<vmem>>
      %dma_start3A_278 = tpu.memref_squeeze %dma_start3A_277 : memref<1x80x128xf32, #tpu.memory_space<vmem>> -> memref<80x128xf32, #tpu.memory_space<vmem>>
      %dma_start3A_279 = arith.constant 0 : i32
      %dma_start3A_280 = tpu.memref_slice %arg6[%rem3A_274, %dma_start3A_279] : memref<4x80xi32, #tpu.memory_space<vmem>> -> memref<1x80xi32, #tpu.memory_space<vmem>>
      %dma_start3A_281 = tpu.memref_squeeze %dma_start3A_280 : memref<1x80xi32, #tpu.memory_space<vmem>> -> memref<80xi32, #tpu.memory_space<vmem>>
      %dma_start3A_282 = arith.constant 0 : i32
      %dma_start3A_283 = arith.constant 0 : i32
      %dma_start3A_284 = tpu.memref_slice %arg11[%dma_start3A_282, %dma_start3A_283] : memref<10000x128xf32, #tpu.memory_space<vmem_shared>> -> memref<10000x128xf32, #tpu.memory_space<vmem_shared>>
      %dma_start3A_285 = tpu.memref_slice %arg10[%rem3A_241] : memref<3x!tpu.dma_semaphore, #tpu.memory_space<semaphore_mem>> -> memref<1x!tpu.dma_semaphore, #tpu.memory_space<semaphore_mem>>
      %dma_start3A_286 = tpu.memref_squeeze %dma_start3A_285 : memref<1x!tpu.dma_semaphore, #tpu.memory_space<semaphore_mem>> -> memref<!tpu.dma_semaphore, #tpu.memory_space<semaphore_mem>>
      tpu.enqueue_indirect_dma source(%dma_start3A_278 : memref<80x128xf32, #tpu.memory_space<vmem>>) target(%dma_start3A_284 : memref<10000x128xf32, #tpu.memory_space<vmem_shared>>) offsets(%dma_start3A_281 : memref<80xi32, #tpu.memory_space<vmem>>) semaphore(%dma_start3A_286 : memref<!tpu.dma_semaphore, #tpu.memory_space<semaphore_mem>>) {add = true}
      %scan3A_287 = arith.constant 0 : i32
      scf.yield %scan3A_287 : i32
    }
    %scan3A_210 = arith.constant 125 : i32
    %rem3A_211 = arith.constant 124 : i32
    %rem3A_212 = arith.constant 4 : i32
    %rem3A_213 = arith.remsi %rem3A_211, %rem3A_212 : i32
    %dma_wait3A_214 = arith.constant 1 : i32
    %dma_wait3A_215 = arith.constant 1 : i32
    %dma_wait3A_216 = arith.constant 0 : i32
    %dma_wait3A_217 = arith.constant 0 : i32
    %dma_wait3A_218 = tpu.memref_slice %arg7[%dma_wait3A_214, %dma_wait3A_216, %dma_wait3A_217] : memref<3x80x128xf32, #tpu.memory_space<vmem>> -> memref<1x80x128xf32, #tpu.memory_space<vmem>>
    %dma_wait3A_219 = tpu.memref_squeeze %dma_wait3A_218 : memref<1x80x128xf32, #tpu.memory_space<vmem>> -> memref<80x128xf32, #tpu.memory_space<vmem>>
    %dma_wait3A_220 = arith.constant 0 : i32
    %dma_wait3A_221 = tpu.memref_slice %arg6[%rem3A_213, %dma_wait3A_220] : memref<4x80xi32, #tpu.memory_space<vmem>> -> memref<1x80xi32, #tpu.memory_space<vmem>>
    %dma_wait3A_222 = tpu.memref_squeeze %dma_wait3A_221 : memref<1x80xi32, #tpu.memory_space<vmem>> -> memref<80xi32, #tpu.memory_space<vmem>>
    %dma_wait3A_223 = arith.constant 0 : i32
    %dma_wait3A_224 = arith.constant 0 : i32
    %dma_wait3A_225 = tpu.memref_slice %arg11[%dma_wait3A_223, %dma_wait3A_224] : memref<10000x128xf32, #tpu.memory_space<vmem_shared>> -> memref<10000x128xf32, #tpu.memory_space<vmem_shared>>
    %dma_wait3A_226 = tpu.memref_slice %arg10[%dma_wait3A_215] : memref<3x!tpu.dma_semaphore, #tpu.memory_space<semaphore_mem>> -> memref<1x!tpu.dma_semaphore, #tpu.memory_space<semaphore_mem>>
    %dma_wait3A_227 = tpu.memref_squeeze %dma_wait3A_226 : memref<1x!tpu.dma_semaphore, #tpu.memory_space<semaphore_mem>> -> memref<!tpu.dma_semaphore, #tpu.memory_space<semaphore_mem>>
    tpu.wait_indirect_dma semaphore(%dma_wait3A_227 : memref<!tpu.dma_semaphore, #tpu.memory_space<semaphore_mem>>) src(%dma_wait3A_219 : memref<80x128xf32, #tpu.memory_space<vmem>>) dst(%dma_wait3A_225 : memref<10000x128xf32, #tpu.memory_space<vmem_shared>>)
    %barrier3A_228 = arith.constant 0 : index
    tpu.barrier barrier_id(%barrier3A_228)
    %mul3A_229 = arith.constant 624 : i32
    %mul3A_230 = arith.muli %arg1, %mul3A_229 : i32
    %mul3A_231 = arith.constant 624 : i32
    %mul3A_232 = arith.muli %arg1, %mul3A_231 : i32
    "tpu.region"() ({
      %run_scoped3A_238 = tpu.sem_alloc : memref<!tpu.dma_semaphore, #tpu.memory_space<semaphore_mem>>
      %dma_start3A_239 = arith.constant 0 : i32
      %dma_start3A_240 = tpu.memref_slice %arg4[%arg0, %mul3A_232, %dma_start3A_239] : memref<2x10000x128xf32, #tpu.memory_space<hbm>> -> memref<1x624x128xf32, #tpu.memory_space<hbm>>
      %dma_start3A_241 = tpu.memref_squeeze %dma_start3A_240 : memref<1x624x128xf32, #tpu.memory_space<hbm>> -> memref<624x128xf32, #tpu.memory_space<hbm>>
      %dma_start3A_242 = arith.constant 0 : i32
      %dma_start3A_243 = tpu.memref_slice %arg11[%mul3A_230, %dma_start3A_242] : memref<10000x128xf32, #tpu.memory_space<vmem_shared>> -> memref<624x128xf32, #tpu.memory_space<vmem_shared>>
      tpu.enqueue_dma source(%dma_start3A_243 : memref<624x128xf32, #tpu.memory_space<vmem_shared>>) target(%dma_start3A_241 : memref<624x128xf32, #tpu.memory_space<hbm>>) target_semaphore(%run_scoped3A_238 : memref<!tpu.dma_semaphore, #tpu.memory_space<semaphore_mem>>)
      %dma_wait3A_244 = arith.constant 0 : i32
      %dma_wait3A_245 = tpu.memref_slice %arg4[%arg0, %mul3A_232, %dma_wait3A_244] : memref<2x10000x128xf32, #tpu.memory_space<hbm>> -> memref<1x624x128xf32, #tpu.memory_space<hbm>>
      %dma_wait3A_246 = tpu.memref_squeeze %dma_wait3A_245 : memref<1x624x128xf32, #tpu.memory_space<hbm>> -> memref<624x128xf32, #tpu.memory_space<hbm>>
      %dma_wait3A_247 = arith.constant 0 : i32
      %dma_wait3A_248 = tpu.memref_slice %arg11[%mul3A_230, %dma_wait3A_247] : memref<10000x128xf32, #tpu.memory_space<vmem_shared>> -> memref<624x128xf32, #tpu.memory_space<vmem_shared>>
      tpu.wait_dma2 semaphore(%run_scoped3A_238 : memref<!tpu.dma_semaphore, #tpu.memory_space<semaphore_mem>>) src(%dma_wait3A_248 : memref<624x128xf32, #tpu.memory_space<vmem_shared>>) dst(%dma_wait3A_246 : memref<624x128xf32, #tpu.memory_space<hbm>>)
      tpu.yield
    }) : () -> ()
    %eq3A_233 = arith.constant 15 : i32
    %eq3A_234 = arith.cmpi eq, %arg1, %eq3A_233 : i32
    %convert_element_type3A_235 = arith.extui %eq3A_234 : i1 to i32
    %cond3A_236 = arith.constant 0 : i32
    %cond3A_237 = arith.cmpi ne, %convert_element_type3A_235, %cond3A_236 : i32
    scf.if %cond3A_237 {
      "tpu.region"() ({
        %run_scoped3A_238 = tpu.sem_alloc : memref<!tpu.dma_semaphore, #tpu.memory_space<semaphore_mem>>
        %dma_start3A_239 = arith.constant 9984 : i32
        %dma_start3A_240 = arith.constant 0 : i32
        %dma_start3A_241 = tpu.memref_slice %arg4[%arg0, %dma_start3A_239, %dma_start3A_240] : memref<2x10000x128xf32, #tpu.memory_space<hbm>> -> memref<1x16x128xf32, #tpu.memory_space<hbm>>
        %dma_start3A_242 = tpu.memref_squeeze %dma_start3A_241 : memref<1x16x128xf32, #tpu.memory_space<hbm>> -> memref<16x128xf32, #tpu.memory_space<hbm>>
        %dma_start3A_243 = arith.constant 9984 : i32
        %dma_start3A_244 = arith.constant 0 : i32
        %dma_start3A_245 = tpu.memref_slice %arg11[%dma_start3A_243, %dma_start3A_244] : memref<10000x128xf32, #tpu.memory_space<vmem_shared>> -> memref<16x128xf32, #tpu.memory_space<vmem_shared>>
        tpu.enqueue_dma source(%dma_start3A_245 : memref<16x128xf32, #tpu.memory_space<vmem_shared>>) target(%dma_start3A_242 : memref<16x128xf32, #tpu.memory_space<hbm>>) target_semaphore(%run_scoped3A_238 : memref<!tpu.dma_semaphore, #tpu.memory_space<semaphore_mem>>)
        %dma_wait3A_246 = arith.constant 9984 : i32
        %dma_wait3A_247 = arith.constant 0 : i32
        %dma_wait3A_248 = tpu.memref_slice %arg4[%arg0, %dma_wait3A_246, %dma_wait3A_247] : memref<2x10000x128xf32, #tpu.memory_space<hbm>> -> memref<1x16x128xf32, #tpu.memory_space<hbm>>
        %dma_wait3A_249 = tpu.memref_squeeze %dma_wait3A_248 : memref<1x16x128xf32, #tpu.memory_space<hbm>> -> memref<16x128xf32, #tpu.memory_space<hbm>>
        %dma_wait3A_250 = arith.constant 9984 : i32
        %dma_wait3A_251 = arith.constant 0 : i32
        %dma_wait3A_252 = tpu.memref_slice %arg11[%dma_wait3A_250, %dma_wait3A_251] : memref<10000x128xf32, #tpu.memory_space<vmem_shared>> -> memref<16x128xf32, #tpu.memory_space<vmem_shared>>
        tpu.wait_dma2 semaphore(%run_scoped3A_238 : memref<!tpu.dma_semaphore, #tpu.memory_space<semaphore_mem>>) src(%dma_wait3A_252 : memref<16x128xf32, #tpu.memory_space<vmem_shared>>) dst(%dma_wait3A_249 : memref<16x128xf32, #tpu.memory_space<hbm>>)
        tpu.yield
      }) : () -> ()
    } else {
    }
    return
  }
}

#map = affine_map<(d0, d1) -> (0)>
#map1 = affine_map<(d0, d1) -> (0, 0, 0)>
module attributes {stable_mosaic.version = 14 : i64} {
  func.func @_sc_deg_body(%arg0: i32, %arg1: i32, %arg2: memref<640000xi32, #tpu.memory_space<hbm>>, %arg3: memref<320000xf32, #tpu.memory_space<hbm>>, %arg4: memref<2x10000x128xf32, #tpu.memory_space<hbm>>, %arg5: memref<5x80xi32, #tpu.memory_space<vmem>>, %arg6: memref<5x80xf32, #tpu.memory_space<vmem>>, %arg7: memref<3x80x128xf32, #tpu.memory_space<vmem>>, %arg8: memref<5x!tpu.dma_semaphore, #tpu.memory_space<semaphore_mem>>, %arg9: memref<3x!tpu.dma_semaphore, #tpu.memory_space<semaphore_mem>>, %arg10: memref<10000x128xf32, #tpu.memory_space<vmem_shared>>) attributes {dimension_semantics = [#tpu.dimension_semantics<core_parallel>, #tpu.dimension_semantics<subcore_parallel>], iteration_bounds = array<i64: 2, 16>, scalar_prefetch = 0 : i64, scratch_operands = 6 : i64, tpu.core_type = #tpu.core_type<sc_vector_subcore>, window_params = [{transform_indices = #map}, {transform_indices = #map}, {transform_indices = #map1}]} {
    %mul3A = arith.constant 16 : i32
    %mul3A_0 = arith.muli %arg0, %mul3A : i32
    %add3A = arith.addi %mul3A_0, %arg1 : i32
    %scan3A = arith.constant 0 : i32
    %scan3A_1 = arith.constant 0 : i32
    %scan3A_2 = arith.constant 0 : i32
    %scan3A_3 = arith.constant 80 : i32
    %scan3A_4 = arith.addi %scan3A_2, %scan3A_3 : i32
    %scan3A_5 = arith.constant 1 : i32
    %scan3A_6 = scf.for %scan3A_182 = %scan3A_2 to %scan3A_4 step %scan3A_5 iter_args(%scan3A_183 = %scan3A_1) -> (i32)  : i32 {
      %scan3A_184 = arith.constant 0 : i32
      %scan3A_185 = arith.constant 0 : i32
      %scan3A_186 = arith.constant 8 : i32
      %scan3A_187 = arith.addi %scan3A_185, %scan3A_186 : i32
      %scan3A_188 = arith.constant 1 : i32
      %scan3A_189 = scf.for %scan3A_191 = %scan3A_185 to %scan3A_187 step %scan3A_188 iter_args(%scan3A_192 = %scan3A_184) -> (i32)  : i32 {
        %broadcast_in_dim3A_193 = arith.constant 0.000000e+00 : f32
        %broadcast_in_dim3A_194 = vector.broadcast %broadcast_in_dim3A_193 : f32 to vector<16xf32>
        %mul3A_195 = arith.constant 16 : i32
        %mul3A_196 = arith.muli %scan3A_191, %mul3A_195 : i32
        %swap3A = arith.constant 0 : i32
        %swap3A_197 = arith.constant 0 : i32
        %swap3A_198 = tpu.memref_slice %arg7[%scan3A, %swap3A, %swap3A_197] : memref<3x80x128xf32, #tpu.memory_space<vmem>> -> memref<1x80x128xf32, #tpu.memory_space<vmem>>
        %swap3A_199 = tpu.memref_squeeze %swap3A_198 : memref<1x80x128xf32, #tpu.memory_space<vmem>> -> memref<80x128xf32, #tpu.memory_space<vmem>>
        %swap3A_200 = arith.index_cast %scan3A_182 : i32 to index
        %swap3A_201 = arith.index_cast %mul3A_196 : i32 to index
        %swap3A_202 = tpu.vector_load %swap3A_199[%swap3A_200, %swap3A_201] {strides = array<i32>} : memref<80x128xf32, #tpu.memory_space<vmem>>, vector<1x16xf32>,
        %swap3A_203 = vector.shape_cast %swap3A_202 : vector<1x16xf32> to vector<16xf32>
        %swap3A_204 = vector.shape_cast %broadcast_in_dim3A_194 : vector<16xf32> to vector<1x16xf32>
        tpu.vector_store %swap3A_199[%swap3A_200, %swap3A_201], %swap3A_204 {strides = array<i32>} : memref<80x128xf32, #tpu.memory_space<vmem>>, vector<1x16xf32>,
        %scan3A_205 = arith.constant 0 : i32
        scf.yield %scan3A_205 : i32
      }
      %scan3A_190 = arith.constant 8 : i32
      scf.yield %scan3A_189 : i32
    }
    %scan3A_7 = arith.constant 80 : i32
    %scan3A_8 = arith.constant 0 : i32
    %scan3A_9 = arith.constant 0 : i32
    %scan3A_10 = arith.constant 0 : i32
    %scan3A_11 = arith.constant 7 : i32
    %scan3A_12 = arith.addi %scan3A_10, %scan3A_11 : i32
    %scan3A_13 = arith.constant 1 : i32
    %scan3A_14 = scf.for %scan3A_182 = %scan3A_10 to %scan3A_12 step %scan3A_13 iter_args(%scan3A_183 = %scan3A_9) -> (i32)  : i32 {
      %mul3A_184 = arith.constant 624 : i32
      %mul3A_185 = arith.muli %arg1, %mul3A_184 : i32
      %mul3A_186 = arith.constant 80 : i32
      %mul3A_187 = arith.muli %scan3A_182, %mul3A_186 : i32
      %add3A_188 = arith.addi %mul3A_185, %mul3A_187 : i32
      "tpu.region"() ({
        %run_scoped3A_190 = tpu.sem_alloc : memref<!tpu.dma_semaphore, #tpu.memory_space<semaphore_mem>>
        %dma_start3A_191 = arith.constant 0 : i32
        %dma_start3A_192 = arith.constant 0 : i32
        %dma_start3A_193 = tpu.memref_slice %arg7[%scan3A_8, %dma_start3A_191, %dma_start3A_192] : memref<3x80x128xf32, #tpu.memory_space<vmem>> -> memref<1x80x128xf32, #tpu.memory_space<vmem>>
        %dma_start3A_194 = tpu.memref_squeeze %dma_start3A_193 : memref<1x80x128xf32, #tpu.memory_space<vmem>> -> memref<80x128xf32, #tpu.memory_space<vmem>>
        %dma_start3A_195 = arith.constant 0 : i32
        %dma_start3A_196 = tpu.memref_slice %arg10[%add3A_188, %dma_start3A_195] : memref<10000x128xf32, #tpu.memory_space<vmem_shared>> -> memref<80x128xf32, #tpu.memory_space<vmem_shared>>
        %dma_start3A_197 = arith.constant 0 : i32
        %dma_start3A_198 = tpu.memref_slice %arg10[%add3A_188, %dma_start3A_197] : memref<10000x128xf32, #tpu.memory_space<vmem_shared>> -> memref<80x128xf32, #tpu.memory_space<vmem_shared>>
        %dma_start3A_199 = arith.constant 0 : i32
        %dma_start3A_200 = arith.constant 0 : i32
        %dma_start3A_201 = tpu.memref_slice %arg7[%scan3A_8, %dma_start3A_199, %dma_start3A_200] : memref<3x80x128xf32, #tpu.memory_space<vmem>> -> memref<1x80x128xf32, #tpu.memory_space<vmem>>
        %dma_start3A_202 = tpu.memref_squeeze %dma_start3A_201 : memref<1x80x128xf32, #tpu.memory_space<vmem>> -> memref<80x128xf32, #tpu.memory_space<vmem>>
        tpu.enqueue_dma source(%dma_start3A_202 : memref<80x128xf32, #tpu.memory_space<vmem>>) target(%dma_start3A_198 : memref<80x128xf32, #tpu.memory_space<vmem_shared>>) target_semaphore(%run_scoped3A_190 : memref<!tpu.dma_semaphore, #tpu.memory_space<semaphore_mem>>)
        %dma_wait3A_203 = arith.constant 0 : i32
        %dma_wait3A_204 = arith.constant 0 : i32
        %dma_wait3A_205 = tpu.memref_slice %arg7[%scan3A_8, %dma_wait3A_203, %dma_wait3A_204] : memref<3x80x128xf32, #tpu.memory_space<vmem>> -> memref<1x80x128xf32, #tpu.memory_space<vmem>>
        %dma_wait3A_206 = tpu.memref_squeeze %dma_wait3A_205 : memref<1x80x128xf32, #tpu.memory_space<vmem>> -> memref<80x128xf32, #tpu.memory_space<vmem>>
        %dma_wait3A_207 = arith.constant 0 : i32
        %dma_wait3A_208 = tpu.memref_slice %arg10[%add3A_188, %dma_wait3A_207] : memref<10000x128xf32, #tpu.memory_space<vmem_shared>> -> memref<80x128xf32, #tpu.memory_space<vmem_shared>>
        %dma_wait3A_209 = arith.constant 0 : i32
        %dma_wait3A_210 = tpu.memref_slice %arg10[%add3A_188, %dma_wait3A_209] : memref<10000x128xf32, #tpu.memory_space<vmem_shared>> -> memref<80x128xf32, #tpu.memory_space<vmem_shared>>
        %dma_wait3A_211 = arith.constant 0 : i32
        %dma_wait3A_212 = arith.constant 0 : i32
        %dma_wait3A_213 = tpu.memref_slice %arg7[%scan3A_8, %dma_wait3A_211, %dma_wait3A_212] : memref<3x80x128xf32, #tpu.memory_space<vmem>> -> memref<1x80x128xf32, #tpu.memory_space<vmem>>
        %dma_wait3A_214 = tpu.memref_squeeze %dma_wait3A_213 : memref<1x80x128xf32, #tpu.memory_space<vmem>> -> memref<80x128xf32, #tpu.memory_space<vmem>>
        tpu.wait_dma2 semaphore(%run_scoped3A_190 : memref<!tpu.dma_semaphore, #tpu.memory_space<semaphore_mem>>) src(%dma_wait3A_214 : memref<80x128xf32, #tpu.memory_space<vmem>>) dst(%dma_wait3A_210 : memref<80x128xf32, #tpu.memory_space<vmem_shared>>)
        tpu.yield
      }) : () -> ()
      %scan3A_189 = arith.constant 0 : i32
      scf.yield %scan3A_189 : i32
    }
    %scan3A_15 = arith.constant 7 : i32
    %mul3A_16 = arith.constant 624 : i32
    %mul3A_17 = arith.muli %arg1, %mul3A_16 : i32
    %add3A_18 = arith.constant 560 : i32
    %add3A_19 = arith.addi %mul3A_17, %add3A_18 : i32
    %run_scoped3A = arith.constant 0 : i32
    "tpu.region"() ({
      %run_scoped3A_182 = tpu.sem_alloc : memref<!tpu.dma_semaphore, #tpu.memory_space<semaphore_mem>>
      %dma_start3A_183 = arith.constant 0 : i32
      %dma_start3A_184 = arith.constant 0 : i32
      %dma_start3A_185 = tpu.memref_slice %arg7[%run_scoped3A, %dma_start3A_183, %dma_start3A_184] : memref<3x80x128xf32, #tpu.memory_space<vmem>> -> memref<1x80x128xf32, #tpu.memory_space<vmem>>
      %dma_start3A_186 = tpu.memref_squeeze %dma_start3A_185 : memref<1x80x128xf32, #tpu.memory_space<vmem>> -> memref<80x128xf32, #tpu.memory_space<vmem>>
      %dma_start3A_187 = arith.constant 0 : i32
      %dma_start3A_188 = arith.constant 0 : i32
      %dma_start3A_189 = tpu.memref_slice %dma_start3A_186[%dma_start3A_187, %dma_start3A_188] : memref<80x128xf32, #tpu.memory_space<vmem>> -> memref<64x128xf32, #tpu.memory_space<vmem>>
      %dma_start3A_190 = arith.constant 0 : i32
      %dma_start3A_191 = tpu.memref_slice %arg10[%add3A_19, %dma_start3A_190] : memref<10000x128xf32, #tpu.memory_space<vmem_shared>> -> memref<64x128xf32, #tpu.memory_space<vmem_shared>>
      %dma_start3A_192 = arith.constant 0 : i32
      %dma_start3A_193 = tpu.memref_slice %arg10[%add3A_19, %dma_start3A_192] : memref<10000x128xf32, #tpu.memory_space<vmem_shared>> -> memref<64x128xf32, #tpu.memory_space<vmem_shared>>
      %dma_start3A_194 = arith.constant 0 : i32
      %dma_start3A_195 = arith.constant 0 : i32
      %dma_start3A_196 = tpu.memref_slice %arg7[%run_scoped3A, %dma_start3A_194, %dma_start3A_195] : memref<3x80x128xf32, #tpu.memory_space<vmem>> -> memref<1x80x128xf32, #tpu.memory_space<vmem>>
      %dma_start3A_197 = tpu.memref_squeeze %dma_start3A_196 : memref<1x80x128xf32, #tpu.memory_space<vmem>> -> memref<80x128xf32, #tpu.memory_space<vmem>>
      %dma_start3A_198 = arith.constant 0 : i32
      %dma_start3A_199 = arith.constant 0 : i32
      %dma_start3A_200 = tpu.memref_slice %dma_start3A_197[%dma_start3A_198, %dma_start3A_199] : memref<80x128xf32, #tpu.memory_space<vmem>> -> memref<64x128xf32, #tpu.memory_space<vmem>>
      tpu.enqueue_dma source(%dma_start3A_200 : memref<64x128xf32, #tpu.memory_space<vmem>>) target(%dma_start3A_193 : memref<64x128xf32, #tpu.memory_space<vmem_shared>>) target_semaphore(%run_scoped3A_182 : memref<!tpu.dma_semaphore, #tpu.memory_space<semaphore_mem>>)
      %dma_wait3A_201 = arith.constant 0 : i32
      %dma_wait3A_202 = arith.constant 0 : i32
      %dma_wait3A_203 = tpu.memref_slice %arg7[%run_scoped3A, %dma_wait3A_201, %dma_wait3A_202] : memref<3x80x128xf32, #tpu.memory_space<vmem>> -> memref<1x80x128xf32, #tpu.memory_space<vmem>>
      %dma_wait3A_204 = tpu.memref_squeeze %dma_wait3A_203 : memref<1x80x128xf32, #tpu.memory_space<vmem>> -> memref<80x128xf32, #tpu.memory_space<vmem>>
      %dma_wait3A_205 = arith.constant 0 : i32
      %dma_wait3A_206 = arith.constant 0 : i32
      %dma_wait3A_207 = tpu.memref_slice %dma_wait3A_204[%dma_wait3A_205, %dma_wait3A_206] : memref<80x128xf32, #tpu.memory_space<vmem>> -> memref<64x128xf32, #tpu.memory_space<vmem>>
      %dma_wait3A_208 = arith.constant 0 : i32
      %dma_wait3A_209 = tpu.memref_slice %arg10[%add3A_19, %dma_wait3A_208] : memref<10000x128xf32, #tpu.memory_space<vmem_shared>> -> memref<64x128xf32, #tpu.memory_space<vmem_shared>>
      %dma_wait3A_210 = arith.constant 0 : i32
      %dma_wait3A_211 = tpu.memref_slice %arg10[%add3A_19, %dma_wait3A_210] : memref<10000x128xf32, #tpu.memory_space<vmem_shared>> -> memref<64x128xf32, #tpu.memory_space<vmem_shared>>
      %dma_wait3A_212 = arith.constant 0 : i32
      %dma_wait3A_213 = arith.constant 0 : i32
      %dma_wait3A_214 = tpu.memref_slice %arg7[%run_scoped3A, %dma_wait3A_212, %dma_wait3A_213] : memref<3x80x128xf32, #tpu.memory_space<vmem>> -> memref<1x80x128xf32, #tpu.memory_space<vmem>>
      %dma_wait3A_215 = tpu.memref_squeeze %dma_wait3A_214 : memref<1x80x128xf32, #tpu.memory_space<vmem>> -> memref<80x128xf32, #tpu.memory_space<vmem>>
      %dma_wait3A_216 = arith.constant 0 : i32
      %dma_wait3A_217 = arith.constant 0 : i32
      %dma_wait3A_218 = tpu.memref_slice %dma_wait3A_215[%dma_wait3A_216, %dma_wait3A_217] : memref<80x128xf32, #tpu.memory_space<vmem>> -> memref<64x128xf32, #tpu.memory_space<vmem>>
      tpu.wait_dma2 semaphore(%run_scoped3A_182 : memref<!tpu.dma_semaphore, #tpu.memory_space<semaphore_mem>>) src(%dma_wait3A_218 : memref<64x128xf32, #tpu.memory_space<vmem>>) dst(%dma_wait3A_211 : memref<64x128xf32, #tpu.memory_space<vmem_shared>>)
      tpu.yield
    }) : () -> ()
    %eq3A = arith.constant 15 : i32
    %eq3A_20 = arith.cmpi eq, %arg1, %eq3A : i32
    %convert_element_type3A = arith.extui %eq3A_20 : i1 to i32
    %cond3A = arith.constant 0 : i32
    %cond3A_21 = arith.constant 0 : i32
    %cond3A_22 = arith.cmpi ne, %convert_element_type3A, %cond3A_21 : i32
    scf.if %cond3A_22 {
      "tpu.region"() ({
        %run_scoped3A_182 = tpu.sem_alloc : memref<!tpu.dma_semaphore, #tpu.memory_space<semaphore_mem>>
        %dma_start3A_183 = arith.constant 0 : i32
        %dma_start3A_184 = arith.constant 0 : i32
        %dma_start3A_185 = tpu.memref_slice %arg7[%cond3A, %dma_start3A_183, %dma_start3A_184] : memref<3x80x128xf32, #tpu.memory_space<vmem>> -> memref<1x80x128xf32, #tpu.memory_space<vmem>>
        %dma_start3A_186 = tpu.memref_squeeze %dma_start3A_185 : memref<1x80x128xf32, #tpu.memory_space<vmem>> -> memref<80x128xf32, #tpu.memory_space<vmem>>
        %dma_start3A_187 = arith.constant 0 : i32
        %dma_start3A_188 = arith.constant 0 : i32
        %dma_start3A_189 = tpu.memref_slice %dma_start3A_186[%dma_start3A_187, %dma_start3A_188] : memref<80x128xf32, #tpu.memory_space<vmem>> -> memref<16x128xf32, #tpu.memory_space<vmem>>
        %dma_start3A_190 = arith.constant 9984 : i32
        %dma_start3A_191 = arith.constant 0 : i32
        %dma_start3A_192 = tpu.memref_slice %arg10[%dma_start3A_190, %dma_start3A_191] : memref<10000x128xf32, #tpu.memory_space<vmem_shared>> -> memref<16x128xf32, #tpu.memory_space<vmem_shared>>
        %dma_start3A_193 = arith.constant 9984 : i32
        %dma_start3A_194 = arith.constant 0 : i32
        %dma_start3A_195 = tpu.memref_slice %arg10[%dma_start3A_193, %dma_start3A_194] : memref<10000x128xf32, #tpu.memory_space<vmem_shared>> -> memref<16x128xf32, #tpu.memory_space<vmem_shared>>
        %dma_start3A_196 = arith.constant 0 : i32
        %dma_start3A_197 = arith.constant 0 : i32
        %dma_start3A_198 = tpu.memref_slice %arg7[%cond3A, %dma_start3A_196, %dma_start3A_197] : memref<3x80x128xf32, #tpu.memory_space<vmem>> -> memref<1x80x128xf32, #tpu.memory_space<vmem>>
        %dma_start3A_199 = tpu.memref_squeeze %dma_start3A_198 : memref<1x80x128xf32, #tpu.memory_space<vmem>> -> memref<80x128xf32, #tpu.memory_space<vmem>>
        %dma_start3A_200 = arith.constant 0 : i32
        %dma_start3A_201 = arith.constant 0 : i32
        %dma_start3A_202 = tpu.memref_slice %dma_start3A_199[%dma_start3A_200, %dma_start3A_201] : memref<80x128xf32, #tpu.memory_space<vmem>> -> memref<16x128xf32, #tpu.memory_space<vmem>>
        tpu.enqueue_dma source(%dma_start3A_202 : memref<16x128xf32, #tpu.memory_space<vmem>>) target(%dma_start3A_195 : memref<16x128xf32, #tpu.memory_space<vmem_shared>>) target_semaphore(%run_scoped3A_182 : memref<!tpu.dma_semaphore, #tpu.memory_space<semaphore_mem>>)
        %dma_wait3A_203 = arith.constant 0 : i32
        %dma_wait3A_204 = arith.constant 0 : i32
        %dma_wait3A_205 = tpu.memref_slice %arg7[%cond3A, %dma_wait3A_203, %dma_wait3A_204] : memref<3x80x128xf32, #tpu.memory_space<vmem>> -> memref<1x80x128xf32, #tpu.memory_space<vmem>>
        %dma_wait3A_206 = tpu.memref_squeeze %dma_wait3A_205 : memref<1x80x128xf32, #tpu.memory_space<vmem>> -> memref<80x128xf32, #tpu.memory_space<vmem>>
        %dma_wait3A_207 = arith.constant 0 : i32
        %dma_wait3A_208 = arith.constant 0 : i32
        %dma_wait3A_209 = tpu.memref_slice %dma_wait3A_206[%dma_wait3A_207, %dma_wait3A_208] : memref<80x128xf32, #tpu.memory_space<vmem>> -> memref<16x128xf32, #tpu.memory_space<vmem>>
        %dma_wait3A_210 = arith.constant 9984 : i32
        %dma_wait3A_211 = arith.constant 0 : i32
        %dma_wait3A_212 = tpu.memref_slice %arg10[%dma_wait3A_210, %dma_wait3A_211] : memref<10000x128xf32, #tpu.memory_space<vmem_shared>> -> memref<16x128xf32, #tpu.memory_space<vmem_shared>>
        %dma_wait3A_213 = arith.constant 9984 : i32
        %dma_wait3A_214 = arith.constant 0 : i32
        %dma_wait3A_215 = tpu.memref_slice %arg10[%dma_wait3A_213, %dma_wait3A_214] : memref<10000x128xf32, #tpu.memory_space<vmem_shared>> -> memref<16x128xf32, #tpu.memory_space<vmem_shared>>
        %dma_wait3A_216 = arith.constant 0 : i32
        %dma_wait3A_217 = arith.constant 0 : i32
        %dma_wait3A_218 = tpu.memref_slice %arg7[%cond3A, %dma_wait3A_216, %dma_wait3A_217] : memref<3x80x128xf32, #tpu.memory_space<vmem>> -> memref<1x80x128xf32, #tpu.memory_space<vmem>>
        %dma_wait3A_219 = tpu.memref_squeeze %dma_wait3A_218 : memref<1x80x128xf32, #tpu.memory_space<vmem>> -> memref<80x128xf32, #tpu.memory_space<vmem>>
        %dma_wait3A_220 = arith.constant 0 : i32
        %dma_wait3A_221 = arith.constant 0 : i32
        %dma_wait3A_222 = tpu.memref_slice %dma_wait3A_219[%dma_wait3A_220, %dma_wait3A_221] : memref<80x128xf32, #tpu.memory_space<vmem>> -> memref<16x128xf32, #tpu.memory_space<vmem>>
        tpu.wait_dma2 semaphore(%run_scoped3A_182 : memref<!tpu.dma_semaphore, #tpu.memory_space<semaphore_mem>>) src(%dma_wait3A_222 : memref<16x128xf32, #tpu.memory_space<vmem>>) dst(%dma_wait3A_215 : memref<16x128xf32, #tpu.memory_space<vmem_shared>>)
        tpu.yield
      }) : () -> ()
    } else {
    }
    %scan3A_23 = arith.constant 1 : i32
    %scan3A_24 = arith.constant 0 : i32
    %scan3A_25 = arith.constant 0 : i32
    %scan3A_26 = arith.constant 80 : i32
    %scan3A_27 = arith.addi %scan3A_25, %scan3A_26 : i32
    %scan3A_28 = arith.constant 1 : i32
    %scan3A_29 = scf.for %scan3A_182 = %scan3A_25 to %scan3A_27 step %scan3A_28 iter_args(%scan3A_183 = %scan3A_24) -> (i32)  : i32 {
      %scan3A_184 = arith.constant 0 : i32
      %scan3A_185 = arith.constant 0 : i32
      %scan3A_186 = arith.constant 8 : i32
      %scan3A_187 = arith.addi %scan3A_185, %scan3A_186 : i32
      %scan3A_188 = arith.constant 1 : i32
      %scan3A_189 = scf.for %scan3A_191 = %scan3A_185 to %scan3A_187 step %scan3A_188 iter_args(%scan3A_192 = %scan3A_184) -> (i32)  : i32 {
        %broadcast_in_dim3A_193 = arith.constant 0.000000e+00 : f32
        %broadcast_in_dim3A_194 = vector.broadcast %broadcast_in_dim3A_193 : f32 to vector<16xf32>
        %mul3A_195 = arith.constant 16 : i32
        %mul3A_196 = arith.muli %scan3A_191, %mul3A_195 : i32
        %swap3A = arith.constant 0 : i32
        %swap3A_197 = arith.constant 0 : i32
        %swap3A_198 = tpu.memref_slice %arg7[%scan3A_23, %swap3A, %swap3A_197] : memref<3x80x128xf32, #tpu.memory_space<vmem>> -> memref<1x80x128xf32, #tpu.memory_space<vmem>>
        %swap3A_199 = tpu.memref_squeeze %swap3A_198 : memref<1x80x128xf32, #tpu.memory_space<vmem>> -> memref<80x128xf32, #tpu.memory_space<vmem>>
        %swap3A_200 = arith.index_cast %scan3A_182 : i32 to index
        %swap3A_201 = arith.index_cast %mul3A_196 : i32 to index
        %swap3A_202 = tpu.vector_load %swap3A_199[%swap3A_200, %swap3A_201] {strides = array<i32>} : memref<80x128xf32, #tpu.memory_space<vmem>>, vector<1x16xf32>,
        %swap3A_203 = vector.shape_cast %swap3A_202 : vector<1x16xf32> to vector<16xf32>
        %swap3A_204 = vector.shape_cast %broadcast_in_dim3A_194 : vector<16xf32> to vector<1x16xf32>
        tpu.vector_store %swap3A_199[%swap3A_200, %swap3A_201], %swap3A_204 {strides = array<i32>} : memref<80x128xf32, #tpu.memory_space<vmem>>, vector<1x16xf32>,
        %scan3A_205 = arith.constant 0 : i32
        scf.yield %scan3A_205 : i32
      }
      %scan3A_190 = arith.constant 8 : i32
      scf.yield %scan3A_189 : i32
    }
    %scan3A_30 = arith.constant 80 : i32
    %scan3A_31 = arith.constant 2 : i32
    %scan3A_32 = arith.constant 0 : i32
    %scan3A_33 = arith.constant 0 : i32
    %scan3A_34 = arith.constant 80 : i32
    %scan3A_35 = arith.addi %scan3A_33, %scan3A_34 : i32
    %scan3A_36 = arith.constant 1 : i32
    %scan3A_37 = scf.for %scan3A_182 = %scan3A_33 to %scan3A_35 step %scan3A_36 iter_args(%scan3A_183 = %scan3A_32) -> (i32)  : i32 {
      %scan3A_184 = arith.constant 0 : i32
      %scan3A_185 = arith.constant 0 : i32
      %scan3A_186 = arith.constant 8 : i32
      %scan3A_187 = arith.addi %scan3A_185, %scan3A_186 : i32
      %scan3A_188 = arith.constant 1 : i32
      %scan3A_189 = scf.for %scan3A_191 = %scan3A_185 to %scan3A_187 step %scan3A_188 iter_args(%scan3A_192 = %scan3A_184) -> (i32)  : i32 {
        %broadcast_in_dim3A_193 = arith.constant 0.000000e+00 : f32
        %broadcast_in_dim3A_194 = vector.broadcast %broadcast_in_dim3A_193 : f32 to vector<16xf32>
        %mul3A_195 = arith.constant 16 : i32
        %mul3A_196 = arith.muli %scan3A_191, %mul3A_195 : i32
        %swap3A = arith.constant 0 : i32
        %swap3A_197 = arith.constant 0 : i32
        %swap3A_198 = tpu.memref_slice %arg7[%scan3A_31, %swap3A, %swap3A_197] : memref<3x80x128xf32, #tpu.memory_space<vmem>> -> memref<1x80x128xf32, #tpu.memory_space<vmem>>
        %swap3A_199 = tpu.memref_squeeze %swap3A_198 : memref<1x80x128xf32, #tpu.memory_space<vmem>> -> memref<80x128xf32, #tpu.memory_space<vmem>>
        %swap3A_200 = arith.index_cast %scan3A_182 : i32 to index
        %swap3A_201 = arith.index_cast %mul3A_196 : i32 to index
        %swap3A_202 = tpu.vector_load %swap3A_199[%swap3A_200, %swap3A_201] {strides = array<i32>} : memref<80x128xf32, #tpu.memory_space<vmem>>, vector<1x16xf32>,
        %swap3A_203 = vector.shape_cast %swap3A_202 : vector<1x16xf32> to vector<16xf32>
        %swap3A_204 = vector.shape_cast %broadcast_in_dim3A_194 : vector<16xf32> to vector<1x16xf32>
        tpu.vector_store %swap3A_199[%swap3A_200, %swap3A_201], %swap3A_204 {strides = array<i32>} : memref<80x128xf32, #tpu.memory_space<vmem>>, vector<1x16xf32>,
        %scan3A_205 = arith.constant 0 : i32
        scf.yield %scan3A_205 : i32
      }
      %scan3A_190 = arith.constant 8 : i32
      scf.yield %scan3A_189 : i32
    }
    %scan3A_38 = arith.constant 80 : i32
    %barrier3A = arith.constant 0 : index
    tpu.barrier barrier_id(%barrier3A)
    %iota3A = tpu.iota {dimensions = array<i32: 0>} : vector<16xi32>
    %eq3A_39 = arith.constant 1 : i32
    %eq3A_40 = vector.broadcast %eq3A_39 : i32 to vector<16xi32>
    %eq3A_41 = arith.cmpi eq, %iota3A, %eq3A_40 : vector<16xi32>
    %jit3A = arith.constant 1.000000e+00 : f32
    %jit3A_42 = arith.constant 0.000000e+00 : f32
    %broadcast_in_dim3A = vector.broadcast %jit3A : f32 to vector<16xf32>
    %broadcast_in_dim3A_43 = vector.broadcast %jit3A_42 : f32 to vector<16xf32>
    %select_n3A = arith.select %eq3A_41, %broadcast_in_dim3A, %broadcast_in_dim3A_43 : vector<16xi1>, vector<16xf32>
    %mul3A_44 = arith.constant 10000 : i32
    %mul3A_45 = arith.muli %add3A, %mul3A_44 : i32
    %add3A_46 = arith.constant 0 : i32
    %add3A_47 = arith.addi %mul3A_45, %add3A_46 : i32
    %add3A_48 = arith.constant 320000 : i32
    %add3A_49 = arith.addi %add3A_48, %add3A_47 : i32
    %dma_start3A = arith.constant 0 : i32
    %dma_start3A_50 = arith.constant 0 : i32
    %dma_start3A_51 = arith.constant 0 : i32
    %dma_start3A_52 = tpu.memref_slice %arg5[%dma_start3A, %dma_start3A_51] : memref<5x80xi32, #tpu.memory_space<vmem>> -> memref<1x80xi32, #tpu.memory_space<vmem>>
    %dma_start3A_53 = tpu.memref_squeeze %dma_start3A_52 : memref<1x80xi32, #tpu.memory_space<vmem>> -> memref<80xi32, #tpu.memory_space<vmem>>
    %dma_start3A_54 = tpu.memref_slice %arg2[%add3A_49] : memref<640000xi32, #tpu.memory_space<hbm>> -> memref<80xi32, #tpu.memory_space<hbm>>
    %dma_start3A_55 = tpu.memref_slice %arg8[%dma_start3A_50] : memref<5x!tpu.dma_semaphore, #tpu.memory_space<semaphore_mem>> -> memref<1x!tpu.dma_semaphore, #tpu.memory_space<semaphore_mem>>
    %dma_start3A_56 = tpu.memref_squeeze %dma_start3A_55 : memref<1x!tpu.dma_semaphore, #tpu.memory_space<semaphore_mem>> -> memref<!tpu.dma_semaphore, #tpu.memory_space<semaphore_mem>>
    %dma_start3A_57 = arith.constant 0 : i32
    %dma_start3A_58 = tpu.memref_slice %arg5[%dma_start3A, %dma_start3A_57] : memref<5x80xi32, #tpu.memory_space<vmem>> -> memref<1x80xi32, #tpu.memory_space<vmem>>
    %dma_start3A_59 = tpu.memref_squeeze %dma_start3A_58 : memref<1x80xi32, #tpu.memory_space<vmem>> -> memref<80xi32, #tpu.memory_space<vmem>>
    %dma_start3A_60 = tpu.memref_slice %arg2[%add3A_49] : memref<640000xi32, #tpu.memory_space<hbm>> -> memref<80xi32, #tpu.memory_space<hbm>>
    tpu.enqueue_dma source(%dma_start3A_60 : memref<80xi32, #tpu.memory_space<hbm>>) target(%dma_start3A_59 : memref<80xi32, #tpu.memory_space<vmem>>) target_semaphore(%dma_start3A_56 : memref<!tpu.dma_semaphore, #tpu.memory_space<semaphore_mem>>)
    %dma_start3A_61 = arith.constant 0 : i32
    %dma_start3A_62 = arith.constant 0 : i32
    %dma_start3A_63 = arith.constant 0 : i32
    %dma_start3A_64 = tpu.memref_slice %arg6[%dma_start3A_61, %dma_start3A_63] : memref<5x80xf32, #tpu.memory_space<vmem>> -> memref<1x80xf32, #tpu.memory_space<vmem>>
    %dma_start3A_65 = tpu.memref_squeeze %dma_start3A_64 : memref<1x80xf32, #tpu.memory_space<vmem>> -> memref<80xf32, #tpu.memory_space<vmem>>
    %dma_start3A_66 = tpu.memref_slice %arg3[%add3A_47] : memref<320000xf32, #tpu.memory_space<hbm>> -> memref<80xf32, #tpu.memory_space<hbm>>
    %dma_start3A_67 = tpu.memref_slice %arg8[%dma_start3A_62] : memref<5x!tpu.dma_semaphore, #tpu.memory_space<semaphore_mem>> -> memref<1x!tpu.dma_semaphore, #tpu.memory_space<semaphore_mem>>
    %dma_start3A_68 = tpu.memref_squeeze %dma_start3A_67 : memref<1x!tpu.dma_semaphore, #tpu.memory_space<semaphore_mem>> -> memref<!tpu.dma_semaphore, #tpu.memory_space<semaphore_mem>>
    %dma_start3A_69 = arith.constant 0 : i32
    %dma_start3A_70 = tpu.memref_slice %arg6[%dma_start3A_61, %dma_start3A_69] : memref<5x80xf32, #tpu.memory_space<vmem>> -> memref<1x80xf32, #tpu.memory_space<vmem>>
    %dma_start3A_71 = tpu.memref_squeeze %dma_start3A_70 : memref<1x80xf32, #tpu.memory_space<vmem>> -> memref<80xf32, #tpu.memory_space<vmem>>
    %dma_start3A_72 = tpu.memref_slice %arg3[%add3A_47] : memref<320000xf32, #tpu.memory_space<hbm>> -> memref<80xf32, #tpu.memory_space<hbm>>
    tpu.enqueue_dma source(%dma_start3A_72 : memref<80xf32, #tpu.memory_space<hbm>>) target(%dma_start3A_71 : memref<80xf32, #tpu.memory_space<vmem>>) target_semaphore(%dma_start3A_68 : memref<!tpu.dma_semaphore, #tpu.memory_space<semaphore_mem>>)
    %mul3A_73 = arith.constant 10000 : i32
    %mul3A_74 = arith.muli %add3A, %mul3A_73 : i32
    %add3A_75 = arith.constant 80 : i32
    %add3A_76 = arith.addi %mul3A_74, %add3A_75 : i32
    %add3A_77 = arith.constant 320000 : i32
    %add3A_78 = arith.addi %add3A_77, %add3A_76 : i32
    %dma_start3A_79 = arith.constant 1 : i32
    %dma_start3A_80 = arith.constant 1 : i32
    %dma_start3A_81 = arith.constant 0 : i32
    %dma_start3A_82 = tpu.memref_slice %arg5[%dma_start3A_79, %dma_start3A_81] : memref<5x80xi32, #tpu.memory_space<vmem>> -> memref<1x80xi32, #tpu.memory_space<vmem>>
    %dma_start3A_83 = tpu.memref_squeeze %dma_start3A_82 : memref<1x80xi32, #tpu.memory_space<vmem>> -> memref<80xi32, #tpu.memory_space<vmem>>
    %dma_start3A_84 = tpu.memref_slice %arg2[%add3A_78] : memref<640000xi32, #tpu.memory_space<hbm>> -> memref<80xi32, #tpu.memory_space<hbm>>
    %dma_start3A_85 = tpu.memref_slice %arg8[%dma_start3A_80] : memref<5x!tpu.dma_semaphore, #tpu.memory_space<semaphore_mem>> -> memref<1x!tpu.dma_semaphore, #tpu.memory_space<semaphore_mem>>
    %dma_start3A_86 = tpu.memref_squeeze %dma_start3A_85 : memref<1x!tpu.dma_semaphore, #tpu.memory_space<semaphore_mem>> -> memref<!tpu.dma_semaphore, #tpu.memory_space<semaphore_mem>>
    %dma_start3A_87 = arith.constant 0 : i32
    %dma_start3A_88 = tpu.memref_slice %arg5[%dma_start3A_79, %dma_start3A_87] : memref<5x80xi32, #tpu.memory_space<vmem>> -> memref<1x80xi32, #tpu.memory_space<vmem>>
    %dma_start3A_89 = tpu.memref_squeeze %dma_start3A_88 : memref<1x80xi32, #tpu.memory_space<vmem>> -> memref<80xi32, #tpu.memory_space<vmem>>
    %dma_start3A_90 = tpu.memref_slice %arg2[%add3A_78] : memref<640000xi32, #tpu.memory_space<hbm>> -> memref<80xi32, #tpu.memory_space<hbm>>
    tpu.enqueue_dma source(%dma_start3A_90 : memref<80xi32, #tpu.memory_space<hbm>>) target(%dma_start3A_89 : memref<80xi32, #tpu.memory_space<vmem>>) target_semaphore(%dma_start3A_86 : memref<!tpu.dma_semaphore, #tpu.memory_space<semaphore_mem>>)
    %dma_start3A_91 = arith.constant 1 : i32
    %dma_start3A_92 = arith.constant 1 : i32
    %dma_start3A_93 = arith.constant 0 : i32
    %dma_start3A_94 = tpu.memref_slice %arg6[%dma_start3A_91, %dma_start3A_93] : memref<5x80xf32, #tpu.memory_space<vmem>> -> memref<1x80xf32, #tpu.memory_space<vmem>>
    %dma_start3A_95 = tpu.memref_squeeze %dma_start3A_94 : memref<1x80xf32, #tpu.memory_space<vmem>> -> memref<80xf32, #tpu.memory_space<vmem>>
    %dma_start3A_96 = tpu.memref_slice %arg3[%add3A_76] : memref<320000xf32, #tpu.memory_space<hbm>> -> memref<80xf32, #tpu.memory_space<hbm>>
    %dma_start3A_97 = tpu.memref_slice %arg8[%dma_start3A_92] : memref<5x!tpu.dma_semaphore, #tpu.memory_space<semaphore_mem>> -> memref<1x!tpu.dma_semaphore, #tpu.memory_space<semaphore_mem>>
    %dma_start3A_98 = tpu.memref_squeeze %dma_start3A_97 : memref<1x!tpu.dma_semaphore, #tpu.memory_space<semaphore_mem>> -> memref<!tpu.dma_semaphore, #tpu.memory_space<semaphore_mem>>
    %dma_start3A_99 = arith.constant 0 : i32
    %dma_start3A_100 = tpu.memref_slice %arg6[%dma_start3A_91, %dma_start3A_99] : memref<5x80xf32, #tpu.memory_space<vmem>> -> memref<1x80xf32, #tpu.memory_space<vmem>>
    %dma_start3A_101 = tpu.memref_squeeze %dma_start3A_100 : memref<1x80xf32, #tpu.memory_space<vmem>> -> memref<80xf32, #tpu.memory_space<vmem>>
    %dma_start3A_102 = tpu.memref_slice %arg3[%add3A_76] : memref<320000xf32, #tpu.memory_space<hbm>> -> memref<80xf32, #tpu.memory_space<hbm>>
    tpu.enqueue_dma source(%dma_start3A_102 : memref<80xf32, #tpu.memory_space<hbm>>) target(%dma_start3A_101 : memref<80xf32, #tpu.memory_space<vmem>>) target_semaphore(%dma_start3A_98 : memref<!tpu.dma_semaphore, #tpu.memory_space<semaphore_mem>>)
    %mul3A_103 = arith.constant 10000 : i32
    %mul3A_104 = arith.muli %add3A, %mul3A_103 : i32
    %add3A_105 = arith.constant 160 : i32
    %add3A_106 = arith.addi %mul3A_104, %add3A_105 : i32
    %add3A_107 = arith.constant 320000 : i32
    %add3A_108 = arith.addi %add3A_107, %add3A_106 : i32
    %dma_start3A_109 = arith.constant 2 : i32
    %dma_start3A_110 = arith.constant 2 : i32
    %dma_start3A_111 = arith.constant 0 : i32
    %dma_start3A_112 = tpu.memref_slice %arg5[%dma_start3A_109, %dma_start3A_111] : memref<5x80xi32, #tpu.memory_space<vmem>> -> memref<1x80xi32, #tpu.memory_space<vmem>>
    %dma_start3A_113 = tpu.memref_squeeze %dma_start3A_112 : memref<1x80xi32, #tpu.memory_space<vmem>> -> memref<80xi32, #tpu.memory_space<vmem>>
    %dma_start3A_114 = tpu.memref_slice %arg2[%add3A_108] : memref<640000xi32, #tpu.memory_space<hbm>> -> memref<80xi32, #tpu.memory_space<hbm>>
    %dma_start3A_115 = tpu.memref_slice %arg8[%dma_start3A_110] : memref<5x!tpu.dma_semaphore, #tpu.memory_space<semaphore_mem>> -> memref<1x!tpu.dma_semaphore, #tpu.memory_space<semaphore_mem>>
    %dma_start3A_116 = tpu.memref_squeeze %dma_start3A_115 : memref<1x!tpu.dma_semaphore, #tpu.memory_space<semaphore_mem>> -> memref<!tpu.dma_semaphore, #tpu.memory_space<semaphore_mem>>
    %dma_start3A_117 = arith.constant 0 : i32
    %dma_start3A_118 = tpu.memref_slice %arg5[%dma_start3A_109, %dma_start3A_117] : memref<5x80xi32, #tpu.memory_space<vmem>> -> memref<1x80xi32, #tpu.memory_space<vmem>>
    %dma_start3A_119 = tpu.memref_squeeze %dma_start3A_118 : memref<1x80xi32, #tpu.memory_space<vmem>> -> memref<80xi32, #tpu.memory_space<vmem>>
    %dma_start3A_120 = tpu.memref_slice %arg2[%add3A_108] : memref<640000xi32, #tpu.memory_space<hbm>> -> memref<80xi32, #tpu.memory_space<hbm>>
    tpu.enqueue_dma source(%dma_start3A_120 : memref<80xi32, #tpu.memory_space<hbm>>) target(%dma_start3A_119 : memref<80xi32, #tpu.memory_space<vmem>>) target_semaphore(%dma_start3A_116 : memref<!tpu.dma_semaphore, #tpu.memory_space<semaphore_mem>>)
    %dma_start3A_121 = arith.constant 2 : i32
    %dma_start3A_122 = arith.constant 2 : i32
    %dma_start3A_123 = arith.constant 0 : i32
    %dma_start3A_124 = tpu.memref_slice %arg6[%dma_start3A_121, %dma_start3A_123] : memref<5x80xf32, #tpu.memory_space<vmem>> -> memref<1x80xf32, #tpu.memory_space<vmem>>
    %dma_start3A_125 = tpu.memref_squeeze %dma_start3A_124 : memref<1x80xf32, #tpu.memory_space<vmem>> -> memref<80xf32, #tpu.memory_space<vmem>>
    %dma_start3A_126 = tpu.memref_slice %arg3[%add3A_106] : memref<320000xf32, #tpu.memory_space<hbm>> -> memref<80xf32, #tpu.memory_space<hbm>>
    %dma_start3A_127 = tpu.memref_slice %arg8[%dma_start3A_122] : memref<5x!tpu.dma_semaphore, #tpu.memory_space<semaphore_mem>> -> memref<1x!tpu.dma_semaphore, #tpu.memory_space<semaphore_mem>>
    %dma_start3A_128 = tpu.memref_squeeze %dma_start3A_127 : memref<1x!tpu.dma_semaphore, #tpu.memory_space<semaphore_mem>> -> memref<!tpu.dma_semaphore, #tpu.memory_space<semaphore_mem>>
    %dma_start3A_129 = arith.constant 0 : i32
    %dma_start3A_130 = tpu.memref_slice %arg6[%dma_start3A_121, %dma_start3A_129] : memref<5x80xf32, #tpu.memory_space<vmem>> -> memref<1x80xf32, #tpu.memory_space<vmem>>
    %dma_start3A_131 = tpu.memref_squeeze %dma_start3A_130 : memref<1x80xf32, #tpu.memory_space<vmem>> -> memref<80xf32, #tpu.memory_space<vmem>>
    %dma_start3A_132 = tpu.memref_slice %arg3[%add3A_106] : memref<320000xf32, #tpu.memory_space<hbm>> -> memref<80xf32, #tpu.memory_space<hbm>>
    tpu.enqueue_dma source(%dma_start3A_132 : memref<80xf32, #tpu.memory_space<hbm>>) target(%dma_start3A_131 : memref<80xf32, #tpu.memory_space<vmem>>) target_semaphore(%dma_start3A_128 : memref<!tpu.dma_semaphore, #tpu.memory_space<semaphore_mem>>)
    %scan3A_133 = arith.constant 0 : i32
    %scan3A_134 = arith.constant 0 : i32
    %scan3A_135 = arith.constant 125 : i32
    %scan3A_136 = arith.addi %scan3A_134, %scan3A_135 : i32
    %scan3A_137 = arith.constant 1 : i32
    %scan3A_138 = scf.for %scan3A_182 = %scan3A_134 to %scan3A_136 step %scan3A_137 iter_args(%scan3A_183 = %scan3A_133) -> (i32)  : i32 {
      %ge3A = arith.constant 2 : i32
      %ge3A_184 = arith.cmpi sge, %scan3A_182, %ge3A : i32
      %convert_element_type3A_185 = arith.extui %ge3A_184 : i1 to i32
      %cond3A_186 = arith.constant 0 : i32
      %cond3A_187 = arith.cmpi ne, %convert_element_type3A_185, %cond3A_186 : i32
      scf.if %cond3A_187 {
        %sub3A = arith.constant 2 : i32
        %sub3A_251 = arith.subi %scan3A_182, %sub3A : i32
        %sub3A_252 = arith.constant 2 : i32
        %sub3A_253 = arith.subi %scan3A_182, %sub3A_252 : i32
        %rem3A_254 = arith.constant 3 : i32
        %rem3A_255 = arith.remsi %sub3A_253, %rem3A_254 : i32
        %rem3A_256 = arith.constant 5 : i32
        %rem3A_257 = arith.remsi %sub3A_251, %rem3A_256 : i32
        %dma_wait3A_258 = arith.constant 0 : i32
        %dma_wait3A_259 = arith.constant 0 : i32
        %dma_wait3A_260 = tpu.memref_slice %arg7[%rem3A_255, %dma_wait3A_258, %dma_wait3A_259] : memref<3x80x128xf32, #tpu.memory_space<vmem>> -> memref<1x80x128xf32, #tpu.memory_space<vmem>>
        %dma_wait3A_261 = tpu.memref_squeeze %dma_wait3A_260 : memref<1x80x128xf32, #tpu.memory_space<vmem>> -> memref<80x128xf32, #tpu.memory_space<vmem>>
        %dma_wait3A_262 = arith.constant 0 : i32
        %dma_wait3A_263 = tpu.memref_slice %arg5[%rem3A_257, %dma_wait3A_262] : memref<5x80xi32, #tpu.memory_space<vmem>> -> memref<1x80xi32, #tpu.memory_space<vmem>>
        %dma_wait3A_264 = tpu.memref_squeeze %dma_wait3A_263 : memref<1x80xi32, #tpu.memory_space<vmem>> -> memref<80xi32, #tpu.memory_space<vmem>>
        %dma_wait3A_265 = arith.constant 0 : i32
        %dma_wait3A_266 = arith.constant 0 : i32
        %dma_wait3A_267 = tpu.memref_slice %arg10[%dma_wait3A_265, %dma_wait3A_266] : memref<10000x128xf32, #tpu.memory_space<vmem_shared>> -> memref<10000x128xf32, #tpu.memory_space<vmem_shared>>
        %dma_wait3A_268 = tpu.memref_slice %arg9[%rem3A_255] : memref<3x!tpu.dma_semaphore, #tpu.memory_space<semaphore_mem>> -> memref<1x!tpu.dma_semaphore, #tpu.memory_space<semaphore_mem>>
        %dma_wait3A_269 = tpu.memref_squeeze %dma_wait3A_268 : memref<1x!tpu.dma_semaphore, #tpu.memory_space<semaphore_mem>> -> memref<!tpu.dma_semaphore, #tpu.memory_space<semaphore_mem>>
        tpu.wait_indirect_dma semaphore(%dma_wait3A_269 : memref<!tpu.dma_semaphore, #tpu.memory_space<semaphore_mem>>) src(%dma_wait3A_261 : memref<80x128xf32, #tpu.memory_space<vmem>>) dst(%dma_wait3A_267 : memref<10000x128xf32, #tpu.memory_space<vmem_shared>>)
      } else {
      }
      %add3A_188 = arith.constant 3 : i32
      %add3A_189 = arith.addi %scan3A_182, %add3A_188 : i32
      %lt3A = arith.constant 125 : i32
      %lt3A_190 = arith.cmpi slt, %add3A_189, %lt3A : i32
      %convert_element_type3A_191 = arith.extui %lt3A_190 : i1 to i32
      %cond3A_192 = arith.constant 0 : i32
      %cond3A_193 = arith.cmpi ne, %convert_element_type3A_191, %cond3A_192 : i32
      scf.if %cond3A_193 {
        %add3A_251 = arith.constant 3 : i32
        %add3A_252 = arith.addi %scan3A_182, %add3A_251 : i32
        %add3A_253 = arith.constant 3 : i32
        %add3A_254 = arith.addi %scan3A_182, %add3A_253 : i32
        %rem3A_255 = arith.constant 5 : i32
        %rem3A_256 = arith.remsi %add3A_254, %rem3A_255 : i32
        %mul3A_257 = arith.constant 10000 : i32
        %mul3A_258 = arith.muli %add3A, %mul3A_257 : i32
        %mul3A_259 = arith.constant 80 : i32
        %mul3A_260 = arith.muli %add3A_252, %mul3A_259 : i32
        %add3A_261 = arith.addi %mul3A_258, %mul3A_260 : i32
        %add3A_262 = arith.constant 320000 : i32
        %add3A_263 = arith.addi %add3A_262, %add3A_261 : i32
        %dma_start3A_264 = arith.constant 0 : i32
        %dma_start3A_265 = tpu.memref_slice %arg5[%rem3A_256, %dma_start3A_264] : memref<5x80xi32, #tpu.memory_space<vmem>> -> memref<1x80xi32, #tpu.memory_space<vmem>>
        %dma_start3A_266 = tpu.memref_squeeze %dma_start3A_265 : memref<1x80xi32, #tpu.memory_space<vmem>> -> memref<80xi32, #tpu.memory_space<vmem>>
        %dma_start3A_267 = tpu.memref_slice %arg2[%add3A_263] : memref<640000xi32, #tpu.memory_space<hbm>> -> memref<80xi32, #tpu.memory_space<hbm>>
        %dma_start3A_268 = tpu.memref_slice %arg8[%rem3A_256] : memref<5x!tpu.dma_semaphore, #tpu.memory_space<semaphore_mem>> -> memref<1x!tpu.dma_semaphore, #tpu.memory_space<semaphore_mem>>
        %dma_start3A_269 = tpu.memref_squeeze %dma_start3A_268 : memref<1x!tpu.dma_semaphore, #tpu.memory_space<semaphore_mem>> -> memref<!tpu.dma_semaphore, #tpu.memory_space<semaphore_mem>>
        %dma_start3A_270 = arith.constant 0 : i32
        %dma_start3A_271 = tpu.memref_slice %arg5[%rem3A_256, %dma_start3A_270] : memref<5x80xi32, #tpu.memory_space<vmem>> -> memref<1x80xi32, #tpu.memory_space<vmem>>
        %dma_start3A_272 = tpu.memref_squeeze %dma_start3A_271 : memref<1x80xi32, #tpu.memory_space<vmem>> -> memref<80xi32, #tpu.memory_space<vmem>>
        %dma_start3A_273 = tpu.memref_slice %arg2[%add3A_263] : memref<640000xi32, #tpu.memory_space<hbm>> -> memref<80xi32, #tpu.memory_space<hbm>>
        tpu.enqueue_dma source(%dma_start3A_273 : memref<80xi32, #tpu.memory_space<hbm>>) target(%dma_start3A_272 : memref<80xi32, #tpu.memory_space<vmem>>) target_semaphore(%dma_start3A_269 : memref<!tpu.dma_semaphore, #tpu.memory_space<semaphore_mem>>)
        %dma_start3A_274 = arith.constant 0 : i32
        %dma_start3A_275 = tpu.memref_slice %arg6[%rem3A_256, %dma_start3A_274] : memref<5x80xf32, #tpu.memory_space<vmem>> -> memref<1x80xf32, #tpu.memory_space<vmem>>
        %dma_start3A_276 = tpu.memref_squeeze %dma_start3A_275 : memref<1x80xf32, #tpu.memory_space<vmem>> -> memref<80xf32, #tpu.memory_space<vmem>>
        %dma_start3A_277 = tpu.memref_slice %arg3[%add3A_261] : memref<320000xf32, #tpu.memory_space<hbm>> -> memref<80xf32, #tpu.memory_space<hbm>>
        %dma_start3A_278 = tpu.memref_slice %arg8[%rem3A_256] : memref<5x!tpu.dma_semaphore, #tpu.memory_space<semaphore_mem>> -> memref<1x!tpu.dma_semaphore, #tpu.memory_space<semaphore_mem>>
        %dma_start3A_279 = tpu.memref_squeeze %dma_start3A_278 : memref<1x!tpu.dma_semaphore, #tpu.memory_space<semaphore_mem>> -> memref<!tpu.dma_semaphore, #tpu.memory_space<semaphore_mem>>
        %dma_start3A_280 = arith.constant 0 : i32
        %dma_start3A_281 = tpu.memref_slice %arg6[%rem3A_256, %dma_start3A_280] : memref<5x80xf32, #tpu.memory_space<vmem>> -> memref<1x80xf32, #tpu.memory_space<vmem>>
        %dma_start3A_282 = tpu.memref_squeeze %dma_start3A_281 : memref<1x80xf32, #tpu.memory_space<vmem>> -> memref<80xf32, #tpu.memory_space<vmem>>
        %dma_start3A_283 = tpu.memref_slice %arg3[%add3A_261] : memref<320000xf32, #tpu.memory_space<hbm>> -> memref<80xf32, #tpu.memory_space<hbm>>
        tpu.enqueue_dma source(%dma_start3A_283 : memref<80xf32, #tpu.memory_space<hbm>>) target(%dma_start3A_282 : memref<80xf32, #tpu.memory_space<vmem>>) target_semaphore(%dma_start3A_279 : memref<!tpu.dma_semaphore, #tpu.memory_space<semaphore_mem>>)
      } else {
      }
      %rem3A_194 = arith.constant 5 : i32
      %rem3A_195 = arith.remsi %scan3A_182, %rem3A_194 : i32
      %mul3A_196 = arith.constant 10000 : i32
      %mul3A_197 = arith.muli %add3A, %mul3A_196 : i32
      %mul3A_198 = arith.constant 80 : i32
      %mul3A_199 = arith.muli %scan3A_182, %mul3A_198 : i32
      %add3A_200 = arith.addi %mul3A_197, %mul3A_199 : i32
      %add3A_201 = arith.constant 320000 : i32
      %add3A_202 = arith.addi %add3A_201, %add3A_200 : i32
      %dma_wait3A_203 = arith.constant 0 : i32
      %dma_wait3A_204 = tpu.memref_slice %arg5[%rem3A_195, %dma_wait3A_203] : memref<5x80xi32, #tpu.memory_space<vmem>> -> memref<1x80xi32, #tpu.memory_space<vmem>>
      %dma_wait3A_205 = tpu.memref_squeeze %dma_wait3A_204 : memref<1x80xi32, #tpu.memory_space<vmem>> -> memref<80xi32, #tpu.memory_space<vmem>>
      %dma_wait3A_206 = tpu.memref_slice %arg2[%add3A_202] : memref<640000xi32, #tpu.memory_space<hbm>> -> memref<80xi32, #tpu.memory_space<hbm>>
      %dma_wait3A_207 = tpu.memref_slice %arg8[%rem3A_195] : memref<5x!tpu.dma_semaphore, #tpu.memory_space<semaphore_mem>> -> memref<1x!tpu.dma_semaphore, #tpu.memory_space<semaphore_mem>>
      %dma_wait3A_208 = tpu.memref_squeeze %dma_wait3A_207 : memref<1x!tpu.dma_semaphore, #tpu.memory_space<semaphore_mem>> -> memref<!tpu.dma_semaphore, #tpu.memory_space<semaphore_mem>>
      %dma_wait3A_209 = arith.constant 0 : i32
      %dma_wait3A_210 = tpu.memref_slice %arg5[%rem3A_195, %dma_wait3A_209] : memref<5x80xi32, #tpu.memory_space<vmem>> -> memref<1x80xi32, #tpu.memory_space<vmem>>
      %dma_wait3A_211 = tpu.memref_squeeze %dma_wait3A_210 : memref<1x80xi32, #tpu.memory_space<vmem>> -> memref<80xi32, #tpu.memory_space<vmem>>
      %dma_wait3A_212 = tpu.memref_slice %arg2[%add3A_202] : memref<640000xi32, #tpu.memory_space<hbm>> -> memref<80xi32, #tpu.memory_space<hbm>>
      tpu.wait_dma2 semaphore(%dma_wait3A_208 : memref<!tpu.dma_semaphore, #tpu.memory_space<semaphore_mem>>) src(%dma_wait3A_212 : memref<80xi32, #tpu.memory_space<hbm>>) dst(%dma_wait3A_211 : memref<80xi32, #tpu.memory_space<vmem>>)
      %dma_wait3A_213 = arith.constant 0 : i32
      %dma_wait3A_214 = tpu.memref_slice %arg6[%rem3A_195, %dma_wait3A_213] : memref<5x80xf32, #tpu.memory_space<vmem>> -> memref<1x80xf32, #tpu.memory_space<vmem>>
      %dma_wait3A_215 = tpu.memref_squeeze %dma_wait3A_214 : memref<1x80xf32, #tpu.memory_space<vmem>> -> memref<80xf32, #tpu.memory_space<vmem>>
      %dma_wait3A_216 = tpu.memref_slice %arg3[%add3A_200] : memref<320000xf32, #tpu.memory_space<hbm>> -> memref<80xf32, #tpu.memory_space<hbm>>
      %dma_wait3A_217 = tpu.memref_slice %arg8[%rem3A_195] : memref<5x!tpu.dma_semaphore, #tpu.memory_space<semaphore_mem>> -> memref<1x!tpu.dma_semaphore, #tpu.memory_space<semaphore_mem>>
      %dma_wait3A_218 = tpu.memref_squeeze %dma_wait3A_217 : memref<1x!tpu.dma_semaphore, #tpu.memory_space<semaphore_mem>> -> memref<!tpu.dma_semaphore, #tpu.memory_space<semaphore_mem>>
      %dma_wait3A_219 = arith.constant 0 : i32
      %dma_wait3A_220 = tpu.memref_slice %arg6[%rem3A_195, %dma_wait3A_219] : memref<5x80xf32, #tpu.memory_space<vmem>> -> memref<1x80xf32, #tpu.memory_space<vmem>>
      %dma_wait3A_221 = tpu.memref_squeeze %dma_wait3A_220 : memref<1x80xf32, #tpu.memory_space<vmem>> -> memref<80xf32, #tpu.memory_space<vmem>>
      %dma_wait3A_222 = tpu.memref_slice %arg3[%add3A_200] : memref<320000xf32, #tpu.memory_space<hbm>> -> memref<80xf32, #tpu.memory_space<hbm>>
      tpu.wait_dma2 semaphore(%dma_wait3A_218 : memref<!tpu.dma_semaphore, #tpu.memory_space<semaphore_mem>>) src(%dma_wait3A_222 : memref<80xf32, #tpu.memory_space<hbm>>) dst(%dma_wait3A_221 : memref<80xf32, #tpu.memory_space<vmem>>)
      %rem3A_223 = arith.constant 5 : i32
      %rem3A_224 = arith.remsi %scan3A_182, %rem3A_223 : i32
      %rem3A_225 = arith.constant 3 : i32
      %rem3A_226 = arith.remsi %scan3A_182, %rem3A_225 : i32
      %scan3A_227 = arith.constant 0 : i32
      %scan3A_228 = arith.constant 0 : i32
      %scan3A_229 = arith.constant 5 : i32
      %scan3A_230 = arith.addi %scan3A_228, %scan3A_229 : i32
      %scan3A_231 = arith.constant 1 : i32
      %scan3A_232 = scf.for %scan3A_251 = %scan3A_228 to %scan3A_230 step %scan3A_231 iter_args(%scan3A_252 = %scan3A_227) -> (i32)  : i32 {
        %mul3A_253 = arith.constant 16 : i32
        %mul3A_254 = arith.muli %scan3A_251, %mul3A_253 : i32
        %get3A = arith.index_cast %rem3A_224 : i32 to index
        %get3A_255 = arith.index_cast %mul3A_254 : i32 to index
        %get3A_256 = tpu.vector_load %arg6[%get3A, %get3A_255] {strides = array<i32>} : memref<5x80xf32, #tpu.memory_space<vmem>>, vector<1x16xf32>,
        %get3A_257 = vector.shape_cast %get3A_256 : vector<1x16xf32> to vector<16xf32>
        %eq3A_258 = arith.constant 0 : i32
        %eq3A_259 = vector.broadcast %eq3A_258 : i32 to vector<16xi32>
        %eq3A_260 = arith.cmpi eq, %iota3A, %eq3A_259 : vector<16xi32>
        %slice3A = vector.extract_strided_slice %get3A_257 {offsets = [0], sizes = [1], strides = [1]} : vector<16xf32> to vector<1xf32>
        %squeeze3A = vector.extract %slice3A[0] : f32 from vector<1xf32>
        %broadcast_in_dim3A_261 = vector.broadcast %squeeze3A : f32 to vector<16xf32>
        %select_n3A_262 = arith.select %eq3A_260, %broadcast_in_dim3A_261, %select_n3A : vector<16xi1>, vector<16xf32>
        %mul3A_263 = arith.constant 16 : i32
        %mul3A_264 = arith.muli %scan3A_251, %mul3A_263 : i32
        %add3A_265 = arith.constant 0 : i32
        %add3A_266 = arith.addi %mul3A_264, %add3A_265 : i32
        %swap3A = arith.index_cast %rem3A_226 : i32 to index
        %swap3A_267 = arith.index_cast %add3A_266 : i32 to index
        %swap3A_268 = arith.constant 0 : index
        %swap3A_269 = tpu.vector_load %arg7[%swap3A, %swap3A_267, %swap3A_268] {strides = array<i32>} : memref<3x80x128xf32, #tpu.memory_space<vmem>>, vector<1x1x16xf32>,
        %swap3A_270 = vector.shape_cast %swap3A_269 : vector<1x1x16xf32> to vector<16xf32>
        %swap3A_271 = vector.shape_cast %select_n3A_262 : vector<16xf32> to vector<1x1x16xf32>
        tpu.vector_store %arg7[%swap3A, %swap3A_267, %swap3A_268], %swap3A_271 {strides = array<i32>} : memref<3x80x128xf32, #tpu.memory_space<vmem>>, vector<1x1x16xf32>,
        %eq3A_272 = arith.constant 0 : i32
        %eq3A_273 = vector.broadcast %eq3A_272 : i32 to vector<16xi32>
        %eq3A_274 = arith.cmpi eq, %iota3A, %eq3A_273 : vector<16xi32>
        %slice3A_275 = vector.extract_strided_slice %get3A_257 {offsets = [1], sizes = [1], strides = [1]} : vector<16xf32> to vector<1xf32>
        %squeeze3A_276 = vector.extract %slice3A_275[0] : f32 from vector<1xf32>
        %broadcast_in_dim3A_277 = vector.broadcast %squeeze3A_276 : f32 to vector<16xf32>
        %select_n3A_278 = arith.select %eq3A_274, %broadcast_in_dim3A_277, %select_n3A : vector<16xi1>, vector<16xf32>
        %mul3A_279 = arith.constant 16 : i32
        %mul3A_280 = arith.muli %scan3A_251, %mul3A_279 : i32
        %add3A_281 = arith.constant 1 : i32
        %add3A_282 = arith.addi %mul3A_280, %add3A_281 : i32
        %swap3A_283 = arith.index_cast %rem3A_226 : i32 to index
        %swap3A_284 = arith.index_cast %add3A_282 : i32 to index
        %swap3A_285 = arith.constant 0 : index
        %swap3A_286 = tpu.vector_load %arg7[%swap3A_283, %swap3A_284, %swap3A_285] {strides = array<i32>} : memref<3x80x128xf32, #tpu.memory_space<vmem>>, vector<1x1x16xf32>,
        %swap3A_287 = vector.shape_cast %swap3A_286 : vector<1x1x16xf32> to vector<16xf32>
        %swap3A_288 = vector.shape_cast %select_n3A_278 : vector<16xf32> to vector<1x1x16xf32>
        tpu.vector_store %arg7[%swap3A_283, %swap3A_284, %swap3A_285], %swap3A_288 {strides = array<i32>} : memref<3x80x128xf32, #tpu.memory_space<vmem>>, vector<1x1x16xf32>,
        %eq3A_289 = arith.constant 0 : i32
        %eq3A_290 = vector.broadcast %eq3A_289 : i32 to vector<16xi32>
        %eq3A_291 = arith.cmpi eq, %iota3A, %eq3A_290 : vector<16xi32>
        %slice3A_292 = vector.extract_strided_slice %get3A_257 {offsets = [2], sizes = [1], strides = [1]} : vector<16xf32> to vector<1xf32>
        %squeeze3A_293 = vector.extract %slice3A_292[0] : f32 from vector<1xf32>
        %broadcast_in_dim3A_294 = vector.broadcast %squeeze3A_293 : f32 to vector<16xf32>
        %select_n3A_295 = arith.select %eq3A_291, %broadcast_in_dim3A_294, %select_n3A : vector<16xi1>, vector<16xf32>
        %mul3A_296 = arith.constant 16 : i32
        %mul3A_297 = arith.muli %scan3A_251, %mul3A_296 : i32
        %add3A_298 = arith.constant 2 : i32
        %add3A_299 = arith.addi %mul3A_297, %add3A_298 : i32
        %swap3A_300 = arith.index_cast %rem3A_226 : i32 to index
        %swap3A_301 = arith.index_cast %add3A_299 : i32 to index
        %swap3A_302 = arith.constant 0 : index
        %swap3A_303 = tpu.vector_load %arg7[%swap3A_300, %swap3A_301, %swap3A_302] {strides = array<i32>} : memref<3x80x128xf32, #tpu.memory_space<vmem>>, vector<1x1x16xf32>,
        %swap3A_304 = vector.shape_cast %swap3A_303 : vector<1x1x16xf32> to vector<16xf32>
        %swap3A_305 = vector.shape_cast %select_n3A_295 : vector<16xf32> to vector<1x1x16xf32>
        tpu.vector_store %arg7[%swap3A_300, %swap3A_301, %swap3A_302], %swap3A_305 {strides = array<i32>} : memref<3x80x128xf32, #tpu.memory_space<vmem>>, vector<1x1x16xf32>,
        %eq3A_306 = arith.constant 0 : i32
        %eq3A_307 = vector.broadcast %eq3A_306 : i32 to vector<16xi32>
        %eq3A_308 = arith.cmpi eq, %iota3A, %eq3A_307 : vector<16xi32>
        %slice3A_309 = vector.extract_strided_slice %get3A_257 {offsets = [3], sizes = [1], strides = [1]} : vector<16xf32> to vector<1xf32>
        %squeeze3A_310 = vector.extract %slice3A_309[0] : f32 from vector<1xf32>
        %broadcast_in_dim3A_311 = vector.broadcast %squeeze3A_310 : f32 to vector<16xf32>
        %select_n3A_312 = arith.select %eq3A_308, %broadcast_in_dim3A_311, %select_n3A : vector<16xi1>, vector<16xf32>
        %mul3A_313 = arith.constant 16 : i32
        %mul3A_314 = arith.muli %scan3A_251, %mul3A_313 : i32
        %add3A_315 = arith.constant 3 : i32
        %add3A_316 = arith.addi %mul3A_314, %add3A_315 : i32
        %swap3A_317 = arith.index_cast %rem3A_226 : i32 to index
        %swap3A_318 = arith.index_cast %add3A_316 : i32 to index
        %swap3A_319 = arith.constant 0 : index
        %swap3A_320 = tpu.vector_load %arg7[%swap3A_317, %swap3A_318, %swap3A_319] {strides = array<i32>} : memref<3x80x128xf32, #tpu.memory_space<vmem>>, vector<1x1x16xf32>,
        %swap3A_321 = vector.shape_cast %swap3A_320 : vector<1x1x16xf32> to vector<16xf32>
        %swap3A_322 = vector.shape_cast %select_n3A_312 : vector<16xf32> to vector<1x1x16xf32>
        tpu.vector_store %arg7[%swap3A_317, %swap3A_318, %swap3A_319], %swap3A_322 {strides = array<i32>} : memref<3x80x128xf32, #tpu.memory_space<vmem>>, vector<1x1x16xf32>,
        %eq3A_323 = arith.constant 0 : i32
        %eq3A_324 = vector.broadcast %eq3A_323 : i32 to vector<16xi32>
        %eq3A_325 = arith.cmpi eq, %iota3A, %eq3A_324 : vector<16xi32>
        %slice3A_326 = vector.extract_strided_slice %get3A_257 {offsets = [4], sizes = [1], strides = [1]} : vector<16xf32> to vector<1xf32>
        %squeeze3A_327 = vector.extract %slice3A_326[0] : f32 from vector<1xf32>
        %broadcast_in_dim3A_328 = vector.broadcast %squeeze3A_327 : f32 to vector<16xf32>
        %select_n3A_329 = arith.select %eq3A_325, %broadcast_in_dim3A_328, %select_n3A : vector<16xi1>, vector<16xf32>
        %mul3A_330 = arith.constant 16 : i32
        %mul3A_331 = arith.muli %scan3A_251, %mul3A_330 : i32
        %add3A_332 = arith.constant 4 : i32
        %add3A_333 = arith.addi %mul3A_331, %add3A_332 : i32
        %swap3A_334 = arith.index_cast %rem3A_226 : i32 to index
        %swap3A_335 = arith.index_cast %add3A_333 : i32 to index
        %swap3A_336 = arith.constant 0 : index
        %swap3A_337 = tpu.vector_load %arg7[%swap3A_334, %swap3A_335, %swap3A_336] {strides = array<i32>} : memref<3x80x128xf32, #tpu.memory_space<vmem>>, vector<1x1x16xf32>,
        %swap3A_338 = vector.shape_cast %swap3A_337 : vector<1x1x16xf32> to vector<16xf32>
        %swap3A_339 = vector.shape_cast %select_n3A_329 : vector<16xf32> to vector<1x1x16xf32>
        tpu.vector_store %arg7[%swap3A_334, %swap3A_335, %swap3A_336], %swap3A_339 {strides = array<i32>} : memref<3x80x128xf32, #tpu.memory_space<vmem>>, vector<1x1x16xf32>,
        %eq3A_340 = arith.constant 0 : i32
        %eq3A_341 = vector.broadcast %eq3A_340 : i32 to vector<16xi32>
        %eq3A_342 = arith.cmpi eq, %iota3A, %eq3A_341 : vector<16xi32>
        %slice3A_343 = vector.extract_strided_slice %get3A_257 {offsets = [5], sizes = [1], strides = [1]} : vector<16xf32> to vector<1xf32>
        %squeeze3A_344 = vector.extract %slice3A_343[0] : f32 from vector<1xf32>
        %broadcast_in_dim3A_345 = vector.broadcast %squeeze3A_344 : f32 to vector<16xf32>
        %select_n3A_346 = arith.select %eq3A_342, %broadcast_in_dim3A_345, %select_n3A : vector<16xi1>, vector<16xf32>
        %mul3A_347 = arith.constant 16 : i32
        %mul3A_348 = arith.muli %scan3A_251, %mul3A_347 : i32
        %add3A_349 = arith.constant 5 : i32
        %add3A_350 = arith.addi %mul3A_348, %add3A_349 : i32
        %swap3A_351 = arith.index_cast %rem3A_226 : i32 to index
        %swap3A_352 = arith.index_cast %add3A_350 : i32 to index
        %swap3A_353 = arith.constant 0 : index
        %swap3A_354 = tpu.vector_load %arg7[%swap3A_351, %swap3A_352, %swap3A_353] {strides = array<i32>} : memref<3x80x128xf32, #tpu.memory_space<vmem>>, vector<1x1x16xf32>,
        %swap3A_355 = vector.shape_cast %swap3A_354 : vector<1x1x16xf32> to vector<16xf32>
        %swap3A_356 = vector.shape_cast %select_n3A_346 : vector<16xf32> to vector<1x1x16xf32>
        tpu.vector_store %arg7[%swap3A_351, %swap3A_352, %swap3A_353], %swap3A_356 {strides = array<i32>} : memref<3x80x128xf32, #tpu.memory_space<vmem>>, vector<1x1x16xf32>,
        %eq3A_357 = arith.constant 0 : i32
        %eq3A_358 = vector.broadcast %eq3A_357 : i32 to vector<16xi32>
        %eq3A_359 = arith.cmpi eq, %iota3A, %eq3A_358 : vector<16xi32>
        %slice3A_360 = vector.extract_strided_slice %get3A_257 {offsets = [6], sizes = [1], strides = [1]} : vector<16xf32> to vector<1xf32>
        %squeeze3A_361 = vector.extract %slice3A_360[0] : f32 from vector<1xf32>
        %broadcast_in_dim3A_362 = vector.broadcast %squeeze3A_361 : f32 to vector<16xf32>
        %select_n3A_363 = arith.select %eq3A_359, %broadcast_in_dim3A_362, %select_n3A : vector<16xi1>, vector<16xf32>
        %mul3A_364 = arith.constant 16 : i32
        %mul3A_365 = arith.muli %scan3A_251, %mul3A_364 : i32
        %add3A_366 = arith.constant 6 : i32
        %add3A_367 = arith.addi %mul3A_365, %add3A_366 : i32
        %swap3A_368 = arith.index_cast %rem3A_226 : i32 to index
        %swap3A_369 = arith.index_cast %add3A_367 : i32 to index
        %swap3A_370 = arith.constant 0 : index
        %swap3A_371 = tpu.vector_load %arg7[%swap3A_368, %swap3A_369, %swap3A_370] {strides = array<i32>} : memref<3x80x128xf32, #tpu.memory_space<vmem>>, vector<1x1x16xf32>,
        %swap3A_372 = vector.shape_cast %swap3A_371 : vector<1x1x16xf32> to vector<16xf32>
        %swap3A_373 = vector.shape_cast %select_n3A_363 : vector<16xf32> to vector<1x1x16xf32>
        tpu.vector_store %arg7[%swap3A_368, %swap3A_369, %swap3A_370], %swap3A_373 {strides = array<i32>} : memref<3x80x128xf32, #tpu.memory_space<vmem>>, vector<1x1x16xf32>,
        %eq3A_374 = arith.constant 0 : i32
        %eq3A_375 = vector.broadcast %eq3A_374 : i32 to vector<16xi32>
        %eq3A_376 = arith.cmpi eq, %iota3A, %eq3A_375 : vector<16xi32>
        %slice3A_377 = vector.extract_strided_slice %get3A_257 {offsets = [7], sizes = [1], strides = [1]} : vector<16xf32> to vector<1xf32>
        %squeeze3A_378 = vector.extract %slice3A_377[0] : f32 from vector<1xf32>
        %broadcast_in_dim3A_379 = vector.broadcast %squeeze3A_378 : f32 to vector<16xf32>
        %select_n3A_380 = arith.select %eq3A_376, %broadcast_in_dim3A_379, %select_n3A : vector<16xi1>, vector<16xf32>
        %mul3A_381 = arith.constant 16 : i32
        %mul3A_382 = arith.muli %scan3A_251, %mul3A_381 : i32
        %add3A_383 = arith.constant 7 : i32
        %add3A_384 = arith.addi %mul3A_382, %add3A_383 : i32
        %swap3A_385 = arith.index_cast %rem3A_226 : i32 to index
        %swap3A_386 = arith.index_cast %add3A_384 : i32 to index
        %swap3A_387 = arith.constant 0 : index
        %swap3A_388 = tpu.vector_load %arg7[%swap3A_385, %swap3A_386, %swap3A_387] {strides = array<i32>} : memref<3x80x128xf32, #tpu.memory_space<vmem>>, vector<1x1x16xf32>,
        %swap3A_389 = vector.shape_cast %swap3A_388 : vector<1x1x16xf32> to vector<16xf32>
        %swap3A_390 = vector.shape_cast %select_n3A_380 : vector<16xf32> to vector<1x1x16xf32>
        tpu.vector_store %arg7[%swap3A_385, %swap3A_386, %swap3A_387], %swap3A_390 {strides = array<i32>} : memref<3x80x128xf32, #tpu.memory_space<vmem>>, vector<1x1x16xf32>,
        %eq3A_391 = arith.constant 0 : i32
        %eq3A_392 = vector.broadcast %eq3A_391 : i32 to vector<16xi32>
        %eq3A_393 = arith.cmpi eq, %iota3A, %eq3A_392 : vector<16xi32>
        %slice3A_394 = vector.extract_strided_slice %get3A_257 {offsets = [8], sizes = [1], strides = [1]} : vector<16xf32> to vector<1xf32>
        %squeeze3A_395 = vector.extract %slice3A_394[0] : f32 from vector<1xf32>
        %broadcast_in_dim3A_396 = vector.broadcast %squeeze3A_395 : f32 to vector<16xf32>
        %select_n3A_397 = arith.select %eq3A_393, %broadcast_in_dim3A_396, %select_n3A : vector<16xi1>, vector<16xf32>
        %mul3A_398 = arith.constant 16 : i32
        %mul3A_399 = arith.muli %scan3A_251, %mul3A_398 : i32
        %add3A_400 = arith.constant 8 : i32
        %add3A_401 = arith.addi %mul3A_399, %add3A_400 : i32
        %swap3A_402 = arith.index_cast %rem3A_226 : i32 to index
        %swap3A_403 = arith.index_cast %add3A_401 : i32 to index
        %swap3A_404 = arith.constant 0 : index
        %swap3A_405 = tpu.vector_load %arg7[%swap3A_402, %swap3A_403, %swap3A_404] {strides = array<i32>} : memref<3x80x128xf32, #tpu.memory_space<vmem>>, vector<1x1x16xf32>,
        %swap3A_406 = vector.shape_cast %swap3A_405 : vector<1x1x16xf32> to vector<16xf32>
        %swap3A_407 = vector.shape_cast %select_n3A_397 : vector<16xf32> to vector<1x1x16xf32>
        tpu.vector_store %arg7[%swap3A_402, %swap3A_403, %swap3A_404], %swap3A_407 {strides = array<i32>} : memref<3x80x128xf32, #tpu.memory_space<vmem>>, vector<1x1x16xf32>,
        %eq3A_408 = arith.constant 0 : i32
        %eq3A_409 = vector.broadcast %eq3A_408 : i32 to vector<16xi32>
        %eq3A_410 = arith.cmpi eq, %iota3A, %eq3A_409 : vector<16xi32>
        %slice3A_411 = vector.extract_strided_slice %get3A_257 {offsets = [9], sizes = [1], strides = [1]} : vector<16xf32> to vector<1xf32>
        %squeeze3A_412 = vector.extract %slice3A_411[0] : f32 from vector<1xf32>
        %broadcast_in_dim3A_413 = vector.broadcast %squeeze3A_412 : f32 to vector<16xf32>
        %select_n3A_414 = arith.select %eq3A_410, %broadcast_in_dim3A_413, %select_n3A : vector<16xi1>, vector<16xf32>
        %mul3A_415 = arith.constant 16 : i32
        %mul3A_416 = arith.muli %scan3A_251, %mul3A_415 : i32
        %add3A_417 = arith.constant 9 : i32
        %add3A_418 = arith.addi %mul3A_416, %add3A_417 : i32
        %swap3A_419 = arith.index_cast %rem3A_226 : i32 to index
        %swap3A_420 = arith.index_cast %add3A_418 : i32 to index
        %swap3A_421 = arith.constant 0 : index
        %swap3A_422 = tpu.vector_load %arg7[%swap3A_419, %swap3A_420, %swap3A_421] {strides = array<i32>} : memref<3x80x128xf32, #tpu.memory_space<vmem>>, vector<1x1x16xf32>,
        %swap3A_423 = vector.shape_cast %swap3A_422 : vector<1x1x16xf32> to vector<16xf32>
        %swap3A_424 = vector.shape_cast %select_n3A_414 : vector<16xf32> to vector<1x1x16xf32>
        tpu.vector_store %arg7[%swap3A_419, %swap3A_420, %swap3A_421], %swap3A_424 {strides = array<i32>} : memref<3x80x128xf32, #tpu.memory_space<vmem>>, vector<1x1x16xf32>,
        %eq3A_425 = arith.constant 0 : i32
        %eq3A_426 = vector.broadcast %eq3A_425 : i32 to vector<16xi32>
        %eq3A_427 = arith.cmpi eq, %iota3A, %eq3A_426 : vector<16xi32>
        %slice3A_428 = vector.extract_strided_slice %get3A_257 {offsets = [10], sizes = [1], strides = [1]} : vector<16xf32> to vector<1xf32>
        %squeeze3A_429 = vector.extract %slice3A_428[0] : f32 from vector<1xf32>
        %broadcast_in_dim3A_430 = vector.broadcast %squeeze3A_429 : f32 to vector<16xf32>
        %select_n3A_431 = arith.select %eq3A_427, %broadcast_in_dim3A_430, %select_n3A : vector<16xi1>, vector<16xf32>
        %mul3A_432 = arith.constant 16 : i32
        %mul3A_433 = arith.muli %scan3A_251, %mul3A_432 : i32
        %add3A_434 = arith.constant 10 : i32
        %add3A_435 = arith.addi %mul3A_433, %add3A_434 : i32
        %swap3A_436 = arith.index_cast %rem3A_226 : i32 to index
        %swap3A_437 = arith.index_cast %add3A_435 : i32 to index
        %swap3A_438 = arith.constant 0 : index
        %swap3A_439 = tpu.vector_load %arg7[%swap3A_436, %swap3A_437, %swap3A_438] {strides = array<i32>} : memref<3x80x128xf32, #tpu.memory_space<vmem>>, vector<1x1x16xf32>,
        %swap3A_440 = vector.shape_cast %swap3A_439 : vector<1x1x16xf32> to vector<16xf32>
        %swap3A_441 = vector.shape_cast %select_n3A_431 : vector<16xf32> to vector<1x1x16xf32>
        tpu.vector_store %arg7[%swap3A_436, %swap3A_437, %swap3A_438], %swap3A_441 {strides = array<i32>} : memref<3x80x128xf32, #tpu.memory_space<vmem>>, vector<1x1x16xf32>,
        %eq3A_442 = arith.constant 0 : i32
        %eq3A_443 = vector.broadcast %eq3A_442 : i32 to vector<16xi32>
        %eq3A_444 = arith.cmpi eq, %iota3A, %eq3A_443 : vector<16xi32>
        %slice3A_445 = vector.extract_strided_slice %get3A_257 {offsets = [11], sizes = [1], strides = [1]} : vector<16xf32> to vector<1xf32>
        %squeeze3A_446 = vector.extract %slice3A_445[0] : f32 from vector<1xf32>
        %broadcast_in_dim3A_447 = vector.broadcast %squeeze3A_446 : f32 to vector<16xf32>
        %select_n3A_448 = arith.select %eq3A_444, %broadcast_in_dim3A_447, %select_n3A : vector<16xi1>, vector<16xf32>
        %mul3A_449 = arith.constant 16 : i32
        %mul3A_450 = arith.muli %scan3A_251, %mul3A_449 : i32
        %add3A_451 = arith.constant 11 : i32
        %add3A_452 = arith.addi %mul3A_450, %add3A_451 : i32
        %swap3A_453 = arith.index_cast %rem3A_226 : i32 to index
        %swap3A_454 = arith.index_cast %add3A_452 : i32 to index
        %swap3A_455 = arith.constant 0 : index
        %swap3A_456 = tpu.vector_load %arg7[%swap3A_453, %swap3A_454, %swap3A_455] {strides = array<i32>} : memref<3x80x128xf32, #tpu.memory_space<vmem>>, vector<1x1x16xf32>,
        %swap3A_457 = vector.shape_cast %swap3A_456 : vector<1x1x16xf32> to vector<16xf32>
        %swap3A_458 = vector.shape_cast %select_n3A_448 : vector<16xf32> to vector<1x1x16xf32>
        tpu.vector_store %arg7[%swap3A_453, %swap3A_454, %swap3A_455], %swap3A_458 {strides = array<i32>} : memref<3x80x128xf32, #tpu.memory_space<vmem>>, vector<1x1x16xf32>,
        %eq3A_459 = arith.constant 0 : i32
        %eq3A_460 = vector.broadcast %eq3A_459 : i32 to vector<16xi32>
        %eq3A_461 = arith.cmpi eq, %iota3A, %eq3A_460 : vector<16xi32>
        %slice3A_462 = vector.extract_strided_slice %get3A_257 {offsets = [12], sizes = [1], strides = [1]} : vector<16xf32> to vector<1xf32>
        %squeeze3A_463 = vector.extract %slice3A_462[0] : f32 from vector<1xf32>
        %broadcast_in_dim3A_464 = vector.broadcast %squeeze3A_463 : f32 to vector<16xf32>
        %select_n3A_465 = arith.select %eq3A_461, %broadcast_in_dim3A_464, %select_n3A : vector<16xi1>, vector<16xf32>
        %mul3A_466 = arith.constant 16 : i32
        %mul3A_467 = arith.muli %scan3A_251, %mul3A_466 : i32
        %add3A_468 = arith.constant 12 : i32
        %add3A_469 = arith.addi %mul3A_467, %add3A_468 : i32
        %swap3A_470 = arith.index_cast %rem3A_226 : i32 to index
        %swap3A_471 = arith.index_cast %add3A_469 : i32 to index
        %swap3A_472 = arith.constant 0 : index
        %swap3A_473 = tpu.vector_load %arg7[%swap3A_470, %swap3A_471, %swap3A_472] {strides = array<i32>} : memref<3x80x128xf32, #tpu.memory_space<vmem>>, vector<1x1x16xf32>,
        %swap3A_474 = vector.shape_cast %swap3A_473 : vector<1x1x16xf32> to vector<16xf32>
        %swap3A_475 = vector.shape_cast %select_n3A_465 : vector<16xf32> to vector<1x1x16xf32>
        tpu.vector_store %arg7[%swap3A_470, %swap3A_471, %swap3A_472], %swap3A_475 {strides = array<i32>} : memref<3x80x128xf32, #tpu.memory_space<vmem>>, vector<1x1x16xf32>,
        %eq3A_476 = arith.constant 0 : i32
        %eq3A_477 = vector.broadcast %eq3A_476 : i32 to vector<16xi32>
        %eq3A_478 = arith.cmpi eq, %iota3A, %eq3A_477 : vector<16xi32>
        %slice3A_479 = vector.extract_strided_slice %get3A_257 {offsets = [13], sizes = [1], strides = [1]} : vector<16xf32> to vector<1xf32>
        %squeeze3A_480 = vector.extract %slice3A_479[0] : f32 from vector<1xf32>
        %broadcast_in_dim3A_481 = vector.broadcast %squeeze3A_480 : f32 to vector<16xf32>
        %select_n3A_482 = arith.select %eq3A_478, %broadcast_in_dim3A_481, %select_n3A : vector<16xi1>, vector<16xf32>
        %mul3A_483 = arith.constant 16 : i32
        %mul3A_484 = arith.muli %scan3A_251, %mul3A_483 : i32
        %add3A_485 = arith.constant 13 : i32
        %add3A_486 = arith.addi %mul3A_484, %add3A_485 : i32
        %swap3A_487 = arith.index_cast %rem3A_226 : i32 to index
        %swap3A_488 = arith.index_cast %add3A_486 : i32 to index
        %swap3A_489 = arith.constant 0 : index
        %swap3A_490 = tpu.vector_load %arg7[%swap3A_487, %swap3A_488, %swap3A_489] {strides = array<i32>} : memref<3x80x128xf32, #tpu.memory_space<vmem>>, vector<1x1x16xf32>,
        %swap3A_491 = vector.shape_cast %swap3A_490 : vector<1x1x16xf32> to vector<16xf32>
        %swap3A_492 = vector.shape_cast %select_n3A_482 : vector<16xf32> to vector<1x1x16xf32>
        tpu.vector_store %arg7[%swap3A_487, %swap3A_488, %swap3A_489], %swap3A_492 {strides = array<i32>} : memref<3x80x128xf32, #tpu.memory_space<vmem>>, vector<1x1x16xf32>,
        %eq3A_493 = arith.constant 0 : i32
        %eq3A_494 = vector.broadcast %eq3A_493 : i32 to vector<16xi32>
        %eq3A_495 = arith.cmpi eq, %iota3A, %eq3A_494 : vector<16xi32>
        %slice3A_496 = vector.extract_strided_slice %get3A_257 {offsets = [14], sizes = [1], strides = [1]} : vector<16xf32> to vector<1xf32>
        %squeeze3A_497 = vector.extract %slice3A_496[0] : f32 from vector<1xf32>
        %broadcast_in_dim3A_498 = vector.broadcast %squeeze3A_497 : f32 to vector<16xf32>
        %select_n3A_499 = arith.select %eq3A_495, %broadcast_in_dim3A_498, %select_n3A : vector<16xi1>, vector<16xf32>
        %mul3A_500 = arith.constant 16 : i32
        %mul3A_501 = arith.muli %scan3A_251, %mul3A_500 : i32
        %add3A_502 = arith.constant 14 : i32
        %add3A_503 = arith.addi %mul3A_501, %add3A_502 : i32
        %swap3A_504 = arith.index_cast %rem3A_226 : i32 to index
        %swap3A_505 = arith.index_cast %add3A_503 : i32 to index
        %swap3A_506 = arith.constant 0 : index
        %swap3A_507 = tpu.vector_load %arg7[%swap3A_504, %swap3A_505, %swap3A_506] {strides = array<i32>} : memref<3x80x128xf32, #tpu.memory_space<vmem>>, vector<1x1x16xf32>,
        %swap3A_508 = vector.shape_cast %swap3A_507 : vector<1x1x16xf32> to vector<16xf32>
        %swap3A_509 = vector.shape_cast %select_n3A_499 : vector<16xf32> to vector<1x1x16xf32>
        tpu.vector_store %arg7[%swap3A_504, %swap3A_505, %swap3A_506], %swap3A_509 {strides = array<i32>} : memref<3x80x128xf32, #tpu.memory_space<vmem>>, vector<1x1x16xf32>,
        %eq3A_510 = arith.constant 0 : i32
        %eq3A_511 = vector.broadcast %eq3A_510 : i32 to vector<16xi32>
        %eq3A_512 = arith.cmpi eq, %iota3A, %eq3A_511 : vector<16xi32>
        %slice3A_513 = vector.extract_strided_slice %get3A_257 {offsets = [15], sizes = [1], strides = [1]} : vector<16xf32> to vector<1xf32>
        %squeeze3A_514 = vector.extract %slice3A_513[0] : f32 from vector<1xf32>
        %broadcast_in_dim3A_515 = vector.broadcast %squeeze3A_514 : f32 to vector<16xf32>
        %select_n3A_516 = arith.select %eq3A_512, %broadcast_in_dim3A_515, %select_n3A : vector<16xi1>, vector<16xf32>
        %mul3A_517 = arith.constant 16 : i32
        %mul3A_518 = arith.muli %scan3A_251, %mul3A_517 : i32
        %add3A_519 = arith.constant 15 : i32
        %add3A_520 = arith.addi %mul3A_518, %add3A_519 : i32
        %swap3A_521 = arith.index_cast %rem3A_226 : i32 to index
        %swap3A_522 = arith.index_cast %add3A_520 : i32 to index
        %swap3A_523 = arith.constant 0 : index
        %swap3A_524 = tpu.vector_load %arg7[%swap3A_521, %swap3A_522, %swap3A_523] {strides = array<i32>} : memref<3x80x128xf32, #tpu.memory_space<vmem>>, vector<1x1x16xf32>,
        %swap3A_525 = vector.shape_cast %swap3A_524 : vector<1x1x16xf32> to vector<16xf32>
        %swap3A_526 = vector.shape_cast %select_n3A_516 : vector<16xf32> to vector<1x1x16xf32>
        tpu.vector_store %arg7[%swap3A_521, %swap3A_522, %swap3A_523], %swap3A_526 {strides = array<i32>} : memref<3x80x128xf32, #tpu.memory_space<vmem>>, vector<1x1x16xf32>,
        %scan3A_527 = arith.constant 0 : i32
        scf.yield %scan3A_527 : i32
      }
      %scan3A_233 = arith.constant 5 : i32
      %rem3A_234 = arith.constant 3 : i32
      %rem3A_235 = arith.remsi %scan3A_182, %rem3A_234 : i32
      %rem3A_236 = arith.constant 5 : i32
      %rem3A_237 = arith.remsi %scan3A_182, %rem3A_236 : i32
      %dma_start3A_238 = arith.constant 0 : i32
      %dma_start3A_239 = arith.constant 0 : i32
      %dma_start3A_240 = tpu.memref_slice %arg7[%rem3A_235, %dma_start3A_238, %dma_start3A_239] : memref<3x80x128xf32, #tpu.memory_space<vmem>> -> memref<1x80x128xf32, #tpu.memory_space<vmem>>
      %dma_start3A_241 = tpu.memref_squeeze %dma_start3A_240 : memref<1x80x128xf32, #tpu.memory_space<vmem>> -> memref<80x128xf32, #tpu.memory_space<vmem>>
      %dma_start3A_242 = arith.constant 0 : i32
      %dma_start3A_243 = tpu.memref_slice %arg5[%rem3A_237, %dma_start3A_242] : memref<5x80xi32, #tpu.memory_space<vmem>> -> memref<1x80xi32, #tpu.memory_space<vmem>>
      %dma_start3A_244 = tpu.memref_squeeze %dma_start3A_243 : memref<1x80xi32, #tpu.memory_space<vmem>> -> memref<80xi32, #tpu.memory_space<vmem>>
      %dma_start3A_245 = arith.constant 0 : i32
      %dma_start3A_246 = arith.constant 0 : i32
      %dma_start3A_247 = tpu.memref_slice %arg10[%dma_start3A_245, %dma_start3A_246] : memref<10000x128xf32, #tpu.memory_space<vmem_shared>> -> memref<10000x128xf32, #tpu.memory_space<vmem_shared>>
      %dma_start3A_248 = tpu.memref_slice %arg9[%rem3A_235] : memref<3x!tpu.dma_semaphore, #tpu.memory_space<semaphore_mem>> -> memref<1x!tpu.dma_semaphore, #tpu.memory_space<semaphore_mem>>
      %dma_start3A_249 = tpu.memref_squeeze %dma_start3A_248 : memref<1x!tpu.dma_semaphore, #tpu.memory_space<semaphore_mem>> -> memref<!tpu.dma_semaphore, #tpu.memory_space<semaphore_mem>>
      tpu.enqueue_indirect_dma source(%dma_start3A_241 : memref<80x128xf32, #tpu.memory_space<vmem>>) target(%dma_start3A_247 : memref<10000x128xf32, #tpu.memory_space<vmem_shared>>) offsets(%dma_start3A_244 : memref<80xi32, #tpu.memory_space<vmem>>) semaphore(%dma_start3A_249 : memref<!tpu.dma_semaphore, #tpu.memory_space<semaphore_mem>>) {add = true}
      %scan3A_250 = arith.constant 0 : i32
      scf.yield %scan3A_250 : i32
    }
    %scan3A_139 = arith.constant 125 : i32
    %rem3A = arith.constant 123 : i32
    %rem3A_140 = arith.constant 5 : i32
    %rem3A_141 = arith.remsi %rem3A, %rem3A_140 : i32
    %dma_wait3A = arith.constant 0 : i32
    %dma_wait3A_142 = arith.constant 0 : i32
    %dma_wait3A_143 = arith.constant 0 : i32
    %dma_wait3A_144 = arith.constant 0 : i32
    %dma_wait3A_145 = tpu.memref_slice %arg7[%dma_wait3A, %dma_wait3A_143, %dma_wait3A_144] : memref<3x80x128xf32, #tpu.memory_space<vmem>> -> memref<1x80x128xf32, #tpu.memory_space<vmem>>
    %dma_wait3A_146 = tpu.memref_squeeze %dma_wait3A_145 : memref<1x80x128xf32, #tpu.memory_space<vmem>> -> memref<80x128xf32, #tpu.memory_space<vmem>>
    %dma_wait3A_147 = arith.constant 0 : i32
    %dma_wait3A_148 = tpu.memref_slice %arg5[%rem3A_141, %dma_wait3A_147] : memref<5x80xi32, #tpu.memory_space<vmem>> -> memref<1x80xi32, #tpu.memory_space<vmem>>
    %dma_wait3A_149 = tpu.memref_squeeze %dma_wait3A_148 : memref<1x80xi32, #tpu.memory_space<vmem>> -> memref<80xi32, #tpu.memory_space<vmem>>
    %dma_wait3A_150 = arith.constant 0 : i32
    %dma_wait3A_151 = arith.constant 0 : i32
    %dma_wait3A_152 = tpu.memref_slice %arg10[%dma_wait3A_150, %dma_wait3A_151] : memref<10000x128xf32, #tpu.memory_space<vmem_shared>> -> memref<10000x128xf32, #tpu.memory_space<vmem_shared>>
    %dma_wait3A_153 = tpu.memref_slice %arg9[%dma_wait3A_142] : memref<3x!tpu.dma_semaphore, #tpu.memory_space<semaphore_mem>> -> memref<1x!tpu.dma_semaphore, #tpu.memory_space<semaphore_mem>>
    %dma_wait3A_154 = tpu.memref_squeeze %dma_wait3A_153 : memref<1x!tpu.dma_semaphore, #tpu.memory_space<semaphore_mem>> -> memref<!tpu.dma_semaphore, #tpu.memory_space<semaphore_mem>>
    tpu.wait_indirect_dma semaphore(%dma_wait3A_154 : memref<!tpu.dma_semaphore, #tpu.memory_space<semaphore_mem>>) src(%dma_wait3A_146 : memref<80x128xf32, #tpu.memory_space<vmem>>) dst(%dma_wait3A_152 : memref<10000x128xf32, #tpu.memory_space<vmem_shared>>)
    %rem3A_155 = arith.constant 124 : i32
    %rem3A_156 = arith.constant 5 : i32
    %rem3A_157 = arith.remsi %rem3A_155, %rem3A_156 : i32
    %dma_wait3A_158 = arith.constant 1 : i32
    %dma_wait3A_159 = arith.constant 1 : i32
    %dma_wait3A_160 = arith.constant 0 : i32
    %dma_wait3A_161 = arith.constant 0 : i32
    %dma_wait3A_162 = tpu.memref_slice %arg7[%dma_wait3A_158, %dma_wait3A_160, %dma_wait3A_161] : memref<3x80x128xf32, #tpu.memory_space<vmem>> -> memref<1x80x128xf32, #tpu.memory_space<vmem>>
    %dma_wait3A_163 = tpu.memref_squeeze %dma_wait3A_162 : memref<1x80x128xf32, #tpu.memory_space<vmem>> -> memref<80x128xf32, #tpu.memory_space<vmem>>
    %dma_wait3A_164 = arith.constant 0 : i32
    %dma_wait3A_165 = tpu.memref_slice %arg5[%rem3A_157, %dma_wait3A_164] : memref<5x80xi32, #tpu.memory_space<vmem>> -> memref<1x80xi32, #tpu.memory_space<vmem>>
    %dma_wait3A_166 = tpu.memref_squeeze %dma_wait3A_165 : memref<1x80xi32, #tpu.memory_space<vmem>> -> memref<80xi32, #tpu.memory_space<vmem>>
    %dma_wait3A_167 = arith.constant 0 : i32
    %dma_wait3A_168 = arith.constant 0 : i32
    %dma_wait3A_169 = tpu.memref_slice %arg10[%dma_wait3A_167, %dma_wait3A_168] : memref<10000x128xf32, #tpu.memory_space<vmem_shared>> -> memref<10000x128xf32, #tpu.memory_space<vmem_shared>>
    %dma_wait3A_170 = tpu.memref_slice %arg9[%dma_wait3A_159] : memref<3x!tpu.dma_semaphore, #tpu.memory_space<semaphore_mem>> -> memref<1x!tpu.dma_semaphore, #tpu.memory_space<semaphore_mem>>
    %dma_wait3A_171 = tpu.memref_squeeze %dma_wait3A_170 : memref<1x!tpu.dma_semaphore, #tpu.memory_space<semaphore_mem>> -> memref<!tpu.dma_semaphore, #tpu.memory_space<semaphore_mem>>
    tpu.wait_indirect_dma semaphore(%dma_wait3A_171 : memref<!tpu.dma_semaphore, #tpu.memory_space<semaphore_mem>>) src(%dma_wait3A_163 : memref<80x128xf32, #tpu.memory_space<vmem>>) dst(%dma_wait3A_169 : memref<10000x128xf32, #tpu.memory_space<vmem_shared>>)
    %barrier3A_172 = arith.constant 0 : index
    tpu.barrier barrier_id(%barrier3A_172)
    %mul3A_173 = arith.constant 624 : i32
    %mul3A_174 = arith.muli %arg1, %mul3A_173 : i32
    %mul3A_175 = arith.constant 624 : i32
    %mul3A_176 = arith.muli %arg1, %mul3A_175 : i32
    "tpu.region"() ({
      %run_scoped3A_182 = tpu.sem_alloc : memref<!tpu.dma_semaphore, #tpu.memory_space<semaphore_mem>>
      %dma_start3A_183 = arith.constant 0 : i32
      %dma_start3A_184 = tpu.memref_slice %arg4[%arg0, %mul3A_176, %dma_start3A_183] : memref<2x10000x128xf32, #tpu.memory_space<hbm>> -> memref<1x624x128xf32, #tpu.memory_space<hbm>>
      %dma_start3A_185 = tpu.memref_squeeze %dma_start3A_184 : memref<1x624x128xf32, #tpu.memory_space<hbm>> -> memref<624x128xf32, #tpu.memory_space<hbm>>
      %dma_start3A_186 = arith.constant 0 : i32
      %dma_start3A_187 = tpu.memref_slice %arg10[%mul3A_174, %dma_start3A_186] : memref<10000x128xf32, #tpu.memory_space<vmem_shared>> -> memref<624x128xf32, #tpu.memory_space<vmem_shared>>
      tpu.enqueue_dma source(%dma_start3A_187 : memref<624x128xf32, #tpu.memory_space<vmem_shared>>) target(%dma_start3A_185 : memref<624x128xf32, #tpu.memory_space<hbm>>) target_semaphore(%run_scoped3A_182 : memref<!tpu.dma_semaphore, #tpu.memory_space<semaphore_mem>>)
      %dma_wait3A_188 = arith.constant 0 : i32
      %dma_wait3A_189 = tpu.memref_slice %arg4[%arg0, %mul3A_176, %dma_wait3A_188] : memref<2x10000x128xf32, #tpu.memory_space<hbm>> -> memref<1x624x128xf32, #tpu.memory_space<hbm>>
      %dma_wait3A_190 = tpu.memref_squeeze %dma_wait3A_189 : memref<1x624x128xf32, #tpu.memory_space<hbm>> -> memref<624x128xf32, #tpu.memory_space<hbm>>
      %dma_wait3A_191 = arith.constant 0 : i32
      %dma_wait3A_192 = tpu.memref_slice %arg10[%mul3A_174, %dma_wait3A_191] : memref<10000x128xf32, #tpu.memory_space<vmem_shared>> -> memref<624x128xf32, #tpu.memory_space<vmem_shared>>
      tpu.wait_dma2 semaphore(%run_scoped3A_182 : memref<!tpu.dma_semaphore, #tpu.memory_space<semaphore_mem>>) src(%dma_wait3A_192 : memref<624x128xf32, #tpu.memory_space<vmem_shared>>) dst(%dma_wait3A_190 : memref<624x128xf32, #tpu.memory_space<hbm>>)
      tpu.yield
    }) : () -> ()
    %eq3A_177 = arith.constant 15 : i32
    %eq3A_178 = arith.cmpi eq, %arg1, %eq3A_177 : i32
    %convert_element_type3A_179 = arith.extui %eq3A_178 : i1 to i32
    %cond3A_180 = arith.constant 0 : i32
    %cond3A_181 = arith.cmpi ne, %convert_element_type3A_179, %cond3A_180 : i32
    scf.if %cond3A_181 {
      "tpu.region"() ({
        %run_scoped3A_182 = tpu.sem_alloc : memref<!tpu.dma_semaphore, #tpu.memory_space<semaphore_mem>>
        %dma_start3A_183 = arith.constant 9984 : i32
        %dma_start3A_184 = arith.constant 0 : i32
        %dma_start3A_185 = tpu.memref_slice %arg4[%arg0, %dma_start3A_183, %dma_start3A_184] : memref<2x10000x128xf32, #tpu.memory_space<hbm>> -> memref<1x16x128xf32, #tpu.memory_space<hbm>>
        %dma_start3A_186 = tpu.memref_squeeze %dma_start3A_185 : memref<1x16x128xf32, #tpu.memory_space<hbm>> -> memref<16x128xf32, #tpu.memory_space<hbm>>
        %dma_start3A_187 = arith.constant 9984 : i32
        %dma_start3A_188 = arith.constant 0 : i32
        %dma_start3A_189 = tpu.memref_slice %arg10[%dma_start3A_187, %dma_start3A_188] : memref<10000x128xf32, #tpu.memory_space<vmem_shared>> -> memref<16x128xf32, #tpu.memory_space<vmem_shared>>
        tpu.enqueue_dma source(%dma_start3A_189 : memref<16x128xf32, #tpu.memory_space<vmem_shared>>) target(%dma_start3A_186 : memref<16x128xf32, #tpu.memory_space<hbm>>) target_semaphore(%run_scoped3A_182 : memref<!tpu.dma_semaphore, #tpu.memory_space<semaphore_mem>>)
        %dma_wait3A_190 = arith.constant 9984 : i32
        %dma_wait3A_191 = arith.constant 0 : i32
        %dma_wait3A_192 = tpu.memref_slice %arg4[%arg0, %dma_wait3A_190, %dma_wait3A_191] : memref<2x10000x128xf32, #tpu.memory_space<hbm>> -> memref<1x16x128xf32, #tpu.memory_space<hbm>>
        %dma_wait3A_193 = tpu.memref_squeeze %dma_wait3A_192 : memref<1x16x128xf32, #tpu.memory_space<hbm>> -> memref<16x128xf32, #tpu.memory_space<hbm>>
        %dma_wait3A_194 = arith.constant 9984 : i32
        %dma_wait3A_195 = arith.constant 0 : i32
        %dma_wait3A_196 = tpu.memref_slice %arg10[%dma_wait3A_194, %dma_wait3A_195] : memref<10000x128xf32, #tpu.memory_space<vmem_shared>> -> memref<16x128xf32, #tpu.memory_space<vmem_shared>>
        tpu.wait_dma2 semaphore(%run_scoped3A_182 : memref<!tpu.dma_semaphore, #tpu.memory_space<semaphore_mem>>) src(%dma_wait3A_196 : memref<16x128xf32, #tpu.memory_space<vmem_shared>>) dst(%dma_wait3A_193 : memref<16x128xf32, #tpu.memory_space<hbm>>)
        tpu.yield
      }) : () -> ()
    } else {
    }
    return
  }
}

module attributes {stable_mosaic.version = 14 : i64} {
  func.func @_mlp_body(%arg0: i32, %arg1: i32, %arg2: memref<2x2000x128xf32, #tpu.memory_space<vmem>>, %arg3: memref<2x2000x128xf32, #tpu.memory_space<vmem>>, %arg4: memref<1x128xf32, #tpu.memory_space<vmem>>, %arg5: memref<1x128xf32, #tpu.memory_space<vmem>>, %arg6: memref<128x256xf32, #tpu.memory_space<vmem>>, %arg7: memref<1x256xf32, #tpu.memory_space<vmem>>, %arg8: memref<256x128xf32, #tpu.memory_space<vmem>>, %arg9: memref<1x128xf32, #tpu.memory_space<vmem>>, %arg10: memref<1x128xf32, #tpu.memory_space<vmem>>, %arg11: memref<1x128xf32, #tpu.memory_space<vmem>>, %arg12: memref<2000x128xf32, #tpu.memory_space<vmem>>, %arg13: memref<10000x128xf32, #tpu.memory_space<vmem>>, %arg14: memref<8x128xf32, #tpu.memory_space<vmem>>) attributes {dimension_semantics = [#tpu.dimension_semantics<arbitrary>, #tpu.dimension_semantics<arbitrary>], iteration_bounds = array<i64: 2, 5>, scalar_prefetch = 0 : i64, scratch_operands = 2 : i64, tpu.core_type = #tpu.core_type<tc>, window_params = [{transform_indices = @transform_0, window_bounds = array<i64: 2, 2000, 128>}, {transform_indices = @transform_1, window_bounds = array<i64: 2, 2000, 128>}, {pipeline_mode = #tpu.pipeline_mode<synchronous>, transform_indices = @transform_2, window_bounds = array<i64: 1, 128>}, {pipeline_mode = #tpu.pipeline_mode<synchronous>, transform_indices = @transform_3, window_bounds = array<i64: 1, 128>}, {pipeline_mode = #tpu.pipeline_mode<synchronous>, transform_indices = @transform_4, window_bounds = array<i64: 128, 256>}, {pipeline_mode = #tpu.pipeline_mode<synchronous>, transform_indices = @transform_5, window_bounds = array<i64: 1, 256>}, {pipeline_mode = #tpu.pipeline_mode<synchronous>, transform_indices = @transform_6, window_bounds = array<i64: 256, 128>}, {pipeline_mode = #tpu.pipeline_mode<synchronous>, transform_indices = @transform_7, window_bounds = array<i64: 1, 128>}, {pipeline_mode = #tpu.pipeline_mode<synchronous>, transform_indices = @transform_8, window_bounds = array<i64: 1, 128>}, {pipeline_mode = #tpu.pipeline_mode<synchronous>, transform_indices = @transform_9, window_bounds = array<i64: 1, 128>}, {transform_indices = @transform_10, window_bounds = array<i64: 2000, 128>}]} {
    %eq3A = arith.constant 0 : i32
    %eq3A_0 = arith.cmpi eq, %arg0, %eq3A : i32
    %convert_element_type3A = arith.extui %eq3A_0 : i1 to i32
    %cond3A = arith.constant 0 : i32
    %cond3A_1 = arith.cmpi ne, %convert_element_type3A, %cond3A : i32
    scf.if %cond3A_1 {
      %get3A = arith.constant 0 : index
      %get3A_7 = arith.constant 0 : index
      %get3A_8 = arith.constant 0 : index
      %get3A_9 = vector.load %arg2[%get3A, %get3A_7, %get3A_8] : memref<2x2000x128xf32, #tpu.memory_space<vmem>>, vector<1x2000x128xf32>
      %get3A_10 = vector.shape_cast %get3A_9 : vector<1x2000x128xf32> to vector<2000x128xf32>
      %get3A_11 = arith.constant 1 : index
      %get3A_12 = arith.constant 0 : index
      %get3A_13 = arith.constant 0 : index
      %get3A_14 = vector.load %arg2[%get3A_11, %get3A_12, %get3A_13] : memref<2x2000x128xf32, #tpu.memory_space<vmem>>, vector<1x2000x128xf32>
      %get3A_15 = vector.shape_cast %get3A_14 : vector<1x2000x128xf32> to vector<2000x128xf32>
      %add3A = arith.addf %get3A_10, %get3A_15 : vector<2000x128xf32>
      %get3A_16 = arith.constant 0 : index
      %get3A_17 = arith.constant 0 : index
      %get3A_18 = arith.constant 0 : index
      %get3A_19 = vector.load %arg3[%get3A_16, %get3A_17, %get3A_18] : memref<2x2000x128xf32, #tpu.memory_space<vmem>>, vector<1x2000x128xf32>
      %get3A_20 = vector.shape_cast %get3A_19 : vector<1x2000x128xf32> to vector<2000x128xf32>
      %get3A_21 = arith.constant 1 : index
      %get3A_22 = arith.constant 0 : index
      %get3A_23 = arith.constant 0 : index
      %get3A_24 = vector.load %arg3[%get3A_21, %get3A_22, %get3A_23] : memref<2x2000x128xf32, #tpu.memory_space<vmem>>, vector<1x2000x128xf32>
      %get3A_25 = vector.shape_cast %get3A_24 : vector<1x2000x128xf32> to vector<2000x128xf32>
      %add3A_26 = arith.addf %get3A_20, %get3A_25 : vector<2000x128xf32>
      %slice3A = vector.extract_strided_slice %add3A_26 {offsets = [0, 0], sizes = [2000, 1], strides = [1, 1]} : vector<2000x128xf32> to vector<2000x1xf32>
      %slice3A_27 = vector.extract_strided_slice %add3A_26 {offsets = [0, 1], sizes = [2000, 1], strides = [1, 1]} : vector<2000x128xf32> to vector<2000x1xf32>
      %get3A_28 = arith.constant 0 : index
      %get3A_29 = arith.constant 0 : index
      %get3A_30 = vector.load %arg4[%get3A_28, %get3A_29] : memref<1x128xf32, #tpu.memory_space<vmem>>, vector<1x128xf32>
      %mul3A = vector.broadcast %slice3A : vector<2000x1xf32> to vector<2000x128xf32>
      %mul3A_31 = vector.broadcast %get3A_30 : vector<1x128xf32> to vector<2000x128xf32>
      %mul3A_32 = arith.mulf %mul3A, %mul3A_31 : vector<2000x128xf32>
      %add3A_33 = arith.addf %add3A, %mul3A_32 : vector<2000x128xf32>
      %get3A_34 = arith.constant 0 : index
      %get3A_35 = arith.constant 0 : index
      %get3A_36 = vector.load %arg5[%get3A_34, %get3A_35] : memref<1x128xf32, #tpu.memory_space<vmem>>, vector<1x128xf32>
      %mul3A_37 = vector.broadcast %slice3A_27 : vector<2000x1xf32> to vector<2000x128xf32>
      %mul3A_38 = vector.broadcast %get3A_36 : vector<1x128xf32> to vector<2000x128xf32>
      %mul3A_39 = arith.mulf %mul3A_37, %mul3A_38 : vector<2000x128xf32>
      %add3A_40 = arith.addf %add3A_33, %mul3A_39 : vector<2000x128xf32>
      %get3A_41 = arith.constant 0 : index
      %get3A_42 = arith.constant 0 : index
      %get3A_43 = vector.load %arg6[%get3A_41, %get3A_42] : memref<128x256xf32, #tpu.memory_space<vmem>>, vector<128x256xf32>
      %dot_general3A = arith.constant dense<0.000000e+00> : vector<2000x256xf32>
      %dot_general3A_44 = tpu.matmul %add3A_40, %get3A_43, %dot_general3A {dimension_numbers = #tpu.dot_dimension_numbers<[1], [0], [0], [1], [0, 0, 1, 1], [], []>, transpose_lhs_hint = false} : vector<2000x128xf32>, vector<128x256xf32>, vector<2000x256xf32> -> vector<2000x256xf32>
      %get3A_45 = arith.constant 0 : index
      %get3A_46 = arith.constant 0 : index
      %get3A_47 = vector.load %arg7[%get3A_45, %get3A_46] : memref<1x256xf32, #tpu.memory_space<vmem>>, vector<1x256xf32>
      %add3A_48 = vector.broadcast %get3A_47 : vector<1x256xf32> to vector<2000x256xf32>
      %add3A_49 = arith.addf %dot_general3A_44, %add3A_48 : vector<2000x256xf32>
      %max3A = arith.constant 0.000000e+00 : f32
      %max3A_50 = vector.broadcast %max3A : f32 to vector<2000x256xf32>
      %max3A_51 = arith.maximumf %add3A_49, %max3A_50 : vector<2000x256xf32>
      %get3A_52 = arith.constant 0 : index
      %get3A_53 = arith.constant 0 : index
      %get3A_54 = vector.load %arg8[%get3A_52, %get3A_53] : memref<256x128xf32, #tpu.memory_space<vmem>>, vector<256x128xf32>
      %dot_general3A_55 = arith.constant dense<0.000000e+00> : vector<2000x128xf32>
      %dot_general3A_56 = tpu.matmul %max3A_51, %get3A_54, %dot_general3A_55 {dimension_numbers = #tpu.dot_dimension_numbers<[1], [0], [0], [1], [0, 0, 1, 1], [], []>, transpose_lhs_hint = false} : vector<2000x256xf32>, vector<256x128xf32>, vector<2000x128xf32> -> vector<2000x128xf32>
      %get3A_57 = arith.constant 0 : index
      %get3A_58 = arith.constant 0 : index
      %get3A_59 = vector.load %arg9[%get3A_57, %get3A_58] : memref<1x128xf32, #tpu.memory_space<vmem>>, vector<1x128xf32>
      %add3A_60 = vector.broadcast %get3A_59 : vector<1x128xf32> to vector<2000x128xf32>
      %add3A_61 = arith.addf %dot_general3A_56, %add3A_60 : vector<2000x128xf32>
      %mul3A_62 = arith.constant 2000 : i32
      %mul3A_63 = arith.muli %arg1, %mul3A_62 : i32
      %swap3A = arith.index_cast %mul3A_63 : i32 to index
      %swap3A_64 = arith.constant 0 : index
      %swap3A_65 = vector.load %arg13[%swap3A, %swap3A_64] : memref<10000x128xf32, #tpu.memory_space<vmem>>, vector<2000x128xf32>
      tpu.vector_store %arg13[%swap3A, %swap3A_64], %add3A_61 {strides = array<i32>} : memref<10000x128xf32, #tpu.memory_space<vmem>>, vector<2000x128xf32>,
      %eq3A_66 = arith.constant 0 : i32
      %eq3A_67 = arith.cmpi eq, %arg1, %eq3A_66 : i32
      %convert_element_type3A_68 = arith.extui %eq3A_67 : i1 to i32
      %cond3A_69 = arith.constant 0 : i32
      %cond3A_70 = arith.cmpi ne, %convert_element_type3A_68, %cond3A_69 : i32
      scf.if %cond3A_70 {
        %broadcast_in_dim3A_90 = arith.constant 0.000000e+00 : f32
        %broadcast_in_dim3A_91 = vector.broadcast %broadcast_in_dim3A_90 : f32 to vector<8x128xf32>
        %swap3A_92 = arith.constant 0 : index
        %swap3A_93 = arith.constant 0 : index
        %swap3A_94 = vector.load %arg14[%swap3A_92, %swap3A_93] : memref<8x128xf32, #tpu.memory_space<vmem>>, vector<8x128xf32>
        tpu.vector_store %arg14[%swap3A_92, %swap3A_93], %broadcast_in_dim3A_91 {strides = array<i32>} : memref<8x128xf32, #tpu.memory_space<vmem>>, vector<8x128xf32>,
      } else {
      }
      %get3A_71 = arith.constant 0 : index
      %get3A_72 = arith.constant 0 : index
      %get3A_73 = vector.load %arg14[%get3A_71, %get3A_72] : memref<8x128xf32, #tpu.memory_space<vmem>>, vector<1x128xf32>
      %reduce_sum3A = arith.constant dense<0.000000e+00> : vector<128xf32>
      %reduce_sum3A_74 = vector.multi_reduction <add>, %add3A_61, %reduce_sum3A [0] : vector<2000x128xf32> to vector<128xf32>
      %broadcast_in_dim3A = vector.shape_cast %reduce_sum3A_74 : vector<128xf32> to vector<1x128xf32>
      %add3A_75 = arith.addf %get3A_73, %broadcast_in_dim3A : vector<1x128xf32>
      %swap3A_76 = arith.constant 0 : index
      %swap3A_77 = arith.constant 0 : index
      %swap3A_78 = vector.load %arg14[%swap3A_76, %swap3A_77] : memref<8x128xf32, #tpu.memory_space<vmem>>, vector<1x128xf32>
      tpu.vector_store %arg14[%swap3A_76, %swap3A_77], %add3A_75 {strides = array<i32>} : memref<8x128xf32, #tpu.memory_space<vmem>>, vector<1x128xf32>,
      %get3A_79 = arith.constant 1 : index
      %get3A_80 = arith.constant 0 : index
      %get3A_81 = vector.load %arg14[%get3A_79, %get3A_80] : memref<8x128xf32, #tpu.memory_space<vmem>>, vector<1x128xf32>
      %mul3A_82 = arith.mulf %add3A_61, %add3A_61 : vector<2000x128xf32>
      %reduce_sum3A_83 = arith.constant dense<0.000000e+00> : vector<128xf32>
      %reduce_sum3A_84 = vector.multi_reduction <add>, %mul3A_82, %reduce_sum3A_83 [0] : vector<2000x128xf32> to vector<128xf32>
      %broadcast_in_dim3A_85 = vector.shape_cast %reduce_sum3A_84 : vector<128xf32> to vector<1x128xf32>
      %add3A_86 = arith.addf %get3A_81, %broadcast_in_dim3A_85 : vector<1x128xf32>
      %swap3A_87 = arith.constant 1 : index
      %swap3A_88 = arith.constant 0 : index
      %swap3A_89 = vector.load %arg14[%swap3A_87, %swap3A_88] : memref<8x128xf32, #tpu.memory_space<vmem>>, vector<1x128xf32>
      tpu.vector_store %arg14[%swap3A_87, %swap3A_88], %add3A_86 {strides = array<i32>} : memref<8x128xf32, #tpu.memory_space<vmem>>, vector<1x128xf32>,
    } else {
    }
    %eq3A_2 = arith.constant 1 : i32
    %eq3A_3 = arith.cmpi eq, %arg0, %eq3A_2 : i32
    %convert_element_type3A_4 = arith.extui %eq3A_3 : i1 to i32
    %cond3A_5 = arith.constant 0 : i32
    %cond3A_6 = arith.cmpi ne, %convert_element_type3A_4, %cond3A_5 : i32
    scf.if %cond3A_6 {
      %get3A = arith.constant 0 : index
      %get3A_7 = arith.constant 0 : index
      %get3A_8 = vector.load %arg14[%get3A, %get3A_7] : memref<8x128xf32, #tpu.memory_space<vmem>>, vector<1x128xf32>
      %mul3A = arith.constant 9.99999974E-5 : f32
      %mul3A_9 = vector.broadcast %mul3A : f32 to vector<1x128xf32>
      %mul3A_10 = arith.mulf %get3A_8, %mul3A_9 : vector<1x128xf32>
      %get3A_11 = arith.constant 1 : index
      %get3A_12 = arith.constant 0 : index
      %get3A_13 = vector.load %arg14[%get3A_11, %get3A_12] : memref<8x128xf32, #tpu.memory_space<vmem>>, vector<1x128xf32>
      %mul3A_14 = arith.constant 9.99999974E-5 : f32
      %mul3A_15 = vector.broadcast %mul3A_14 : f32 to vector<1x128xf32>
      %mul3A_16 = arith.mulf %get3A_13, %mul3A_15 : vector<1x128xf32>
      %mul3A_17 = arith.mulf %mul3A_10, %mul3A_10 : vector<1x128xf32>
      %sub3A = arith.subf %mul3A_16, %mul3A_17 : vector<1x128xf32>
      %get3A_18 = arith.constant 0 : index
      %get3A_19 = arith.constant 0 : index
      %get3A_20 = vector.load %arg10[%get3A_18, %get3A_19] : memref<1x128xf32, #tpu.memory_space<vmem>>, vector<1x128xf32>
      %add3A = arith.constant 9.99999974E-6 : f32
      %add3A_21 = vector.broadcast %add3A : f32 to vector<1x128xf32>
      %add3A_22 = arith.addf %sub3A, %add3A_21 : vector<1x128xf32>
      %rsqrt3A = math.rsqrt %add3A_22 : vector<1x128xf32>
      %mul3A_23 = arith.mulf %get3A_20, %rsqrt3A : vector<1x128xf32>
      %get3A_24 = arith.constant 0 : index
      %get3A_25 = arith.constant 0 : index
      %get3A_26 = vector.load %arg11[%get3A_24, %get3A_25] : memref<1x128xf32, #tpu.memory_space<vmem>>, vector<1x128xf32>
      %mul3A_27 = arith.mulf %mul3A_10, %mul3A_23 : vector<1x128xf32>
      %sub3A_28 = arith.subf %get3A_26, %mul3A_27 : vector<1x128xf32>
      %mul3A_29 = arith.constant 2000 : i32
      %mul3A_30 = arith.muli %arg1, %mul3A_29 : i32
      %get3A_31 = arith.index_cast %mul3A_30 : i32 to index
      %get3A_32 = arith.constant 0 : index
      %get3A_33 = vector.load %arg13[%get3A_31, %get3A_32] : memref<10000x128xf32, #tpu.memory_space<vmem>>, vector<2000x128xf32>
      %mul3A_34 = vector.broadcast %mul3A_23 : vector<1x128xf32> to vector<2000x128xf32>
      %mul3A_35 = arith.mulf %get3A_33, %mul3A_34 : vector<2000x128xf32>
      %add3A_36 = vector.broadcast %sub3A_28 : vector<1x128xf32> to vector<2000x128xf32>
      %add3A_37 = arith.addf %mul3A_35, %add3A_36 : vector<2000x128xf32>
      %swap3A = arith.constant 0 : index
      %swap3A_38 = arith.constant 0 : index
      %swap3A_39 = vector.load %arg12[%swap3A, %swap3A_38] : memref<2000x128xf32, #tpu.memory_space<vmem>>, vector<2000x128xf32>
      tpu.vector_store %arg12[%swap3A, %swap3A_38], %add3A_37 {strides = array<i32>} : memref<2000x128xf32, #tpu.memory_space<vmem>>, vector<2000x128xf32>,
    } else {
    }
    return
  }
  func.func @transform_0(%arg0: i32, %arg1: i32) -> (i32, i32, i32) {
    %c0_i32 = arith.constant 0 : i32
    %c0_i32_0 = arith.constant 0 : i32
    %c0_i32_1 = arith.constant 0 : i32
    return %c0_i32, %arg1, %c0_i32_0 : i32, i32, i32
  }
  func.func @transform_1(%arg0: i32, %arg1: i32) -> (i32, i32, i32) {
    %c0_i32 = arith.constant 0 : i32
    %c0_i32_0 = arith.constant 0 : i32
    %c0_i32_1 = arith.constant 0 : i32
    return %c0_i32, %arg1, %c0_i32_0 : i32, i32, i32
  }
  func.func @transform_2(%arg0: i32, %arg1: i32) -> (i32, i32) {
    %c0_i32 = arith.constant 0 : i32
    %c0_i32_0 = arith.constant 0 : i32
    %c0_i32_1 = arith.constant 0 : i32
    return %c0_i32, %c0_i32_0 : i32, i32
  }
  func.func @transform_3(%arg0: i32, %arg1: i32) -> (i32, i32) {
    %c0_i32 = arith.constant 0 : i32
    %c0_i32_0 = arith.constant 0 : i32
    %c0_i32_1 = arith.constant 0 : i32
    return %c0_i32, %c0_i32_0 : i32, i32
  }
  func.func @transform_4(%arg0: i32, %arg1: i32) -> (i32, i32) {
    %c0_i32 = arith.constant 0 : i32
    %c0_i32_0 = arith.constant 0 : i32
    %c0_i32_1 = arith.constant 0 : i32
    return %c0_i32, %c0_i32_0 : i32, i32
  }
  func.func @transform_5(%arg0: i32, %arg1: i32) -> (i32, i32) {
    %c0_i32 = arith.constant 0 : i32
    %c0_i32_0 = arith.constant 0 : i32
    %c0_i32_1 = arith.constant 0 : i32
    return %c0_i32, %c0_i32_0 : i32, i32
  }
  func.func @transform_6(%arg0: i32, %arg1: i32) -> (i32, i32) {
    %c0_i32 = arith.constant 0 : i32
    %c0_i32_0 = arith.constant 0 : i32
    %c0_i32_1 = arith.constant 0 : i32
    return %c0_i32, %c0_i32_0 : i32, i32
  }
  func.func @transform_7(%arg0: i32, %arg1: i32) -> (i32, i32) {
    %c0_i32 = arith.constant 0 : i32
    %c0_i32_0 = arith.constant 0 : i32
    %c0_i32_1 = arith.constant 0 : i32
    return %c0_i32, %c0_i32_0 : i32, i32
  }
  func.func @transform_8(%arg0: i32, %arg1: i32) -> (i32, i32) {
    %c0_i32 = arith.constant 0 : i32
    %c0_i32_0 = arith.constant 0 : i32
    %c0_i32_1 = arith.constant 0 : i32
    return %c0_i32, %c0_i32_0 : i32, i32
  }
  func.func @transform_9(%arg0: i32, %arg1: i32) -> (i32, i32) {
    %c0_i32 = arith.constant 0 : i32
    %c0_i32_0 = arith.constant 0 : i32
    %c0_i32_1 = arith.constant 0 : i32
    return %c0_i32, %c0_i32_0 : i32, i32
  }
  func.func @transform_10(%arg0: i32, %arg1: i32) -> (i32, i32) {
    %c0_i32 = arith.constant 0 : i32
    %c0_i32_0 = arith.constant 0 : i32
    return %arg1, %c0_i32 : i32, i32
  }
}

module attributes {stable_mosaic.version = 14 : i64} {
  func.func @_mlp_body(%arg0: i32, %arg1: i32, %arg2: memref<2x2000x128xf32, #tpu.memory_space<vmem>>, %arg3: memref<2x2000x128xf32, #tpu.memory_space<vmem>>, %arg4: memref<1x128xf32, #tpu.memory_space<vmem>>, %arg5: memref<1x128xf32, #tpu.memory_space<vmem>>, %arg6: memref<128x256xf32, #tpu.memory_space<vmem>>, %arg7: memref<1x256xf32, #tpu.memory_space<vmem>>, %arg8: memref<256x128xf32, #tpu.memory_space<vmem>>, %arg9: memref<1x128xf32, #tpu.memory_space<vmem>>, %arg10: memref<1x128xf32, #tpu.memory_space<vmem>>, %arg11: memref<1x128xf32, #tpu.memory_space<vmem>>, %arg12: memref<2000x128xf32, #tpu.memory_space<vmem>>, %arg13: memref<10000x128xf32, #tpu.memory_space<vmem>>, %arg14: memref<8x128xf32, #tpu.memory_space<vmem>>) attributes {dimension_semantics = [#tpu.dimension_semantics<arbitrary>, #tpu.dimension_semantics<arbitrary>], iteration_bounds = array<i64: 2, 5>, scalar_prefetch = 0 : i64, scratch_operands = 2 : i64, tpu.core_type = #tpu.core_type<tc>, window_params = [{transform_indices = @transform_0, window_bounds = array<i64: 2, 2000, 128>}, {transform_indices = @transform_1, window_bounds = array<i64: 2, 2000, 128>}, {pipeline_mode = #tpu.pipeline_mode<synchronous>, transform_indices = @transform_2, window_bounds = array<i64: 1, 128>}, {pipeline_mode = #tpu.pipeline_mode<synchronous>, transform_indices = @transform_3, window_bounds = array<i64: 1, 128>}, {pipeline_mode = #tpu.pipeline_mode<synchronous>, transform_indices = @transform_4, window_bounds = array<i64: 128, 256>}, {pipeline_mode = #tpu.pipeline_mode<synchronous>, transform_indices = @transform_5, window_bounds = array<i64: 1, 256>}, {pipeline_mode = #tpu.pipeline_mode<synchronous>, transform_indices = @transform_6, window_bounds = array<i64: 256, 128>}, {pipeline_mode = #tpu.pipeline_mode<synchronous>, transform_indices = @transform_7, window_bounds = array<i64: 1, 128>}, {pipeline_mode = #tpu.pipeline_mode<synchronous>, transform_indices = @transform_8, window_bounds = array<i64: 1, 128>}, {pipeline_mode = #tpu.pipeline_mode<synchronous>, transform_indices = @transform_9, window_bounds = array<i64: 1, 128>}, {transform_indices = @transform_10, window_bounds = array<i64: 2000, 128>}]} {
    %eq3A = arith.constant 0 : i32
    %eq3A_0 = arith.cmpi eq, %arg0, %eq3A : i32
    %convert_element_type3A = arith.extui %eq3A_0 : i1 to i32
    %cond3A = arith.constant 0 : i32
    %cond3A_1 = arith.cmpi ne, %convert_element_type3A, %cond3A : i32
    scf.if %cond3A_1 {
      %get3A = arith.constant 0 : index
      %get3A_7 = arith.constant 0 : index
      %get3A_8 = arith.constant 0 : index
      %get3A_9 = vector.load %arg2[%get3A, %get3A_7, %get3A_8] : memref<2x2000x128xf32, #tpu.memory_space<vmem>>, vector<1x2000x128xf32>
      %get3A_10 = vector.shape_cast %get3A_9 : vector<1x2000x128xf32> to vector<2000x128xf32>
      %get3A_11 = arith.constant 1 : index
      %get3A_12 = arith.constant 0 : index
      %get3A_13 = arith.constant 0 : index
      %get3A_14 = vector.load %arg2[%get3A_11, %get3A_12, %get3A_13] : memref<2x2000x128xf32, #tpu.memory_space<vmem>>, vector<1x2000x128xf32>
      %get3A_15 = vector.shape_cast %get3A_14 : vector<1x2000x128xf32> to vector<2000x128xf32>
      %add3A = arith.addf %get3A_10, %get3A_15 : vector<2000x128xf32>
      %get3A_16 = arith.constant 0 : index
      %get3A_17 = arith.constant 0 : index
      %get3A_18 = arith.constant 0 : index
      %get3A_19 = vector.load %arg3[%get3A_16, %get3A_17, %get3A_18] : memref<2x2000x128xf32, #tpu.memory_space<vmem>>, vector<1x2000x128xf32>
      %get3A_20 = vector.shape_cast %get3A_19 : vector<1x2000x128xf32> to vector<2000x128xf32>
      %get3A_21 = arith.constant 1 : index
      %get3A_22 = arith.constant 0 : index
      %get3A_23 = arith.constant 0 : index
      %get3A_24 = vector.load %arg3[%get3A_21, %get3A_22, %get3A_23] : memref<2x2000x128xf32, #tpu.memory_space<vmem>>, vector<1x2000x128xf32>
      %get3A_25 = vector.shape_cast %get3A_24 : vector<1x2000x128xf32> to vector<2000x128xf32>
      %add3A_26 = arith.addf %get3A_20, %get3A_25 : vector<2000x128xf32>
      %slice3A = vector.extract_strided_slice %add3A_26 {offsets = [0, 0], sizes = [2000, 1], strides = [1, 1]} : vector<2000x128xf32> to vector<2000x1xf32>
      %slice3A_27 = vector.extract_strided_slice %add3A_26 {offsets = [0, 1], sizes = [2000, 1], strides = [1, 1]} : vector<2000x128xf32> to vector<2000x1xf32>
      %get3A_28 = arith.constant 0 : index
      %get3A_29 = arith.constant 0 : index
      %get3A_30 = vector.load %arg4[%get3A_28, %get3A_29] : memref<1x128xf32, #tpu.memory_space<vmem>>, vector<1x128xf32>
      %mul3A = vector.broadcast %slice3A : vector<2000x1xf32> to vector<2000x128xf32>
      %mul3A_31 = vector.broadcast %get3A_30 : vector<1x128xf32> to vector<2000x128xf32>
      %mul3A_32 = arith.mulf %mul3A, %mul3A_31 : vector<2000x128xf32>
      %add3A_33 = arith.addf %add3A, %mul3A_32 : vector<2000x128xf32>
      %get3A_34 = arith.constant 0 : index
      %get3A_35 = arith.constant 0 : index
      %get3A_36 = vector.load %arg5[%get3A_34, %get3A_35] : memref<1x128xf32, #tpu.memory_space<vmem>>, vector<1x128xf32>
      %mul3A_37 = vector.broadcast %slice3A_27 : vector<2000x1xf32> to vector<2000x128xf32>
      %mul3A_38 = vector.broadcast %get3A_36 : vector<1x128xf32> to vector<2000x128xf32>
      %mul3A_39 = arith.mulf %mul3A_37, %mul3A_38 : vector<2000x128xf32>
      %add3A_40 = arith.addf %add3A_33, %mul3A_39 : vector<2000x128xf32>
      %get3A_41 = arith.constant 0 : index
      %get3A_42 = arith.constant 0 : index
      %get3A_43 = vector.load %arg6[%get3A_41, %get3A_42] : memref<128x256xf32, #tpu.memory_space<vmem>>, vector<128x256xf32>
      %dot_general3A = arith.constant dense<0.000000e+00> : vector<2000x256xf32>
      %dot_general3A_44 = tpu.matmul %add3A_40, %get3A_43, %dot_general3A {dimension_numbers = #tpu.dot_dimension_numbers<[1], [0], [0], [1], [0, 0, 1, 1], [], []>, transpose_lhs_hint = false} : vector<2000x128xf32>, vector<128x256xf32>, vector<2000x256xf32> -> vector<2000x256xf32>
      %get3A_45 = arith.constant 0 : index
      %get3A_46 = arith.constant 0 : index
      %get3A_47 = vector.load %arg7[%get3A_45, %get3A_46] : memref<1x256xf32, #tpu.memory_space<vmem>>, vector<1x256xf32>
      %add3A_48 = vector.broadcast %get3A_47 : vector<1x256xf32> to vector<2000x256xf32>
      %add3A_49 = arith.addf %dot_general3A_44, %add3A_48 : vector<2000x256xf32>
      %max3A = arith.constant 0.000000e+00 : f32
      %max3A_50 = vector.broadcast %max3A : f32 to vector<2000x256xf32>
      %max3A_51 = arith.maximumf %add3A_49, %max3A_50 : vector<2000x256xf32>
      %get3A_52 = arith.constant 0 : index
      %get3A_53 = arith.constant 0 : index
      %get3A_54 = vector.load %arg8[%get3A_52, %get3A_53] : memref<256x128xf32, #tpu.memory_space<vmem>>, vector<256x128xf32>
      %dot_general3A_55 = arith.constant dense<0.000000e+00> : vector<2000x128xf32>
      %dot_general3A_56 = tpu.matmul %max3A_51, %get3A_54, %dot_general3A_55 {dimension_numbers = #tpu.dot_dimension_numbers<[1], [0], [0], [1], [0, 0, 1, 1], [], []>, transpose_lhs_hint = false} : vector<2000x256xf32>, vector<256x128xf32>, vector<2000x128xf32> -> vector<2000x128xf32>
      %get3A_57 = arith.constant 0 : index
      %get3A_58 = arith.constant 0 : index
      %get3A_59 = vector.load %arg9[%get3A_57, %get3A_58] : memref<1x128xf32, #tpu.memory_space<vmem>>, vector<1x128xf32>
      %add3A_60 = vector.broadcast %get3A_59 : vector<1x128xf32> to vector<2000x128xf32>
      %add3A_61 = arith.addf %dot_general3A_56, %add3A_60 : vector<2000x128xf32>
      %mul3A_62 = arith.constant 2000 : i32
      %mul3A_63 = arith.muli %arg1, %mul3A_62 : i32
      %swap3A = arith.index_cast %mul3A_63 : i32 to index
      %swap3A_64 = arith.constant 0 : index
      %swap3A_65 = vector.load %arg13[%swap3A, %swap3A_64] : memref<10000x128xf32, #tpu.memory_space<vmem>>, vector<2000x128xf32>
      tpu.vector_store %arg13[%swap3A, %swap3A_64], %add3A_61 {strides = array<i32>} : memref<10000x128xf32, #tpu.memory_space<vmem>>, vector<2000x128xf32>,
      %eq3A_66 = arith.constant 0 : i32
      %eq3A_67 = arith.cmpi eq, %arg1, %eq3A_66 : i32
      %convert_element_type3A_68 = arith.extui %eq3A_67 : i1 to i32
      %cond3A_69 = arith.constant 0 : i32
      %cond3A_70 = arith.cmpi ne, %convert_element_type3A_68, %cond3A_69 : i32
      scf.if %cond3A_70 {
        %broadcast_in_dim3A_90 = arith.constant 0.000000e+00 : f32
        %broadcast_in_dim3A_91 = vector.broadcast %broadcast_in_dim3A_90 : f32 to vector<8x128xf32>
        %swap3A_92 = arith.constant 0 : index
        %swap3A_93 = arith.constant 0 : index
        %swap3A_94 = vector.load %arg14[%swap3A_92, %swap3A_93] : memref<8x128xf32, #tpu.memory_space<vmem>>, vector<8x128xf32>
        tpu.vector_store %arg14[%swap3A_92, %swap3A_93], %broadcast_in_dim3A_91 {strides = array<i32>} : memref<8x128xf32, #tpu.memory_space<vmem>>, vector<8x128xf32>,
      } else {
      }
      %get3A_71 = arith.constant 0 : index
      %get3A_72 = arith.constant 0 : index
      %get3A_73 = vector.load %arg14[%get3A_71, %get3A_72] : memref<8x128xf32, #tpu.memory_space<vmem>>, vector<1x128xf32>
      %reduce_sum3A = arith.constant dense<0.000000e+00> : vector<128xf32>
      %reduce_sum3A_74 = vector.multi_reduction <add>, %add3A_61, %reduce_sum3A [0] : vector<2000x128xf32> to vector<128xf32>
      %broadcast_in_dim3A = vector.shape_cast %reduce_sum3A_74 : vector<128xf32> to vector<1x128xf32>
      %add3A_75 = arith.addf %get3A_73, %broadcast_in_dim3A : vector<1x128xf32>
      %swap3A_76 = arith.constant 0 : index
      %swap3A_77 = arith.constant 0 : index
      %swap3A_78 = vector.load %arg14[%swap3A_76, %swap3A_77] : memref<8x128xf32, #tpu.memory_space<vmem>>, vector<1x128xf32>
      tpu.vector_store %arg14[%swap3A_76, %swap3A_77], %add3A_75 {strides = array<i32>} : memref<8x128xf32, #tpu.memory_space<vmem>>, vector<1x128xf32>,
      %get3A_79 = arith.constant 1 : index
      %get3A_80 = arith.constant 0 : index
      %get3A_81 = vector.load %arg14[%get3A_79, %get3A_80] : memref<8x128xf32, #tpu.memory_space<vmem>>, vector<1x128xf32>
      %mul3A_82 = arith.mulf %add3A_61, %add3A_61 : vector<2000x128xf32>
      %reduce_sum3A_83 = arith.constant dense<0.000000e+00> : vector<128xf32>
      %reduce_sum3A_84 = vector.multi_reduction <add>, %mul3A_82, %reduce_sum3A_83 [0] : vector<2000x128xf32> to vector<128xf32>
      %broadcast_in_dim3A_85 = vector.shape_cast %reduce_sum3A_84 : vector<128xf32> to vector<1x128xf32>
      %add3A_86 = arith.addf %get3A_81, %broadcast_in_dim3A_85 : vector<1x128xf32>
      %swap3A_87 = arith.constant 1 : index
      %swap3A_88 = arith.constant 0 : index
      %swap3A_89 = vector.load %arg14[%swap3A_87, %swap3A_88] : memref<8x128xf32, #tpu.memory_space<vmem>>, vector<1x128xf32>
      tpu.vector_store %arg14[%swap3A_87, %swap3A_88], %add3A_86 {strides = array<i32>} : memref<8x128xf32, #tpu.memory_space<vmem>>, vector<1x128xf32>,
    } else {
    }
    %eq3A_2 = arith.constant 1 : i32
    %eq3A_3 = arith.cmpi eq, %arg0, %eq3A_2 : i32
    %convert_element_type3A_4 = arith.extui %eq3A_3 : i1 to i32
    %cond3A_5 = arith.constant 0 : i32
    %cond3A_6 = arith.cmpi ne, %convert_element_type3A_4, %cond3A_5 : i32
    scf.if %cond3A_6 {
      %get3A = arith.constant 0 : index
      %get3A_7 = arith.constant 0 : index
      %get3A_8 = vector.load %arg14[%get3A, %get3A_7] : memref<8x128xf32, #tpu.memory_space<vmem>>, vector<1x128xf32>
      %mul3A = arith.constant 9.99999974E-5 : f32
      %mul3A_9 = vector.broadcast %mul3A : f32 to vector<1x128xf32>
      %mul3A_10 = arith.mulf %get3A_8, %mul3A_9 : vector<1x128xf32>
      %get3A_11 = arith.constant 1 : index
      %get3A_12 = arith.constant 0 : index
      %get3A_13 = vector.load %arg14[%get3A_11, %get3A_12] : memref<8x128xf32, #tpu.memory_space<vmem>>, vector<1x128xf32>
      %mul3A_14 = arith.constant 9.99999974E-5 : f32
      %mul3A_15 = vector.broadcast %mul3A_14 : f32 to vector<1x128xf32>
      %mul3A_16 = arith.mulf %get3A_13, %mul3A_15 : vector<1x128xf32>
      %mul3A_17 = arith.mulf %mul3A_10, %mul3A_10 : vector<1x128xf32>
      %sub3A = arith.subf %mul3A_16, %mul3A_17 : vector<1x128xf32>
      %get3A_18 = arith.constant 0 : index
      %get3A_19 = arith.constant 0 : index
      %get3A_20 = vector.load %arg10[%get3A_18, %get3A_19] : memref<1x128xf32, #tpu.memory_space<vmem>>, vector<1x128xf32>
      %add3A = arith.constant 9.99999974E-6 : f32
      %add3A_21 = vector.broadcast %add3A : f32 to vector<1x128xf32>
      %add3A_22 = arith.addf %sub3A, %add3A_21 : vector<1x128xf32>
      %rsqrt3A = math.rsqrt %add3A_22 : vector<1x128xf32>
      %mul3A_23 = arith.mulf %get3A_20, %rsqrt3A : vector<1x128xf32>
      %get3A_24 = arith.constant 0 : index
      %get3A_25 = arith.constant 0 : index
      %get3A_26 = vector.load %arg11[%get3A_24, %get3A_25] : memref<1x128xf32, #tpu.memory_space<vmem>>, vector<1x128xf32>
      %mul3A_27 = arith.mulf %mul3A_10, %mul3A_23 : vector<1x128xf32>
      %sub3A_28 = arith.subf %get3A_26, %mul3A_27 : vector<1x128xf32>
      %mul3A_29 = arith.constant 2000 : i32
      %mul3A_30 = arith.muli %arg1, %mul3A_29 : i32
      %get3A_31 = arith.index_cast %mul3A_30 : i32 to index
      %get3A_32 = arith.constant 0 : index
      %get3A_33 = vector.load %arg13[%get3A_31, %get3A_32] : memref<10000x128xf32, #tpu.memory_space<vmem>>, vector<2000x128xf32>
      %mul3A_34 = vector.broadcast %mul3A_23 : vector<1x128xf32> to vector<2000x128xf32>
      %mul3A_35 = arith.mulf %get3A_33, %mul3A_34 : vector<2000x128xf32>
      %add3A_36 = vector.broadcast %sub3A_28 : vector<1x128xf32> to vector<2000x128xf32>
      %add3A_37 = arith.addf %mul3A_35, %add3A_36 : vector<2000x128xf32>
      %max3A = arith.constant 0.000000e+00 : f32
      %max3A_38 = vector.broadcast %max3A : f32 to vector<2000x128xf32>
      %max3A_39 = arith.maximumf %add3A_37, %max3A_38 : vector<2000x128xf32>
      %swap3A = arith.constant 0 : index
      %swap3A_40 = arith.constant 0 : index
      %swap3A_41 = vector.load %arg12[%swap3A, %swap3A_40] : memref<2000x128xf32, #tpu.memory_space<vmem>>, vector<2000x128xf32>
      tpu.vector_store %arg12[%swap3A, %swap3A_40], %max3A_39 {strides = array<i32>} : memref<2000x128xf32, #tpu.memory_space<vmem>>, vector<2000x128xf32>,
    } else {
    }
    return
  }
  func.func @transform_0(%arg0: i32, %arg1: i32) -> (i32, i32, i32) {
    %c0_i32 = arith.constant 0 : i32
    %c0_i32_0 = arith.constant 0 : i32
    %c0_i32_1 = arith.constant 0 : i32
    return %c0_i32, %arg1, %c0_i32_0 : i32, i32, i32
  }
  func.func @transform_1(%arg0: i32, %arg1: i32) -> (i32, i32, i32) {
    %c0_i32 = arith.constant 0 : i32
    %c0_i32_0 = arith.constant 0 : i32
    %c0_i32_1 = arith.constant 0 : i32
    return %c0_i32, %arg1, %c0_i32_0 : i32, i32, i32
  }
  func.func @transform_2(%arg0: i32, %arg1: i32) -> (i32, i32) {
    %c0_i32 = arith.constant 0 : i32
    %c0_i32_0 = arith.constant 0 : i32
    %c0_i32_1 = arith.constant 0 : i32
    return %c0_i32, %c0_i32_0 : i32, i32
  }
  func.func @transform_3(%arg0: i32, %arg1: i32) -> (i32, i32) {
    %c0_i32 = arith.constant 0 : i32
    %c0_i32_0 = arith.constant 0 : i32
    %c0_i32_1 = arith.constant 0 : i32
    return %c0_i32, %c0_i32_0 : i32, i32
  }
  func.func @transform_4(%arg0: i32, %arg1: i32) -> (i32, i32) {
    %c0_i32 = arith.constant 0 : i32
    %c0_i32_0 = arith.constant 0 : i32
    %c0_i32_1 = arith.constant 0 : i32
    return %c0_i32, %c0_i32_0 : i32, i32
  }
  func.func @transform_5(%arg0: i32, %arg1: i32) -> (i32, i32) {
    %c0_i32 = arith.constant 0 : i32
    %c0_i32_0 = arith.constant 0 : i32
    %c0_i32_1 = arith.constant 0 : i32
    return %c0_i32, %c0_i32_0 : i32, i32
  }
  func.func @transform_6(%arg0: i32, %arg1: i32) -> (i32, i32) {
    %c0_i32 = arith.constant 0 : i32
    %c0_i32_0 = arith.constant 0 : i32
    %c0_i32_1 = arith.constant 0 : i32
    return %c0_i32, %c0_i32_0 : i32, i32
  }
  func.func @transform_7(%arg0: i32, %arg1: i32) -> (i32, i32) {
    %c0_i32 = arith.constant 0 : i32
    %c0_i32_0 = arith.constant 0 : i32
    %c0_i32_1 = arith.constant 0 : i32
    return %c0_i32, %c0_i32_0 : i32, i32
  }
  func.func @transform_8(%arg0: i32, %arg1: i32) -> (i32, i32) {
    %c0_i32 = arith.constant 0 : i32
    %c0_i32_0 = arith.constant 0 : i32
    %c0_i32_1 = arith.constant 0 : i32
    return %c0_i32, %c0_i32_0 : i32, i32
  }
  func.func @transform_9(%arg0: i32, %arg1: i32) -> (i32, i32) {
    %c0_i32 = arith.constant 0 : i32
    %c0_i32_0 = arith.constant 0 : i32
    %c0_i32_1 = arith.constant 0 : i32
    return %c0_i32, %c0_i32_0 : i32, i32
  }
  func.func @transform_10(%arg0: i32, %arg1: i32) -> (i32, i32) {
    %c0_i32 = arith.constant 0 : i32
    %c0_i32_0 = arith.constant 0 : i32
    return %arg1, %c0_i32 : i32, i32
  }
}

</mosaic_0001>

<sc_bundles>
// kernel: kernel.10.cloned.1.call-start
scs
__scs_entry_jumppad:
0x0: {  	(pc) =	sbr.rel $0x88, $3  }
0x1: {  	(tag) =	ssettag $0x0;
	lr =	simm.s32 $0x1  }
0x2: {  	[smem:$0x3F8E] =	sst lr;
	_ =	strace $0xD0000000  }
0x3: {  	_ = 	snop  }
0x4: {  	_ = 	snop  }
0x5: {  	_ = 	snop  }
0x6: {  	_ = 	snop  }
0x7: {  	_ = 	snop  }
__scs_overlays_trampoline_lowered:
0x8: {  	[smem:$0x3F9D] =	sst s0  }
0x9: {  	[smem:$0x3F9E] =	sst s1  }
0xa: {  	[smem:$0x3F9F] =	sst s2  }
0xb: {  	[smem:$0x3FA0] =	sst s3  }
0xc: {  	[smem:$0x3FA1] =	sst s4  }
0xd: {  	[smem:$0x3FA2] =	sst s5  }
0xe: {  	[smem:$0x3FA3] =	sst s6  }
0xf: {  	[smem:$0x3FA4] =	sst s7  }
0x10: {  	[smem:$0x3FA5] =	sst s8  }
0x11: {  	[smem:$0x3FA6] =	sst s9;
	s0 =	simm.s32 @!p0 $0x0  }
0x12: {  	s1 =	sld [smem:$0x3F8C];
	s0 =	simm.s32 @p0 $0x1  }
0x13: {  	[smem:$0x3FA7] =	sst s0;
	s0 =	simm.s32 @!p1 $0x0  }
0x14: {  	s2 =	sld [smem:$0x3F8B];
	s0 =	simm.s32 @p1 $0x1  }
0x15: {  	[smem:$0x3FA8] =	sst s0;
	s0 =	simm.s32 @!p2 $0x0  }
0x16: {  	s3 =	sld [smem:$0x3FDB];
	s0 =	simm.s32 @p2 $0x1  }
0x17: {  	s4 =	simm.s32 $0x1BF5;
	[smem:$0x3FAA] =	sst s0  }
0x18: {  	s0 =	sld [smem:$0x3F8D];
	_ =	swait.ge [sflag:s4], $0x0  }
0x19: {  	s7 =	sld [smem:$0x3F8E]  }
0x1a: {  	s8 =	sadd.s32 $0xFFFFE003, lr  }
0x1b: {  	s9 =	sadd.s32 $0xFFFFFEF7, lr;
	s5 =	simm.s32 $0xFFFFFFFF;
	p2 =	slt.u32 s8, $0xFFFFF086  }
0x1c: {  	p1 =	slt.u32 s9, $0xF7A;
	s5 =	simm.s32 @!p2 $0x0  }
0x1d: {  	s5 =	simm.s32 @p1 $0x1;
	p0 =	seq.s32 s7, s2  }
0x1e: {  	s7 =	smul.u32 @!p0 $0xF7A, s2;
	p2 =	seq.s32 @!p0 s5, $0x0  }
0x1f: {  	s9 =	smul.u32 $0xF7A, s1;
	s8 =	simm.s32 @!p0 $0x1BF5;
	p2 =	por !p2, p0  }
0x20: {  	[sflag:s8] =	ssyncset.s32 @!p0 $0xFFFFF086;
	s6 =	sadd.s32 @!p0 s3, s7;
	s7 =	simm.s32 @!p0 $0x108  }
0x21: {  	s3 =	sadd.s32 s3, s9;
	s6 =	sadd.s32 @!p0 $0x88, s6;
	s7 =	simm.s32 @p2 $0x1082  }
0x22: {  	[simem:s7], [sflag:s8] =	dma.local @!p0 [hbm:s6], $0xF7A  }
0x23: {  	s9 =	sor.u32 $0xD0000000, s2;
	s6 =	simm.s32 $0x108;
	_ =	swait.ge @!p0 [sflag:s8], $0x0  }
0x24: {  	s3 =	sadd.s32 $0x88, s3;
	s6 =	simm.s32 @!p1 $0x1082;
	[sflag:s4] =	ssyncset.s32 $0xFFFFF086  }
0x25: {  	[simem:s6], [sflag:s4] =	dma.local [hbm:s3], $0xF7A  }
0x26: {  	[smem:$0x3F8E] =	sst s1;
	(tag) =	ssettag s2;
	_ =	strace s9  }
0x27: {  	s1 =	sld [smem:$0x3F9E]  }
0x28: {  	s2 =	sld [smem:$0x3F9F]  }
0x29: {  	s4 =	sld [smem:$0x3FA1]  }
0x2a: {  	p0 =	seq.s32 s5, $0x0;
	s5 =	sld [smem:$0x3FA2]  }
0x2b: {  	s6 =	sld [smem:$0x3FA3]  }
0x2c: {  	s7 =	sld [smem:$0x3FA4]  }
0x2d: {  	s3 =	simm.s32 $0x108;
	s8 =	sld [smem:$0x3FA5]  }
0x2e: {  	s3 =	simm.s32 @!p0 $0x1082;
	s9 =	sld [smem:$0x3FA6]  }
0x2f: {  	lr =	sadd.s32 s0, s3;
	s0 =	sld [smem:$0x3F9D]  }
0x30: {  	s3 =	sld [smem:$0x3FA0]  }
0x31: {  	[smem:$0x3FA9] =	sst s10  }
0x32: {  	s10 =	sld [smem:$0x3FA7];
	_ =	sdelay $0x3  }
0x33: {  	p0 =	seq.s32 s10, $0x1;
	s10 =	sld [smem:$0x3FA9];
	_ =	sdelay $0x3  }
0x34: {  	[smem:$0x3FA9] =	sst s10  }
0x35: {  	s10 =	sld [smem:$0x3FA8];
	_ =	sdelay $0x3  }
0x36: {  	p1 =	seq.s32 s10, $0x1;
	s10 =	sld [smem:$0x3FA9];
	_ =	sdelay $0x3  }
0x37: {  	[smem:$0x3FA9] =	sst s10  }
0x38: {  	s10 =	sld [smem:$0x3FAA]  }
0x39: {  	_ = 	snop;
	(pc) =	sbr.ind lr, $3  }
0x3a: {  	_ = 	snop  }
0x3b: {  	_ = 	snop  }
0x3c: {  	p2 =	seq.s32 s10, $0x1;
	s10 =	sld [smem:$0x3FA9]  }
0x3d: {  	_ =	shalt  }
0x3e: {  	_ =	shalt  }
0x3f: {  	_ =	shalt  }
0x40: {  	_ =	shalt  }
0x41: {  	_ =	shalt  }
0x42: {  	_ =	shalt  }
0x43: {  	_ =	shalt  }
0x44: {  	_ =	shalt  }
0x45: {  	_ =	shalt  }
0x46: {  	_ =	shalt  }
0x47: {  	_ =	shalt  }
0x48: {  	_ =	shalt  }
0x49: {  	_ =	shalt  }
0x4a: {  	_ =	shalt  }
0x4b: {  	_ =	shalt  }
0x4c: {  	_ =	shalt  }
0x4d: {  	_ =	shalt  }
0x4e: {  	_ =	shalt  }
0x4f: {  	_ =	shalt  }
0x50: {  	_ =	shalt  }
0x51: {  	_ =	shalt  }
0x52: {  	_ =	shalt  }
0x53: {  	_ =	shalt  }
0x54: {  	_ =	shalt  }
0x55: {  	_ =	shalt  }
0x56: {  	_ =	shalt  }
0x57: {  	_ =	shalt  }
0x58: {  	_ =	shalt  }
0x59: {  	_ =	shalt  }
0x5a: {  	_ =	shalt  }
0x5b: {  	_ =	shalt  }
0x5c: {  	_ =	shalt  }
0x5d: {  	_ =	shalt  }
0x5e: {  	_ =	shalt  }
0x5f: {  	_ =	shalt  }
0x60: {  	_ =	shalt  }
0x61: {  	_ =	shalt  }
0x62: {  	_ =	shalt  }
0x63: {  	_ =	shalt  }
0x64: {  	_ =	shalt  }
0x65: {  	_ =	shalt  }
0x66: {  	_ =	shalt  }
0x67: {  	_ =	shalt  }
0x68: {  	_ =	shalt  }
0x69: {  	_ =	shalt  }
0x6a: {  	_ =	shalt  }
0x6b: {  	_ =	shalt  }
0x6c: {  	_ =	shalt  }
0x6d: {  	_ =	shalt  }
0x6e: {  	_ =	shalt  }
0x6f: {  	_ =	shalt  }
0x70: {  	_ =	shalt  }
0x71: {  	_ =	shalt  }
0x72: {  	_ =	shalt  }
0x73: {  	_ =	shalt  }
0x74: {  	_ =	shalt  }
0x75: {  	_ =	shalt  }
0x76: {  	_ =	shalt  }
0x77: {  	_ =	shalt  }
0x78: {  	_ =	shalt  }
0x79: {  	_ =	shalt  }
0x7a: {  	_ =	shalt  }
0x7b: {  	_ =	shalt  }
0x7c: {  	_ =	shalt  }
0x7d: {  	_ =	shalt  }
0x7e: {  	_ =	shalt  }
0x7f: {  	_ =	shalt  }
0x80: {  	_ =	shalt  }
0x81: {  	_ =	shalt  }
0x82: {  	_ =	shalt  }
0x83: {  	_ =	shalt  }
0x84: {  	_ =	shalt  }
0x85: {  	_ =	shalt  }
0x86: {  	_ =	shalt  }
0x87: {  	_ =	shalt  }
.Lfunc_end0:
.L_simem_size_0:
called_computation.1_lowered:
.L_overlay_start_0:
0x88: {  	s2 =	sld [smem:$0x3FD9]  }
0x89: {  	s3 =	sld [smem:$0x3FFE];
	_ =	sdelay $0x1  }
0x8a: {  	s1 =	srdreg.scid  }
0x8b: {  	s0 =	sand.u32 $0x1, s1  }
0x8c: {  	s17 =	sshll.u32 s0, $0xA;
	s2 =	sadd.s32 s3, s2  }
0x8d: {  	s2 =	sadd.s32 s2, s17  }
0x8e: {  	[smem:$0x3FB5] =	sst s2  }
0x8f: {  	_ = 	snop  }
0x90: {  	s2 =	sld [smem:$0x3FC7]  }
0x91: {  	s18 =	sld [smem:$0x3FD0];
	(tm) =	ssettm $0x1  }
0x92: {  	s4 =	sld [smem:$0x3FFB];
	_ =	sdelay $0x3  }
0x93: {  	_ =	strace s4  }
0x94: {  	s4 =	sld [smem:$0x3FFC];
	_ =	sdelay $0x3  }
0x95: {  	_ =	strace s4  }
0x96: {  	s4 =	sld [smem:$0x3FFD];
	_ =	sdelay $0x3  }
0x97: {  	_ =	strace s4  }
0x98: {  	_ =	strace $0x8FFFFFFF  }
0x99: {  	s19 =	sld [smem:$0x3FDB];
	_ =	sdelay $0x1  }
0x9a: {  	s5 =	simm.s32 $_scs_section_size  }
0x9b: {  	s6 =	simm.s32 $_size__tile_overlayer_lowered;
	s7 =	simm.s32 $_tile_overlayer_lowered  }
0x9c: {  	s22 =	simm.s32 $0x1BFF;
	s21 =	sshll.u32 s7, $0x1;
	s4 =	sadd.s32 s5, s19  }
0x9d: {  	s8 =	simm.s32 $0x0;
	s20 =	sshll.u32 s6, $0x1;
	s6 =	sadd.s32 s21, s4  }
0x9e: {  	[timem:s8], [sflag:s22] =	dma.local [hbm:s6], s20  }
0x9f: {  	_ =	swait.ge [sflag:s22], s20  }
0xa0: {  	s5 =	ssub.s32 $0x0, s20;
	[sflag:s22] =	ssyncset.done $0x0  }
0xa1: {  	[sflag:s22] =	ssyncadd.s32 s5;
	_ =	sdelay $0x1  }
0xa2: {  	s23 =	simm.s32 $0x1B8B  }
0xa3: {  	_ =	swait.ge [sflag:s23], $0x1  }
0xa4: {  	[sflag:s23] =	ssyncset.done $0x0  }
0xa5: {  	s25 =	simm.s32 $0x1B8E;
	s24 =	sld [smem:$0x3FFE];
	[sflag:s23] =	ssyncadd.s32 $0xFFFFFFFF  }
0xa6: {  	s26 =	simm.s32 $execute0_lowered;
	[smem:$0x3FD2] =	sst s25  }
0xa7: {  	s6 =	sshll.u32 s26, $0x1;
	_ =	strace $0x80000049;
	[dreg:$0x1] =	wrdreg $0xFFFFFFFF  }
0xa8: {  	s28 =	simm.s32 $_size_execute0_lowered;
	s4 =	sadd.s32 s4, s6;
	[dreg:$0x0] =	wrdreg $0x0  }
0xa9: {  	s6 =	sshll.u32 s28, $0x1;
	[dreg:$0x2] =	wrdreg s4  }
0xaa: {  	[dreg:$0x3] =	wrdreg s6  }
0xab: {  	[dreg:$0x4] =	wrdreg $0xC0  }
0xac: {  	_ =	task [dreg:s8], $0x5FFFF  }
0xad: {  	[dreg:$0x1] =	wrdreg $0xFFFFFFFF  }
0xae: {  	[dreg:$0x0] =	wrdreg $0x60  }
0xaf: {  	[dreg:$0x2] =	wrdreg s18  }
0xb0: {  	[dreg:$0x3] =	wrdreg s2  }
0xb1: {  	[dreg:$0x4] =	wrdreg s24  }
0xb2: {  	[dreg:$0x5] =	wrdreg $0x80000  }
0xb3: {  	[dreg:$0x6] =	wrdreg $0x9  }
0xb4: {  	_ =	task.clear_ibuf [dreg:s8], $0x7FFFF;
	_ =	strace $0x90000049  }
0xb5: {  	s29 =	simm.s32 $0x9;
	_ =	strace $0x8000004B  }
0xb6: {  	_ =	swait.ge [sflag:s29], $0x1  }
0xb7: {  	[sflag:s29] =	ssyncadd.s32 $0xFFFFFFFF  }
0xb8: {  	_ =	strace $0x9000004B  }
0xb9: {  	_ =	sfence  }
0xba: {  	s30 =	sld [smem:$0x0];
	_ =	sdelay $0x2  }
0xbb: {  	s31 =	sshll.u32 s1, $0xD;
	s1 =	sshrl.u32 s1, $0x2  }
0xbc: {  	s3 =	sand.u32 $0x4000, s31;
	s1 =	sadd.s32 s1, s30  }
0xbd: {  	s0 =	sor.u32 s3, s0;
	s1 =	sshll.u32 s1, $0x11  }
0xbe: {  	s0 =	sor.u32 s1, s0  }
0xbf: {  	s0 =	sadd.s32 $0x8F2B, s0  }
0xc0: {  	[sflag:s0] =	ssyncadd.remote.s32 $0x1  }
0xc1: {  	_ =	sfence.sel $0xFFFF  }
0xc2: {  	[dreg:$0x0] =	wrdreg $0xFFFFFFFF;
	(pc) =	sbr.abs _section_cstart, $3  }
0xc3: {  	[dreg:$0x1] =	wrdreg $0xFFFFFFFF  }
0xc4: {  	_ =	task.clear_ibuf [dreg:s8], $0x2FFFF;
	_ =	strace $0x9FFFFFFF  }
0xc5: {  	(tm) =	ssettm $0x7FFFFFFF  }
tec
execute0_lowered:
.L_overlay_start_1:
0x0: {  	(tag) =	ssettag $0x1  }
0x1: {  	s1 =	rddreg [dreg:$0x0]  }
0x2: {  	s2 =	rddreg [dreg:$0x1]  }
0x3: {  	s0 =	rddreg [dreg:$0x2]  }
0x4: {  	s4 =	rddreg [dreg:$0x3];
	s3 =	srdreg.scid;
	s5 =	simm.s32 $0x0  }
0x5: {  	s14 =	stileid.u32;
	s28 =	simm.s32 $0x6;
	s29 =	simm.s32 $0x7  }
0x6: {  	s30 =	simm.s32 $0x0;
	s3 =	sand.u32 $0x1, s3;
	s7 =	smul.u32 $0x4E000, s14  }
0x7: {  	[smem:$0x7FF] =	sst s5;
	s0 =	sadd.s32 $0x66600, s0;
	s13 =	smul.u32 $0x13800, s14  }
0x8: {  	p0 =	sne.s32 s14, $0xF;
	s6 =	sshll.u32 s3, $0x4;
	_ =	strace $0x8000004A  }
0x9: {  	s8 =	ssub.s32 $0x2, s3;
	s3 =	smul.u32 $0x138800, s3;
	s6 =	sor.u32 s14, s6  }
0xa: {  	s9 =	sshrl.u32 s8, $0x1;
	s7 =	sshrl.u32 s7, $0x2;
	s6 =	smul.u32 $0x2710, s6  }
0xb: {  	s8 =	ssub.s32 s8, s9;
	s7 =	sadd.s32 s7, s4;
	s9 =	sadd.s32 $0x138000, s4  }
0xc: {  	s25 =	sadd.s32 s13, s3;
	s3 =	sshrl.u32 s3, $0x3;
	s22 =	sadd.s32 $0x11800, s7  }
0xd: {  	s3 =	sadd.s32 s0, s3;
	s18 =	smax.u32 s8, $0x1;
	s10 =	sshrl.u32 s6, $0x3  }
0xe: {  	[dreg:$0x5] =	wrdreg s22;
	s31 =	sadd.s32 $0x27000, s3;
	s12 =	sadd.s32 s1, s10  }
0xf: {  	s19 =	sadd.s32 $0x2800, s7;
	[dreg:$0xc] =	wrdreg s31;
	s11 =	sadd.s32 $0x9C40, s12  }
0x10: {  	s20 =	sadd.s32 $0x5000, s7;
	s23 =	sadd.s32 $0x9C4A, s12;
	[dreg:$0x6] =	wrdreg s11  }
0x11: {  	s12 =	sadd.s32 $0x9C54, s12;
	s11 =	sadd.s32 s2, s10;
	[dreg:$0x7] =	wrdreg s23  }
0x12: {  	s21 =	sadd.s32 $0x7800, s7;
	[dreg:$0x9] =	wrdreg s12;
	s24 =	sadd.s32 $0xA, s11  }
0x13: {  	s10 =	sshrl.u32 s25, $0x3;
	s26 =	sadd.s32 $0x14, s11;
	[dreg:$0x8] =	wrdreg s24  }
0x14: {  	s22 =	sadd.s32 $0xA000, s7;
	s0 =	sadd.s32 s0, s10;
	[dreg:$0xa] =	wrdreg s26  }
0x15: {  	v0 =	vimm.f32 $0.0e+00;
	vm0 =	vcmask $0x704;
	s23 =	sadd.s32 $0xC800, s7;
	s25 =	simm.s32 $0x800;
	[dreg:$0xb] =	wrdreg s0  }
0x16: {  	v1 =	vsel vm0, $0x3F800000, v0;
	vm0 =	vmmov $0x1;
	s24 =	sadd.s32 $0xF000, s7;
	s26 =	simm.s32 $0x9;
	s0 =	simm.s32 $0x50  }
.LBB2_1:
0x17: {  	s3 =	simm.s32 $0x70;
	s8 =	simm.s32 $0x3C0  }
.LBB2_2:
0x18: {  	p1 =	sne.s32 s8, $0x9FC0;
	[tilespmem:s3+$0x800] =	vst v0  }
0x19: {  	[tilespmem:s3+$0x790] =	vst v0  }
0x1a: {  	[tilespmem:s3+$0x7A0] =	vst v0  }
.Ltmp0:
0x1b: {  	[tilespmem:s3+$0x7B0] =	vst v0;
	(pc) =	sbr.rel @p1 .LBB2_2-.Ltmp0, $4  }
0x1c: {  	[tilespmem:s3+$0x7C0] =	vst v0  }
0x1d: {  	[tilespmem:s3+$0x7D0] =	vst v0  }
0x1e: {  	[tilespmem:s3+$0x7E0] =	vst v0  }
0x1f: {  	[tilespmem:s3+$0x7F0] =	vst v0;
	s3 =	sshra.s32 s8, $0x2;
	s8 =	sadd.s32 $0x200, s8  }
0x20: {  	[tilespmem:s3+$0x800] =	vst v0  }
0x21: {  	[tilespmem:s3+$0x790] =	vst v0  }
0x22: {  	[tilespmem:s3+$0x7A0] =	vst v0  }
0x23: {  	[tilespmem:s3+$0x7B0] =	vst v0  }
0x24: {  	[tilespmem:s3+$0x7C0] =	vst v0  }
0x25: {  	[tilespmem:s3+$0x7D0] =	vst v0  }
0x26: {  	[tilespmem:s3+$0x7E0] =	vst v0  }
0x27: {  	[tilespmem:s3+$0x7F0] =	vst v0  }
0x28: {  	[spmem:s7] =	stream.linear.scatter [tilespmem:s25], [sflag:$0x9], $0x2800, $0x38;
	[tilespmem:$0x1B880] =	vst v63  }
0x29: {  	_ =	swait.ge [sflag:s26], $0x2800  }
0x2a: {  	[sflag:s26] =	ssyncset.done $0x0  }
0x2b: {  	[sflag:s26] =	ssyncadd.s32 $0xFFFFD800  }
0x2c: {  	[spmem:s19] =	stream.linear.scatter [tilespmem:s25], [sflag:$0x9], $0x2800, $0x38;
	[tilespmem:$0x1B880] =	vst v63  }
0x2d: {  	_ =	swait.ge [sflag:s26], $0x2800  }
0x2e: {  	[sflag:s26] =	ssyncset.done $0x0  }
0x2f: {  	[sflag:s26] =	ssyncadd.s32 $0xFFFFD800  }
0x30: {  	[spmem:s20] =	stream.linear.scatter [tilespmem:s25], [sflag:$0x9], $0x2800, $0x38;
	[tilespmem:$0x1B880] =	vst v63  }
0x31: {  	_ =	swait.ge [sflag:s26], $0x2800  }
0x32: {  	[sflag:s26] =	ssyncset.done $0x0  }
0x33: {  	[sflag:s26] =	ssyncadd.s32 $0xFFFFD800  }
0x34: {  	[spmem:s21] =	stream.linear.scatter [tilespmem:s25], [sflag:$0x9], $0x2800, $0x38;
	[tilespmem:$0x1B880] =	vst v63  }
0x35: {  	_ =	swait.ge [sflag:s26], $0x2800  }
0x36: {  	[sflag:s26] =	ssyncset.done $0x0  }
0x37: {  	[sflag:s26] =	ssyncadd.s32 $0xFFFFD800  }
0x38: {  	[spmem:s22] =	stream.linear.scatter [tilespmem:s25], [sflag:$0x9], $0x2800, $0x38;
	[tilespmem:$0x1B880] =	vst v63  }
0x39: {  	_ =	swait.ge [sflag:s26], $0x2800  }
0x3a: {  	[sflag:s26] =	ssyncset.done $0x0  }
0x3b: {  	[sflag:s26] =	ssyncadd.s32 $0xFFFFD800  }
0x3c: {  	[spmem:s23] =	stream.linear.scatter [tilespmem:s25], [sflag:$0x9], $0x2800, $0x38;
	[tilespmem:$0x1B880] =	vst v63  }
0x3d: {  	_ =	swait.ge [sflag:s26], $0x2800  }
0x3e: {  	[sflag:s26] =	ssyncset.done $0x0  }
0x3f: {  	[sflag:s26] =	ssyncadd.s32 $0xFFFFD800  }
0x40: {  	[spmem:s24] =	stream.linear.scatter [tilespmem:s25], [sflag:$0x9], $0x2800, $0x38;
	[tilespmem:$0x1B880] =	vst v63  }
0x41: {  	_ =	swait.ge [sflag:s26], $0x2800  }
0x42: {  	[sflag:s26] =	ssyncset.done $0x0  }
0x43: {  	s31 =	rddreg [dreg:$0x5];
	[sflag:s26] =	ssyncadd.s32 $0xFFFFD800  }
0x44: {  	[spmem:s31] =	stream.linear.scatter [tilespmem:s25], [sflag:$0x9], $0x2000, $0x38;
	[tilespmem:$0x1B880] =	vst v63  }
0x45: {  	_ =	swait.ge [sflag:s26], $0x2000  }
0x46: {  	[sflag:s26] =	ssyncset.done $0x0  }
0x47: {  	s3 =	simm.s32 @!p0 $0x800;
	[sflag:s26] =	ssyncadd.s32 $0xFFFFE000  }
0x48: {  	[spmem:s9] =	stream.linear.scatter @!p0 [tilespmem:s3], [sflag:$0x9], $0x800, $0x38;
	[tilespmem:$0x1B880] =	vst v63  }
0x49: {  	s3 =	simm.s32 @!p0 $0x9  }
0x4a: {  	_ =	swait.ge @!p0 [sflag:s3], $0x800  }
0x4b: {  	[sflag:s3] =	ssyncset.done @!p0 $0x0  }
0x4c: {  	s8 =	simm.s32 $0x200;
	[sflag:s3] =	ssyncadd.s32 @!p0 $0xFFFFF800;
	s3 =	simm.s32 $0x0  }
.LBB2_4:
0x4d: {  	p1 =	sne.s32 s8, $0x9E00;
	[tilespmem:s3+$0x3070] =	vst v0  }
0x4e: {  	[tilespmem:s3+$0x3000] =	vst v0  }
0x4f: {  	[tilespmem:s3+$0x3010] =	vst v0  }
.Ltmp1:
0x50: {  	[tilespmem:s3+$0x3020] =	vst v0;
	(pc) =	sbr.rel @p1 .LBB2_4-.Ltmp1, $4  }
0x51: {  	[tilespmem:s3+$0x3030] =	vst v0  }
0x52: {  	[tilespmem:s3+$0x3040] =	vst v0  }
0x53: {  	[tilespmem:s3+$0x3050] =	vst v0  }
0x54: {  	[tilespmem:s3+$0x3060] =	vst v0;
	s3 =	sshra.s32 s8, $0x2;
	s8 =	sadd.s32 $0x200, s8  }
0x55: {  	[tilespmem:s3+$0x3070] =	vst v0  }
0x56: {  	[tilespmem:s3+$0x3000] =	vst v0  }
0x57: {  	[tilespmem:s3+$0x3010] =	vst v0  }
0x58: {  	[tilespmem:s3+$0x3020] =	vst v0  }
0x59: {  	[tilespmem:s3+$0x3030] =	vst v0  }
0x5a: {  	[tilespmem:s3+$0x3040] =	vst v0  }
0x5b: {  	[tilespmem:s3+$0x3050] =	vst v0  }
0x5c: {  	[tilespmem:s3+$0x3060] =	vst v0;
	s3 =	simm.s32 $0x0;
	s8 =	simm.s32 $0x200  }
.LBB2_6:
0x5d: {  	p1 =	sne.s32 s8, $0x9E00;
	[tilespmem:s3+$0x5870] =	vst v0  }
0x5e: {  	[tilespmem:s3+$0x5800] =	vst v0  }
0x5f: {  	[tilespmem:s3+$0x5810] =	vst v0  }
.Ltmp2:
0x60: {  	[tilespmem:s3+$0x5820] =	vst v0;
	(pc) =	sbr.rel @p1 .LBB2_6-.Ltmp2, $4  }
0x61: {  	[tilespmem:s3+$0x5830] =	vst v0  }
0x62: {  	[tilespmem:s3+$0x5840] =	vst v0  }
0x63: {  	[tilespmem:s3+$0x5850] =	vst v0  }
0x64: {  	[tilespmem:s3+$0x5860] =	vst v0;
	s3 =	sshra.s32 s8, $0x2;
	s8 =	sadd.s32 $0x200, s8  }
0x65: {  	[tilespmem:s3+$0x5870] =	vst v0  }
0x66: {  	[tilespmem:s3+$0x5800] =	vst v0  }
0x67: {  	[tilespmem:s3+$0x5810] =	vst v0  }
0x68: {  	[tilespmem:s3+$0x5820] =	vst v0  }
0x69: {  	[tilespmem:s3+$0x5830] =	vst v0  }
0x6a: {  	[tilespmem:s3+$0x5840] =	vst v0  }
0x6b: {  	[tilespmem:s3+$0x5850] =	vst v0  }
0x6c: {  	[tilespmem:s3+$0x5860] =	vst v0  }
0x6d: {  	[bflag:$0x0] =	sbarrier.arrive $0xFFFF  }
0x6e: {  	s31 =	simm.s32 $0x0;
	s10 =	rddreg [dreg:$0x6]  }
0x6f: {  	[tilespmem:s31], [sflag:$0x1] =	stream.linear.gather [hbm4b:s10+s31], $0x50, $0x38;
	[tilespmem:$0x1B880] =	vst v63  }
0x70: {  	s3 =	simm.s32 $0x400  }
0x71: {  	[tilespmem:s3], [sflag:$0x1] =	stream.linear.gather [hbm4b:s11+s31], $0x50, $0x38;
	[tilespmem:$0x1B880] =	vst v63  }
0x72: {  	s8 =	rddreg [dreg:$0x7];
	s10 =	simm.s32 $0x80  }
0x73: {  	[tilespmem:s10], [sflag:$0x2] =	stream.linear.gather [hbm4b:s8+s31], $0x50, $0x38;
	[tilespmem:$0x1B880] =	vst v63  }
0x74: {  	s13 =	simm.s32 $0x480;
	s12 =	rddreg [dreg:$0x8]  }
0x75: {  	[tilespmem:s13], [sflag:$0x2] =	stream.linear.gather [hbm4b:s12+s31], $0x50, $0x38;
	[tilespmem:$0x1B880] =	vst v63  }
0x76: {  	s15 =	simm.s32 $0x100;
	s14 =	rddreg [dreg:$0x9]  }
0x77: {  	[tilespmem:s15], [sflag:$0x3] =	stream.linear.gather [hbm4b:s14+s31], $0x50, $0x38;
	[tilespmem:$0x1B880] =	vst v63  }
0x78: {  	s17 =	simm.s32 $0x500;
	s16 =	rddreg [dreg:$0xa];
	s8 =	simm.s32 $0x800  }
0x79: {  	[tilespmem:s17], [sflag:$0x3] =	stream.linear.gather [hbm4b:s16+s31], $0x50, $0x38;
	[tilespmem:$0x1B880] =	vst v63  }
.LBB2_8:
0x7a: {  	p1 =	slt.u32 s31, $0x2  }
0x7b: {  	s10 =	sadd.s32 @!p1 $0xFFFFFFFE, s31  }
0x7c: {  	s12 =	sand.u32 @!p1 $0xFF, s10  }
0x7d: {  	s12 =	smul.u32 @!p1 $0xAB, s12;
	_ =	sdelay $0x1  }
0x7e: {  	s12 =	sshrl.u32 @!p1 s12, $0x9  }
0x7f: {  	s12 =	smul.u32 @!p1 $0x3, s12;
	_ =	sdelay $0x1  }
0x80: {  	s10 =	ssub.s32 @!p1 s10, s12  }
0x81: {  	s10 =	sand.u32 @!p1 $0xFF, s10  }
0x82: {  	s10 =	sadd.s32 @!p1 $0x6, s10  }
0x83: {  	p2 =	sgt.u32 @!p1 s31, $0x79;
	_ =	swait.ge @!p1 [sflag:s10], $0x2800  }
0x84: {  	p2 =	por p1, !p2;
	[sflag:s10] =	ssyncset.done @!p1 $0x0  }
0x85: {  	[sflag:s10] =	ssyncadd.s32 @!p1 $0xFFFFD800;
	s10 =	sadd.s32 @p2 $0x3, s31  }
0x86: {  	s12 =	smul.u32 @p2 $0xCD, s10;
	_ =	sdelay $0x1  }
0x87: {  	s12 =	sshrl.u32 @p2 s12, $0xA  }
0x88: {  	s13 =	smul.u32 @p2 $0x50, s10;
	s12 =	sand.u32 @p2 $0x3F, s12  }
0x89: {  	s12 =	smul.u32 @p2 $0x5, s12  }
0x8a: {  	s13 =	sadd.s32 @p2 s6, s13  }
0x8b: {  	s10 =	ssub.s32 @p2 s10, s12;
	s12 =	sshrl.u32 @p2 s13, $0x3  }
0x8c: {  	s10 =	sand.u32 @p2 $0xFF, s10;
	s13 =	sadd.s32 @p2 s1, s12  }
0x8d: {  	s14 =	sadd.s32 @p2 $0x1, s10;
	s10 =	sshll.u32 @p2 s10, $0x7;
	s13 =	sadd.s32 @p2 $0x9C40, s13  }
0x8e: {  	[tilespmem:s10], [sflag:s14] =	stream.linear.gather @p2 [hbm4b:s13+s5], $0x50, $0x38;
	[tilespmem:$0x1B880] =	vst v63  }
0x8f: {  	s12 =	sadd.s32 @p2 s2, s12;
	s10 =	sor.u32 @p2 $0x400, s10  }
0x90: {  	[tilespmem:s10], [sflag:s14] =	stream.linear.gather @p2 [hbm4b:s12+s5], $0x50, $0x38;
	[tilespmem:$0x1B880] =	vst v63  }
0x91: {  	s14 =	smul.u32 $0xCD, s31;
	_ =	sdelay $0x1  }
0x92: {  	s10 =	sshrl.u32 s14, $0xA  }
0x93: {  	s15 =	smul.u32 $0xAB, s31;
	s10 =	sand.u32 $0x3F, s10  }
0x94: {  	s10 =	smul.u32 $0x5, s10;
	_ =	sdelay $0x1  }
0x95: {  	s17 =	smulhi.u32 $0xAAAAAAAB, s31;
	s12 =	sshrl.u32 s15, $0x9;
	s10 =	ssub.s32 s31, s10  }
0x96: {  	s16 =	smulhi.u32 $0xCCCCCCCD, s31;
	s12 =	sand.u32 $0x7F, s12;
	s15 =	sand.u32 $0xFF, s10  }
0x97: {  	s14 =	sshrl.u32 s17, $0x1;
	s10 =	smul.u32 $0x3, s12;
	s13 =	sadd.s32 $0x1, s15  }
0x98: {  	s16 =	sshrl.u32 s16, $0x2;
	s14 =	smul.u32 $0xFFFE2000, s14;
	_ =	swait.ge [sflag:s13], $0x50  }
0x99: {  	s12 =	smul.u32 $0xFFFFF600, s16;
	s10 =	ssub.s32 s31, s10;
	[sflag:s13] =	ssyncset.done $0x0  }
0x9a: {  	s16 =	sshra.s32 s14, $0x2;
	s10 =	sand.u32 $0xFF, s10;
	[sflag:s13] =	ssyncadd.s32 $0xFFFFFFB0  }
0x9b: {  	s16 =	sadd.s32 s16, s8;
	s17 =	smul.u32 $0xA000, s10;
	_ =	swait.ge [sflag:s13], $0x50  }
0x9c: {  	s12 =	sshra.s32 s12, $0x2;
	v2 =	vmov s16;
	s16 =	simm.s32 $0x2000;
	[sflag:s13] =	ssyncset.done $0x0  }
0x9d: {  	s14 =	sadd.s32 s12, s3;
	s17 =	sshrl.u32 s17, $0x2;
	[sflag:s13] =	ssyncadd.s32 $0xFFFFFFB0  }
0x9e: {  	s12 =	sshll.u32 s15, $0x7;
	s15 =	simm.s32 $0x0;
	s13 =	sadd.s32 $0x800, s17;
	v3 =	vld [tilespmem:s14+$0x0]  }
.LBB2_9:
0x9f: {  	p1 =	sne.s32 s16, $0x8000;
	_ =	sdelay $0x3  }
0xa0: {  	s17 =	sshra.s32 s15, $0x2;
	s15 =	smov.u32 s16;
	v4 =	vsel vm0, v3, v1;
	v5 =	vbroadcast v3, $0x1;
	v6 =	vbroadcast v3, $0x2  }
0xa1: {  	v7 =	vbroadcast v3, $0x4;
	[tilespmem:v2+s17+$0x0 ss:$0x1] =	vst.idx.msk $0xffff, v4;
	v4 =	vbroadcast v3, $0x3  }
0xa2: {  	v8 =	vbroadcast v3, $0x5;
	v5 =	vsel vm0, v5, v1;
	v6 =	vsel vm0, v6, v1  }
0xa3: {  	[tilespmem:v2+s17+$0x80 ss:$0x1] =	vst.idx.msk $0xffff, v5;
	v4 =	vsel vm0, v4, v1;
	v5 =	vsel vm0, v7, v1;
	v7 =	vbroadcast v3, $0x6  }
0xa4: {  	v9 =	vbroadcast v3, $0x8;
	[tilespmem:v2+s17+$0x100 ss:$0x1] =	vst.idx.msk $0xffff, v6;
	v6 =	vsel vm0, v8, v1;
	v8 =	vbroadcast v3, $0x7  }
0xa5: {  	v10 =	vbroadcast v3, $0xA;
	[tilespmem:v2+s17+$0x180 ss:$0x1] =	vst.idx.msk $0xffff, v4;
	v4 =	vsel vm0, v7, v1;
	v7 =	vbroadcast v3, $0x9  }
0xa6: {  	[tilespmem:v2+s17+$0x200 ss:$0x1] =	vst.idx.msk $0xffff, v5;
	v5 =	vsel vm0, v8, v1;
	v8 =	vsel vm0, v9, v1;
	v9 =	vbroadcast v3, $0xB  }
0xa7: {  	[tilespmem:v2+s17+$0x280 ss:$0x1] =	vst.idx.msk $0xffff, v6;
	v6 =	vsel vm0, v7, v1;
	v7 =	vsel vm0, v10, v1;
	v10 =	vbroadcast v3, $0xC  }
0xa8: {  	v11 =	vbroadcast v3, $0xE;
	[tilespmem:v2+s17+$0x300 ss:$0x1] =	vst.idx.msk $0xffff, v4;
	v4 =	vsel vm0, v9, v1;
	v9 =	vbroadcast v3, $0xD  }
0xa9: {  	v3 =	vbroadcast v3, $0xF;
	[tilespmem:v2+s17+$0x380 ss:$0x1] =	vst.idx.msk $0xffff, v5;
	v5 =	vsel vm0, v10, v1  }
0xaa: {  	[tilespmem:v2+s17+$0x400 ss:$0x1] =	vst.idx.msk $0xffff, v8;
	v8 =	vsel vm0, v9, v1;
	v9 =	vsel vm0, v11, v1  }
0xab: {  	v3 =	vsel vm0, v3, v1;
	[tilespmem:v2+s17+$0x480 ss:$0x1] =	vst.idx.msk $0xffff, v6  }
0xac: {  	[tilespmem:v2+s17+$0x500 ss:$0x1] =	vst.idx.msk $0xffff, v7  }
0xad: {  	[tilespmem:v2+s17+$0x580 ss:$0x1] =	vst.idx.msk $0xffff, v4  }
.Ltmp3:
0xae: {  	[tilespmem:v2+s17+$0x600 ss:$0x1] =	vst.idx.msk $0xffff, v5;
	(pc) =	sbr.rel @p1 .LBB2_9-.Ltmp3, $4  }
0xaf: {  	[tilespmem:v2+s17+$0x680 ss:$0x1] =	vst.idx.msk $0xffff, v8  }
0xb0: {  	[tilespmem:v2+s17+$0x700 ss:$0x1] =	vst.idx.msk $0xffff, v9  }
0xb1: {  	s14 =	sadd.s32 $0x10, s14;
	[tilespmem:v2+s17+$0x780 ss:$0x1] =	vst.idx.msk $0xffff, v3  }
0xb2: {  	s16 =	sadd.s32 $0x2000, s16;
	v3 =	vld [tilespmem:s14+$0x0]  }
0xb3: {  	_ =	sdelay $0x3  }
0xb4: {  	v4 =	vbroadcast v3, $0x1  }
0xb5: {  	s14 =	sshra.s32 s15, $0x2;
	v5 =	vsel vm0, v3, v1;
	v6 =	vbroadcast v3, $0x2  }
0xb6: {  	v48 =	vbroadcast v3, $0x3;
	[tilespmem:v2+s14+$0x0 ss:$0x1] =	vst.idx.msk $0xffff, v5;
	v4 =	vsel vm0, v4, v1  }
0xb7: {  	v7 =	vbroadcast v3, $0x4;
	v6 =	vsel vm0, v6, v1;
	[tilespmem:v2+s14+$0x80 ss:$0x1] =	vst.idx.msk $0xffff, v4  }
0xb8: {  	v51 =	vbroadcast v3, $0x6;
	v5 =	vsel vm0, v48, v1;
	[tilespmem:v2+s14+$0x100 ss:$0x1] =	vst.idx.msk $0xffff, v6  }
0xb9: {  	v49 =	vbroadcast v3, $0x5;
	v55 =	vbroadcast v3, $0xA;
	v50 =	vsel vm0, v7, v1;
	[tilespmem:v2+s14+$0x180 ss:$0x1] =	vst.idx.msk $0xffff, v5  }
0xba: {  	v52 =	vbroadcast v3, $0x7;
	v56 =	vbroadcast v3, $0xB;
	v7 =	vsel vm0, v51, v1;
	[tilespmem:v2+s14+$0x200 ss:$0x1] =	vst.idx.msk $0xffff, v50  }
0xbb: {  	v53 =	vbroadcast v3, $0x8;
	v60 =	vbroadcast v3, $0xD;
	v57 =	vsel vm0, v55, v1;
	[tilespmem:v2+s14+$0x300 ss:$0x1] =	vst.idx.msk $0xffff, v7  }
0xbc: {  	v54 =	vbroadcast v3, $0x9;
	v61 =	vbroadcast v3, $0xE;
	v59 =	vsel vm0, v56, v1;
	[tilespmem:v2+s14+$0x500 ss:$0x1] =	vst.idx.msk $0xffff, v57  }
0xbd: {  	v58 =	vbroadcast v3, $0xC;
	v3 =	vbroadcast v3, $0xF;
	v62 =	vsel vm0, v60, v1;
	[tilespmem:v2+s14+$0x580 ss:$0x1] =	vst.idx.msk $0xffff, v59  }
0xbe: {  	v63 =	vsel vm0, v61, v1;
	[tilespmem:v2+s14+$0x680 ss:$0x1] =	vst.idx.msk $0xffff, v62  }
0xbf: {  	v3 =	vsel vm0, v3, v1;
	[tilespmem:v2+s14+$0x700 ss:$0x1] =	vst.idx.msk $0xffff, v63  }
0xc0: {  	s31 =	sadd.s32 $0x1, s31;
	v4 =	vsel vm0, v49, v1;
	[tilespmem:v2+s14+$0x780 ss:$0x1] =	vst.idx.msk $0xffff, v3  }
0xc1: {  	p1 =	sne.s32 s31, $0x7D;
	v5 =	vsel vm0, v52, v1;
	[tilespmem:v2+s14+$0x280 ss:$0x1] =	vst.idx.msk $0xffff, v4  }
.Ltmp4:
0xc2: {  	v6 =	vsel vm0, v53, v1;
	[tilespmem:v2+s14+$0x380 ss:$0x1] =	vst.idx.msk $0xffff, v5;
	(pc) =	sbr.rel @p1 .LBB2_8-.Ltmp4, $4  }
0xc3: {  	v7 =	vsel vm0, v58, v1;
	[tilespmem:v2+s14+$0x400 ss:$0x1] =	vst.idx.msk $0xffff, v6  }
0xc4: {  	v4 =	vsel vm0, v54, v1;
	[tilespmem:v2+s14+$0x600 ss:$0x1] =	vst.idx.msk $0xffff, v7  }
0xc5: {  	s10 =	sadd.s32 $0x6, s10;
	s3 =	sadd.s32 $0x80, s3;
	s8 =	sadd.s32 $0x2800, s8;
	[tilespmem:v2+s14+$0x480 ss:$0x1] =	vst.idx.msk $0xffff, v4  }
0xc6: {  	[spmem:s4] =	stream.indirect.scatter.add.f32 [tilespmem:s13], [sflag:s10], $0x80, s12, s0, $0xb8;
	[tilespmem:$0x1B880] =	vst v63  }
0xc7: {  	_ =	swait.ge [sflag:s28], $0x2800  }
0xc8: {  	[sflag:s28] =	ssyncset.done $0x0  }
0xc9: {  	[sflag:s28] =	ssyncadd.s32 $0xFFFFD800  }
0xca: {  	_ =	swait.ge [sflag:s29], $0x2800  }
0xcb: {  	[sflag:s29] =	ssyncset.done $0x0  }
0xcc: {  	s3 =	stileid.u32;
	[sflag:s29] =	ssyncadd.s32 $0xFFFFD800  }
0xcd: {  	s3 =	sshll.u32 s3, $0x6;
	[bflag:$0x0] =	sbarrier.arrive $0xFFFF  }
0xce: {  	s8 =	sshrl.u32 s7, $0x3;
	s3 =	sor.u32 $0x1C09, s3;
	s10 =	rddreg [dreg:$0xb]  }
0xcf: {  	[hbm:s10], [sflag:s3] =	dma.local [spmem:s8], $0x2700  }
0xd0: {  	s30 =	sadd.s32 $0x1, s30;
	_ =	swait.ge [sflag:s26], $0x2700  }
0xd1: {  	p1 =	sne.s32 s30, s18;
	[sflag:s26] =	ssyncset.done $0x0  }
0xd2: {  	s8 =	sshrl.u32 @!p0 s9, $0x3;
	s10 =	rddreg [dreg:$0xc];
	[sflag:s26] =	ssyncadd.s32 $0xFFFFD900  }
0xd3: {  	[hbm:s10], [sflag:s3] =	dma.local @!p0 [spmem:s8], $0x100  }
.Ltmp5:
0xd4: {  	_ = 	snop;
	(pc) =	sbr.rel @p1 .LBB2_1-.Ltmp5, $4  }
0xd5: {  	s3 =	simm.s32 @!p0 $0x9  }
0xd6: {  	_ =	swait.ge @!p0 [sflag:s3], $0x100  }
0xd7: {  	[sflag:s3] =	ssyncset.done @!p0 $0x0  }
0xd8: {  	[sflag:s3] =	ssyncadd.s32 @!p0 $0xFFFFFF00  }
0xd9: {  	_ =	sfence.sel $0x180000  }
0xda: {  	[bflag:$0x0] =	sbarrier.arrive $0xFFFF  }
0xdb: {  	_ =	strace $0x9000004A  }
0xdc: {  	s0 =	stileid.u32;
	[bflag:$0x2] =	sbarrier.arrive $0xFFFF  }
0xdd: {  	p0 =	sne.s32 s0, $0x0;
	s0 =	rddreg [dreg:$0x4]  }
0xde: {  	s0 =	sadd.s32 @!p0 $0x100000, s0  }
0xdf: {  	[sflag:s0] =	ssyncadd.tile.s32 @!p0 $0x1;
	_ =	shalt  }
.Lfunc_end2:
_tile_overlayer_lowered:
.L_overlay_start_2:
0xe0: {  	(tag) =	ssettag $0x2  }
0xe1: {  	s0 =	rddreg [dreg:$0x0];
	s2 =	stileid.u32  }
0xe2: {  	s1 =	rddreg [dreg:$0x1];
	p0 =	sne.s32 s2, $0x0  }
0xe3: {  	s3 =	rddreg [dreg:$0x2];
	[bflag:$0x3] =	sbarrier.arrive $0xFFFF;
	s2 =	simm.s32 @!p0 $0x1C09  }
0xe4: {  	[timem:s3], [sflag:s2] =	dma.local @!p0 [hbm:s0], s1  }
0xe5: {  	s0 =	simm.s32 @!p0 $0x9  }
0xe6: {  	_ =	swait.ge @!p0 [sflag:s0], s1  }
0xe7: {  	s1 =	ssub.s32 @!p0 $0x0, s1;
	[sflag:s0] =	ssyncset.done @!p0 $0x0  }
0xe8: {  	[sflag:s0] =	ssyncadd.s32 @!p0 s1  }
0xe9: {  	[bflag:$0x3] =	sbarrier.arrive $0xFFFF  }
0xea: {  	_ =	shalt  }

// kernel: kernel.13.cloned.1.call-start
scs
__scs_entry_jumppad:
0x0: {  	(pc) =	sbr.rel $0x88, $3  }
0x1: {  	(tag) =	ssettag $0x0;
	lr =	simm.s32 $0x1  }
0x2: {  	[smem:$0x3F8E] =	sst lr;
	_ =	strace $0xD0000000  }
0x3: {  	_ = 	snop  }
0x4: {  	_ = 	snop  }
0x5: {  	_ = 	snop  }
0x6: {  	_ = 	snop  }
0x7: {  	_ = 	snop  }
__scs_overlays_trampoline_lowered:
0x8: {  	[smem:$0x3F9D] =	sst s0  }
0x9: {  	[smem:$0x3F9E] =	sst s1  }
0xa: {  	[smem:$0x3F9F] =	sst s2  }
0xb: {  	[smem:$0x3FA0] =	sst s3  }
0xc: {  	[smem:$0x3FA1] =	sst s4  }
0xd: {  	[smem:$0x3FA2] =	sst s5  }
0xe: {  	[smem:$0x3FA3] =	sst s6  }
0xf: {  	[smem:$0x3FA4] =	sst s7  }
0x10: {  	[smem:$0x3FA5] =	sst s8  }
0x11: {  	[smem:$0x3FA6] =	sst s9;
	s0 =	simm.s32 @!p0 $0x0  }
0x12: {  	s1 =	sld [smem:$0x3F8C];
	s0 =	simm.s32 @p0 $0x1  }
0x13: {  	[smem:$0x3FA7] =	sst s0;
	s0 =	simm.s32 @!p1 $0x0  }
0x14: {  	s2 =	sld [smem:$0x3F8B];
	s0 =	simm.s32 @p1 $0x1  }
0x15: {  	[smem:$0x3FA8] =	sst s0;
	s0 =	simm.s32 @!p2 $0x0  }
0x16: {  	s3 =	sld [smem:$0x3FDB];
	s0 =	simm.s32 @p2 $0x1  }
0x17: {  	s4 =	simm.s32 $0x1BF5;
	[smem:$0x3FAA] =	sst s0  }
0x18: {  	s0 =	sld [smem:$0x3F8D];
	_ =	swait.ge [sflag:s4], $0x0  }
0x19: {  	s7 =	sld [smem:$0x3F8E]  }
0x1a: {  	s8 =	sadd.s32 $0xFFFFE003, lr  }
0x1b: {  	s9 =	sadd.s32 $0xFFFFFEF7, lr;
	s5 =	simm.s32 $0xFFFFFFFF;
	p2 =	slt.u32 s8, $0xFFFFF086  }
0x1c: {  	p1 =	slt.u32 s9, $0xF7A;
	s5 =	simm.s32 @!p2 $0x0  }
0x1d: {  	s5 =	simm.s32 @p1 $0x1;
	p0 =	seq.s32 s7, s2  }
0x1e: {  	s7 =	smul.u32 @!p0 $0xF7A, s2;
	p2 =	seq.s32 @!p0 s5, $0x0  }
0x1f: {  	s9 =	smul.u32 $0xF7A, s1;
	s8 =	simm.s32 @!p0 $0x1BF5;
	p2 =	por !p2, p0  }
0x20: {  	[sflag:s8] =	ssyncset.s32 @!p0 $0xFFFFF086;
	s6 =	sadd.s32 @!p0 s3, s7;
	s7 =	simm.s32 @!p0 $0x108  }
0x21: {  	s3 =	sadd.s32 s3, s9;
	s6 =	sadd.s32 @!p0 $0x88, s6;
	s7 =	simm.s32 @p2 $0x1082  }
0x22: {  	[simem:s7], [sflag:s8] =	dma.local @!p0 [hbm:s6], $0xF7A  }
0x23: {  	s9 =	sor.u32 $0xD0000000, s2;
	s6 =	simm.s32 $0x108;
	_ =	swait.ge @!p0 [sflag:s8], $0x0  }
0x24: {  	s3 =	sadd.s32 $0x88, s3;
	s6 =	simm.s32 @!p1 $0x1082;
	[sflag:s4] =	ssyncset.s32 $0xFFFFF086  }
0x25: {  	[simem:s6], [sflag:s4] =	dma.local [hbm:s3], $0xF7A  }
0x26: {  	[smem:$0x3F8E] =	sst s1;
	(tag) =	ssettag s2;
	_ =	strace s9  }
0x27: {  	s1 =	sld [smem:$0x3F9E]  }
0x28: {  	s2 =	sld [smem:$0x3F9F]  }
0x29: {  	s4 =	sld [smem:$0x3FA1]  }
0x2a: {  	p0 =	seq.s32 s5, $0x0;
	s5 =	sld [smem:$0x3FA2]  }
0x2b: {  	s6 =	sld [smem:$0x3FA3]  }
0x2c: {  	s7 =	sld [smem:$0x3FA4]  }
0x2d: {  	s3 =	simm.s32 $0x108;
	s8 =	sld [smem:$0x3FA5]  }
0x2e: {  	s3 =	simm.s32 @!p0 $0x1082;
	s9 =	sld [smem:$0x3FA6]  }
0x2f: {  	lr =	sadd.s32 s0, s3;
	s0 =	sld [smem:$0x3F9D]  }
0x30: {  	s3 =	sld [smem:$0x3FA0]  }
0x31: {  	[smem:$0x3FA9] =	sst s10  }
0x32: {  	s10 =	sld [smem:$0x3FA7];
	_ =	sdelay $0x3  }
0x33: {  	p0 =	seq.s32 s10, $0x1;
	s10 =	sld [smem:$0x3FA9];
	_ =	sdelay $0x3  }
0x34: {  	[smem:$0x3FA9] =	sst s10  }
0x35: {  	s10 =	sld [smem:$0x3FA8];
	_ =	sdelay $0x3  }
0x36: {  	p1 =	seq.s32 s10, $0x1;
	s10 =	sld [smem:$0x3FA9];
	_ =	sdelay $0x3  }
0x37: {  	[smem:$0x3FA9] =	sst s10  }
0x38: {  	s10 =	sld [smem:$0x3FAA]  }
0x39: {  	_ = 	snop;
	(pc) =	sbr.ind lr, $3  }
0x3a: {  	_ = 	snop  }
0x3b: {  	_ = 	snop  }
0x3c: {  	p2 =	seq.s32 s10, $0x1;
	s10 =	sld [smem:$0x3FA9]  }
0x3d: {  	_ =	shalt  }
0x3e: {  	_ =	shalt  }
0x3f: {  	_ =	shalt  }
0x40: {  	_ =	shalt  }
0x41: {  	_ =	shalt  }
0x42: {  	_ =	shalt  }
0x43: {  	_ =	shalt  }
0x44: {  	_ =	shalt  }
0x45: {  	_ =	shalt  }
0x46: {  	_ =	shalt  }
0x47: {  	_ =	shalt  }
0x48: {  	_ =	shalt  }
0x49: {  	_ =	shalt  }
0x4a: {  	_ =	shalt  }
0x4b: {  	_ =	shalt  }
0x4c: {  	_ =	shalt  }
0x4d: {  	_ =	shalt  }
0x4e: {  	_ =	shalt  }
0x4f: {  	_ =	shalt  }
0x50: {  	_ =	shalt  }
0x51: {  	_ =	shalt  }
0x52: {  	_ =	shalt  }
0x53: {  	_ =	shalt  }
0x54: {  	_ =	shalt  }
0x55: {  	_ =	shalt  }
0x56: {  	_ =	shalt  }
0x57: {  	_ =	shalt  }
0x58: {  	_ =	shalt  }
0x59: {  	_ =	shalt  }
0x5a: {  	_ =	shalt  }
0x5b: {  	_ =	shalt  }
0x5c: {  	_ =	shalt  }
0x5d: {  	_ =	shalt  }
0x5e: {  	_ =	shalt  }
0x5f: {  	_ =	shalt  }
0x60: {  	_ =	shalt  }
0x61: {  	_ =	shalt  }
0x62: {  	_ =	shalt  }
0x63: {  	_ =	shalt  }
0x64: {  	_ =	shalt  }
0x65: {  	_ =	shalt  }
0x66: {  	_ =	shalt  }
0x67: {  	_ =	shalt  }
0x68: {  	_ =	shalt  }
0x69: {  	_ =	shalt  }
0x6a: {  	_ =	shalt  }
0x6b: {  	_ =	shalt  }
0x6c: {  	_ =	shalt  }
0x6d: {  	_ =	shalt  }
0x6e: {  	_ =	shalt  }
0x6f: {  	_ =	shalt  }
0x70: {  	_ =	shalt  }
0x71: {  	_ =	shalt  }
0x72: {  	_ =	shalt  }
0x73: {  	_ =	shalt  }
0x74: {  	_ =	shalt  }
0x75: {  	_ =	shalt  }
0x76: {  	_ =	shalt  }
0x77: {  	_ =	shalt  }
0x78: {  	_ =	shalt  }
0x79: {  	_ =	shalt  }
0x7a: {  	_ =	shalt  }
0x7b: {  	_ =	shalt  }
0x7c: {  	_ =	shalt  }
0x7d: {  	_ =	shalt  }
0x7e: {  	_ =	shalt  }
0x7f: {  	_ =	shalt  }
0x80: {  	_ =	shalt  }
0x81: {  	_ =	shalt  }
0x82: {  	_ =	shalt  }
0x83: {  	_ =	shalt  }
0x84: {  	_ =	shalt  }
0x85: {  	_ =	shalt  }
0x86: {  	_ =	shalt  }
0x87: {  	_ =	shalt  }
.Lfunc_end0:
.L_simem_size_0:
called_computation.2_lowered:
.L_overlay_start_0:
0x88: {  	s2 =	sld [smem:$0x3FD9]  }
0x89: {  	s3 =	sld [smem:$0x3FFE];
	_ =	sdelay $0x1  }
0x8a: {  	s1 =	srdreg.scid  }
0x8b: {  	s0 =	sand.u32 $0x1, s1  }
0x8c: {  	s17 =	sshll.u32 s0, $0xA;
	s2 =	sadd.s32 s3, s2  }
0x8d: {  	s2 =	sadd.s32 s2, s17  }
0x8e: {  	[smem:$0x3FB5] =	sst s2  }
0x8f: {  	_ = 	snop  }
0x90: {  	s2 =	sld [smem:$0x3FD0];
	(tm) =	ssettm $0x1  }
0x91: {  	s18 =	sld [smem:$0x3FFB];
	_ =	sdelay $0x3  }
0x92: {  	_ =	strace s18  }
0x93: {  	s3 =	sld [smem:$0x3FFC];
	_ =	sdelay $0x3  }
0x94: {  	_ =	strace s3  }
0x95: {  	s3 =	sld [smem:$0x3FFD];
	_ =	sdelay $0x3  }
0x96: {  	_ =	strace s3  }
0x97: {  	_ =	strace $0x8FFFFFFF  }
0x98: {  	s19 =	sld [smem:$0x3FDB];
	_ =	sdelay $0x1  }
0x99: {  	s4 =	simm.s32 $_scs_section_size  }
0x9a: {  	s5 =	simm.s32 $_size__tile_overlayer_lowered;
	s6 =	simm.s32 $_tile_overlayer_lowered  }
0x9b: {  	s22 =	simm.s32 $0x1BFF;
	s21 =	sshll.u32 s6, $0x1;
	s3 =	sadd.s32 s4, s19  }
0x9c: {  	s7 =	simm.s32 $0x0;
	s20 =	sshll.u32 s5, $0x1;
	s5 =	sadd.s32 s21, s3  }
0x9d: {  	[timem:s7], [sflag:s22] =	dma.local [hbm:s5], s20  }
0x9e: {  	_ =	swait.ge [sflag:s22], s20  }
0x9f: {  	s4 =	ssub.s32 $0x0, s20;
	[sflag:s22] =	ssyncset.done $0x0  }
0xa0: {  	[sflag:s22] =	ssyncadd.s32 s4;
	_ =	sdelay $0x1  }
0xa1: {  	s23 =	simm.s32 $0x1B8B  }
0xa2: {  	_ =	swait.ge [sflag:s23], $0x1  }
0xa3: {  	[sflag:s23] =	ssyncset.done $0x0  }
0xa4: {  	s25 =	simm.s32 $0x1B8E;
	s24 =	sld [smem:$0x3FFE];
	[sflag:s23] =	ssyncadd.s32 $0xFFFFFFFF  }
0xa5: {  	s26 =	simm.s32 $execute0_lowered;
	[smem:$0x3FD2] =	sst s25  }
0xa6: {  	s5 =	sshll.u32 s26, $0x1;
	_ =	strace $0x8000004C;
	[dreg:$0x1] =	wrdreg $0xFFFFFFFF  }
0xa7: {  	s28 =	simm.s32 $_size_execute0_lowered;
	s3 =	sadd.s32 s3, s5;
	[dreg:$0x0] =	wrdreg $0x0  }
0xa8: {  	s5 =	sshll.u32 s28, $0x1;
	[dreg:$0x2] =	wrdreg s3  }
0xa9: {  	[dreg:$0x3] =	wrdreg s5  }
0xaa: {  	[dreg:$0x4] =	wrdreg $0xC0  }
0xab: {  	_ =	task [dreg:s7], $0x5FFFF  }
0xac: {  	[dreg:$0x1] =	wrdreg $0xFFFFFFFF  }
0xad: {  	[dreg:$0x0] =	wrdreg $0x60  }
0xae: {  	[dreg:$0x2] =	wrdreg s2  }
0xaf: {  	[dreg:$0x3] =	wrdreg s24  }
0xb0: {  	[dreg:$0x4] =	wrdreg $0x7C000  }
0xb1: {  	[dreg:$0x5] =	wrdreg $0x9  }
0xb2: {  	_ =	task.clear_ibuf [dreg:s7], $0x6FFFF;
	_ =	strace $0x9000004C  }
0xb3: {  	s29 =	simm.s32 $0x9;
	_ =	strace $0x8000004E  }
0xb4: {  	_ =	swait.ge [sflag:s29], $0x1  }
0xb5: {  	[sflag:s29] =	ssyncadd.s32 $0xFFFFFFFF  }
0xb6: {  	_ =	strace $0x9000004E  }
0xb7: {  	_ =	sfence  }
0xb8: {  	s30 =	sld [smem:$0x0];
	_ =	sdelay $0x2  }
0xb9: {  	s31 =	sshll.u32 s1, $0xD;
	s1 =	sshrl.u32 s1, $0x2  }
0xba: {  	s3 =	sand.u32 $0x4000, s31;
	s1 =	sadd.s32 s1, s30  }
0xbb: {  	s0 =	sor.u32 s3, s0;
	s1 =	sshll.u32 s1, $0x11  }
0xbc: {  	s0 =	sor.u32 s1, s0  }
0xbd: {  	s0 =	sadd.s32 $0x8F2B, s0  }
0xbe: {  	[sflag:s0] =	ssyncadd.remote.s32 $0x1  }
0xbf: {  	_ =	sfence.sel $0xFFFF  }
0xc0: {  	[dreg:$0x0] =	wrdreg $0xFFFFFFFF;
	(pc) =	sbr.abs _section_cstart, $3  }
0xc1: {  	[dreg:$0x1] =	wrdreg $0xFFFFFFFF  }
0xc2: {  	_ =	task.clear_ibuf [dreg:s7], $0x2FFFF;
	_ =	strace $0x9FFFFFFF  }
0xc3: {  	(tm) =	ssettm $0x7FFFFFFF  }
tec
execute0_lowered:
.L_overlay_start_1:
0x0: {  	(tag) =	ssettag $0x1  }
0x1: {  	s1 =	rddreg [dreg:$0x0]  }
0x2: {  	s0 =	rddreg [dreg:$0x1]  }
0x3: {  	s3 =	rddreg [dreg:$0x2]  }
0x4: {  	s2 =	srdreg.scid;
	s4 =	simm.s32 $0x0;
	s13 =	stileid.u32  }
0x5: {  	s29 =	simm.s32 $0x80;
	s28 =	simm.s32 $0x50;
	s30 =	simm.s32 $0x2  }
0x6: {  	s31 =	simm.s32 $0x0;
	s2 =	sand.u32 $0x1, s2;
	s6 =	smul.u32 $0x4E000, s13  }
0x7: {  	[smem:$0x7FF] =	sst s4;
	s9 =	sadd.s32 $0x4A00, s0;
	s20 =	smul.u32 $0x13800, s13  }
0x8: {  	s0 =	sadd.s32 $0x18400, s0;
	s23 =	smul.u32 $0x2710, s13;
	p0 =	sne.s32 s13, $0xF  }
0x9: {  	s5 =	sshll.u32 s2, $0x4;
	_ =	strace $0x8000004D;
	s18 =	smul.u32 $0x138800, s2  }
0xa: {  	s7 =	ssub.s32 $0x2, s2;
	s2 =	smul.u32 $0x27100, s2;
	s5 =	sor.u32 s13, s5  }
0xb: {  	s6 =	sshrl.u32 s6, $0x2;
	s10 =	sshrl.u32 s7, $0x1;
	s8 =	smul.u32 $0x2710, s5  }
0xc: {  	s5 =	sadd.s32 s6, s3;
	s16 =	ssub.s32 s7, s10;
	s7 =	sadd.s32 $0x138000, s3  }
0xd: {  	s10 =	sshrl.u32 s18, $0x3;
	s26 =	sadd.s32 s23, s2;
	s17 =	sadd.s32 $0x11800, s5  }
0xe: {  	s10 =	sadd.s32 s0, s10;
	s25 =	smax.u32 s16, $0x1;
	s2 =	sadd.s32 $0xF0, s26  }
0xf: {  	[dreg:$0x4] =	wrdreg s17;
	s8 =	sshrl.u32 s8, $0x3;
	s24 =	sadd.s32 $0x27000, s10  }
0x10: {  	[dreg:$0xc] =	wrdreg s25;
	s17 =	sadd.s32 $0x2800, s5;
	s8 =	sadd.s32 s9, s8  }
0x11: {  	s2 =	sshrl.u32 s2, $0x3;
	[dreg:$0xb] =	wrdreg s24;
	s11 =	sadd.s32 $0x9C40, s8  }
0x12: {  	s25 =	simm.s32 $0x400;
	s19 =	sadd.s32 $0xA, s8;
	[dreg:$0x5] =	wrdreg s11  }
0x13: {  	s10 =	sadd.s32 s2, s9;
	s12 =	sadd.s32 $0x9C4A, s8;
	[dreg:$0x6] =	wrdreg s19  }
0x14: {  	s2 =	simm.s32 $0x1;
	s21 =	sadd.s32 $0x14, s8;
	[dreg:$0x7] =	wrdreg s12  }
0x15: {  	s22 =	sadd.s32 $0x9C54, s8;
	[dreg:$0x8] =	wrdreg s21;
	s11 =	sadd.s32 s20, s18  }
.Ltmp0:
0x16: {  	[dreg:$0x9] =	wrdreg s22;
	s11 =	sshrl.u32 s11, $0x3;
	(pc) =	sbr.rel .LBB2_1-.Ltmp0, $4  }
0x17: {  	s18 =	sadd.s32 $0x5000, s5;
	s19 =	sadd.s32 $0x7800, s5;
	s0 =	sadd.s32 s0, s11  }
0x18: {  	s20 =	sadd.s32 $0xA000, s5;
	[dreg:$0xa] =	wrdreg s0;
	s0 =	sadd.s32 $0x4E2F0, s26  }
0x19: {  	s21 =	sadd.s32 $0xC800, s5;
	s22 =	sadd.s32 $0xF000, s5;
	s0 =	sshrl.u32 s0, $0x3  }
0x1a: {  	v0 =	vimm.f32 $0.0e+00;
	s26 =	simm.s32 $0xB;
	s9 =	sadd.s32 s0, s9;
	s0 =	simm.s32 $0x9  }
.LBB2_9:
0x1b: {  	_ =	swait.ge [sflag:s0], $0x2800  }
0x1c: {  	[sflag:s0] =	ssyncset.done $0x0  }
0x1d: {  	s6 =	stileid.u32;
	[sflag:s0] =	ssyncadd.s32 $0xFFFFD800  }
0x1e: {  	s6 =	sshll.u32 s6, $0x6;
	[bflag:$0x0] =	sbarrier.arrive $0xFFFF  }
0x1f: {  	s11 =	sshrl.u32 s5, $0x3;
	s6 =	sor.u32 $0x1C0B, s6;
	s12 =	rddreg [dreg:$0xa]  }
0x20: {  	[hbm:s12], [sflag:s6] =	dma.local [spmem:s11], $0x2700  }
0x21: {  	_ =	swait.ge [sflag:s26], $0x2700  }
0x22: {  	[sflag:s26] =	ssyncset.done $0x0  }
0x23: {  	s11 =	sshrl.u32 @!p0 s7, $0x3;
	s12 =	rddreg [dreg:$0xb];
	[sflag:s26] =	ssyncadd.s32 $0xFFFFD900  }
0x24: {  	[hbm:s12], [sflag:s6] =	dma.local @!p0 [spmem:s11], $0x100  }
0x25: {  	s6 =	simm.s32 @!p0 $0xB  }
0x26: {  	_ =	swait.ge @!p0 [sflag:s6], $0x100  }
0x27: {  	s31 =	sadd.s32 $0x1, s31;
	s24 =	rddreg [dreg:$0xc]  }
0x28: {  	p1 =	sne.s32 s31, s24  }
.Ltmp1:
0x29: {  	_ = 	snop;
	(pc) =	sbr.rel @!p1 .LBB2_10-.Ltmp1, $3  }
0x2a: {  	_ =	sdelay $0x1  }
0x2b: {  	[sflag:s6] =	ssyncset.done @!p0 $0x0  }
0x2c: {  	[sflag:s6] =	ssyncadd.s32 @!p0 $0xFFFFFF00  }
.LBB2_1:
0x2d: {  	s6 =	simm.s32 $0x70;
	s11 =	simm.s32 $0x3C0  }
.LBB2_2:
0x2e: {  	p1 =	sne.s32 s11, $0x9FC0;
	[tilespmem:s6+$0x400] =	vst v0  }
0x2f: {  	[tilespmem:s6+$0x390] =	vst v0  }
0x30: {  	[tilespmem:s6+$0x3A0] =	vst v0  }
.Ltmp2:
0x31: {  	[tilespmem:s6+$0x3B0] =	vst v0;
	(pc) =	sbr.rel @p1 .LBB2_2-.Ltmp2, $4  }
0x32: {  	[tilespmem:s6+$0x3C0] =	vst v0  }
0x33: {  	[tilespmem:s6+$0x3D0] =	vst v0  }
0x34: {  	[tilespmem:s6+$0x3E0] =	vst v0  }
0x35: {  	[tilespmem:s6+$0x3F0] =	vst v0;
	s6 =	sshra.s32 s11, $0x2;
	s11 =	sadd.s32 $0x200, s11  }
0x36: {  	[tilespmem:s6+$0x400] =	vst v0  }
0x37: {  	[tilespmem:s6+$0x390] =	vst v0  }
0x38: {  	[tilespmem:s6+$0x3A0] =	vst v0  }
0x39: {  	[tilespmem:s6+$0x3B0] =	vst v0  }
0x3a: {  	[tilespmem:s6+$0x3C0] =	vst v0  }
0x3b: {  	[tilespmem:s6+$0x3D0] =	vst v0  }
0x3c: {  	[tilespmem:s6+$0x3E0] =	vst v0  }
0x3d: {  	[tilespmem:s6+$0x3F0] =	vst v0  }
0x3e: {  	[spmem:s5] =	stream.linear.scatter [tilespmem:s25], [sflag:$0xB], $0x2800, $0x38;
	[tilespmem:$0x1B480] =	vst v63  }
0x3f: {  	_ =	swait.ge [sflag:s26], $0x2800  }
0x40: {  	[sflag:s26] =	ssyncset.done $0x0  }
0x41: {  	[sflag:s26] =	ssyncadd.s32 $0xFFFFD800  }
0x42: {  	[spmem:s17] =	stream.linear.scatter [tilespmem:s25], [sflag:$0xB], $0x2800, $0x38;
	[tilespmem:$0x1B480] =	vst v63  }
0x43: {  	_ =	swait.ge [sflag:s26], $0x2800  }
0x44: {  	[sflag:s26] =	ssyncset.done $0x0  }
0x45: {  	[sflag:s26] =	ssyncadd.s32 $0xFFFFD800  }
0x46: {  	[spmem:s18] =	stream.linear.scatter [tilespmem:s25], [sflag:$0xB], $0x2800, $0x38;
	[tilespmem:$0x1B480] =	vst v63  }
0x47: {  	_ =	swait.ge [sflag:s26], $0x2800  }
0x48: {  	[sflag:s26] =	ssyncset.done $0x0  }
0x49: {  	[sflag:s26] =	ssyncadd.s32 $0xFFFFD800  }
0x4a: {  	[spmem:s19] =	stream.linear.scatter [tilespmem:s25], [sflag:$0xB], $0x2800, $0x38;
	[tilespmem:$0x1B480] =	vst v63  }
0x4b: {  	_ =	swait.ge [sflag:s26], $0x2800  }
0x4c: {  	[sflag:s26] =	ssyncset.done $0x0  }
0x4d: {  	[sflag:s26] =	ssyncadd.s32 $0xFFFFD800  }
0x4e: {  	[spmem:s20] =	stream.linear.scatter [tilespmem:s25], [sflag:$0xB], $0x2800, $0x38;
	[tilespmem:$0x1B480] =	vst v63  }
0x4f: {  	_ =	swait.ge [sflag:s26], $0x2800  }
0x50: {  	[sflag:s26] =	ssyncset.done $0x0  }
0x51: {  	[sflag:s26] =	ssyncadd.s32 $0xFFFFD800  }
0x52: {  	[spmem:s21] =	stream.linear.scatter [tilespmem:s25], [sflag:$0xB], $0x2800, $0x38;
	[tilespmem:$0x1B480] =	vst v63  }
0x53: {  	_ =	swait.ge [sflag:s26], $0x2800  }
0x54: {  	[sflag:s26] =	ssyncset.done $0x0  }
0x55: {  	[sflag:s26] =	ssyncadd.s32 $0xFFFFD800  }
0x56: {  	[spmem:s22] =	stream.linear.scatter [tilespmem:s25], [sflag:$0xB], $0x2800, $0x38;
	[tilespmem:$0x1B480] =	vst v63  }
0x57: {  	_ =	swait.ge [sflag:s26], $0x2800  }
0x58: {  	[sflag:s26] =	ssyncset.done $0x0  }
0x59: {  	s23 =	rddreg [dreg:$0x4];
	[sflag:s26] =	ssyncadd.s32 $0xFFFFD800  }
0x5a: {  	[spmem:s23] =	stream.linear.scatter [tilespmem:s25], [sflag:$0xB], $0x2000, $0x38;
	[tilespmem:$0x1B480] =	vst v63  }
0x5b: {  	_ =	swait.ge [sflag:s26], $0x2000  }
0x5c: {  	[sflag:s26] =	ssyncset.done $0x0  }
0x5d: {  	s6 =	simm.s32 @!p0 $0x400;
	[sflag:s26] =	ssyncadd.s32 $0xFFFFE000  }
0x5e: {  	[spmem:s7] =	stream.linear.scatter @!p0 [tilespmem:s6], [sflag:$0xB], $0x800, $0x38;
	[tilespmem:$0x1B480] =	vst v63  }
0x5f: {  	s6 =	simm.s32 @!p0 $0xB  }
0x60: {  	_ =	swait.ge @!p0 [sflag:s6], $0x800  }
0x61: {  	[sflag:s6] =	ssyncset.done @!p0 $0x0  }
0x62: {  	[sflag:s6] =	ssyncadd.s32 @!p0 $0xFFFFF800  }
0x63: {  	s6 =	simm.s32 $0x0;
	[bflag:$0x0] =	sbarrier.arrive $0xFFFF  }
0x64: {  	[tilespmem:s6], [sflag:$0x1] =	stream.linear.gather [hbm4b:s8+s6], $0x50, $0x38;
	[tilespmem:$0x1B480] =	vst v63  }
0x65: {  	s12 =	simm.s32 $0x200;
	s11 =	rddreg [dreg:$0x5]  }
0x66: {  	[tilespmem:s12], [sflag:$0x1] =	stream.linear.gather [hbm4b:s11+s6], $0x50, $0x38;
	[tilespmem:$0x1B480] =	vst v63  }
0x67: {  	s24 =	rddreg [dreg:$0x6]  }
0x68: {  	[tilespmem:s29], [sflag:$0x2] =	stream.linear.gather [hbm4b:s24+s6], $0x50, $0x38;
	[tilespmem:$0x1B480] =	vst v63  }
0x69: {  	s13 =	simm.s32 $0x280;
	s12 =	rddreg [dreg:$0x7]  }
0x6a: {  	[tilespmem:s13], [sflag:$0x2] =	stream.linear.gather [hbm4b:s12+s6], $0x50, $0x38;
	[tilespmem:$0x1B480] =	vst v63  }
0x6b: {  	s15 =	simm.s32 $0x100;
	s14 =	rddreg [dreg:$0x8]  }
0x6c: {  	[tilespmem:s15], [sflag:$0x3] =	stream.linear.gather [hbm4b:s14+s6], $0x50, $0x38;
	[tilespmem:$0x1B480] =	vst v63  }
0x6d: {  	s23 =	simm.s32 $0x300;
	s16 =	rddreg [dreg:$0x9]  }
0x6e: {  	[tilespmem:s23], [sflag:$0x3] =	stream.linear.gather [hbm4b:s16+s6], $0x50, $0x38;
	[tilespmem:$0x1B480] =	vst v63  }
0x6f: {  	_ =	swait.ge [sflag:s2], $0x50  }
0x70: {  	[sflag:s2] =	ssyncset.done $0x0  }
0x71: {  	[sflag:s2] =	ssyncadd.s32 $0xFFFFFFB0  }
0x72: {  	_ =	swait.ge [sflag:s2], $0x50  }
0x73: {  	[sflag:s2] =	ssyncset.done $0x0  }
0x74: {  	[sflag:s2] =	ssyncadd.s32 $0xFFFFFFB0  }
0x75: {  	[tilespmem:s25], [sflag:$0x5] =	stream.indirect.gather [hbm4b:s1+s28], $0x80, s6, s28, $0xb8;
	[tilespmem:$0x1B480] =	vst v63  }
0x76: {  	_ =	swait.ge [sflag:s30], $0x50  }
0x77: {  	[sflag:s30] =	ssyncset.done $0x0  }
0x78: {  	[sflag:s30] =	ssyncadd.s32 $0xFFFFFFB0  }
.Ltmp3:
0x79: {  	_ =	swait.ge [sflag:s30], $0x50;
	(pc) =	sbr.rel .LBB2_4-.Ltmp3, $4  }
0x7a: {  	[sflag:s30] =	ssyncset.done $0x0  }
0x7b: {  	s24 =	simm.s32 $0x2C00;
	[sflag:s30] =	ssyncadd.s32 $0xFFFFFFB0  }
0x7c: {  	[tilespmem:s24], [sflag:$0x6] =	stream.indirect.gather [hbm4b:s1+s28], $0x80, s29, s28, $0xb8;
	[tilespmem:$0x1B480] =	vst v63  }
0x7d: {  	s11 =	simm.s32 $0x0;
	s23 =	smov.u32 s10;
	s24 =	smov.u32 s9  }
.LBB2_5:
0x7e: {  	s13 =	sadd.s32 $0xFFFFFFFF, s11  }
0x7f: {  	s13 =	sand.u32 $0x3, s13  }
0x80: {  	s14 =	sadd.s32 $0x1, s13;
	s13 =	sshll.u32 s13, $0x7  }
0x81: {  	[tilespmem:s13], [sflag:s14] =	stream.linear.gather [hbm4b:s23+s4], $0x50, $0x38;
	[tilespmem:$0x1B480] =	vst v63  }
0x82: {  	s13 =	sor.u32 $0x200, s13  }
0x83: {  	[tilespmem:s13], [sflag:s14] =	stream.linear.gather [hbm4b:s24+s4], $0x50, $0x38;
	[tilespmem:$0x1B480] =	vst v63  }
.LBB2_7:
0x84: {  	s13 =	sadd.s32 $0x2, s11  }
0x85: {  	s14 =	smul.u32 $0xAB, s13;
	_ =	sdelay $0x1  }
0x86: {  	s14 =	sshrl.u32 s14, $0x9  }
0x87: {  	s14 =	sand.u32 $0x7F, s14  }
0x88: {  	s15 =	sand.u32 $0x3, s13;
	s14 =	smul.u32 $0x3, s14  }
0x89: {  	s16 =	sadd.s32 $0x1, s15  }
0x8a: {  	_ =	swait.ge [sflag:s16], $0x50;
	s13 =	ssub.s32 s13, s14  }
0x8b: {  	[sflag:s16] =	ssyncset.done $0x0;
	s13 =	sand.u32 $0xFF, s13  }
0x8c: {  	[sflag:s16] =	ssyncadd.s32 $0xFFFFFFB0;
	s14 =	smul.u32 $0xA000, s13  }
0x8d: {  	_ =	swait.ge [sflag:s16], $0x50  }
0x8e: {  	s15 =	sshll.u32 s15, $0x7;
	[sflag:s16] =	ssyncset.done $0x0;
	s14 =	sshrl.u32 s14, $0x2  }
0x8f: {  	[sflag:s16] =	ssyncadd.s32 $0xFFFFFFB0;
	s13 =	sadd.s32 $0x5, s13;
	s14 =	sor.u32 $0x400, s14  }
0x90: {  	[tilespmem:s14], [sflag:s13] =	stream.indirect.gather [hbm4b:s1+s28], $0x80, s15, s28, $0xb8;
	[tilespmem:$0x1B480] =	vst v63  }
.LBB2_8:
0x91: {  	s11 =	sadd.s32 $0x1, s11  }
0x92: {  	s13 =	smul.u32 $0xA000, s12;
	p1 =	sne.s32 s11, $0x7D  }
.Ltmp4:
0x93: {  	_ = 	snop;
	(pc) =	sbr.rel @!p1 .LBB2_9-.Ltmp4, $4  }
0x94: {  	s14 =	sand.u32 $0x600, s6;
	s16 =	sadd.s32 $0x8, s12;
	s6 =	sadd.s32 $0x200, s6  }
0x95: {  	s23 =	sadd.s32 $0xA, s23;
	s14 =	sshrl.u32 s14, $0x2;
	s13 =	sshrl.u32 s13, $0x2  }
0x96: {  	s24 =	sadd.s32 $0xA, s24;
	s14 =	sor.u32 $0x200, s14;
	s13 =	sor.u32 $0x400, s13  }
0x97: {  	[spmem:s3] =	stream.indirect.scatter.add.f32 [tilespmem:s13], [sflag:s16], $0x80, s14, s28, $0xb8;
	[tilespmem:$0x1B480] =	vst v63  }
.LBB2_4:
0x98: {  	s12 =	smul.u32 $0xAB, s11;
	p1 =	seq.s32 s11, $0x0  }
0x99: {  	s13 =	sadd.s32 @!p1 $0xFFFFFFFF, s11  }
0x9a: {  	s12 =	sshrl.u32 s12, $0x9;
	s14 =	sand.u32 @!p1 $0xFF, s13  }
0x9b: {  	s12 =	sand.u32 $0x7F, s12;
	s14 =	smul.u32 @!p1 $0xAB, s14  }
0x9c: {  	s12 =	smul.u32 $0x3, s12;
	_ =	sdelay $0x1  }
0x9d: {  	s14 =	sshrl.u32 @!p1 s14, $0x9;
	s12 =	ssub.s32 s11, s12  }
0x9e: {  	s14 =	smul.u32 @!p1 $0x3, s14;
	s12 =	sand.u32 $0xFF, s12  }
0x9f: {  	p2 =	sgt.u32 @!p1 s11, $0x79;
	s15 =	sadd.s32 $0x5, s12  }
0xa0: {  	p2 =	por p1, !p2;
	s13 =	ssub.s32 @!p1 s13, s14;
	_ =	swait.ge [sflag:s15], $0x2800  }
.Ltmp5:
0xa1: {  	s13 =	sor.u32 @!p1 $0x8, s13;
	[sflag:s15] =	ssyncset.done $0x0;
	(pc) =	sbr.rel @p2 .LBB2_5-.Ltmp5, $4  }
0xa2: {  	s13 =	sand.u32 @!p1 $0xFF, s13;
	[sflag:s15] =	ssyncadd.s32 $0xFFFFD800  }
0xa3: {  	_ =	swait.ge @!p1 [sflag:s13], $0x2800  }
0xa4: {  	[sflag:s13] =	ssyncset.done @!p1 $0x0  }
0xa5: {  	[sflag:s13] =	ssyncadd.s32 @!p1 $0xFFFFD800  }
0xa6: {  	p1 =	sne.s32 s11, $0x7A  }
.Ltmp6:
0xa7: {  	_ = 	snop;
	(pc) =	sbr.rel @p1 .LBB2_8-.Ltmp6, $4  }
.Ltmp7:
0xa8: {  	_ = 	snop;
	(pc) =	sbr.rel @!p1 .LBB2_7-.Ltmp7, $4  }
0xa9: {  	_ = 	snop  }
0xaa: {  	_ = 	snop  }
0xab: {  	_ = 	snop  }
0xac: {  	_ = 	snop  }
.LBB2_10:
0xad: {  	_ =	sfence.sel $0x180000  }
0xae: {  	[bflag:$0x0] =	sbarrier.arrive $0xFFFF  }
0xaf: {  	_ =	strace $0x9000004D  }
0xb0: {  	s0 =	stileid.u32;
	[bflag:$0x2] =	sbarrier.arrive $0xFFFF  }
0xb1: {  	p0 =	sne.s32 s0, $0x0;
	s0 =	rddreg [dreg:$0x3]  }
0xb2: {  	s0 =	sadd.s32 @!p0 $0x100000, s0  }
0xb3: {  	[sflag:s0] =	ssyncadd.tile.s32 @!p0 $0x1;
	_ =	shalt  }
.Lfunc_end2:
_tile_overlayer_lowered:
.L_overlay_start_2:
0xb4: {  	(tag) =	ssettag $0x2  }
0xb5: {  	s0 =	rddreg [dreg:$0x0];
	s2 =	stileid.u32  }
0xb6: {  	s1 =	rddreg [dreg:$0x1];
	p0 =	sne.s32 s2, $0x0  }
0xb7: {  	s3 =	rddreg [dreg:$0x2];
	[bflag:$0x3] =	sbarrier.arrive $0xFFFF;
	s2 =	simm.s32 @!p0 $0x1C0B  }
0xb8: {  	[timem:s3], [sflag:s2] =	dma.local @!p0 [hbm:s0], s1  }
0xb9: {  	s0 =	simm.s32 @!p0 $0xB  }
0xba: {  	_ =	swait.ge @!p0 [sflag:s0], s1  }
0xbb: {  	s1 =	ssub.s32 @!p0 $0x0, s1;
	[sflag:s0] =	ssyncset.done @!p0 $0x0  }
0xbc: {  	[sflag:s0] =	ssyncadd.s32 @!p0 s1  }
0xbd: {  	[bflag:$0x3] =	sbarrier.arrive $0xFFFF  }
0xbe: {  	_ =	shalt  }

// kernel: kernel.7.cloned.1.call-start
scs
__scs_entry_jumppad:
0x0: {  	(pc) =	sbr.rel $0x88, $3  }
0x1: {  	(tag) =	ssettag $0x0;
	lr =	simm.s32 $0x1  }
0x2: {  	[smem:$0x3F8E] =	sst lr;
	_ =	strace $0xD0000000  }
0x3: {  	_ = 	snop  }
0x4: {  	_ = 	snop  }
0x5: {  	_ = 	snop  }
0x6: {  	_ = 	snop  }
0x7: {  	_ = 	snop  }
__scs_overlays_trampoline_lowered:
0x8: {  	[smem:$0x3F9D] =	sst s0  }
0x9: {  	[smem:$0x3F9E] =	sst s1  }
0xa: {  	[smem:$0x3F9F] =	sst s2  }
0xb: {  	[smem:$0x3FA0] =	sst s3  }
0xc: {  	[smem:$0x3FA1] =	sst s4  }
0xd: {  	[smem:$0x3FA2] =	sst s5  }
0xe: {  	[smem:$0x3FA3] =	sst s6  }
0xf: {  	[smem:$0x3FA4] =	sst s7  }
0x10: {  	[smem:$0x3FA5] =	sst s8  }
0x11: {  	[smem:$0x3FA6] =	sst s9;
	s0 =	simm.s32 @!p0 $0x0  }
0x12: {  	s1 =	sld [smem:$0x3F8C];
	s0 =	simm.s32 @p0 $0x1  }
0x13: {  	[smem:$0x3FA7] =	sst s0;
	s0 =	simm.s32 @!p1 $0x0  }
0x14: {  	s2 =	sld [smem:$0x3F8B];
	s0 =	simm.s32 @p1 $0x1  }
0x15: {  	[smem:$0x3FA8] =	sst s0;
	s0 =	simm.s32 @!p2 $0x0  }
0x16: {  	s3 =	sld [smem:$0x3FDB];
	s0 =	simm.s32 @p2 $0x1  }
0x17: {  	s4 =	simm.s32 $0x1BF5;
	[smem:$0x3FAA] =	sst s0  }
0x18: {  	s0 =	sld [smem:$0x3F8D];
	_ =	swait.ge [sflag:s4], $0x0  }
0x19: {  	s7 =	sld [smem:$0x3F8E]  }
0x1a: {  	s8 =	sadd.s32 $0xFFFFE003, lr  }
0x1b: {  	s9 =	sadd.s32 $0xFFFFFEF7, lr;
	s5 =	simm.s32 $0xFFFFFFFF;
	p2 =	slt.u32 s8, $0xFFFFF086  }
0x1c: {  	p1 =	slt.u32 s9, $0xF7A;
	s5 =	simm.s32 @!p2 $0x0  }
0x1d: {  	s5 =	simm.s32 @p1 $0x1;
	p0 =	seq.s32 s7, s2  }
0x1e: {  	s7 =	smul.u32 @!p0 $0xF7A, s2;
	p2 =	seq.s32 @!p0 s5, $0x0  }
0x1f: {  	s9 =	smul.u32 $0xF7A, s1;
	s8 =	simm.s32 @!p0 $0x1BF5;
	p2 =	por !p2, p0  }
0x20: {  	[sflag:s8] =	ssyncset.s32 @!p0 $0xFFFFF086;
	s6 =	sadd.s32 @!p0 s3, s7;
	s7 =	simm.s32 @!p0 $0x108  }
0x21: {  	s3 =	sadd.s32 s3, s9;
	s6 =	sadd.s32 @!p0 $0x88, s6;
	s7 =	simm.s32 @p2 $0x1082  }
0x22: {  	[simem:s7], [sflag:s8] =	dma.local @!p0 [hbm:s6], $0xF7A  }
0x23: {  	s9 =	sor.u32 $0xD0000000, s2;
	s6 =	simm.s32 $0x108;
	_ =	swait.ge @!p0 [sflag:s8], $0x0  }
0x24: {  	s3 =	sadd.s32 $0x88, s3;
	s6 =	simm.s32 @!p1 $0x1082;
	[sflag:s4] =	ssyncset.s32 $0xFFFFF086  }
0x25: {  	[simem:s6], [sflag:s4] =	dma.local [hbm:s3], $0xF7A  }
0x26: {  	[smem:$0x3F8E] =	sst s1;
	(tag) =	ssettag s2;
	_ =	strace s9  }
0x27: {  	s1 =	sld [smem:$0x3F9E]  }
0x28: {  	s2 =	sld [smem:$0x3F9F]  }
0x29: {  	s4 =	sld [smem:$0x3FA1]  }
0x2a: {  	p0 =	seq.s32 s5, $0x0;
	s5 =	sld [smem:$0x3FA2]  }
0x2b: {  	s6 =	sld [smem:$0x3FA3]  }
0x2c: {  	s7 =	sld [smem:$0x3FA4]  }
0x2d: {  	s3 =	simm.s32 $0x108;
	s8 =	sld [smem:$0x3FA5]  }
0x2e: {  	s3 =	simm.s32 @!p0 $0x1082;
	s9 =	sld [smem:$0x3FA6]  }
0x2f: {  	lr =	sadd.s32 s0, s3;
	s0 =	sld [smem:$0x3F9D]  }
0x30: {  	s3 =	sld [smem:$0x3FA0]  }
0x31: {  	[smem:$0x3FA9] =	sst s10  }
0x32: {  	s10 =	sld [smem:$0x3FA7];
	_ =	sdelay $0x3  }
0x33: {  	p0 =	seq.s32 s10, $0x1;
	s10 =	sld [smem:$0x3FA9];
	_ =	sdelay $0x3  }
0x34: {  	[smem:$0x3FA9] =	sst s10  }
0x35: {  	s10 =	sld [smem:$0x3FA8];
	_ =	sdelay $0x3  }
0x36: {  	p1 =	seq.s32 s10, $0x1;
	s10 =	sld [smem:$0x3FA9];
	_ =	sdelay $0x3  }
0x37: {  	[smem:$0x3FA9] =	sst s10  }
0x38: {  	s10 =	sld [smem:$0x3FAA]  }
0x39: {  	_ = 	snop;
	(pc) =	sbr.ind lr, $3  }
0x3a: {  	_ = 	snop  }
0x3b: {  	_ = 	snop  }
0x3c: {  	p2 =	seq.s32 s10, $0x1;
	s10 =	sld [smem:$0x3FA9]  }
0x3d: {  	_ =	shalt  }
0x3e: {  	_ =	shalt  }
0x3f: {  	_ =	shalt  }
0x40: {  	_ =	shalt  }
0x41: {  	_ =	shalt  }
0x42: {  	_ =	shalt  }
0x43: {  	_ =	shalt  }
0x44: {  	_ =	shalt  }
0x45: {  	_ =	shalt  }
0x46: {  	_ =	shalt  }
0x47: {  	_ =	shalt  }
0x48: {  	_ =	shalt  }
0x49: {  	_ =	shalt  }
0x4a: {  	_ =	shalt  }
0x4b: {  	_ =	shalt  }
0x4c: {  	_ =	shalt  }
0x4d: {  	_ =	shalt  }
0x4e: {  	_ =	shalt  }
0x4f: {  	_ =	shalt  }
0x50: {  	_ =	shalt  }
0x51: {  	_ =	shalt  }
0x52: {  	_ =	shalt  }
0x53: {  	_ =	shalt  }
0x54: {  	_ =	shalt  }
0x55: {  	_ =	shalt  }
0x56: {  	_ =	shalt  }
0x57: {  	_ =	shalt  }
0x58: {  	_ =	shalt  }
0x59: {  	_ =	shalt  }
0x5a: {  	_ =	shalt  }
0x5b: {  	_ =	shalt  }
0x5c: {  	_ =	shalt  }
0x5d: {  	_ =	shalt  }
0x5e: {  	_ =	shalt  }
0x5f: {  	_ =	shalt  }
0x60: {  	_ =	shalt  }
0x61: {  	_ =	shalt  }
0x62: {  	_ =	shalt  }
0x63: {  	_ =	shalt  }
0x64: {  	_ =	shalt  }
0x65: {  	_ =	shalt  }
0x66: {  	_ =	shalt  }
0x67: {  	_ =	shalt  }
0x68: {  	_ =	shalt  }
0x69: {  	_ =	shalt  }
0x6a: {  	_ =	shalt  }
0x6b: {  	_ =	shalt  }
0x6c: {  	_ =	shalt  }
0x6d: {  	_ =	shalt  }
0x6e: {  	_ =	shalt  }
0x6f: {  	_ =	shalt  }
0x70: {  	_ =	shalt  }
0x71: {  	_ =	shalt  }
0x72: {  	_ =	shalt  }
0x73: {  	_ =	shalt  }
0x74: {  	_ =	shalt  }
0x75: {  	_ =	shalt  }
0x76: {  	_ =	shalt  }
0x77: {  	_ =	shalt  }
0x78: {  	_ =	shalt  }
0x79: {  	_ =	shalt  }
0x7a: {  	_ =	shalt  }
0x7b: {  	_ =	shalt  }
0x7c: {  	_ =	shalt  }
0x7d: {  	_ =	shalt  }
0x7e: {  	_ =	shalt  }
0x7f: {  	_ =	shalt  }
0x80: {  	_ =	shalt  }
0x81: {  	_ =	shalt  }
0x82: {  	_ =	shalt  }
0x83: {  	_ =	shalt  }
0x84: {  	_ =	shalt  }
0x85: {  	_ =	shalt  }
0x86: {  	_ =	shalt  }
0x87: {  	_ =	shalt  }
.Lfunc_end0:
.L_simem_size_0:
called_computation_lowered:
.L_overlay_start_0:
0x88: {  	s2 =	sld [smem:$0x3FD9]  }
0x89: {  	s3 =	sld [smem:$0x3FFE];
	_ =	sdelay $0x1  }
0x8a: {  	s1 =	srdreg.scid  }
0x8b: {  	s0 =	sand.u32 $0x1, s1  }
0x8c: {  	s17 =	sshll.u32 s0, $0xA;
	s2 =	sadd.s32 s3, s2  }
0x8d: {  	s2 =	sadd.s32 s2, s17  }
0x8e: {  	[smem:$0x3FB5] =	sst s2  }
0x8f: {  	_ = 	snop  }
0x90: {  	s2 =	sld [smem:$0x3FC9];
	(tm) =	ssettm $0x1  }
0x91: {  	s18 =	sld [smem:$0x3FFB];
	_ =	sdelay $0x3  }
0x92: {  	_ =	strace s18  }
0x93: {  	s3 =	sld [smem:$0x3FFC];
	_ =	sdelay $0x3  }
0x94: {  	_ =	strace s3  }
0x95: {  	s3 =	sld [smem:$0x3FFD];
	_ =	sdelay $0x3  }
0x96: {  	_ =	strace s3  }
0x97: {  	_ =	strace $0x8FFFFFFF  }
0x98: {  	s19 =	sld [smem:$0x3FDB];
	_ =	sdelay $0x1  }
0x99: {  	s4 =	simm.s32 $_scs_section_size  }
0x9a: {  	s5 =	simm.s32 $_size__tile_overlayer_lowered;
	s6 =	simm.s32 $_tile_overlayer_lowered  }
0x9b: {  	s22 =	simm.s32 $0x1BFF;
	s21 =	sshll.u32 s6, $0x1;
	s3 =	sadd.s32 s4, s19  }
0x9c: {  	s7 =	simm.s32 $0x0;
	s20 =	sshll.u32 s5, $0x1;
	s5 =	sadd.s32 s21, s3  }
0x9d: {  	[timem:s7], [sflag:s22] =	dma.local [hbm:s5], s20  }
0x9e: {  	_ =	swait.ge [sflag:s22], s20  }
0x9f: {  	s4 =	ssub.s32 $0x0, s20;
	[sflag:s22] =	ssyncset.done $0x0  }
0xa0: {  	[sflag:s22] =	ssyncadd.s32 s4;
	_ =	sdelay $0x1  }
0xa1: {  	s23 =	simm.s32 $0x1B8B  }
0xa2: {  	_ =	swait.ge [sflag:s23], $0x1  }
0xa3: {  	[sflag:s23] =	ssyncset.done $0x0  }
0xa4: {  	s25 =	simm.s32 $0x1B8E;
	s24 =	sld [smem:$0x3FFE];
	[sflag:s23] =	ssyncadd.s32 $0xFFFFFFFF  }
0xa5: {  	s26 =	simm.s32 $execute0_lowered;
	[smem:$0x3FD2] =	sst s25  }
0xa6: {  	s5 =	sshll.u32 s26, $0x1;
	_ =	strace $0x80000046;
	[dreg:$0x1] =	wrdreg $0xFFFFFFFF  }
0xa7: {  	s28 =	simm.s32 $_size_execute0_lowered;
	s3 =	sadd.s32 s3, s5;
	[dreg:$0x0] =	wrdreg $0x0  }
0xa8: {  	s5 =	sshll.u32 s28, $0x1;
	[dreg:$0x2] =	wrdreg s3  }
0xa9: {  	[dreg:$0x3] =	wrdreg s5  }
0xaa: {  	[dreg:$0x4] =	wrdreg $0xC0  }
0xab: {  	_ =	task [dreg:s7], $0x5FFFF  }
0xac: {  	[dreg:$0x1] =	wrdreg $0xFFFFFFFF  }
0xad: {  	[dreg:$0x0] =	wrdreg $0x60  }
0xae: {  	[dreg:$0x2] =	wrdreg s2  }
0xaf: {  	[dreg:$0x3] =	wrdreg s24  }
0xb0: {  	[dreg:$0x4] =	wrdreg $0x7C000  }
0xb1: {  	[dreg:$0x5] =	wrdreg $0x9  }
0xb2: {  	_ =	task.clear_ibuf [dreg:s7], $0x6FFFF;
	_ =	strace $0x90000046  }
0xb3: {  	s29 =	simm.s32 $0x9;
	_ =	strace $0x80000048  }
0xb4: {  	_ =	swait.ge [sflag:s29], $0x1  }
0xb5: {  	[sflag:s29] =	ssyncadd.s32 $0xFFFFFFFF  }
0xb6: {  	_ =	strace $0x90000048  }
0xb7: {  	_ =	sfence  }
0xb8: {  	s30 =	sld [smem:$0x0];
	_ =	sdelay $0x2  }
0xb9: {  	s31 =	sshll.u32 s1, $0xD;
	s1 =	sshrl.u32 s1, $0x2  }
0xba: {  	s3 =	sand.u32 $0x4000, s31;
	s1 =	sadd.s32 s1, s30  }
0xbb: {  	s0 =	sor.u32 s3, s0;
	s1 =	sshll.u32 s1, $0x11  }
0xbc: {  	s0 =	sor.u32 s1, s0  }
0xbd: {  	s0 =	sadd.s32 $0x8F2B, s0  }
0xbe: {  	[sflag:s0] =	ssyncadd.remote.s32 $0x1  }
0xbf: {  	_ =	sfence.sel $0xFFFF  }
0xc0: {  	[dreg:$0x0] =	wrdreg $0xFFFFFFFF;
	(pc) =	sbr.abs _section_cstart, $3  }
0xc1: {  	[dreg:$0x1] =	wrdreg $0xFFFFFFFF  }
0xc2: {  	_ =	task.clear_ibuf [dreg:s7], $0x2FFFF;
	_ =	strace $0x9FFFFFFF  }
0xc3: {  	(tm) =	ssettm $0x7FFFFFFF  }
tec
execute0_lowered:
.L_overlay_start_1:
0x0: {  	(tag) =	ssettag $0x1  }
0x1: {  	s1 =	rddreg [dreg:$0x0]  }
0x2: {  	s0 =	rddreg [dreg:$0x1]  }
0x3: {  	s3 =	rddreg [dreg:$0x2]  }
0x4: {  	s2 =	srdreg.scid;
	s4 =	simm.s32 $0x0;
	s13 =	stileid.u32  }
0x5: {  	s29 =	simm.s32 $0x80;
	s28 =	simm.s32 $0x50;
	s30 =	simm.s32 $0x2  }
0x6: {  	s31 =	simm.s32 $0x0;
	s2 =	sand.u32 $0x1, s2;
	s6 =	smul.u32 $0x4E000, s13  }
0x7: {  	[smem:$0x7FF] =	sst s4;
	s9 =	sadd.s32 $0x4A00, s0;
	s20 =	smul.u32 $0x13800, s13  }
0x8: {  	s0 =	sadd.s32 $0x18400, s0;
	s23 =	smul.u32 $0x2710, s13;
	p0 =	sne.s32 s13, $0xF  }
0x9: {  	s5 =	sshll.u32 s2, $0x4;
	_ =	strace $0x80000047;
	s18 =	smul.u32 $0x138800, s2  }
0xa: {  	s7 =	ssub.s32 $0x2, s2;
	s2 =	smul.u32 $0x27100, s2;
	s5 =	sor.u32 s13, s5  }
0xb: {  	s6 =	sshrl.u32 s6, $0x2;
	s10 =	sshrl.u32 s7, $0x1;
	s8 =	smul.u32 $0x2710, s5  }
0xc: {  	s5 =	sadd.s32 s6, s3;
	s16 =	ssub.s32 s7, s10;
	s7 =	sadd.s32 $0x138000, s3  }
0xd: {  	s10 =	sshrl.u32 s18, $0x3;
	s26 =	sadd.s32 s23, s2;
	s17 =	sadd.s32 $0x11800, s5  }
0xe: {  	s10 =	sadd.s32 s0, s10;
	s25 =	smax.u32 s16, $0x1;
	s2 =	sadd.s32 $0xF0, s26  }
0xf: {  	[dreg:$0x4] =	wrdreg s17;
	s8 =	sshrl.u32 s8, $0x3;
	s24 =	sadd.s32 $0x27000, s10  }
0x10: {  	[dreg:$0xc] =	wrdreg s25;
	s17 =	sadd.s32 $0x2800, s5;
	s8 =	sadd.s32 s9, s8  }
0x11: {  	s2 =	sshrl.u32 s2, $0x3;
	[dreg:$0xb] =	wrdreg s24;
	s11 =	sadd.s32 $0x9C40, s8  }
0x12: {  	s25 =	simm.s32 $0x400;
	s19 =	sadd.s32 $0xA, s8;
	[dreg:$0x5] =	wrdreg s11  }
0x13: {  	s10 =	sadd.s32 s2, s9;
	s12 =	sadd.s32 $0x9C4A, s8;
	[dreg:$0x6] =	wrdreg s19  }
0x14: {  	s2 =	simm.s32 $0x1;
	s21 =	sadd.s32 $0x14, s8;
	[dreg:$0x7] =	wrdreg s12  }
0x15: {  	s22 =	sadd.s32 $0x9C54, s8;
	[dreg:$0x8] =	wrdreg s21;
	s11 =	sadd.s32 s20, s18  }
.Ltmp0:
0x16: {  	[dreg:$0x9] =	wrdreg s22;
	s11 =	sshrl.u32 s11, $0x3;
	(pc) =	sbr.rel .LBB2_1-.Ltmp0, $4  }
0x17: {  	s18 =	sadd.s32 $0x5000, s5;
	s19 =	sadd.s32 $0x7800, s5;
	s0 =	sadd.s32 s0, s11  }
0x18: {  	s20 =	sadd.s32 $0xA000, s5;
	[dreg:$0xa] =	wrdreg s0;
	s0 =	sadd.s32 $0x4E2F0, s26  }
0x19: {  	s21 =	sadd.s32 $0xC800, s5;
	s22 =	sadd.s32 $0xF000, s5;
	s0 =	sshrl.u32 s0, $0x3  }
0x1a: {  	v0 =	vimm.f32 $0.0e+00;
	s26 =	simm.s32 $0xB;
	s9 =	sadd.s32 s0, s9;
	s0 =	simm.s32 $0x9  }
.LBB2_9:
0x1b: {  	_ =	swait.ge [sflag:s0], $0x2800  }
0x1c: {  	[sflag:s0] =	ssyncset.done $0x0  }
0x1d: {  	s6 =	stileid.u32;
	[sflag:s0] =	ssyncadd.s32 $0xFFFFD800  }
0x1e: {  	s6 =	sshll.u32 s6, $0x6;
	[bflag:$0x0] =	sbarrier.arrive $0xFFFF  }
0x1f: {  	s11 =	sshrl.u32 s5, $0x3;
	s6 =	sor.u32 $0x1C0B, s6;
	s12 =	rddreg [dreg:$0xa]  }
0x20: {  	[hbm:s12], [sflag:s6] =	dma.local [spmem:s11], $0x2700  }
0x21: {  	_ =	swait.ge [sflag:s26], $0x2700  }
0x22: {  	[sflag:s26] =	ssyncset.done $0x0  }
0x23: {  	s11 =	sshrl.u32 @!p0 s7, $0x3;
	s12 =	rddreg [dreg:$0xb];
	[sflag:s26] =	ssyncadd.s32 $0xFFFFD900  }
0x24: {  	[hbm:s12], [sflag:s6] =	dma.local @!p0 [spmem:s11], $0x100  }
0x25: {  	s6 =	simm.s32 @!p0 $0xB  }
0x26: {  	_ =	swait.ge @!p0 [sflag:s6], $0x100  }
0x27: {  	s31 =	sadd.s32 $0x1, s31;
	s24 =	rddreg [dreg:$0xc]  }
0x28: {  	p1 =	sne.s32 s31, s24  }
.Ltmp1:
0x29: {  	_ = 	snop;
	(pc) =	sbr.rel @!p1 .LBB2_10-.Ltmp1, $3  }
0x2a: {  	_ =	sdelay $0x1  }
0x2b: {  	[sflag:s6] =	ssyncset.done @!p0 $0x0  }
0x2c: {  	[sflag:s6] =	ssyncadd.s32 @!p0 $0xFFFFFF00  }
.LBB2_1:
0x2d: {  	s6 =	simm.s32 $0x70;
	s11 =	simm.s32 $0x3C0  }
.LBB2_2:
0x2e: {  	p1 =	sne.s32 s11, $0x9FC0;
	[tilespmem:s6+$0x400] =	vst v0  }
0x2f: {  	[tilespmem:s6+$0x390] =	vst v0  }
0x30: {  	[tilespmem:s6+$0x3A0] =	vst v0  }
.Ltmp2:
0x31: {  	[tilespmem:s6+$0x3B0] =	vst v0;
	(pc) =	sbr.rel @p1 .LBB2_2-.Ltmp2, $4  }
0x32: {  	[tilespmem:s6+$0x3C0] =	vst v0  }
0x33: {  	[tilespmem:s6+$0x3D0] =	vst v0  }
0x34: {  	[tilespmem:s6+$0x3E0] =	vst v0  }
0x35: {  	[tilespmem:s6+$0x3F0] =	vst v0;
	s6 =	sshra.s32 s11, $0x2;
	s11 =	sadd.s32 $0x200, s11  }
0x36: {  	[tilespmem:s6+$0x400] =	vst v0  }
0x37: {  	[tilespmem:s6+$0x390] =	vst v0  }
0x38: {  	[tilespmem:s6+$0x3A0] =	vst v0  }
0x39: {  	[tilespmem:s6+$0x3B0] =	vst v0  }
0x3a: {  	[tilespmem:s6+$0x3C0] =	vst v0  }
0x3b: {  	[tilespmem:s6+$0x3D0] =	vst v0  }
0x3c: {  	[tilespmem:s6+$0x3E0] =	vst v0  }
0x3d: {  	[tilespmem:s6+$0x3F0] =	vst v0  }
0x3e: {  	[spmem:s5] =	stream.linear.scatter [tilespmem:s25], [sflag:$0xB], $0x2800, $0x38;
	[tilespmem:$0x1B480] =	vst v63  }
0x3f: {  	_ =	swait.ge [sflag:s26], $0x2800  }
0x40: {  	[sflag:s26] =	ssyncset.done $0x0  }
0x41: {  	[sflag:s26] =	ssyncadd.s32 $0xFFFFD800  }
0x42: {  	[spmem:s17] =	stream.linear.scatter [tilespmem:s25], [sflag:$0xB], $0x2800, $0x38;
	[tilespmem:$0x1B480] =	vst v63  }
0x43: {  	_ =	swait.ge [sflag:s26], $0x2800  }
0x44: {  	[sflag:s26] =	ssyncset.done $0x0  }
0x45: {  	[sflag:s26] =	ssyncadd.s32 $0xFFFFD800  }
0x46: {  	[spmem:s18] =	stream.linear.scatter [tilespmem:s25], [sflag:$0xB], $0x2800, $0x38;
	[tilespmem:$0x1B480] =	vst v63  }
0x47: {  	_ =	swait.ge [sflag:s26], $0x2800  }
0x48: {  	[sflag:s26] =	ssyncset.done $0x0  }
0x49: {  	[sflag:s26] =	ssyncadd.s32 $0xFFFFD800  }
0x4a: {  	[spmem:s19] =	stream.linear.scatter [tilespmem:s25], [sflag:$0xB], $0x2800, $0x38;
	[tilespmem:$0x1B480] =	vst v63  }
0x4b: {  	_ =	swait.ge [sflag:s26], $0x2800  }
0x4c: {  	[sflag:s26] =	ssyncset.done $0x0  }
0x4d: {  	[sflag:s26] =	ssyncadd.s32 $0xFFFFD800  }
0x4e: {  	[spmem:s20] =	stream.linear.scatter [tilespmem:s25], [sflag:$0xB], $0x2800, $0x38;
	[tilespmem:$0x1B480] =	vst v63  }
0x4f: {  	_ =	swait.ge [sflag:s26], $0x2800  }
0x50: {  	[sflag:s26] =	ssyncset.done $0x0  }
0x51: {  	[sflag:s26] =	ssyncadd.s32 $0xFFFFD800  }
0x52: {  	[spmem:s21] =	stream.linear.scatter [tilespmem:s25], [sflag:$0xB], $0x2800, $0x38;
	[tilespmem:$0x1B480] =	vst v63  }
0x53: {  	_ =	swait.ge [sflag:s26], $0x2800  }
0x54: {  	[sflag:s26] =	ssyncset.done $0x0  }
0x55: {  	[sflag:s26] =	ssyncadd.s32 $0xFFFFD800  }
0x56: {  	[spmem:s22] =	stream.linear.scatter [tilespmem:s25], [sflag:$0xB], $0x2800, $0x38;
	[tilespmem:$0x1B480] =	vst v63  }
0x57: {  	_ =	swait.ge [sflag:s26], $0x2800  }
0x58: {  	[sflag:s26] =	ssyncset.done $0x0  }
0x59: {  	s23 =	rddreg [dreg:$0x4];
	[sflag:s26] =	ssyncadd.s32 $0xFFFFD800  }
0x5a: {  	[spmem:s23] =	stream.linear.scatter [tilespmem:s25], [sflag:$0xB], $0x2000, $0x38;
	[tilespmem:$0x1B480] =	vst v63  }
0x5b: {  	_ =	swait.ge [sflag:s26], $0x2000  }
0x5c: {  	[sflag:s26] =	ssyncset.done $0x0  }
0x5d: {  	s6 =	simm.s32 @!p0 $0x400;
	[sflag:s26] =	ssyncadd.s32 $0xFFFFE000  }
0x5e: {  	[spmem:s7] =	stream.linear.scatter @!p0 [tilespmem:s6], [sflag:$0xB], $0x800, $0x38;
	[tilespmem:$0x1B480] =	vst v63  }
0x5f: {  	s6 =	simm.s32 @!p0 $0xB  }
0x60: {  	_ =	swait.ge @!p0 [sflag:s6], $0x800  }
0x61: {  	[sflag:s6] =	ssyncset.done @!p0 $0x0  }
0x62: {  	[sflag:s6] =	ssyncadd.s32 @!p0 $0xFFFFF800  }
0x63: {  	s6 =	simm.s32 $0x0;
	[bflag:$0x0] =	sbarrier.arrive $0xFFFF  }
0x64: {  	[tilespmem:s6], [sflag:$0x1] =	stream.linear.gather [hbm4b:s8+s6], $0x50, $0x38;
	[tilespmem:$0x1B480] =	vst v63  }
0x65: {  	s12 =	simm.s32 $0x200;
	s11 =	rddreg [dreg:$0x5]  }
0x66: {  	[tilespmem:s12], [sflag:$0x1] =	stream.linear.gather [hbm4b:s11+s6], $0x50, $0x38;
	[tilespmem:$0x1B480] =	vst v63  }
0x67: {  	s24 =	rddreg [dreg:$0x6]  }
0x68: {  	[tilespmem:s29], [sflag:$0x2] =	stream.linear.gather [hbm4b:s24+s6], $0x50, $0x38;
	[tilespmem:$0x1B480] =	vst v63  }
0x69: {  	s13 =	simm.s32 $0x280;
	s12 =	rddreg [dreg:$0x7]  }
0x6a: {  	[tilespmem:s13], [sflag:$0x2] =	stream.linear.gather [hbm4b:s12+s6], $0x50, $0x38;
	[tilespmem:$0x1B480] =	vst v63  }
0x6b: {  	s15 =	simm.s32 $0x100;
	s14 =	rddreg [dreg:$0x8]  }
0x6c: {  	[tilespmem:s15], [sflag:$0x3] =	stream.linear.gather [hbm4b:s14+s6], $0x50, $0x38;
	[tilespmem:$0x1B480] =	vst v63  }
0x6d: {  	s23 =	simm.s32 $0x300;
	s16 =	rddreg [dreg:$0x9]  }
0x6e: {  	[tilespmem:s23], [sflag:$0x3] =	stream.linear.gather [hbm4b:s16+s6], $0x50, $0x38;
	[tilespmem:$0x1B480] =	vst v63  }
0x6f: {  	_ =	swait.ge [sflag:s2], $0x50  }
0x70: {  	[sflag:s2] =	ssyncset.done $0x0  }
0x71: {  	[sflag:s2] =	ssyncadd.s32 $0xFFFFFFB0  }
0x72: {  	_ =	swait.ge [sflag:s2], $0x50  }
0x73: {  	[sflag:s2] =	ssyncset.done $0x0  }
0x74: {  	[sflag:s2] =	ssyncadd.s32 $0xFFFFFFB0  }
0x75: {  	[tilespmem:s25], [sflag:$0x5] =	stream.indirect.gather [hbm4b:s1+s28], $0x80, s6, s28, $0xb8;
	[tilespmem:$0x1B480] =	vst v63  }
0x76: {  	_ =	swait.ge [sflag:s30], $0x50  }
0x77: {  	[sflag:s30] =	ssyncset.done $0x0  }
0x78: {  	[sflag:s30] =	ssyncadd.s32 $0xFFFFFFB0  }
.Ltmp3:
0x79: {  	_ =	swait.ge [sflag:s30], $0x50;
	(pc) =	sbr.rel .LBB2_4-.Ltmp3, $4  }
0x7a: {  	[sflag:s30] =	ssyncset.done $0x0  }
0x7b: {  	s24 =	simm.s32 $0x2C00;
	[sflag:s30] =	ssyncadd.s32 $0xFFFFFFB0  }
0x7c: {  	[tilespmem:s24], [sflag:$0x6] =	stream.indirect.gather [hbm4b:s1+s28], $0x80, s29, s28, $0xb8;
	[tilespmem:$0x1B480] =	vst v63  }
0x7d: {  	s11 =	simm.s32 $0x0;
	s23 =	smov.u32 s10;
	s24 =	smov.u32 s9  }
.LBB2_5:
0x7e: {  	s13 =	sadd.s32 $0xFFFFFFFF, s11  }
0x7f: {  	s13 =	sand.u32 $0x3, s13  }
0x80: {  	s14 =	sadd.s32 $0x1, s13;
	s13 =	sshll.u32 s13, $0x7  }
0x81: {  	[tilespmem:s13], [sflag:s14] =	stream.linear.gather [hbm4b:s23+s4], $0x50, $0x38;
	[tilespmem:$0x1B480] =	vst v63  }
0x82: {  	s13 =	sor.u32 $0x200, s13  }
0x83: {  	[tilespmem:s13], [sflag:s14] =	stream.linear.gather [hbm4b:s24+s4], $0x50, $0x38;
	[tilespmem:$0x1B480] =	vst v63  }
.LBB2_7:
0x84: {  	s13 =	sadd.s32 $0x2, s11  }
0x85: {  	s14 =	smul.u32 $0xAB, s13;
	_ =	sdelay $0x1  }
0x86: {  	s14 =	sshrl.u32 s14, $0x9  }
0x87: {  	s14 =	sand.u32 $0x7F, s14  }
0x88: {  	s15 =	sand.u32 $0x3, s13;
	s14 =	smul.u32 $0x3, s14  }
0x89: {  	s16 =	sadd.s32 $0x1, s15  }
0x8a: {  	_ =	swait.ge [sflag:s16], $0x50;
	s13 =	ssub.s32 s13, s14  }
0x8b: {  	[sflag:s16] =	ssyncset.done $0x0;
	s13 =	sand.u32 $0xFF, s13  }
0x8c: {  	[sflag:s16] =	ssyncadd.s32 $0xFFFFFFB0;
	s14 =	smul.u32 $0xA000, s13  }
0x8d: {  	_ =	swait.ge [sflag:s16], $0x50  }
0x8e: {  	s15 =	sshll.u32 s15, $0x7;
	[sflag:s16] =	ssyncset.done $0x0;
	s14 =	sshrl.u32 s14, $0x2  }
0x8f: {  	[sflag:s16] =	ssyncadd.s32 $0xFFFFFFB0;
	s13 =	sadd.s32 $0x5, s13;
	s14 =	sor.u32 $0x400, s14  }
0x90: {  	[tilespmem:s14], [sflag:s13] =	stream.indirect.gather [hbm4b:s1+s28], $0x80, s15, s28, $0xb8;
	[tilespmem:$0x1B480] =	vst v63  }
.LBB2_8:
0x91: {  	s11 =	sadd.s32 $0x1, s11  }
0x92: {  	s13 =	smul.u32 $0xA000, s12;
	p1 =	sne.s32 s11, $0x7D  }
.Ltmp4:
0x93: {  	_ = 	snop;
	(pc) =	sbr.rel @!p1 .LBB2_9-.Ltmp4, $4  }
0x94: {  	s14 =	sand.u32 $0x600, s6;
	s16 =	sadd.s32 $0x8, s12;
	s6 =	sadd.s32 $0x200, s6  }
0x95: {  	s23 =	sadd.s32 $0xA, s23;
	s14 =	sshrl.u32 s14, $0x2;
	s13 =	sshrl.u32 s13, $0x2  }
0x96: {  	s24 =	sadd.s32 $0xA, s24;
	s14 =	sor.u32 $0x200, s14;
	s13 =	sor.u32 $0x400, s13  }
0x97: {  	[spmem:s3] =	stream.indirect.scatter.add.f32 [tilespmem:s13], [sflag:s16], $0x80, s14, s28, $0xb8;
	[tilespmem:$0x1B480] =	vst v63  }
.LBB2_4:
0x98: {  	s12 =	smul.u32 $0xAB, s11;
	p1 =	seq.s32 s11, $0x0  }
0x99: {  	s13 =	sadd.s32 @!p1 $0xFFFFFFFF, s11  }
0x9a: {  	s12 =	sshrl.u32 s12, $0x9;
	s14 =	sand.u32 @!p1 $0xFF, s13  }
0x9b: {  	s12 =	sand.u32 $0x7F, s12;
	s14 =	smul.u32 @!p1 $0xAB, s14  }
0x9c: {  	s12 =	smul.u32 $0x3, s12;
	_ =	sdelay $0x1  }
0x9d: {  	s14 =	sshrl.u32 @!p1 s14, $0x9;
	s12 =	ssub.s32 s11, s12  }
0x9e: {  	s14 =	smul.u32 @!p1 $0x3, s14;
	s12 =	sand.u32 $0xFF, s12  }
0x9f: {  	p2 =	sgt.u32 @!p1 s11, $0x79;
	s15 =	sadd.s32 $0x5, s12  }
0xa0: {  	p2 =	por p1, !p2;
	s13 =	ssub.s32 @!p1 s13, s14;
	_ =	swait.ge [sflag:s15], $0x2800  }
.Ltmp5:
0xa1: {  	s13 =	sor.u32 @!p1 $0x8, s13;
	[sflag:s15] =	ssyncset.done $0x0;
	(pc) =	sbr.rel @p2 .LBB2_5-.Ltmp5, $4  }
0xa2: {  	s13 =	sand.u32 @!p1 $0xFF, s13;
	[sflag:s15] =	ssyncadd.s32 $0xFFFFD800  }
0xa3: {  	_ =	swait.ge @!p1 [sflag:s13], $0x2800  }
0xa4: {  	[sflag:s13] =	ssyncset.done @!p1 $0x0  }
0xa5: {  	[sflag:s13] =	ssyncadd.s32 @!p1 $0xFFFFD800  }
0xa6: {  	p1 =	sne.s32 s11, $0x7A  }
.Ltmp6:
0xa7: {  	_ = 	snop;
	(pc) =	sbr.rel @p1 .LBB2_8-.Ltmp6, $4  }
.Ltmp7:
0xa8: {  	_ = 	snop;
	(pc) =	sbr.rel @!p1 .LBB2_7-.Ltmp7, $4  }
0xa9: {  	_ = 	snop  }
0xaa: {  	_ = 	snop  }
0xab: {  	_ = 	snop  }
0xac: {  	_ = 	snop  }
.LBB2_10:
0xad: {  	_ =	sfence.sel $0x180000  }
0xae: {  	[bflag:$0x0] =	sbarrier.arrive $0xFFFF  }
0xaf: {  	_ =	strace $0x90000047  }
0xb0: {  	s0 =	stileid.u32;
	[bflag:$0x2] =	sbarrier.arrive $0xFFFF  }
0xb1: {  	p0 =	sne.s32 s0, $0x0;
	s0 =	rddreg [dreg:$0x3]  }
0xb2: {  	s0 =	sadd.s32 @!p0 $0x100000, s0  }
0xb3: {  	[sflag:s0] =	ssyncadd.tile.s32 @!p0 $0x1;
	_ =	shalt  }
.Lfunc_end2:
_tile_overlayer_lowered:
.L_overlay_start_2:
0xb4: {  	(tag) =	ssettag $0x2  }
0xb5: {  	s0 =	rddreg [dreg:$0x0];
	s2 =	stileid.u32  }
0xb6: {  	s1 =	rddreg [dreg:$0x1];
	p0 =	sne.s32 s2, $0x0  }
0xb7: {  	s3 =	rddreg [dreg:$0x2];
	[bflag:$0x3] =	sbarrier.arrive $0xFFFF;
	s2 =	simm.s32 @!p0 $0x1C0B  }
0xb8: {  	[timem:s3], [sflag:s2] =	dma.local @!p0 [hbm:s0], s1  }
0xb9: {  	s0 =	simm.s32 @!p0 $0xB  }
0xba: {  	_ =	swait.ge @!p0 [sflag:s0], s1  }
0xbb: {  	s1 =	ssub.s32 @!p0 $0x0, s1;
	[sflag:s0] =	ssyncset.done @!p0 $0x0  }
0xbc: {  	[sflag:s0] =	ssyncadd.s32 @!p0 s1  }
0xbd: {  	[bflag:$0x3] =	sbarrier.arrive $0xFFFF  }
0xbe: {  	_ =	shalt  }

</sc_bundles>
